<compile_context>
chip_gen: v7x
topology: tpu7x:2x2x1
jax: 0.10.2.dev20260603
libtpu: 0.0.44.dev20260713+nightly
codegen_flags: <defaults>
</compile_context>

<pallas_src>
import functools

import jax
import jax.numpy as jnp
from jax import lax
from jax.experimental import pallas as pl
from jax.experimental.pallas import tpu as pltpu
from jax.experimental.pallas import tpu_sc as plsc

B = 8
N = 16384
C = 256
K = 1024
NV = N // 16
KV = K // 16
NQ = N // 4
NQV = NQ // 16


def _dist_body(ctx_ref, anc_ref, out_ref):
    dx = ctx_ref[0] - anc_ref[0]
    dy = ctx_ref[1] - anc_ref[1]
    dz = ctx_ref[2] - anc_ref[2]
    dist = jnp.sqrt((dx * dx + dy * dy) + dz * dz)
    out_ref[...] = lax.bitcast_convert_type(dist, jnp.int32)


_dist_call = pl.pallas_call(
    _dist_body,
    out_shape=jax.ShapeDtypeStruct((B, N), jnp.int32),
)


_mesh = plsc.VectorSubcoreMesh(core_axis_name="c", subcore_axis_name="s")


@functools.partial(
    pl.kernel,
    out_type=(
        jax.ShapeDtypeStruct((B * K, C), jnp.float32),
        jax.ShapeDtypeStruct((B * K * 3,), jnp.float32),
    ),
    mesh=_mesh,
    compiler_params=pltpu.CompilerParams(needs_layout_passes=False),
    scratch_types=(
        pltpu.VMEM((NQ,), jnp.int32),
        pltpu.VMEM((2048,), jnp.int32),
        pltpu.VMEM((2048,), jnp.int32),
        pltpu.VMEM((2048,), jnp.int32),
        pltpu.VMEM((2048,), jnp.int32),
        pltpu.VMEM((256,), jnp.int32),
        pltpu.VMEM((K,), jnp.int32),
        pltpu.VMEM((K,), jnp.int32),
        pltpu.VMEM((NQ,), jnp.int32),
        pltpu.VMEM((NQ,), jnp.int32),
        pltpu.VMEM((K,), jnp.int32),
        pltpu.VMEM((K,), jnp.int32),
        pltpu.VMEM((4 * K,), jnp.int32),
        pltpu.VMEM((4 * K,), jnp.int32),
        pltpu.VMEM((64,), jnp.int32),
        pltpu.VMEM((16,), jnp.int32),
        pltpu.VMEM((16,), jnp.int32),
        pltpu.VMEM((N,), jnp.float32),
        pltpu.VMEM((N,), jnp.float32),
        pltpu.VMEM((N,), jnp.float32),
        pltpu.VMEM((3 * K,), jnp.float32),
        pltpu.VMEM((256,), jnp.int32),
        pltpu.VMEM((128, C), jnp.float32),
        pltpu.SemaphoreType.DMA,
        pltpu.SemaphoreType.DMA,
        pltpu.VMEM_SHARED((4 * 4 * 2048,), jnp.int32),
        pltpu.VMEM_SHARED((4 * 4 * 1024,), jnp.int32),
        pltpu.VMEM_SHARED((4 * 4 * 1024,), jnp.int32),
        pltpu.VMEM_SHARED((4 * 4 * 16,), jnp.int32),
        pltpu.VMEM_SHARED((4 * 4 * K,), jnp.int32),
        pltpu.VMEM_SHARED((4 * 4 * K,), jnp.int32),
        pltpu.VMEM_SHARED((4 * K,), jnp.int32),
    ),
)
def _select_call(keys_hbm, ctx_hbm, kv_hbm, feats_hbm, cf_hbm, ctxo_hbm,
                 kb, hist0, hist1, hist2, hist3, off, ck, ci, candk, candi,
                 mk, mi, stgk, stgi, cnt64, cntb, kvb,
                 ctxx, ctxy, ctxz, oxyz, idxv, rows, sem, sem2,
                 sh1, sh2, sh3, shc, shwk, shwi, shg):
    s = lax.axis_index("s")
    c = lax.axis_index("c")
    bs = s // 4
    q = s % 4
    b = c * 4 + bs
    slot = bs * 4 + q

    pltpu.sync_copy(keys_hbm.at[pl.ds(b * N + q * NQ, NQ)], kb)
    pltpu.sync_copy(kv_hbm, kvb)

    @pl.when(q == 0)
    def _():
        pltpu.async_copy(ctx_hbm.at[pl.ds((0 * B + b) * N, N)], ctxx, sem2)
        pltpu.async_copy(ctx_hbm.at[pl.ds((1 * B + b) * N, N)], ctxy, sem2)
        pltpu.async_copy(ctx_hbm.at[pl.ds((2 * B + b) * N, N)], ctxz, sem2)
    lanes = lax.iota(jnp.int32, 16)
    zeros16 = jnp.zeros((16,), jnp.int32)
    hists = (hist0, hist1, hist2, hist3)

    def zbody4(j, carry):
        for h in hists:
            h[pl.ds(j * 16, 16)] = zeros16
        return carry
    lax.fori_loop(0, 128, zbody4, 0)

    def h1body(i, carry):
        for u, h in enumerate(hists):
            v = kb[pl.ds((i * 4 + u) * 16, 16)]
            d = lax.shift_right_logical(v, 20)
            cnt, last = plsc.scan_count(d)
            plsc.addupdate_scatter(h, [d], cnt, mask=last)
        return carry
    lax.fori_loop(0, NQV // 4, h1body, 0)

    def combine_body(j, carry):
        sl = pl.ds(j * 16, 16)
        hist0[sl] = (hist0[sl] + hist1[sl]) + (hist2[sl] + hist3[sl])
        return carry
    lax.fori_loop(0, 128, combine_body, 0)

    pltpu.sync_copy(hist0, sh1.at[pl.ds(slot * 2048, 2048)])
    plsc.subcore_barrier()
    for u, h in enumerate(hists):
        pltpu.sync_copy(sh1.at[pl.ds((bs * 4 + u) * 2048, 2048)], h)

    def find_digit(nbins, t):
        def body(j, carry):
            dacc, basev, run = carry
            sl = pl.ds(j * 16, 16)
            h = ((hist0[sl] + hist1[sl]) + (hist2[sl] + hist3[sl]))
            inc = plsc.cumsum(h) + run
            le = inc <= t
            dacc = dacc + jnp.where(le, 1, 0)
            basev = jnp.maximum(basev, jnp.where(le, inc, 0))
            return dacc, basev, jnp.max(inc)
        dacc, basev, _ = lax.fori_loop(
            0, nbins // 16, body, (zeros16, zeros16, jnp.int32(0)))
        return jnp.sum(dacc), jnp.max(basev)

    t = jnp.int32(K - 1)
    d1, base1 = find_digit(2048, t)
    t = t - base1

    def cbody(i, carry):
        cv = carry
        v = kb[pl.ds(i * 16, 16)]
        d = lax.shift_right_logical(v, 20)
        win = d < d1
        cand = d == d1
        m = jnp.where(win, 1, 0) + jnp.where(cand, 1 << 16, 0)
        cs = plsc.cumsum(m) + cv
        wpos = (cs & 0xFFFF) - 1
        cpos = lax.shift_right_logical(cs, 16) - 1
        idx = q * NQ + i * 16 + lanes
        plsc.store_scatter(ck, [wpos], v, mask=win)
        plsc.store_scatter(ci, [wpos], idx, mask=win)
        plsc.store_scatter(candk, [cpos], v, mask=cand)
        plsc.store_scatter(candi, [cpos], idx, mask=cand)
        pw = plsc.all_reduce_population_count(win)
        pc = plsc.all_reduce_population_count(cand)
        return cv + pw + lax.shift_left(pc, 16)
    cv = lax.fori_loop(0, NQV, cbody, zeros16)
    cvm = jnp.max(cv)
    cc = lax.shift_right_logical(cvm, 16)
    woff = cvm & 0xFFFF

    def refine(shift, sh, t, cc, woff):
        def zbody(j, carry):
            hist0[pl.ds(j * 16, 16)] = zeros16
            return carry
        lax.fori_loop(0, 64, zbody, 0)

        nvec = lax.shift_right_logical(cc + 15, 4)

        def hbody(i, carry):
            act = (lanes + i * 16) < cc
            v = candk[pl.ds(i * 16, 16)]
            d = lax.shift_right_logical(v, shift) & 1023
            cnt, last = plsc.scan_count(d, mask=act)
            plsc.addupdate_scatter(hist0, [d], cnt, mask=last & act)
            return carry
        lax.fori_loop(0, nvec, hbody, 0)

        pltpu.sync_copy(hist0.at[pl.ds(0, 1024)],
                        sh.at[pl.ds(slot * 1024, 1024)])
        plsc.subcore_barrier()
        for u, h in enumerate(hists):
            pltpu.sync_copy(sh.at[pl.ds((bs * 4 + u) * 1024, 1024)],
                            h.at[pl.ds(0, 1024)])

        dd, bb = find_digit(1024, t)
        t = t - bb

        def rbody(i, carry):
            cv2 = carry
            gl = lanes + i * 16
            act = gl < cc
            v = candk[pl.ds(i * 16, 16)]
            idx = candi[pl.ds(i * 16, 16)]
            d = lax.shift_right_logical(v, shift) & 1023
            win = act & (d < dd)
            keep = act & (d == dd)
            m = jnp.where(win, 1, 0) + jnp.where(keep, 1 << 16, 0)
            cs = plsc.cumsum(m) + cv2
            wpos = (cs & 0xFFFF) - 1 + woff
            kpos = lax.shift_right_logical(cs, 16) - 1
            plsc.store_scatter(ck, [wpos], v, mask=win)
            plsc.store_scatter(ci, [wpos], idx, mask=win)
            plsc.store_scatter(candk, [kpos], v, mask=keep)
            plsc.store_scatter(candi, [kpos], idx, mask=keep)
            pw = plsc.all_reduce_population_count(win)
            pk = plsc.all_reduce_population_count(keep)
            return cv2 + pw + lax.shift_left(pk, 16)
        cv2 = lax.fori_loop(0, nvec, rbody, zeros16)
        tot = jnp.max(cv2)
        return t, lax.shift_right_logical(tot, 16), woff + (tot & 0xFFFF)

    t, cc, woff = refine(10, sh2, t, cc, woff)
    t, cc, woff = refine(0, sh3, t, cc, woff)
    r = t + 1

    cntb[...] = (jnp.where(lanes == 0, cc, 0) + jnp.where(lanes == 1, woff, 0))
    pltpu.sync_copy(cntb, shc.at[pl.ds(slot * 16, 16)])
    plsc.subcore_barrier()
    pltpu.sync_copy(shc.at[pl.ds(bs * 64, 64)], cnt64)

    qidx = jnp.minimum(lanes, 3) * 16
    evec = plsc.load_gather(cnt64, [qidx])
    wvec0 = plsc.load_gather(cnt64, [qidx + 1])
    pref_e = plsc.cumsum(evec) - evec
    take_v = jnp.clip(r - pref_e, 0, evec)
    my_take = jnp.max(jnp.where(lanes == q, take_v, 0))

    def abody(i, carry):
        gl = lanes + i * 16
        msk = gl < my_take
        sl = pl.ds(i * 16, 16)
        plsc.store_scatter(ck, [woff + gl], candk[sl], mask=msk)
        plsc.store_scatter(ci, [woff + gl], candi[sl], mask=msk)
        return carry
    lax.fori_loop(0, lax.shift_right_logical(my_take + 15, 4), abody, 0)

    pltpu.sync_copy(ck, shwk.at[pl.ds(slot * K, K)])
    pltpu.sync_copy(ci, shwi.at[pl.ds(slot * K, K)])
    plsc.subcore_barrier()

    @pl.when(q == 0)
    def _():
        pltpu.sync_copy(shwk.at[pl.ds(bs * 4 * K, 4 * K)], stgk)
        pltpu.sync_copy(shwi.at[pl.ds(bs * 4 * K, 4 * K)], stgi)
        wvec = wvec0 + take_v
        pw_ex = plsc.cumsum(wvec) - wvec
        cntb[...] = pw_ex
        pw1 = jnp.sum(jnp.where(lanes == 1, pw_ex, 0))
        pw2 = jnp.sum(jnp.where(lanes == 2, pw_ex, 0))
        pw3 = jnp.sum(jnp.where(lanes == 3, pw_ex, 0))

        def mbody(i, carry):
            gl = lanes + i * 16
            qof = (jnp.where(gl >= pw1, 1, 0) + jnp.where(gl >= pw2, 1, 0)
                   + jnp.where(gl >= pw3, 1, 0))
            base = plsc.load_gather(cntb, [qof])
            srcp = qof * K + (gl - base)
            sl = pl.ds(i * 16, 16)
            mk[sl] = plsc.load_gather(stgk, [srcp])
            mi[sl] = plsc.load_gather(stgi, [srcp])
            return carry
        lax.fori_loop(0, KV, mbody, 0)

        def small_sort_pass(srck, srci, dstk, dsti, shift, final):
            def zbody(j, carry):
                hist0[pl.ds(j * 16, 16)] = zeros16
                return carry
            lax.fori_loop(0, 16, zbody, 0)

            def hbody(i, carry):
                v = srck[pl.ds(i * 16, 16)]
                d = lax.shift_right_logical(v, shift) & 255
                cnt, last = plsc.scan_count(d)
                plsc.addupdate_scatter(hist0, [d], cnt, mask=last)
                return carry
            lax.fori_loop(0, KV, hbody, 0)

            run = jnp.int32(0)
            for j in range(16):
                h = hist0[pl.ds(j * 16, 16)]
                inc = plsc.cumsum(h) + run
                off[pl.ds(j * 16, 16)] = inc - h
                run = jnp.max(inc)

            def pbody(i, carry):
                v = srck[pl.ds(i * 16, 16)]
                val = srci[pl.ds(i * 16, 16)]
                d = lax.shift_right_logical(v, shift) & 255
                cnt, last = plsc.scan_count(d)
                base = plsc.load_gather(off, [d])
                dest = base + (cnt - 1)
                if not final:
                    plsc.store_scatter(dstk, [dest], v)
                plsc.store_scatter(dsti, [dest], val)
                plsc.addupdate_scatter(off, [d], cnt, mask=last)
                return carry
            lax.fori_loop(0, KV, pbody, 0)

        small_sort_pass(mk, mi, ck, ci, 0, False)
        small_sort_pass(ck, ci, mk, mi, 8, False)
        small_sort_pass(mk, mi, ck, ci, 16, False)
        small_sort_pass(ck, ci, None, mi, 24, True)
        pltpu.sync_copy(mi, shg.at[pl.ds(bs * K, K)])

    plsc.subcore_barrier()

    kv = kvb[...]
    pltpu.sync_copy(shg.at[pl.ds(bs * K + q * 256, 256)], idxv)

    def ibody(i, carry):
        sl = pl.ds(i * 16, 16)
        idxv[sl] = idxv[sl] + (b * N) + kv
        return carry
    lax.fori_loop(0, 16, ibody, 0)

    cps = [None, None]
    for chunk in range(4):
        half = chunk % 2
        if cps[half] is not None:
            cps[half].wait()
        cps[half] = pltpu.async_copy(
            feats_hbm.at[idxv.at[pl.ds(chunk * 64, 64)]],
            rows.at[pl.ds(half * 64, 64)], sem)
        if chunk >= 1:
            prev = chunk - 1
            cps[prev % 2].wait()
            cps[prev % 2] = None
            pltpu.sync_copy(
                rows.at[pl.ds((prev % 2) * 64, 64)],
                cf_hbm.at[pl.ds(b * K + q * 256 + prev * 64, 64)])
    cps[3 % 2].wait()
    pltpu.sync_copy(rows.at[pl.ds(64, 64)],
                    cf_hbm.at[pl.ds(b * K + q * 256 + 3 * 64, 64)])

    @pl.when(q == 0)
    def _():
        ctx_prefetch = pltpu.make_async_copy(
            ctx_hbm.at[pl.ds((0 * B + b) * N, N)], ctxx, sem2)
        for _i in range(3):
            ctx_prefetch.wait()

        def gbody(i, carry):
            sl = pl.ds(i * 16, 16)
            iv = mi[sl]
            gl3 = (lanes + i * 16) * 3
            plsc.store_scatter(oxyz, [gl3], plsc.load_gather(ctxx, [iv]))
            plsc.store_scatter(oxyz, [gl3 + 1], plsc.load_gather(ctxy, [iv]))
            plsc.store_scatter(oxyz, [gl3 + 2], plsc.load_gather(ctxz, [iv]))
            return carry

        lax.fori_loop(0, KV, gbody, 0)
        pltpu.sync_copy(oxyz, ctxo_hbm.at[pl.ds(b * 3 * K, 3 * K)])


def kernel(context_feats, context, anchor, k):
    ctx_planes = jnp.transpose(context, (2, 0, 1))
    anc_planes = jnp.transpose(anchor[:, :3], (1, 0))[:, :, None]
    keys = _dist_call(ctx_planes, anc_planes)

    kvec = jnp.full((16,), jnp.asarray(k, jnp.int32) - K, jnp.int32)
    feats = context_feats.reshape(B * N, C)
    cf, ctxo = _select_call(keys.reshape(B * N),
                            ctx_planes.reshape(3 * B * N), kvec, feats)
    return cf.reshape(B, K, C), ctxo.reshape(B, K, 3)

# --- scband reference (transcript-rebuilt; emitter-appended) ---
"""Pipeline reference for scband-diffuser-actor-13993003450543 (READ-ONLY COPY).

The authoritative reference and input builder live on the scoring server;
editing this copy changes nothing except your own understanding.
"""

import jax, jax.numpy as jnp
import numpy as np


def setup_inputs(seed: int = 0) -> dict:
    key = jax.random.key(seed)
    k1, k2, k3 = jax.random.split(key, 3)
    context_feats = jax.random.normal(k1, (8, 16384, 256), dtype=jnp.float32)
    context = jax.random.normal(k2, (8, 16384, 3), dtype=jnp.float32)
    anchor = jax.random.normal(k3, (8, 7), dtype=jnp.float32)
    return {"context_feats": context_feats, "context": context, "anchor": anchor, "k": 1024}


def reference(context_feats, context, anchor, k):
    # Faithful port of DiffuserActor._crop_scene (the kNN retrieval kernel):
    #   - take xyz of anchor pose
    #   - L2 distance from anchor to every scene point
    #   - top-k SMALLEST distances -> indices
    #   - gather features and point cloud rows at those indices
    b = anchor.shape[0]
    a = anchor[..., :3].reshape(b, 1, 3)
    diff = a - context                      # (B, N, 3)
    dist = jnp.linalg.norm(diff, axis=-1)   # (B, N), matches torch.norm(..., dim=-1)
    # torch: dist.topk(k, largest=False) -> smallest-k; emulate via top_k on -dist
    k_static = 1024
    _, indices = jax.lax.top_k(-dist, k_static)    # (B, k)
    indices = indices + jnp.asarray(k - k_static, dtype=indices.dtype)
    cf = jnp.take_along_axis(context_feats, indices[..., None], axis=1)  # (B, k, C)
    ctx = jnp.take_along_axis(context, indices[..., None], axis=1)       # (B, k, 3)
    return cf, ctx

if __name__ == "__main__":
    import jax
    _d = setup_inputs()
    print(jax.jit(kernel)(*tuple(_d.values())))

</pallas_src>

<mosaic_0001>
#map = affine_map<(d0, d1) -> (0)>
#map1 = affine_map<(d0, d1) -> (0, 0)>
module attributes {stable_mosaic.version = 14 : i64} {
  func.func @_select_call(%arg0: i32, %arg1: i32, %arg2: memref<131072xi32, #tpu.memory_space<hbm>>, %arg3: memref<393216xf32, #tpu.memory_space<hbm>>, %arg4: memref<16xi32, #tpu.memory_space<hbm>>, %arg5: memref<131072x256xf32, #tpu.memory_space<hbm>>, %arg6: memref<8192x256xf32, #tpu.memory_space<hbm>>, %arg7: memref<24576xf32, #tpu.memory_space<hbm>>, %arg8: memref<4096xi32, #tpu.memory_space<vmem>>, %arg9: memref<2048xi32, #tpu.memory_space<vmem>>, %arg10: memref<2048xi32, #tpu.memory_space<vmem>>, %arg11: memref<2048xi32, #tpu.memory_space<vmem>>, %arg12: memref<2048xi32, #tpu.memory_space<vmem>>, %arg13: memref<256xi32, #tpu.memory_space<vmem>>, %arg14: memref<1024xi32, #tpu.memory_space<vmem>>, %arg15: memref<1024xi32, #tpu.memory_space<vmem>>, %arg16: memref<4096xi32, #tpu.memory_space<vmem>>, %arg17: memref<4096xi32, #tpu.memory_space<vmem>>, %arg18: memref<1024xi32, #tpu.memory_space<vmem>>, %arg19: memref<1024xi32, #tpu.memory_space<vmem>>, %arg20: memref<4096xi32, #tpu.memory_space<vmem>>, %arg21: memref<4096xi32, #tpu.memory_space<vmem>>, %arg22: memref<64xi32, #tpu.memory_space<vmem>>, %arg23: memref<16xi32, #tpu.memory_space<vmem>>, %arg24: memref<16xi32, #tpu.memory_space<vmem>>, %arg25: memref<16384xf32, #tpu.memory_space<vmem>>, %arg26: memref<16384xf32, #tpu.memory_space<vmem>>, %arg27: memref<16384xf32, #tpu.memory_space<vmem>>, %arg28: memref<3072xf32, #tpu.memory_space<vmem>>, %arg29: memref<256xi32, #tpu.memory_space<vmem>>, %arg30: memref<128x256xf32, #tpu.memory_space<vmem>>, %arg31: memref<!tpu.dma_semaphore, #tpu.memory_space<semaphore_mem>>, %arg32: memref<!tpu.dma_semaphore, #tpu.memory_space<semaphore_mem>>, %arg33: memref<32768xi32, #tpu.memory_space<vmem_shared>>, %arg34: memref<16384xi32, #tpu.memory_space<vmem_shared>>, %arg35: memref<16384xi32, #tpu.memory_space<vmem_shared>>, %arg36: memref<256xi32, #tpu.memory_space<vmem_shared>>, %arg37: memref<16384xi32, #tpu.memory_space<vmem_shared>>, %arg38: memref<16384xi32, #tpu.memory_space<vmem_shared>>, %arg39: memref<4096xi32, #tpu.memory_space<vmem_shared>>) attributes {dimension_semantics = [#tpu.dimension_semantics<core_parallel>, #tpu.dimension_semantics<subcore_parallel>], iteration_bounds = array<i64: 2, 16>, scalar_prefetch = 0 : i64, scratch_operands = 32 : i64, tpu.core_type = #tpu.core_type<sc_vector_subcore>, window_params = [{transform_indices = #map}, {transform_indices = #map}, {transform_indices = #map}, {transform_indices = #map1}, {transform_indices = #map1}, {transform_indices = #map}]} {
    %jit3A = arith.constant 4 : i32
    %div3A = arith.divsi %arg1, %jit3A : i32
    %sign3A = arith.constant 0 : i32
    %sign3A_0 = arith.cmpi sgt, %arg1, %sign3A : i32
    %sign3A_1 = arith.extui %sign3A_0 : i1 to i32
    %sign3A_2 = arith.constant 0 : i32
    %sign3A_3 = arith.cmpi slt, %arg1, %sign3A_2 : i32
    %sign3A_4 = arith.extui %sign3A_3 : i1 to i32
    %sign3A_5 = arith.subi %sign3A_1, %sign3A_4 : i32
    %sign3A_6 = arith.constant 0 : i32
    %sign3A_7 = arith.cmpi sgt, %jit3A, %sign3A_6 : i32
    %sign3A_8 = arith.extui %sign3A_7 : i1 to i32
    %sign3A_9 = arith.constant 0 : i32
    %sign3A_10 = arith.cmpi slt, %jit3A, %sign3A_9 : i32
    %sign3A_11 = arith.extui %sign3A_10 : i1 to i32
    %sign3A_12 = arith.subi %sign3A_8, %sign3A_11 : i32
    %ne3A = arith.cmpi ne, %sign3A_5, %sign3A_12 : i32
    %rem3A = arith.remsi %arg1, %jit3A : i32
    %ne3A_13 = arith.constant 0 : i32
    %ne3A_14 = arith.cmpi ne, %rem3A, %ne3A_13 : i32
    %and3A = arith.andi %ne3A, %ne3A_14 : i1
    %sub3A = arith.constant 1 : i32
    %sub3A_15 = arith.subi %div3A, %sub3A : i32
    %select_n3A = arith.select %and3A, %sub3A_15, %div3A : i32
    %jit3A_16 = arith.constant 4 : i32
    %eq3A = arith.constant 0 : i32
    %eq3A_17 = arith.cmpi eq, %jit3A_16, %eq3A : i32
    %jit3A_18 = arith.constant 1 : i32
    %select_n3A_19 = arith.select %eq3A_17, %jit3A_18, %jit3A_16 : i32
    %rem3A_20 = arith.remsi %arg1, %select_n3A_19 : i32
    %ne3A_21 = arith.constant 0 : i32
    %ne3A_22 = arith.cmpi ne, %rem3A_20, %ne3A_21 : i32
    %lt3A = arith.constant 0 : i32
    %lt3A_23 = arith.cmpi slt, %rem3A_20, %lt3A : i32
    %lt3A_24 = arith.constant 0 : i32
    %lt3A_25 = arith.cmpi slt, %select_n3A_19, %lt3A_24 : i32
    %ne3A_26 = arith.xori %lt3A_23, %lt3A_25 : i1
    %and3A_27 = arith.andi %ne3A_26, %ne3A_22 : i1
    %add3A = arith.addi %rem3A_20, %select_n3A_19 : i32
    %select_n3A_28 = arith.select %and3A_27, %add3A, %rem3A_20 : i32
    %mul3A = arith.constant 4 : i32
    %mul3A_29 = arith.muli %arg0, %mul3A : i32
    %add3A_30 = arith.addi %mul3A_29, %select_n3A : i32
    %mul3A_31 = arith.constant 4 : i32
    %mul3A_32 = arith.muli %select_n3A, %mul3A_31 : i32
    %add3A_33 = arith.addi %mul3A_32, %select_n3A_28 : i32
    %mul3A_34 = arith.constant 16384 : i32
    %mul3A_35 = arith.muli %add3A_30, %mul3A_34 : i32
    %mul3A_36 = arith.constant 4096 : i32
    %mul3A_37 = arith.muli %select_n3A_28, %mul3A_36 : i32
    %add3A_38 = arith.addi %mul3A_35, %mul3A_37 : i32
    "tpu.region"() ({
      %run_scoped3A = tpu.sem_alloc : memref<!tpu.dma_semaphore, #tpu.memory_space<semaphore_mem>>
      %dma_start3A_489 = tpu.memref_slice %arg2[%add3A_38] : memref<131072xi32, #tpu.memory_space<hbm>> -> memref<4096xi32, #tpu.memory_space<hbm>>
      %dma_start3A_490 = tpu.memref_slice %arg2[%add3A_38] : memref<131072xi32, #tpu.memory_space<hbm>> -> memref<4096xi32, #tpu.memory_space<hbm>>
      tpu.enqueue_dma source(%dma_start3A_490 : memref<4096xi32, #tpu.memory_space<hbm>>) target(%arg8 : memref<4096xi32, #tpu.memory_space<vmem>>) target_semaphore(%run_scoped3A : memref<!tpu.dma_semaphore, #tpu.memory_space<semaphore_mem>>)
      %dma_wait3A_491 = tpu.memref_slice %arg2[%add3A_38] : memref<131072xi32, #tpu.memory_space<hbm>> -> memref<4096xi32, #tpu.memory_space<hbm>>
      %dma_wait3A_492 = tpu.memref_slice %arg2[%add3A_38] : memref<131072xi32, #tpu.memory_space<hbm>> -> memref<4096xi32, #tpu.memory_space<hbm>>
      tpu.wait_dma2 semaphore(%run_scoped3A : memref<!tpu.dma_semaphore, #tpu.memory_space<semaphore_mem>>) src(%dma_wait3A_492 : memref<4096xi32, #tpu.memory_space<hbm>>) dst(%arg8 : memref<4096xi32, #tpu.memory_space<vmem>>)
      tpu.yield
    }) : () -> ()
    "tpu.region"() ({
      %run_scoped3A = tpu.sem_alloc : memref<!tpu.dma_semaphore, #tpu.memory_space<semaphore_mem>>
      tpu.enqueue_dma source(%arg4 : memref<16xi32, #tpu.memory_space<hbm>>) target(%arg24 : memref<16xi32, #tpu.memory_space<vmem>>) target_semaphore(%run_scoped3A : memref<!tpu.dma_semaphore, #tpu.memory_space<semaphore_mem>>)
      tpu.wait_dma2 semaphore(%run_scoped3A : memref<!tpu.dma_semaphore, #tpu.memory_space<semaphore_mem>>) src(%arg4 : memref<16xi32, #tpu.memory_space<hbm>>) dst(%arg24 : memref<16xi32, #tpu.memory_space<vmem>>)
      tpu.yield
    }) : () -> ()
    %eq3A_39 = arith.constant 0 : i32
    %eq3A_40 = arith.cmpi eq, %select_n3A_28, %eq3A_39 : i32
    %convert_element_type3A = arith.extui %eq3A_40 : i1 to i32
    %cond3A = arith.constant 0 : i32
    %cond3A_41 = arith.cmpi ne, %convert_element_type3A, %cond3A : i32
    scf.if %cond3A_41 {
      %add3A_489 = arith.constant 0 : i32
      %add3A_490 = arith.addi %add3A_489, %add3A_30 : i32
      %mul3A_491 = arith.constant 16384 : i32
      %mul3A_492 = arith.muli %add3A_490, %mul3A_491 : i32
      %dma_start3A_493 = tpu.memref_slice %arg3[%mul3A_492] : memref<393216xf32, #tpu.memory_space<hbm>> -> memref<16384xf32, #tpu.memory_space<hbm>>
      %dma_start3A_494 = tpu.memref_slice %arg3[%mul3A_492] : memref<393216xf32, #tpu.memory_space<hbm>> -> memref<16384xf32, #tpu.memory_space<hbm>>
      tpu.enqueue_dma source(%dma_start3A_494 : memref<16384xf32, #tpu.memory_space<hbm>>) target(%arg25 : memref<16384xf32, #tpu.memory_space<vmem>>) target_semaphore(%arg32 : memref<!tpu.dma_semaphore, #tpu.memory_space<semaphore_mem>>)
      %add3A_495 = arith.constant 8 : i32
      %add3A_496 = arith.addi %add3A_495, %add3A_30 : i32
      %mul3A_497 = arith.constant 16384 : i32
      %mul3A_498 = arith.muli %add3A_496, %mul3A_497 : i32
      %dma_start3A_499 = tpu.memref_slice %arg3[%mul3A_498] : memref<393216xf32, #tpu.memory_space<hbm>> -> memref<16384xf32, #tpu.memory_space<hbm>>
      %dma_start3A_500 = tpu.memref_slice %arg3[%mul3A_498] : memref<393216xf32, #tpu.memory_space<hbm>> -> memref<16384xf32, #tpu.memory_space<hbm>>
      tpu.enqueue_dma source(%dma_start3A_500 : memref<16384xf32, #tpu.memory_space<hbm>>) target(%arg26 : memref<16384xf32, #tpu.memory_space<vmem>>) target_semaphore(%arg32 : memref<!tpu.dma_semaphore, #tpu.memory_space<semaphore_mem>>)
      %add3A_501 = arith.constant 16 : i32
      %add3A_502 = arith.addi %add3A_501, %add3A_30 : i32
      %mul3A_503 = arith.constant 16384 : i32
      %mul3A_504 = arith.muli %add3A_502, %mul3A_503 : i32
      %dma_start3A_505 = tpu.memref_slice %arg3[%mul3A_504] : memref<393216xf32, #tpu.memory_space<hbm>> -> memref<16384xf32, #tpu.memory_space<hbm>>
      %dma_start3A_506 = tpu.memref_slice %arg3[%mul3A_504] : memref<393216xf32, #tpu.memory_space<hbm>> -> memref<16384xf32, #tpu.memory_space<hbm>>
      tpu.enqueue_dma source(%dma_start3A_506 : memref<16384xf32, #tpu.memory_space<hbm>>) target(%arg27 : memref<16384xf32, #tpu.memory_space<vmem>>) target_semaphore(%arg32 : memref<!tpu.dma_semaphore, #tpu.memory_space<semaphore_mem>>)
    } else {
    }
    %iota3A = tpu.iota {dimensions = array<i32: 0>} : vector<16xi32>
    %broadcast_in_dim3A = arith.constant 0 : i32
    %broadcast_in_dim3A_42 = vector.broadcast %broadcast_in_dim3A : i32 to vector<16xi32>
    %scan3A = arith.constant 0 : i32
    %scan3A_43 = arith.constant 0 : i32
    %scan3A_44 = arith.constant 128 : i32
    %scan3A_45 = arith.addi %scan3A_43, %scan3A_44 : i32
    %scan3A_46 = arith.constant 1 : i32
    scf.for %scan3A_489 = %scan3A_43 to %scan3A_45 step %scan3A_46  : i32 {
      %mul3A_490 = arith.constant 16 : i32
      %mul3A_491 = arith.muli %scan3A_489, %mul3A_490 : i32
      %swap3A_492 = arith.index_cast %mul3A_491 : i32 to index
      %swap3A_493 = tpu.vector_load %arg9[%swap3A_492] {strides = array<i32>} : memref<2048xi32, #tpu.memory_space<vmem>>, vector<16xi32>,
      tpu.vector_store %arg9[%swap3A_492], %broadcast_in_dim3A_42 {strides = array<i32>} : memref<2048xi32, #tpu.memory_space<vmem>>, vector<16xi32>,
      %mul3A_494 = arith.constant 16 : i32
      %mul3A_495 = arith.muli %scan3A_489, %mul3A_494 : i32
      %swap3A_496 = arith.index_cast %mul3A_495 : i32 to index
      %swap3A_497 = tpu.vector_load %arg10[%swap3A_496] {strides = array<i32>} : memref<2048xi32, #tpu.memory_space<vmem>>, vector<16xi32>,
      tpu.vector_store %arg10[%swap3A_496], %broadcast_in_dim3A_42 {strides = array<i32>} : memref<2048xi32, #tpu.memory_space<vmem>>, vector<16xi32>,
      %mul3A_498 = arith.constant 16 : i32
      %mul3A_499 = arith.muli %scan3A_489, %mul3A_498 : i32
      %swap3A_500 = arith.index_cast %mul3A_499 : i32 to index
      %swap3A_501 = tpu.vector_load %arg11[%swap3A_500] {strides = array<i32>} : memref<2048xi32, #tpu.memory_space<vmem>>, vector<16xi32>,
      tpu.vector_store %arg11[%swap3A_500], %broadcast_in_dim3A_42 {strides = array<i32>} : memref<2048xi32, #tpu.memory_space<vmem>>, vector<16xi32>,
      %mul3A_502 = arith.constant 16 : i32
      %mul3A_503 = arith.muli %scan3A_489, %mul3A_502 : i32
      %swap3A_504 = arith.index_cast %mul3A_503 : i32 to index
      %swap3A_505 = tpu.vector_load %arg12[%swap3A_504] {strides = array<i32>} : memref<2048xi32, #tpu.memory_space<vmem>>, vector<16xi32>,
      tpu.vector_store %arg12[%swap3A_504], %broadcast_in_dim3A_42 {strides = array<i32>} : memref<2048xi32, #tpu.memory_space<vmem>>, vector<16xi32>,
    }
    %scan3A_47 = arith.constant 128 : i32
    %scan3A_48 = arith.constant 0 : i32
    %scan3A_49 = arith.constant 0 : i32
    %scan3A_50 = arith.constant 64 : i32
    %scan3A_51 = arith.addi %scan3A_49, %scan3A_50 : i32
    %scan3A_52 = arith.constant 1 : i32
    scf.for %scan3A_489 = %scan3A_49 to %scan3A_51 step %scan3A_52  : i32 {
      %mul3A_490 = arith.constant 4 : i32
      %mul3A_491 = arith.muli %scan3A_489, %mul3A_490 : i32
      %add3A_492 = arith.constant 0 : i32
      %add3A_493 = arith.addi %mul3A_491, %add3A_492 : i32
      %mul3A_494 = arith.constant 16 : i32
      %mul3A_495 = arith.muli %add3A_493, %mul3A_494 : i32
      %get3A_496 = arith.index_cast %mul3A_495 : i32 to index
      %get3A_497 = tpu.vector_load %arg8[%get3A_496] {strides = array<i32>} : memref<4096xi32, #tpu.memory_space<vmem>>, vector<16xi32>,
      %shift_right_logical3A_498 = arith.constant 20 : i32
      %shift_right_logical3A_499 = vector.broadcast %shift_right_logical3A_498 : i32 to vector<16xi32>
      %shift_right_logical3A_500 = arith.shrui %get3A_497, %shift_right_logical3A_499 : vector<16xi32>
      %broadcast_in_dim3A_501 = arith.constant true
      %broadcast_in_dim3A_502 = vector.broadcast %broadcast_in_dim3A_501 : i1 to vector<16xi1>
      %unique3A, %unique3A_503 = tpu.scan_count mask(%broadcast_in_dim3A_502 : vector<16xi1>) value(%shift_right_logical3A_500 : vector<16xi32>) : vector<16xi1>, vector<16xi32>
      tpu.vector_store_idx %arg9[%shift_right_logical3A_500], %unique3A_503 masked %unique3A {add = true} : memref<2048xi32, #tpu.memory_space<vmem>>[vector<16xi32>], vector<16xi32>, vector<16xi1>
      %mul3A_504 = arith.constant 4 : i32
      %mul3A_505 = arith.muli %scan3A_489, %mul3A_504 : i32
      %add3A_506 = arith.constant 1 : i32
      %add3A_507 = arith.addi %mul3A_505, %add3A_506 : i32
      %mul3A_508 = arith.constant 16 : i32
      %mul3A_509 = arith.muli %add3A_507, %mul3A_508 : i32
      %get3A_510 = arith.index_cast %mul3A_509 : i32 to index
      %get3A_511 = tpu.vector_load %arg8[%get3A_510] {strides = array<i32>} : memref<4096xi32, #tpu.memory_space<vmem>>, vector<16xi32>,
      %shift_right_logical3A_512 = arith.constant 20 : i32
      %shift_right_logical3A_513 = vector.broadcast %shift_right_logical3A_512 : i32 to vector<16xi32>
      %shift_right_logical3A_514 = arith.shrui %get3A_511, %shift_right_logical3A_513 : vector<16xi32>
      %broadcast_in_dim3A_515 = arith.constant true
      %broadcast_in_dim3A_516 = vector.broadcast %broadcast_in_dim3A_515 : i1 to vector<16xi1>
      %unique3A_517, %unique3A_518 = tpu.scan_count mask(%broadcast_in_dim3A_516 : vector<16xi1>) value(%shift_right_logical3A_514 : vector<16xi32>) : vector<16xi1>, vector<16xi32>
      tpu.vector_store_idx %arg10[%shift_right_logical3A_514], %unique3A_518 masked %unique3A_517 {add = true} : memref<2048xi32, #tpu.memory_space<vmem>>[vector<16xi32>], vector<16xi32>, vector<16xi1>
      %mul3A_519 = arith.constant 4 : i32
      %mul3A_520 = arith.muli %scan3A_489, %mul3A_519 : i32
      %add3A_521 = arith.constant 2 : i32
      %add3A_522 = arith.addi %mul3A_520, %add3A_521 : i32
      %mul3A_523 = arith.constant 16 : i32
      %mul3A_524 = arith.muli %add3A_522, %mul3A_523 : i32
      %get3A_525 = arith.index_cast %mul3A_524 : i32 to index
      %get3A_526 = tpu.vector_load %arg8[%get3A_525] {strides = array<i32>} : memref<4096xi32, #tpu.memory_space<vmem>>, vector<16xi32>,
      %shift_right_logical3A_527 = arith.constant 20 : i32
      %shift_right_logical3A_528 = vector.broadcast %shift_right_logical3A_527 : i32 to vector<16xi32>
      %shift_right_logical3A_529 = arith.shrui %get3A_526, %shift_right_logical3A_528 : vector<16xi32>
      %broadcast_in_dim3A_530 = arith.constant true
      %broadcast_in_dim3A_531 = vector.broadcast %broadcast_in_dim3A_530 : i1 to vector<16xi1>
      %unique3A_532, %unique3A_533 = tpu.scan_count mask(%broadcast_in_dim3A_531 : vector<16xi1>) value(%shift_right_logical3A_529 : vector<16xi32>) : vector<16xi1>, vector<16xi32>
      tpu.vector_store_idx %arg11[%shift_right_logical3A_529], %unique3A_533 masked %unique3A_532 {add = true} : memref<2048xi32, #tpu.memory_space<vmem>>[vector<16xi32>], vector<16xi32>, vector<16xi1>
      %mul3A_534 = arith.constant 4 : i32
      %mul3A_535 = arith.muli %scan3A_489, %mul3A_534 : i32
      %add3A_536 = arith.constant 3 : i32
      %add3A_537 = arith.addi %mul3A_535, %add3A_536 : i32
      %mul3A_538 = arith.constant 16 : i32
      %mul3A_539 = arith.muli %add3A_537, %mul3A_538 : i32
      %get3A_540 = arith.index_cast %mul3A_539 : i32 to index
      %get3A_541 = tpu.vector_load %arg8[%get3A_540] {strides = array<i32>} : memref<4096xi32, #tpu.memory_space<vmem>>, vector<16xi32>,
      %shift_right_logical3A_542 = arith.constant 20 : i32
      %shift_right_logical3A_543 = vector.broadcast %shift_right_logical3A_542 : i32 to vector<16xi32>
      %shift_right_logical3A_544 = arith.shrui %get3A_541, %shift_right_logical3A_543 : vector<16xi32>
      %broadcast_in_dim3A_545 = arith.constant true
      %broadcast_in_dim3A_546 = vector.broadcast %broadcast_in_dim3A_545 : i1 to vector<16xi1>
      %unique3A_547, %unique3A_548 = tpu.scan_count mask(%broadcast_in_dim3A_546 : vector<16xi1>) value(%shift_right_logical3A_544 : vector<16xi32>) : vector<16xi1>, vector<16xi32>
      tpu.vector_store_idx %arg12[%shift_right_logical3A_544], %unique3A_548 masked %unique3A_547 {add = true} : memref<2048xi32, #tpu.memory_space<vmem>>[vector<16xi32>], vector<16xi32>, vector<16xi1>
    }
    %scan3A_53 = arith.constant 64 : i32
    %scan3A_54 = arith.constant 0 : i32
    %scan3A_55 = arith.constant 0 : i32
    %scan3A_56 = arith.constant 128 : i32
    %scan3A_57 = arith.addi %scan3A_55, %scan3A_56 : i32
    %scan3A_58 = arith.constant 1 : i32
    scf.for %scan3A_489 = %scan3A_55 to %scan3A_57 step %scan3A_58  : i32 {
      %mul3A_490 = arith.constant 16 : i32
      %mul3A_491 = arith.muli %scan3A_489, %mul3A_490 : i32
      %get3A_492 = arith.index_cast %mul3A_491 : i32 to index
      %get3A_493 = tpu.vector_load %arg9[%get3A_492] {strides = array<i32>} : memref<2048xi32, #tpu.memory_space<vmem>>, vector<16xi32>,
      %get3A_494 = arith.index_cast %mul3A_491 : i32 to index
      %get3A_495 = tpu.vector_load %arg10[%get3A_494] {strides = array<i32>} : memref<2048xi32, #tpu.memory_space<vmem>>, vector<16xi32>,
      %add3A_496 = arith.addi %get3A_493, %get3A_495 : vector<16xi32>
      %get3A_497 = arith.index_cast %mul3A_491 : i32 to index
      %get3A_498 = tpu.vector_load %arg11[%get3A_497] {strides = array<i32>} : memref<2048xi32, #tpu.memory_space<vmem>>, vector<16xi32>,
      %get3A_499 = arith.index_cast %mul3A_491 : i32 to index
      %get3A_500 = tpu.vector_load %arg12[%get3A_499] {strides = array<i32>} : memref<2048xi32, #tpu.memory_space<vmem>>, vector<16xi32>,
      %add3A_501 = arith.addi %get3A_498, %get3A_500 : vector<16xi32>
      %add3A_502 = arith.addi %add3A_496, %add3A_501 : vector<16xi32>
      %swap3A_503 = arith.index_cast %mul3A_491 : i32 to index
      %swap3A_504 = tpu.vector_load %arg9[%swap3A_503] {strides = array<i32>} : memref<2048xi32, #tpu.memory_space<vmem>>, vector<16xi32>,
      tpu.vector_store %arg9[%swap3A_503], %add3A_502 {strides = array<i32>} : memref<2048xi32, #tpu.memory_space<vmem>>, vector<16xi32>,
    }
    %scan3A_59 = arith.constant 128 : i32
    %mul3A_60 = arith.constant 2048 : i32
    %mul3A_61 = arith.muli %add3A_33, %mul3A_60 : i32
    "tpu.region"() ({
      %run_scoped3A = tpu.sem_alloc : memref<!tpu.dma_semaphore, #tpu.memory_space<semaphore_mem>>
      %dma_start3A_489 = tpu.memref_slice %arg33[%mul3A_61] : memref<32768xi32, #tpu.memory_space<vmem_shared>> -> memref<2048xi32, #tpu.memory_space<vmem_shared>>
      %dma_start3A_490 = tpu.memref_slice %arg33[%mul3A_61] : memref<32768xi32, #tpu.memory_space<vmem_shared>> -> memref<2048xi32, #tpu.memory_space<vmem_shared>>
      tpu.enqueue_dma source(%arg9 : memref<2048xi32, #tpu.memory_space<vmem>>) target(%dma_start3A_490 : memref<2048xi32, #tpu.memory_space<vmem_shared>>) target_semaphore(%run_scoped3A : memref<!tpu.dma_semaphore, #tpu.memory_space<semaphore_mem>>)
      %dma_wait3A_491 = tpu.memref_slice %arg33[%mul3A_61] : memref<32768xi32, #tpu.memory_space<vmem_shared>> -> memref<2048xi32, #tpu.memory_space<vmem_shared>>
      %dma_wait3A_492 = tpu.memref_slice %arg33[%mul3A_61] : memref<32768xi32, #tpu.memory_space<vmem_shared>> -> memref<2048xi32, #tpu.memory_space<vmem_shared>>
      tpu.wait_dma2 semaphore(%run_scoped3A : memref<!tpu.dma_semaphore, #tpu.memory_space<semaphore_mem>>) src(%arg9 : memref<2048xi32, #tpu.memory_space<vmem>>) dst(%dma_wait3A_492 : memref<2048xi32, #tpu.memory_space<vmem_shared>>)
      tpu.yield
    }) : () -> ()
    %barrier3A = arith.constant 0 : index
    tpu.barrier barrier_id(%barrier3A)
    %mul3A_62 = arith.constant 4 : i32
    %mul3A_63 = arith.muli %select_n3A, %mul3A_62 : i32
    %add3A_64 = arith.constant 0 : i32
    %add3A_65 = arith.addi %mul3A_63, %add3A_64 : i32
    %mul3A_66 = arith.constant 2048 : i32
    %mul3A_67 = arith.muli %add3A_65, %mul3A_66 : i32
    "tpu.region"() ({
      %run_scoped3A = tpu.sem_alloc : memref<!tpu.dma_semaphore, #tpu.memory_space<semaphore_mem>>
      %dma_start3A_489 = tpu.memref_slice %arg33[%mul3A_67] : memref<32768xi32, #tpu.memory_space<vmem_shared>> -> memref<2048xi32, #tpu.memory_space<vmem_shared>>
      %dma_start3A_490 = tpu.memref_slice %arg33[%mul3A_67] : memref<32768xi32, #tpu.memory_space<vmem_shared>> -> memref<2048xi32, #tpu.memory_space<vmem_shared>>
      tpu.enqueue_dma source(%dma_start3A_490 : memref<2048xi32, #tpu.memory_space<vmem_shared>>) target(%arg9 : memref<2048xi32, #tpu.memory_space<vmem>>) target_semaphore(%run_scoped3A : memref<!tpu.dma_semaphore, #tpu.memory_space<semaphore_mem>>)
      %dma_wait3A_491 = tpu.memref_slice %arg33[%mul3A_67] : memref<32768xi32, #tpu.memory_space<vmem_shared>> -> memref<2048xi32, #tpu.memory_space<vmem_shared>>
      %dma_wait3A_492 = tpu.memref_slice %arg33[%mul3A_67] : memref<32768xi32, #tpu.memory_space<vmem_shared>> -> memref<2048xi32, #tpu.memory_space<vmem_shared>>
      tpu.wait_dma2 semaphore(%run_scoped3A : memref<!tpu.dma_semaphore, #tpu.memory_space<semaphore_mem>>) src(%dma_wait3A_492 : memref<2048xi32, #tpu.memory_space<vmem_shared>>) dst(%arg9 : memref<2048xi32, #tpu.memory_space<vmem>>)
      tpu.yield
    }) : () -> ()
    %mul3A_68 = arith.constant 4 : i32
    %mul3A_69 = arith.muli %select_n3A, %mul3A_68 : i32
    %add3A_70 = arith.constant 1 : i32
    %add3A_71 = arith.addi %mul3A_69, %add3A_70 : i32
    %mul3A_72 = arith.constant 2048 : i32
    %mul3A_73 = arith.muli %add3A_71, %mul3A_72 : i32
    "tpu.region"() ({
      %run_scoped3A = tpu.sem_alloc : memref<!tpu.dma_semaphore, #tpu.memory_space<semaphore_mem>>
      %dma_start3A_489 = tpu.memref_slice %arg33[%mul3A_73] : memref<32768xi32, #tpu.memory_space<vmem_shared>> -> memref<2048xi32, #tpu.memory_space<vmem_shared>>
      %dma_start3A_490 = tpu.memref_slice %arg33[%mul3A_73] : memref<32768xi32, #tpu.memory_space<vmem_shared>> -> memref<2048xi32, #tpu.memory_space<vmem_shared>>
      tpu.enqueue_dma source(%dma_start3A_490 : memref<2048xi32, #tpu.memory_space<vmem_shared>>) target(%arg10 : memref<2048xi32, #tpu.memory_space<vmem>>) target_semaphore(%run_scoped3A : memref<!tpu.dma_semaphore, #tpu.memory_space<semaphore_mem>>)
      %dma_wait3A_491 = tpu.memref_slice %arg33[%mul3A_73] : memref<32768xi32, #tpu.memory_space<vmem_shared>> -> memref<2048xi32, #tpu.memory_space<vmem_shared>>
      %dma_wait3A_492 = tpu.memref_slice %arg33[%mul3A_73] : memref<32768xi32, #tpu.memory_space<vmem_shared>> -> memref<2048xi32, #tpu.memory_space<vmem_shared>>
      tpu.wait_dma2 semaphore(%run_scoped3A : memref<!tpu.dma_semaphore, #tpu.memory_space<semaphore_mem>>) src(%dma_wait3A_492 : memref<2048xi32, #tpu.memory_space<vmem_shared>>) dst(%arg10 : memref<2048xi32, #tpu.memory_space<vmem>>)
      tpu.yield
    }) : () -> ()
    %mul3A_74 = arith.constant 4 : i32
    %mul3A_75 = arith.muli %select_n3A, %mul3A_74 : i32
    %add3A_76 = arith.constant 2 : i32
    %add3A_77 = arith.addi %mul3A_75, %add3A_76 : i32
    %mul3A_78 = arith.constant 2048 : i32
    %mul3A_79 = arith.muli %add3A_77, %mul3A_78 : i32
    "tpu.region"() ({
      %run_scoped3A = tpu.sem_alloc : memref<!tpu.dma_semaphore, #tpu.memory_space<semaphore_mem>>
      %dma_start3A_489 = tpu.memref_slice %arg33[%mul3A_79] : memref<32768xi32, #tpu.memory_space<vmem_shared>> -> memref<2048xi32, #tpu.memory_space<vmem_shared>>
      %dma_start3A_490 = tpu.memref_slice %arg33[%mul3A_79] : memref<32768xi32, #tpu.memory_space<vmem_shared>> -> memref<2048xi32, #tpu.memory_space<vmem_shared>>
      tpu.enqueue_dma source(%dma_start3A_490 : memref<2048xi32, #tpu.memory_space<vmem_shared>>) target(%arg11 : memref<2048xi32, #tpu.memory_space<vmem>>) target_semaphore(%run_scoped3A : memref<!tpu.dma_semaphore, #tpu.memory_space<semaphore_mem>>)
      %dma_wait3A_491 = tpu.memref_slice %arg33[%mul3A_79] : memref<32768xi32, #tpu.memory_space<vmem_shared>> -> memref<2048xi32, #tpu.memory_space<vmem_shared>>
      %dma_wait3A_492 = tpu.memref_slice %arg33[%mul3A_79] : memref<32768xi32, #tpu.memory_space<vmem_shared>> -> memref<2048xi32, #tpu.memory_space<vmem_shared>>
      tpu.wait_dma2 semaphore(%run_scoped3A : memref<!tpu.dma_semaphore, #tpu.memory_space<semaphore_mem>>) src(%dma_wait3A_492 : memref<2048xi32, #tpu.memory_space<vmem_shared>>) dst(%arg11 : memref<2048xi32, #tpu.memory_space<vmem>>)
      tpu.yield
    }) : () -> ()
    %mul3A_80 = arith.constant 4 : i32
    %mul3A_81 = arith.muli %select_n3A, %mul3A_80 : i32
    %add3A_82 = arith.constant 3 : i32
    %add3A_83 = arith.addi %mul3A_81, %add3A_82 : i32
    %mul3A_84 = arith.constant 2048 : i32
    %mul3A_85 = arith.muli %add3A_83, %mul3A_84 : i32
    "tpu.region"() ({
      %run_scoped3A = tpu.sem_alloc : memref<!tpu.dma_semaphore, #tpu.memory_space<semaphore_mem>>
      %dma_start3A_489 = tpu.memref_slice %arg33[%mul3A_85] : memref<32768xi32, #tpu.memory_space<vmem_shared>> -> memref<2048xi32, #tpu.memory_space<vmem_shared>>
      %dma_start3A_490 = tpu.memref_slice %arg33[%mul3A_85] : memref<32768xi32, #tpu.memory_space<vmem_shared>> -> memref<2048xi32, #tpu.memory_space<vmem_shared>>
      tpu.enqueue_dma source(%dma_start3A_490 : memref<2048xi32, #tpu.memory_space<vmem_shared>>) target(%arg12 : memref<2048xi32, #tpu.memory_space<vmem>>) target_semaphore(%run_scoped3A : memref<!tpu.dma_semaphore, #tpu.memory_space<semaphore_mem>>)
      %dma_wait3A_491 = tpu.memref_slice %arg33[%mul3A_85] : memref<32768xi32, #tpu.memory_space<vmem_shared>> -> memref<2048xi32, #tpu.memory_space<vmem_shared>>
      %dma_wait3A_492 = tpu.memref_slice %arg33[%mul3A_85] : memref<32768xi32, #tpu.memory_space<vmem_shared>> -> memref<2048xi32, #tpu.memory_space<vmem_shared>>
      tpu.wait_dma2 semaphore(%run_scoped3A : memref<!tpu.dma_semaphore, #tpu.memory_space<semaphore_mem>>) src(%dma_wait3A_492 : memref<2048xi32, #tpu.memory_space<vmem_shared>>) dst(%arg12 : memref<2048xi32, #tpu.memory_space<vmem>>)
      tpu.yield
    }) : () -> ()
    %scan3A_86 = arith.constant 1023 : i32
    %scan3A_87 = arith.constant 0 : i32
    %scan3A_88 = arith.constant 0 : i32
    %scan3A_89 = arith.constant 128 : i32
    %scan3A_90 = arith.addi %scan3A_88, %scan3A_89 : i32
    %scan3A_91 = arith.constant 1 : i32
    %scan3A_92:3 = scf.for %scan3A_489 = %scan3A_88 to %scan3A_90 step %scan3A_91 iter_args(%scan3A_490 = %broadcast_in_dim3A_42, %scan3A_491 = %broadcast_in_dim3A_42, %scan3A_492 = %scan3A_87) -> (vector<16xi32>, vector<16xi32>, i32)  : i32 {
      %mul3A_493 = arith.constant 16 : i32
      %mul3A_494 = arith.muli %scan3A_489, %mul3A_493 : i32
      %get3A_495 = arith.index_cast %mul3A_494 : i32 to index
      %get3A_496 = tpu.vector_load %arg9[%get3A_495] {strides = array<i32>} : memref<2048xi32, #tpu.memory_space<vmem>>, vector<16xi32>,
      %get3A_497 = arith.index_cast %mul3A_494 : i32 to index
      %get3A_498 = tpu.vector_load %arg10[%get3A_497] {strides = array<i32>} : memref<2048xi32, #tpu.memory_space<vmem>>, vector<16xi32>,
      %add3A_499 = arith.addi %get3A_496, %get3A_498 : vector<16xi32>
      %get3A_500 = arith.index_cast %mul3A_494 : i32 to index
      %get3A_501 = tpu.vector_load %arg11[%get3A_500] {strides = array<i32>} : memref<2048xi32, #tpu.memory_space<vmem>>, vector<16xi32>,
      %get3A_502 = arith.index_cast %mul3A_494 : i32 to index
      %get3A_503 = tpu.vector_load %arg12[%get3A_502] {strides = array<i32>} : memref<2048xi32, #tpu.memory_space<vmem>>, vector<16xi32>,
      %add3A_504 = arith.addi %get3A_501, %get3A_503 : vector<16xi32>
      %add3A_505 = arith.addi %add3A_499, %add3A_504 : vector<16xi32>
      %broadcast_in_dim3A_506 = arith.constant true
      %broadcast_in_dim3A_507 = vector.broadcast %broadcast_in_dim3A_506 : i1 to vector<16xi1>
      %masked_cumsum3A_508 = tpu.scan <sum>, %add3A_505 masked %broadcast_in_dim3A_507 : vector<16xi32>, vector<16xi1> -> vector<16xi32>
      %add3A_509 = vector.broadcast %scan3A_492 : i32 to vector<16xi32>
      %add3A_510 = arith.addi %masked_cumsum3A_508, %add3A_509 : vector<16xi32>
      %le3A = vector.broadcast %scan3A_86 : i32 to vector<16xi32>
      %le3A_511 = arith.cmpi sle, %add3A_510, %le3A : vector<16xi32>
      %jit3A_512 = arith.constant 1 : i32
      %jit3A_513 = arith.constant 0 : i32
      %broadcast_in_dim3A_514 = vector.broadcast %jit3A_512 : i32 to vector<16xi32>
      %broadcast_in_dim3A_515 = vector.broadcast %jit3A_513 : i32 to vector<16xi32>
      %select_n3A_516 = arith.select %le3A_511, %broadcast_in_dim3A_514, %broadcast_in_dim3A_515 : vector<16xi1>, vector<16xi32>
      %add3A_517 = arith.addi %scan3A_490, %select_n3A_516 : vector<16xi32>
      %jit3A_518 = arith.constant 0 : i32
      %broadcast_in_dim3A_519 = vector.broadcast %jit3A_518 : i32 to vector<16xi32>
      %select_n3A_520 = arith.select %le3A_511, %add3A_510, %broadcast_in_dim3A_519 : vector<16xi1>, vector<16xi32>
      %max3A_521 = arith.maxsi %scan3A_491, %select_n3A_520 : vector<16xi32>
      %reduce_max3A_522 = arith.constant true
      %reduce_max3A_523 = vector.broadcast %reduce_max3A_522 : i1 to vector<16xi1>
      %reduce_max3A_524 = arith.constant -2147483648 : i32
      %reduce_max3A_525 = vector.broadcast %reduce_max3A_524 : i32 to vector<16xi32>
      %reduce_max3A_526 = arith.xori %add3A_510, %reduce_max3A_525 : vector<16xi32>
      %reduce_max3A_527 = tpu.scan <max>, %reduce_max3A_526 masked %reduce_max3A_523 : vector<16xi32>, vector<16xi1> -> vector<16xi32>
      %reduce_max3A_528 = arith.xori %reduce_max3A_527, %reduce_max3A_525 : vector<16xi32>
      %reduce_max3A_529 = vector.extract %reduce_max3A_528[15] : i32 from vector<16xi32>
      scf.yield %add3A_517, %max3A_521, %reduce_max3A_529 : vector<16xi32>, vector<16xi32>, i32
    }
    %scan3A_93 = arith.constant 128 : i32
    %reduce_sum3A = arith.constant true
    %reduce_sum3A_94 = vector.broadcast %reduce_sum3A : i1 to vector<16xi1>
    %reduce_sum3A_95 = tpu.scan <sum>, %scan3A_92#0 masked %reduce_sum3A_94 : vector<16xi32>, vector<16xi1> -> vector<16xi32>
    %reduce_sum3A_96 = vector.extract %reduce_sum3A_95[15] : i32 from vector<16xi32>
    %reduce_max3A = arith.constant true
    %reduce_max3A_97 = vector.broadcast %reduce_max3A : i1 to vector<16xi1>
    %reduce_max3A_98 = arith.constant -2147483648 : i32
    %reduce_max3A_99 = vector.broadcast %reduce_max3A_98 : i32 to vector<16xi32>
    %reduce_max3A_100 = arith.xori %scan3A_92#1, %reduce_max3A_99 : vector<16xi32>
    %reduce_max3A_101 = tpu.scan <max>, %reduce_max3A_100 masked %reduce_max3A_97 : vector<16xi32>, vector<16xi1> -> vector<16xi32>
    %reduce_max3A_102 = arith.xori %reduce_max3A_101, %reduce_max3A_99 : vector<16xi32>
    %reduce_max3A_103 = vector.extract %reduce_max3A_102[15] : i32 from vector<16xi32>
    %sub3A_104 = arith.constant 1023 : i32
    %sub3A_105 = arith.subi %sub3A_104, %reduce_max3A_103 : i32
    %scan3A_106 = arith.constant 0 : i32
    %scan3A_107 = arith.constant 256 : i32
    %scan3A_108 = arith.addi %scan3A_106, %scan3A_107 : i32
    %scan3A_109 = arith.constant 1 : i32
    %scan3A_110 = scf.for %scan3A_489 = %scan3A_106 to %scan3A_108 step %scan3A_109 iter_args(%scan3A_490 = %broadcast_in_dim3A_42) -> (vector<16xi32>)  : i32 {
      %mul3A_491 = arith.constant 16 : i32
      %mul3A_492 = arith.muli %scan3A_489, %mul3A_491 : i32
      %get3A_493 = arith.index_cast %mul3A_492 : i32 to index
      %get3A_494 = tpu.vector_load %arg8[%get3A_493] {strides = array<i32>} : memref<4096xi32, #tpu.memory_space<vmem>>, vector<16xi32>,
      %shift_right_logical3A_495 = arith.constant 20 : i32
      %shift_right_logical3A_496 = vector.broadcast %shift_right_logical3A_495 : i32 to vector<16xi32>
      %shift_right_logical3A_497 = arith.shrui %get3A_494, %shift_right_logical3A_496 : vector<16xi32>
      %lt3A_498 = vector.broadcast %reduce_sum3A_96 : i32 to vector<16xi32>
      %lt3A_499 = arith.cmpi slt, %shift_right_logical3A_497, %lt3A_498 : vector<16xi32>
      %eq3A_500 = vector.broadcast %reduce_sum3A_96 : i32 to vector<16xi32>
      %eq3A_501 = arith.cmpi eq, %shift_right_logical3A_497, %eq3A_500 : vector<16xi32>
      %jit3A_502 = arith.constant 1 : i32
      %jit3A_503 = arith.constant 0 : i32
      %broadcast_in_dim3A_504 = vector.broadcast %jit3A_502 : i32 to vector<16xi32>
      %broadcast_in_dim3A_505 = vector.broadcast %jit3A_503 : i32 to vector<16xi32>
      %select_n3A_506 = arith.select %lt3A_499, %broadcast_in_dim3A_504, %broadcast_in_dim3A_505 : vector<16xi1>, vector<16xi32>
      %jit3A_507 = arith.constant 65536 : i32
      %jit3A_508 = arith.constant 0 : i32
      %broadcast_in_dim3A_509 = vector.broadcast %jit3A_507 : i32 to vector<16xi32>
      %broadcast_in_dim3A_510 = vector.broadcast %jit3A_508 : i32 to vector<16xi32>
      %select_n3A_511 = arith.select %eq3A_501, %broadcast_in_dim3A_509, %broadcast_in_dim3A_510 : vector<16xi1>, vector<16xi32>
      %add3A_512 = arith.addi %select_n3A_506, %select_n3A_511 : vector<16xi32>
      %broadcast_in_dim3A_513 = arith.constant true
      %broadcast_in_dim3A_514 = vector.broadcast %broadcast_in_dim3A_513 : i1 to vector<16xi1>
      %masked_cumsum3A_515 = tpu.scan <sum>, %add3A_512 masked %broadcast_in_dim3A_514 : vector<16xi32>, vector<16xi1> -> vector<16xi32>
      %add3A_516 = arith.addi %masked_cumsum3A_515, %scan3A_490 : vector<16xi32>
      %and3A_517 = arith.constant 65535 : i32
      %and3A_518 = vector.broadcast %and3A_517 : i32 to vector<16xi32>
      %and3A_519 = arith.andi %add3A_516, %and3A_518 : vector<16xi32>
      %sub3A_520 = arith.constant 1 : i32
      %sub3A_521 = vector.broadcast %sub3A_520 : i32 to vector<16xi32>
      %sub3A_522 = arith.subi %and3A_519, %sub3A_521 : vector<16xi32>
      %shift_right_logical3A_523 = arith.constant 16 : i32
      %shift_right_logical3A_524 = vector.broadcast %shift_right_logical3A_523 : i32 to vector<16xi32>
      %shift_right_logical3A_525 = arith.shrui %add3A_516, %shift_right_logical3A_524 : vector<16xi32>
      %sub3A_526 = arith.constant 1 : i32
      %sub3A_527 = vector.broadcast %sub3A_526 : i32 to vector<16xi32>
      %sub3A_528 = arith.subi %shift_right_logical3A_525, %sub3A_527 : vector<16xi32>
      %mul3A_529 = arith.constant 4096 : i32
      %mul3A_530 = arith.muli %select_n3A_28, %mul3A_529 : i32
      %mul3A_531 = arith.constant 16 : i32
      %mul3A_532 = arith.muli %scan3A_489, %mul3A_531 : i32
      %add3A_533 = arith.addi %mul3A_530, %mul3A_532 : i32
      %add3A_534 = vector.broadcast %add3A_533 : i32 to vector<16xi32>
      %add3A_535 = arith.addi %add3A_534, %iota3A : vector<16xi32>
      tpu.vector_store_idx %arg14[%sub3A_522], %get3A_494 masked %lt3A_499 : memref<1024xi32, #tpu.memory_space<vmem>>[vector<16xi32>], vector<16xi32>, vector<16xi1>
      tpu.vector_store_idx %arg15[%sub3A_522], %add3A_535 masked %lt3A_499 : memref<1024xi32, #tpu.memory_space<vmem>>[vector<16xi32>], vector<16xi32>, vector<16xi1>
      tpu.vector_store_idx %arg16[%sub3A_528], %get3A_494 masked %eq3A_501 : memref<4096xi32, #tpu.memory_space<vmem>>[vector<16xi32>], vector<16xi32>, vector<16xi1>
      tpu.vector_store_idx %arg17[%sub3A_528], %add3A_535 masked %eq3A_501 : memref<4096xi32, #tpu.memory_space<vmem>>[vector<16xi32>], vector<16xi32>, vector<16xi1>
      %all_reduce_population_count3A = tpu.all_reduce %lt3A_499 {dim = 0 : i64, kind = #tpu.reduction_kind<sum>} : vector<16xi1> -> vector<16xi32>
      %all_reduce_population_count3A_536 = tpu.all_reduce %eq3A_501 {dim = 0 : i64, kind = #tpu.reduction_kind<sum>} : vector<16xi1> -> vector<16xi32>
      %add3A_537 = arith.addi %scan3A_490, %all_reduce_population_count3A : vector<16xi32>
      %shift_left3A = arith.constant 16 : i32
      %shift_left3A_538 = vector.broadcast %shift_left3A : i32 to vector<16xi32>
      %shift_left3A_539 = arith.shli %all_reduce_population_count3A_536, %shift_left3A_538 : vector<16xi32>
      %add3A_540 = arith.addi %add3A_537, %shift_left3A_539 : vector<16xi32>
      scf.yield %add3A_540 : vector<16xi32>
    }
    %scan3A_111 = arith.constant 256 : i32
    %reduce_max3A_112 = arith.constant true
    %reduce_max3A_113 = vector.broadcast %reduce_max3A_112 : i1 to vector<16xi1>
    %reduce_max3A_114 = arith.constant -2147483648 : i32
    %reduce_max3A_115 = vector.broadcast %reduce_max3A_114 : i32 to vector<16xi32>
    %reduce_max3A_116 = arith.xori %scan3A_110, %reduce_max3A_115 : vector<16xi32>
    %reduce_max3A_117 = tpu.scan <max>, %reduce_max3A_116 masked %reduce_max3A_113 : vector<16xi32>, vector<16xi1> -> vector<16xi32>
    %reduce_max3A_118 = arith.xori %reduce_max3A_117, %reduce_max3A_115 : vector<16xi32>
    %reduce_max3A_119 = vector.extract %reduce_max3A_118[15] : i32 from vector<16xi32>
    %shift_right_logical3A = arith.constant 16 : i32
    %shift_right_logical3A_120 = arith.shrui %reduce_max3A_119, %shift_right_logical3A : i32
    %and3A_121 = arith.constant 65535 : i32
    %and3A_122 = arith.andi %reduce_max3A_119, %and3A_121 : i32
    %scan3A_123 = arith.constant 0 : i32
    %scan3A_124 = arith.constant 0 : i32
    %scan3A_125 = arith.constant 64 : i32
    %scan3A_126 = arith.addi %scan3A_124, %scan3A_125 : i32
    %scan3A_127 = arith.constant 1 : i32
    scf.for %scan3A_489 = %scan3A_124 to %scan3A_126 step %scan3A_127  : i32 {
      %mul3A_490 = arith.constant 16 : i32
      %mul3A_491 = arith.muli %scan3A_489, %mul3A_490 : i32
      %swap3A_492 = arith.index_cast %mul3A_491 : i32 to index
      %swap3A_493 = tpu.vector_load %arg9[%swap3A_492] {strides = array<i32>} : memref<2048xi32, #tpu.memory_space<vmem>>, vector<16xi32>,
      tpu.vector_store %arg9[%swap3A_492], %broadcast_in_dim3A_42 {strides = array<i32>} : memref<2048xi32, #tpu.memory_space<vmem>>, vector<16xi32>,
    }
    %scan3A_128 = arith.constant 64 : i32
    %add3A_129 = arith.constant 15 : i32
    %add3A_130 = arith.addi %shift_right_logical3A_120, %add3A_129 : i32
    %shift_right_logical3A_131 = arith.constant 4 : i32
    %shift_right_logical3A_132 = arith.shrui %add3A_130, %shift_right_logical3A_131 : i32
    %while3A = arith.constant 0 : i32
    %while3A_133 = arith.constant 0 : i32
    %while3A_134 = arith.subi %shift_right_logical3A_132, %while3A_133 : i32
    %while3A_135 = arith.addi %while3A_133, %while3A_134 : i32
    %while3A_136 = arith.constant 1 : i32
    %while3A_137 = arith.divsi %while3A_134, %while3A_136 : i32
    %while3A_138 = arith.muli %while3A_137, %while3A_136 : i32
    %while3A_139 = arith.addi %while3A_133, %while3A_138 : i32
    %while3A_140 = arith.constant 1 : i32
    scf.for %while3A_489 = %while3A_133 to %while3A_139 step %while3A_140  : i32 {
      %mul3A_490 = arith.constant 16 : i32
      %mul3A_491 = arith.muli %while3A_489, %mul3A_490 : i32
      %add3A_492 = vector.broadcast %mul3A_491 : i32 to vector<16xi32>
      %add3A_493 = arith.addi %iota3A, %add3A_492 : vector<16xi32>
      %lt3A_494 = vector.broadcast %shift_right_logical3A_120 : i32 to vector<16xi32>
      %lt3A_495 = arith.cmpi slt, %add3A_493, %lt3A_494 : vector<16xi32>
      %mul3A_496 = arith.constant 16 : i32
      %mul3A_497 = arith.muli %while3A_489, %mul3A_496 : i32
      %get3A_498 = arith.index_cast %mul3A_497 : i32 to index
      %get3A_499 = tpu.vector_load %arg16[%get3A_498] {strides = array<i32>} : memref<4096xi32, #tpu.memory_space<vmem>>, vector<16xi32>,
      %shift_right_logical3A_500 = arith.constant 10 : i32
      %shift_right_logical3A_501 = vector.broadcast %shift_right_logical3A_500 : i32 to vector<16xi32>
      %shift_right_logical3A_502 = arith.shrui %get3A_499, %shift_right_logical3A_501 : vector<16xi32>
      %and3A_503 = arith.constant 1023 : i32
      %and3A_504 = vector.broadcast %and3A_503 : i32 to vector<16xi32>
      %and3A_505 = arith.andi %shift_right_logical3A_502, %and3A_504 : vector<16xi32>
      %unique3A, %unique3A_506 = tpu.scan_count mask(%lt3A_495 : vector<16xi1>) value(%and3A_505 : vector<16xi32>) : vector<16xi1>, vector<16xi32>
      %and3A_507 = arith.andi %unique3A, %lt3A_495 : vector<16xi1>
      tpu.vector_store_idx %arg9[%and3A_505], %unique3A_506 masked %and3A_507 {add = true} : memref<2048xi32, #tpu.memory_space<vmem>>[vector<16xi32>], vector<16xi32>, vector<16xi1>
    }
    %while3A_141 = arith.constant 1 : i32
    scf.for %while3A_489 = %while3A_139 to %while3A_135 step %while3A_141  : i32 {
      %mul3A_490 = arith.constant 16 : i32
      %mul3A_491 = arith.muli %while3A_489, %mul3A_490 : i32
      %add3A_492 = vector.broadcast %mul3A_491 : i32 to vector<16xi32>
      %add3A_493 = arith.addi %iota3A, %add3A_492 : vector<16xi32>
      %lt3A_494 = vector.broadcast %shift_right_logical3A_120 : i32 to vector<16xi32>
      %lt3A_495 = arith.cmpi slt, %add3A_493, %lt3A_494 : vector<16xi32>
      %mul3A_496 = arith.constant 16 : i32
      %mul3A_497 = arith.muli %while3A_489, %mul3A_496 : i32
      %get3A_498 = arith.index_cast %mul3A_497 : i32 to index
      %get3A_499 = tpu.vector_load %arg16[%get3A_498] {strides = array<i32>} : memref<4096xi32, #tpu.memory_space<vmem>>, vector<16xi32>,
      %shift_right_logical3A_500 = arith.constant 10 : i32
      %shift_right_logical3A_501 = vector.broadcast %shift_right_logical3A_500 : i32 to vector<16xi32>
      %shift_right_logical3A_502 = arith.shrui %get3A_499, %shift_right_logical3A_501 : vector<16xi32>
      %and3A_503 = arith.constant 1023 : i32
      %and3A_504 = vector.broadcast %and3A_503 : i32 to vector<16xi32>
      %and3A_505 = arith.andi %shift_right_logical3A_502, %and3A_504 : vector<16xi32>
      %unique3A, %unique3A_506 = tpu.scan_count mask(%lt3A_495 : vector<16xi1>) value(%and3A_505 : vector<16xi32>) : vector<16xi1>, vector<16xi32>
      %and3A_507 = arith.andi %unique3A, %lt3A_495 : vector<16xi1>
      tpu.vector_store_idx %arg9[%and3A_505], %unique3A_506 masked %and3A_507 {add = true} : memref<2048xi32, #tpu.memory_space<vmem>>[vector<16xi32>], vector<16xi32>, vector<16xi1>
    }
    %mul3A_142 = arith.constant 1024 : i32
    %mul3A_143 = arith.muli %add3A_33, %mul3A_142 : i32
    "tpu.region"() ({
      %run_scoped3A = tpu.sem_alloc : memref<!tpu.dma_semaphore, #tpu.memory_space<semaphore_mem>>
      %dma_start3A_489 = arith.constant 0 : i32
      %dma_start3A_490 = tpu.memref_slice %arg9[%dma_start3A_489] : memref<2048xi32, #tpu.memory_space<vmem>> -> memref<1024xi32, #tpu.memory_space<vmem>>
      %dma_start3A_491 = tpu.memref_slice %arg34[%mul3A_143] : memref<16384xi32, #tpu.memory_space<vmem_shared>> -> memref<1024xi32, #tpu.memory_space<vmem_shared>>
      %dma_start3A_492 = tpu.memref_slice %arg34[%mul3A_143] : memref<16384xi32, #tpu.memory_space<vmem_shared>> -> memref<1024xi32, #tpu.memory_space<vmem_shared>>
      %dma_start3A_493 = arith.constant 0 : i32
      %dma_start3A_494 = tpu.memref_slice %arg9[%dma_start3A_493] : memref<2048xi32, #tpu.memory_space<vmem>> -> memref<1024xi32, #tpu.memory_space<vmem>>
      tpu.enqueue_dma source(%dma_start3A_494 : memref<1024xi32, #tpu.memory_space<vmem>>) target(%dma_start3A_492 : memref<1024xi32, #tpu.memory_space<vmem_shared>>) target_semaphore(%run_scoped3A : memref<!tpu.dma_semaphore, #tpu.memory_space<semaphore_mem>>)
      %dma_wait3A_495 = arith.constant 0 : i32
      %dma_wait3A_496 = tpu.memref_slice %arg9[%dma_wait3A_495] : memref<2048xi32, #tpu.memory_space<vmem>> -> memref<1024xi32, #tpu.memory_space<vmem>>
      %dma_wait3A_497 = tpu.memref_slice %arg34[%mul3A_143] : memref<16384xi32, #tpu.memory_space<vmem_shared>> -> memref<1024xi32, #tpu.memory_space<vmem_shared>>
      %dma_wait3A_498 = tpu.memref_slice %arg34[%mul3A_143] : memref<16384xi32, #tpu.memory_space<vmem_shared>> -> memref<1024xi32, #tpu.memory_space<vmem_shared>>
      %dma_wait3A_499 = arith.constant 0 : i32
      %dma_wait3A_500 = tpu.memref_slice %arg9[%dma_wait3A_499] : memref<2048xi32, #tpu.memory_space<vmem>> -> memref<1024xi32, #tpu.memory_space<vmem>>
      tpu.wait_dma2 semaphore(%run_scoped3A : memref<!tpu.dma_semaphore, #tpu.memory_space<semaphore_mem>>) src(%dma_wait3A_500 : memref<1024xi32, #tpu.memory_space<vmem>>) dst(%dma_wait3A_498 : memref<1024xi32, #tpu.memory_space<vmem_shared>>)
      tpu.yield
    }) : () -> ()
    %barrier3A_144 = arith.constant 0 : index
    tpu.barrier barrier_id(%barrier3A_144)
    %mul3A_145 = arith.constant 4 : i32
    %mul3A_146 = arith.muli %select_n3A, %mul3A_145 : i32
    %add3A_147 = arith.constant 0 : i32
    %add3A_148 = arith.addi %mul3A_146, %add3A_147 : i32
    %mul3A_149 = arith.constant 1024 : i32
    %mul3A_150 = arith.muli %add3A_148, %mul3A_149 : i32
    "tpu.region"() ({
      %run_scoped3A = tpu.sem_alloc : memref<!tpu.dma_semaphore, #tpu.memory_space<semaphore_mem>>
      %dma_start3A_489 = arith.constant 0 : i32
      %dma_start3A_490 = tpu.memref_slice %arg9[%dma_start3A_489] : memref<2048xi32, #tpu.memory_space<vmem>> -> memref<1024xi32, #tpu.memory_space<vmem>>
      %dma_start3A_491 = tpu.memref_slice %arg34[%mul3A_150] : memref<16384xi32, #tpu.memory_space<vmem_shared>> -> memref<1024xi32, #tpu.memory_space<vmem_shared>>
      %dma_start3A_492 = arith.constant 0 : i32
      %dma_start3A_493 = tpu.memref_slice %arg9[%dma_start3A_492] : memref<2048xi32, #tpu.memory_space<vmem>> -> memref<1024xi32, #tpu.memory_space<vmem>>
      %dma_start3A_494 = tpu.memref_slice %arg34[%mul3A_150] : memref<16384xi32, #tpu.memory_space<vmem_shared>> -> memref<1024xi32, #tpu.memory_space<vmem_shared>>
      tpu.enqueue_dma source(%dma_start3A_494 : memref<1024xi32, #tpu.memory_space<vmem_shared>>) target(%dma_start3A_493 : memref<1024xi32, #tpu.memory_space<vmem>>) target_semaphore(%run_scoped3A : memref<!tpu.dma_semaphore, #tpu.memory_space<semaphore_mem>>)
      %dma_wait3A_495 = arith.constant 0 : i32
      %dma_wait3A_496 = tpu.memref_slice %arg9[%dma_wait3A_495] : memref<2048xi32, #tpu.memory_space<vmem>> -> memref<1024xi32, #tpu.memory_space<vmem>>
      %dma_wait3A_497 = tpu.memref_slice %arg34[%mul3A_150] : memref<16384xi32, #tpu.memory_space<vmem_shared>> -> memref<1024xi32, #tpu.memory_space<vmem_shared>>
      %dma_wait3A_498 = arith.constant 0 : i32
      %dma_wait3A_499 = tpu.memref_slice %arg9[%dma_wait3A_498] : memref<2048xi32, #tpu.memory_space<vmem>> -> memref<1024xi32, #tpu.memory_space<vmem>>
      %dma_wait3A_500 = tpu.memref_slice %arg34[%mul3A_150] : memref<16384xi32, #tpu.memory_space<vmem_shared>> -> memref<1024xi32, #tpu.memory_space<vmem_shared>>
      tpu.wait_dma2 semaphore(%run_scoped3A : memref<!tpu.dma_semaphore, #tpu.memory_space<semaphore_mem>>) src(%dma_wait3A_500 : memref<1024xi32, #tpu.memory_space<vmem_shared>>) dst(%dma_wait3A_499 : memref<1024xi32, #tpu.memory_space<vmem>>)
      tpu.yield
    }) : () -> ()
    %mul3A_151 = arith.constant 4 : i32
    %mul3A_152 = arith.muli %select_n3A, %mul3A_151 : i32
    %add3A_153 = arith.constant 1 : i32
    %add3A_154 = arith.addi %mul3A_152, %add3A_153 : i32
    %mul3A_155 = arith.constant 1024 : i32
    %mul3A_156 = arith.muli %add3A_154, %mul3A_155 : i32
    "tpu.region"() ({
      %run_scoped3A = tpu.sem_alloc : memref<!tpu.dma_semaphore, #tpu.memory_space<semaphore_mem>>
      %dma_start3A_489 = arith.constant 0 : i32
      %dma_start3A_490 = tpu.memref_slice %arg10[%dma_start3A_489] : memref<2048xi32, #tpu.memory_space<vmem>> -> memref<1024xi32, #tpu.memory_space<vmem>>
      %dma_start3A_491 = tpu.memref_slice %arg34[%mul3A_156] : memref<16384xi32, #tpu.memory_space<vmem_shared>> -> memref<1024xi32, #tpu.memory_space<vmem_shared>>
      %dma_start3A_492 = arith.constant 0 : i32
      %dma_start3A_493 = tpu.memref_slice %arg10[%dma_start3A_492] : memref<2048xi32, #tpu.memory_space<vmem>> -> memref<1024xi32, #tpu.memory_space<vmem>>
      %dma_start3A_494 = tpu.memref_slice %arg34[%mul3A_156] : memref<16384xi32, #tpu.memory_space<vmem_shared>> -> memref<1024xi32, #tpu.memory_space<vmem_shared>>
      tpu.enqueue_dma source(%dma_start3A_494 : memref<1024xi32, #tpu.memory_space<vmem_shared>>) target(%dma_start3A_493 : memref<1024xi32, #tpu.memory_space<vmem>>) target_semaphore(%run_scoped3A : memref<!tpu.dma_semaphore, #tpu.memory_space<semaphore_mem>>)
      %dma_wait3A_495 = arith.constant 0 : i32
      %dma_wait3A_496 = tpu.memref_slice %arg10[%dma_wait3A_495] : memref<2048xi32, #tpu.memory_space<vmem>> -> memref<1024xi32, #tpu.memory_space<vmem>>
      %dma_wait3A_497 = tpu.memref_slice %arg34[%mul3A_156] : memref<16384xi32, #tpu.memory_space<vmem_shared>> -> memref<1024xi32, #tpu.memory_space<vmem_shared>>
      %dma_wait3A_498 = arith.constant 0 : i32
      %dma_wait3A_499 = tpu.memref_slice %arg10[%dma_wait3A_498] : memref<2048xi32, #tpu.memory_space<vmem>> -> memref<1024xi32, #tpu.memory_space<vmem>>
      %dma_wait3A_500 = tpu.memref_slice %arg34[%mul3A_156] : memref<16384xi32, #tpu.memory_space<vmem_shared>> -> memref<1024xi32, #tpu.memory_space<vmem_shared>>
      tpu.wait_dma2 semaphore(%run_scoped3A : memref<!tpu.dma_semaphore, #tpu.memory_space<semaphore_mem>>) src(%dma_wait3A_500 : memref<1024xi32, #tpu.memory_space<vmem_shared>>) dst(%dma_wait3A_499 : memref<1024xi32, #tpu.memory_space<vmem>>)
      tpu.yield
    }) : () -> ()
    %mul3A_157 = arith.constant 4 : i32
    %mul3A_158 = arith.muli %select_n3A, %mul3A_157 : i32
    %add3A_159 = arith.constant 2 : i32
    %add3A_160 = arith.addi %mul3A_158, %add3A_159 : i32
    %mul3A_161 = arith.constant 1024 : i32
    %mul3A_162 = arith.muli %add3A_160, %mul3A_161 : i32
    "tpu.region"() ({
      %run_scoped3A = tpu.sem_alloc : memref<!tpu.dma_semaphore, #tpu.memory_space<semaphore_mem>>
      %dma_start3A_489 = arith.constant 0 : i32
      %dma_start3A_490 = tpu.memref_slice %arg11[%dma_start3A_489] : memref<2048xi32, #tpu.memory_space<vmem>> -> memref<1024xi32, #tpu.memory_space<vmem>>
      %dma_start3A_491 = tpu.memref_slice %arg34[%mul3A_162] : memref<16384xi32, #tpu.memory_space<vmem_shared>> -> memref<1024xi32, #tpu.memory_space<vmem_shared>>
      %dma_start3A_492 = arith.constant 0 : i32
      %dma_start3A_493 = tpu.memref_slice %arg11[%dma_start3A_492] : memref<2048xi32, #tpu.memory_space<vmem>> -> memref<1024xi32, #tpu.memory_space<vmem>>
      %dma_start3A_494 = tpu.memref_slice %arg34[%mul3A_162] : memref<16384xi32, #tpu.memory_space<vmem_shared>> -> memref<1024xi32, #tpu.memory_space<vmem_shared>>
      tpu.enqueue_dma source(%dma_start3A_494 : memref<1024xi32, #tpu.memory_space<vmem_shared>>) target(%dma_start3A_493 : memref<1024xi32, #tpu.memory_space<vmem>>) target_semaphore(%run_scoped3A : memref<!tpu.dma_semaphore, #tpu.memory_space<semaphore_mem>>)
      %dma_wait3A_495 = arith.constant 0 : i32
      %dma_wait3A_496 = tpu.memref_slice %arg11[%dma_wait3A_495] : memref<2048xi32, #tpu.memory_space<vmem>> -> memref<1024xi32, #tpu.memory_space<vmem>>
      %dma_wait3A_497 = tpu.memref_slice %arg34[%mul3A_162] : memref<16384xi32, #tpu.memory_space<vmem_shared>> -> memref<1024xi32, #tpu.memory_space<vmem_shared>>
      %dma_wait3A_498 = arith.constant 0 : i32
      %dma_wait3A_499 = tpu.memref_slice %arg11[%dma_wait3A_498] : memref<2048xi32, #tpu.memory_space<vmem>> -> memref<1024xi32, #tpu.memory_space<vmem>>
      %dma_wait3A_500 = tpu.memref_slice %arg34[%mul3A_162] : memref<16384xi32, #tpu.memory_space<vmem_shared>> -> memref<1024xi32, #tpu.memory_space<vmem_shared>>
      tpu.wait_dma2 semaphore(%run_scoped3A : memref<!tpu.dma_semaphore, #tpu.memory_space<semaphore_mem>>) src(%dma_wait3A_500 : memref<1024xi32, #tpu.memory_space<vmem_shared>>) dst(%dma_wait3A_499 : memref<1024xi32, #tpu.memory_space<vmem>>)
      tpu.yield
    }) : () -> ()
    %mul3A_163 = arith.constant 4 : i32
    %mul3A_164 = arith.muli %select_n3A, %mul3A_163 : i32
    %add3A_165 = arith.constant 3 : i32
    %add3A_166 = arith.addi %mul3A_164, %add3A_165 : i32
    %mul3A_167 = arith.constant 1024 : i32
    %mul3A_168 = arith.muli %add3A_166, %mul3A_167 : i32
    "tpu.region"() ({
      %run_scoped3A = tpu.sem_alloc : memref<!tpu.dma_semaphore, #tpu.memory_space<semaphore_mem>>
      %dma_start3A_489 = arith.constant 0 : i32
      %dma_start3A_490 = tpu.memref_slice %arg12[%dma_start3A_489] : memref<2048xi32, #tpu.memory_space<vmem>> -> memref<1024xi32, #tpu.memory_space<vmem>>
      %dma_start3A_491 = tpu.memref_slice %arg34[%mul3A_168] : memref<16384xi32, #tpu.memory_space<vmem_shared>> -> memref<1024xi32, #tpu.memory_space<vmem_shared>>
      %dma_start3A_492 = arith.constant 0 : i32
      %dma_start3A_493 = tpu.memref_slice %arg12[%dma_start3A_492] : memref<2048xi32, #tpu.memory_space<vmem>> -> memref<1024xi32, #tpu.memory_space<vmem>>
      %dma_start3A_494 = tpu.memref_slice %arg34[%mul3A_168] : memref<16384xi32, #tpu.memory_space<vmem_shared>> -> memref<1024xi32, #tpu.memory_space<vmem_shared>>
      tpu.enqueue_dma source(%dma_start3A_494 : memref<1024xi32, #tpu.memory_space<vmem_shared>>) target(%dma_start3A_493 : memref<1024xi32, #tpu.memory_space<vmem>>) target_semaphore(%run_scoped3A : memref<!tpu.dma_semaphore, #tpu.memory_space<semaphore_mem>>)
      %dma_wait3A_495 = arith.constant 0 : i32
      %dma_wait3A_496 = tpu.memref_slice %arg12[%dma_wait3A_495] : memref<2048xi32, #tpu.memory_space<vmem>> -> memref<1024xi32, #tpu.memory_space<vmem>>
      %dma_wait3A_497 = tpu.memref_slice %arg34[%mul3A_168] : memref<16384xi32, #tpu.memory_space<vmem_shared>> -> memref<1024xi32, #tpu.memory_space<vmem_shared>>
      %dma_wait3A_498 = arith.constant 0 : i32
      %dma_wait3A_499 = tpu.memref_slice %arg12[%dma_wait3A_498] : memref<2048xi32, #tpu.memory_space<vmem>> -> memref<1024xi32, #tpu.memory_space<vmem>>
      %dma_wait3A_500 = tpu.memref_slice %arg34[%mul3A_168] : memref<16384xi32, #tpu.memory_space<vmem_shared>> -> memref<1024xi32, #tpu.memory_space<vmem_shared>>
      tpu.wait_dma2 semaphore(%run_scoped3A : memref<!tpu.dma_semaphore, #tpu.memory_space<semaphore_mem>>) src(%dma_wait3A_500 : memref<1024xi32, #tpu.memory_space<vmem_shared>>) dst(%dma_wait3A_499 : memref<1024xi32, #tpu.memory_space<vmem>>)
      tpu.yield
    }) : () -> ()
    %scan3A_169 = arith.constant 0 : i32
    %scan3A_170 = arith.constant 0 : i32
    %scan3A_171 = arith.constant 64 : i32
    %scan3A_172 = arith.addi %scan3A_170, %scan3A_171 : i32
    %scan3A_173 = arith.constant 1 : i32
    %scan3A_174:3 = scf.for %scan3A_489 = %scan3A_170 to %scan3A_172 step %scan3A_173 iter_args(%scan3A_490 = %broadcast_in_dim3A_42, %scan3A_491 = %broadcast_in_dim3A_42, %scan3A_492 = %scan3A_169) -> (vector<16xi32>, vector<16xi32>, i32)  : i32 {
      %mul3A_493 = arith.constant 16 : i32
      %mul3A_494 = arith.muli %scan3A_489, %mul3A_493 : i32
      %get3A_495 = arith.index_cast %mul3A_494 : i32 to index
      %get3A_496 = tpu.vector_load %arg9[%get3A_495] {strides = array<i32>} : memref<2048xi32, #tpu.memory_space<vmem>>, vector<16xi32>,
      %get3A_497 = arith.index_cast %mul3A_494 : i32 to index
      %get3A_498 = tpu.vector_load %arg10[%get3A_497] {strides = array<i32>} : memref<2048xi32, #tpu.memory_space<vmem>>, vector<16xi32>,
      %add3A_499 = arith.addi %get3A_496, %get3A_498 : vector<16xi32>
      %get3A_500 = arith.index_cast %mul3A_494 : i32 to index
      %get3A_501 = tpu.vector_load %arg11[%get3A_500] {strides = array<i32>} : memref<2048xi32, #tpu.memory_space<vmem>>, vector<16xi32>,
      %get3A_502 = arith.index_cast %mul3A_494 : i32 to index
      %get3A_503 = tpu.vector_load %arg12[%get3A_502] {strides = array<i32>} : memref<2048xi32, #tpu.memory_space<vmem>>, vector<16xi32>,
      %add3A_504 = arith.addi %get3A_501, %get3A_503 : vector<16xi32>
      %add3A_505 = arith.addi %add3A_499, %add3A_504 : vector<16xi32>
      %broadcast_in_dim3A_506 = arith.constant true
      %broadcast_in_dim3A_507 = vector.broadcast %broadcast_in_dim3A_506 : i1 to vector<16xi1>
      %masked_cumsum3A_508 = tpu.scan <sum>, %add3A_505 masked %broadcast_in_dim3A_507 : vector<16xi32>, vector<16xi1> -> vector<16xi32>
      %add3A_509 = vector.broadcast %scan3A_492 : i32 to vector<16xi32>
      %add3A_510 = arith.addi %masked_cumsum3A_508, %add3A_509 : vector<16xi32>
      %le3A = vector.broadcast %sub3A_105 : i32 to vector<16xi32>
      %le3A_511 = arith.cmpi sle, %add3A_510, %le3A : vector<16xi32>
      %jit3A_512 = arith.constant 1 : i32
      %jit3A_513 = arith.constant 0 : i32
      %broadcast_in_dim3A_514 = vector.broadcast %jit3A_512 : i32 to vector<16xi32>
      %broadcast_in_dim3A_515 = vector.broadcast %jit3A_513 : i32 to vector<16xi32>
      %select_n3A_516 = arith.select %le3A_511, %broadcast_in_dim3A_514, %broadcast_in_dim3A_515 : vector<16xi1>, vector<16xi32>
      %add3A_517 = arith.addi %scan3A_490, %select_n3A_516 : vector<16xi32>
      %jit3A_518 = arith.constant 0 : i32
      %broadcast_in_dim3A_519 = vector.broadcast %jit3A_518 : i32 to vector<16xi32>
      %select_n3A_520 = arith.select %le3A_511, %add3A_510, %broadcast_in_dim3A_519 : vector<16xi1>, vector<16xi32>
      %max3A_521 = arith.maxsi %scan3A_491, %select_n3A_520 : vector<16xi32>
      %reduce_max3A_522 = arith.constant true
      %reduce_max3A_523 = vector.broadcast %reduce_max3A_522 : i1 to vector<16xi1>
      %reduce_max3A_524 = arith.constant -2147483648 : i32
      %reduce_max3A_525 = vector.broadcast %reduce_max3A_524 : i32 to vector<16xi32>
      %reduce_max3A_526 = arith.xori %add3A_510, %reduce_max3A_525 : vector<16xi32>
      %reduce_max3A_527 = tpu.scan <max>, %reduce_max3A_526 masked %reduce_max3A_523 : vector<16xi32>, vector<16xi1> -> vector<16xi32>
      %reduce_max3A_528 = arith.xori %reduce_max3A_527, %reduce_max3A_525 : vector<16xi32>
      %reduce_max3A_529 = vector.extract %reduce_max3A_528[15] : i32 from vector<16xi32>
      scf.yield %add3A_517, %max3A_521, %reduce_max3A_529 : vector<16xi32>, vector<16xi32>, i32
    }
    %scan3A_175 = arith.constant 64 : i32
    %reduce_sum3A_176 = arith.constant true
    %reduce_sum3A_177 = vector.broadcast %reduce_sum3A_176 : i1 to vector<16xi1>
    %reduce_sum3A_178 = tpu.scan <sum>, %scan3A_174#0 masked %reduce_sum3A_177 : vector<16xi32>, vector<16xi1> -> vector<16xi32>
    %reduce_sum3A_179 = vector.extract %reduce_sum3A_178[15] : i32 from vector<16xi32>
    %reduce_max3A_180 = arith.constant true
    %reduce_max3A_181 = vector.broadcast %reduce_max3A_180 : i1 to vector<16xi1>
    %reduce_max3A_182 = arith.constant -2147483648 : i32
    %reduce_max3A_183 = vector.broadcast %reduce_max3A_182 : i32 to vector<16xi32>
    %reduce_max3A_184 = arith.xori %scan3A_174#1, %reduce_max3A_183 : vector<16xi32>
    %reduce_max3A_185 = tpu.scan <max>, %reduce_max3A_184 masked %reduce_max3A_181 : vector<16xi32>, vector<16xi1> -> vector<16xi32>
    %reduce_max3A_186 = arith.xori %reduce_max3A_185, %reduce_max3A_183 : vector<16xi32>
    %reduce_max3A_187 = vector.extract %reduce_max3A_186[15] : i32 from vector<16xi32>
    %sub3A_188 = arith.subi %sub3A_105, %reduce_max3A_187 : i32
    %while3A_189 = arith.constant 0 : i32
    %while3A_190 = arith.subi %shift_right_logical3A_132, %while3A_189 : i32
    %while3A_191 = arith.addi %while3A_189, %while3A_190 : i32
    %while3A_192 = arith.constant 1 : i32
    %while3A_193 = arith.divsi %while3A_190, %while3A_192 : i32
    %while3A_194 = arith.muli %while3A_193, %while3A_192 : i32
    %while3A_195 = arith.addi %while3A_189, %while3A_194 : i32
    %while3A_196 = arith.constant 1 : i32
    %while3A_197 = scf.for %while3A_489 = %while3A_189 to %while3A_195 step %while3A_196 iter_args(%while3A_490 = %broadcast_in_dim3A_42) -> (vector<16xi32>)  : i32 {
      %mul3A_491 = arith.constant 16 : i32
      %mul3A_492 = arith.muli %while3A_489, %mul3A_491 : i32
      %add3A_493 = vector.broadcast %mul3A_492 : i32 to vector<16xi32>
      %add3A_494 = arith.addi %iota3A, %add3A_493 : vector<16xi32>
      %lt3A_495 = vector.broadcast %shift_right_logical3A_120 : i32 to vector<16xi32>
      %lt3A_496 = arith.cmpi slt, %add3A_494, %lt3A_495 : vector<16xi32>
      %mul3A_497 = arith.constant 16 : i32
      %mul3A_498 = arith.muli %while3A_489, %mul3A_497 : i32
      %get3A_499 = arith.index_cast %mul3A_498 : i32 to index
      %get3A_500 = tpu.vector_load %arg16[%get3A_499] {strides = array<i32>} : memref<4096xi32, #tpu.memory_space<vmem>>, vector<16xi32>,
      %mul3A_501 = arith.constant 16 : i32
      %mul3A_502 = arith.muli %while3A_489, %mul3A_501 : i32
      %get3A_503 = arith.index_cast %mul3A_502 : i32 to index
      %get3A_504 = tpu.vector_load %arg17[%get3A_503] {strides = array<i32>} : memref<4096xi32, #tpu.memory_space<vmem>>, vector<16xi32>,
      %shift_right_logical3A_505 = arith.constant 10 : i32
      %shift_right_logical3A_506 = vector.broadcast %shift_right_logical3A_505 : i32 to vector<16xi32>
      %shift_right_logical3A_507 = arith.shrui %get3A_500, %shift_right_logical3A_506 : vector<16xi32>
      %and3A_508 = arith.constant 1023 : i32
      %and3A_509 = vector.broadcast %and3A_508 : i32 to vector<16xi32>
      %and3A_510 = arith.andi %shift_right_logical3A_507, %and3A_509 : vector<16xi32>
      %lt3A_511 = vector.broadcast %reduce_sum3A_179 : i32 to vector<16xi32>
      %lt3A_512 = arith.cmpi slt, %and3A_510, %lt3A_511 : vector<16xi32>
      %and3A_513 = arith.andi %lt3A_496, %lt3A_512 : vector<16xi1>
      %eq3A_514 = vector.broadcast %reduce_sum3A_179 : i32 to vector<16xi32>
      %eq3A_515 = arith.cmpi eq, %and3A_510, %eq3A_514 : vector<16xi32>
      %and3A_516 = arith.andi %lt3A_496, %eq3A_515 : vector<16xi1>
      %jit3A_517 = arith.constant 1 : i32
      %jit3A_518 = arith.constant 0 : i32
      %broadcast_in_dim3A_519 = vector.broadcast %jit3A_517 : i32 to vector<16xi32>
      %broadcast_in_dim3A_520 = vector.broadcast %jit3A_518 : i32 to vector<16xi32>
      %select_n3A_521 = arith.select %and3A_513, %broadcast_in_dim3A_519, %broadcast_in_dim3A_520 : vector<16xi1>, vector<16xi32>
      %jit3A_522 = arith.constant 65536 : i32
      %jit3A_523 = arith.constant 0 : i32
      %broadcast_in_dim3A_524 = vector.broadcast %jit3A_522 : i32 to vector<16xi32>
      %broadcast_in_dim3A_525 = vector.broadcast %jit3A_523 : i32 to vector<16xi32>
      %select_n3A_526 = arith.select %and3A_516, %broadcast_in_dim3A_524, %broadcast_in_dim3A_525 : vector<16xi1>, vector<16xi32>
      %add3A_527 = arith.addi %select_n3A_521, %select_n3A_526 : vector<16xi32>
      %broadcast_in_dim3A_528 = arith.constant true
      %broadcast_in_dim3A_529 = vector.broadcast %broadcast_in_dim3A_528 : i1 to vector<16xi1>
      %masked_cumsum3A_530 = tpu.scan <sum>, %add3A_527 masked %broadcast_in_dim3A_529 : vector<16xi32>, vector<16xi1> -> vector<16xi32>
      %add3A_531 = arith.addi %masked_cumsum3A_530, %while3A_490 : vector<16xi32>
      %and3A_532 = arith.constant 65535 : i32
      %and3A_533 = vector.broadcast %and3A_532 : i32 to vector<16xi32>
      %and3A_534 = arith.andi %add3A_531, %and3A_533 : vector<16xi32>
      %sub3A_535 = arith.constant 1 : i32
      %sub3A_536 = vector.broadcast %sub3A_535 : i32 to vector<16xi32>
      %sub3A_537 = arith.subi %and3A_534, %sub3A_536 : vector<16xi32>
      %add3A_538 = vector.broadcast %and3A_122 : i32 to vector<16xi32>
      %add3A_539 = arith.addi %sub3A_537, %add3A_538 : vector<16xi32>
      %shift_right_logical3A_540 = arith.constant 16 : i32
      %shift_right_logical3A_541 = vector.broadcast %shift_right_logical3A_540 : i32 to vector<16xi32>
      %shift_right_logical3A_542 = arith.shrui %add3A_531, %shift_right_logical3A_541 : vector<16xi32>
      %sub3A_543 = arith.constant 1 : i32
      %sub3A_544 = vector.broadcast %sub3A_543 : i32 to vector<16xi32>
      %sub3A_545 = arith.subi %shift_right_logical3A_542, %sub3A_544 : vector<16xi32>
      tpu.vector_store_idx %arg14[%add3A_539], %get3A_500 masked %and3A_513 : memref<1024xi32, #tpu.memory_space<vmem>>[vector<16xi32>], vector<16xi32>, vector<16xi1>
      tpu.vector_store_idx %arg15[%add3A_539], %get3A_504 masked %and3A_513 : memref<1024xi32, #tpu.memory_space<vmem>>[vector<16xi32>], vector<16xi32>, vector<16xi1>
      tpu.vector_store_idx %arg16[%sub3A_545], %get3A_500 masked %and3A_516 : memref<4096xi32, #tpu.memory_space<vmem>>[vector<16xi32>], vector<16xi32>, vector<16xi1>
      tpu.vector_store_idx %arg17[%sub3A_545], %get3A_504 masked %and3A_516 : memref<4096xi32, #tpu.memory_space<vmem>>[vector<16xi32>], vector<16xi32>, vector<16xi1>
      %all_reduce_population_count3A = tpu.all_reduce %and3A_513 {dim = 0 : i64, kind = #tpu.reduction_kind<sum>} : vector<16xi1> -> vector<16xi32>
      %all_reduce_population_count3A_546 = tpu.all_reduce %and3A_516 {dim = 0 : i64, kind = #tpu.reduction_kind<sum>} : vector<16xi1> -> vector<16xi32>
      %add3A_547 = arith.addi %while3A_490, %all_reduce_population_count3A : vector<16xi32>
      %shift_left3A = arith.constant 16 : i32
      %shift_left3A_548 = vector.broadcast %shift_left3A : i32 to vector<16xi32>
      %shift_left3A_549 = arith.shli %all_reduce_population_count3A_546, %shift_left3A_548 : vector<16xi32>
      %add3A_550 = arith.addi %add3A_547, %shift_left3A_549 : vector<16xi32>
      scf.yield %add3A_550 : vector<16xi32>
    }
    %while3A_198 = arith.constant 1 : i32
    %while3A_199 = scf.for %while3A_489 = %while3A_195 to %while3A_191 step %while3A_198 iter_args(%while3A_490 = %while3A_197) -> (vector<16xi32>)  : i32 {
      %mul3A_491 = arith.constant 16 : i32
      %mul3A_492 = arith.muli %while3A_489, %mul3A_491 : i32
      %add3A_493 = vector.broadcast %mul3A_492 : i32 to vector<16xi32>
      %add3A_494 = arith.addi %iota3A, %add3A_493 : vector<16xi32>
      %lt3A_495 = vector.broadcast %shift_right_logical3A_120 : i32 to vector<16xi32>
      %lt3A_496 = arith.cmpi slt, %add3A_494, %lt3A_495 : vector<16xi32>
      %mul3A_497 = arith.constant 16 : i32
      %mul3A_498 = arith.muli %while3A_489, %mul3A_497 : i32
      %get3A_499 = arith.index_cast %mul3A_498 : i32 to index
      %get3A_500 = tpu.vector_load %arg16[%get3A_499] {strides = array<i32>} : memref<4096xi32, #tpu.memory_space<vmem>>, vector<16xi32>,
      %mul3A_501 = arith.constant 16 : i32
      %mul3A_502 = arith.muli %while3A_489, %mul3A_501 : i32
      %get3A_503 = arith.index_cast %mul3A_502 : i32 to index
      %get3A_504 = tpu.vector_load %arg17[%get3A_503] {strides = array<i32>} : memref<4096xi32, #tpu.memory_space<vmem>>, vector<16xi32>,
      %shift_right_logical3A_505 = arith.constant 10 : i32
      %shift_right_logical3A_506 = vector.broadcast %shift_right_logical3A_505 : i32 to vector<16xi32>
      %shift_right_logical3A_507 = arith.shrui %get3A_500, %shift_right_logical3A_506 : vector<16xi32>
      %and3A_508 = arith.constant 1023 : i32
      %and3A_509 = vector.broadcast %and3A_508 : i32 to vector<16xi32>
      %and3A_510 = arith.andi %shift_right_logical3A_507, %and3A_509 : vector<16xi32>
      %lt3A_511 = vector.broadcast %reduce_sum3A_179 : i32 to vector<16xi32>
      %lt3A_512 = arith.cmpi slt, %and3A_510, %lt3A_511 : vector<16xi32>
      %and3A_513 = arith.andi %lt3A_496, %lt3A_512 : vector<16xi1>
      %eq3A_514 = vector.broadcast %reduce_sum3A_179 : i32 to vector<16xi32>
      %eq3A_515 = arith.cmpi eq, %and3A_510, %eq3A_514 : vector<16xi32>
      %and3A_516 = arith.andi %lt3A_496, %eq3A_515 : vector<16xi1>
      %jit3A_517 = arith.constant 1 : i32
      %jit3A_518 = arith.constant 0 : i32
      %broadcast_in_dim3A_519 = vector.broadcast %jit3A_517 : i32 to vector<16xi32>
      %broadcast_in_dim3A_520 = vector.broadcast %jit3A_518 : i32 to vector<16xi32>
      %select_n3A_521 = arith.select %and3A_513, %broadcast_in_dim3A_519, %broadcast_in_dim3A_520 : vector<16xi1>, vector<16xi32>
      %jit3A_522 = arith.constant 65536 : i32
      %jit3A_523 = arith.constant 0 : i32
      %broadcast_in_dim3A_524 = vector.broadcast %jit3A_522 : i32 to vector<16xi32>
      %broadcast_in_dim3A_525 = vector.broadcast %jit3A_523 : i32 to vector<16xi32>
      %select_n3A_526 = arith.select %and3A_516, %broadcast_in_dim3A_524, %broadcast_in_dim3A_525 : vector<16xi1>, vector<16xi32>
      %add3A_527 = arith.addi %select_n3A_521, %select_n3A_526 : vector<16xi32>
      %broadcast_in_dim3A_528 = arith.constant true
      %broadcast_in_dim3A_529 = vector.broadcast %broadcast_in_dim3A_528 : i1 to vector<16xi1>
      %masked_cumsum3A_530 = tpu.scan <sum>, %add3A_527 masked %broadcast_in_dim3A_529 : vector<16xi32>, vector<16xi1> -> vector<16xi32>
      %add3A_531 = arith.addi %masked_cumsum3A_530, %while3A_490 : vector<16xi32>
      %and3A_532 = arith.constant 65535 : i32
      %and3A_533 = vector.broadcast %and3A_532 : i32 to vector<16xi32>
      %and3A_534 = arith.andi %add3A_531, %and3A_533 : vector<16xi32>
      %sub3A_535 = arith.constant 1 : i32
      %sub3A_536 = vector.broadcast %sub3A_535 : i32 to vector<16xi32>
      %sub3A_537 = arith.subi %and3A_534, %sub3A_536 : vector<16xi32>
      %add3A_538 = vector.broadcast %and3A_122 : i32 to vector<16xi32>
      %add3A_539 = arith.addi %sub3A_537, %add3A_538 : vector<16xi32>
      %shift_right_logical3A_540 = arith.constant 16 : i32
      %shift_right_logical3A_541 = vector.broadcast %shift_right_logical3A_540 : i32 to vector<16xi32>
      %shift_right_logical3A_542 = arith.shrui %add3A_531, %shift_right_logical3A_541 : vector<16xi32>
      %sub3A_543 = arith.constant 1 : i32
      %sub3A_544 = vector.broadcast %sub3A_543 : i32 to vector<16xi32>
      %sub3A_545 = arith.subi %shift_right_logical3A_542, %sub3A_544 : vector<16xi32>
      tpu.vector_store_idx %arg14[%add3A_539], %get3A_500 masked %and3A_513 : memref<1024xi32, #tpu.memory_space<vmem>>[vector<16xi32>], vector<16xi32>, vector<16xi1>
      tpu.vector_store_idx %arg15[%add3A_539], %get3A_504 masked %and3A_513 : memref<1024xi32, #tpu.memory_space<vmem>>[vector<16xi32>], vector<16xi32>, vector<16xi1>
      tpu.vector_store_idx %arg16[%sub3A_545], %get3A_500 masked %and3A_516 : memref<4096xi32, #tpu.memory_space<vmem>>[vector<16xi32>], vector<16xi32>, vector<16xi1>
      tpu.vector_store_idx %arg17[%sub3A_545], %get3A_504 masked %and3A_516 : memref<4096xi32, #tpu.memory_space<vmem>>[vector<16xi32>], vector<16xi32>, vector<16xi1>
      %all_reduce_population_count3A = tpu.all_reduce %and3A_513 {dim = 0 : i64, kind = #tpu.reduction_kind<sum>} : vector<16xi1> -> vector<16xi32>
      %all_reduce_population_count3A_546 = tpu.all_reduce %and3A_516 {dim = 0 : i64, kind = #tpu.reduction_kind<sum>} : vector<16xi1> -> vector<16xi32>
      %add3A_547 = arith.addi %while3A_490, %all_reduce_population_count3A : vector<16xi32>
      %shift_left3A = arith.constant 16 : i32
      %shift_left3A_548 = vector.broadcast %shift_left3A : i32 to vector<16xi32>
      %shift_left3A_549 = arith.shli %all_reduce_population_count3A_546, %shift_left3A_548 : vector<16xi32>
      %add3A_550 = arith.addi %add3A_547, %shift_left3A_549 : vector<16xi32>
      scf.yield %add3A_550 : vector<16xi32>
    }
    %reduce_max3A_200 = arith.constant true
    %reduce_max3A_201 = vector.broadcast %reduce_max3A_200 : i1 to vector<16xi1>
    %reduce_max3A_202 = arith.constant -2147483648 : i32
    %reduce_max3A_203 = vector.broadcast %reduce_max3A_202 : i32 to vector<16xi32>
    %reduce_max3A_204 = arith.xori %while3A_199, %reduce_max3A_203 : vector<16xi32>
    %reduce_max3A_205 = tpu.scan <max>, %reduce_max3A_204 masked %reduce_max3A_201 : vector<16xi32>, vector<16xi1> -> vector<16xi32>
    %reduce_max3A_206 = arith.xori %reduce_max3A_205, %reduce_max3A_203 : vector<16xi32>
    %reduce_max3A_207 = vector.extract %reduce_max3A_206[15] : i32 from vector<16xi32>
    %shift_right_logical3A_208 = arith.constant 16 : i32
    %shift_right_logical3A_209 = arith.shrui %reduce_max3A_207, %shift_right_logical3A_208 : i32
    %and3A_210 = arith.constant 65535 : i32
    %and3A_211 = arith.andi %reduce_max3A_207, %and3A_210 : i32
    %add3A_212 = arith.addi %and3A_122, %and3A_211 : i32
    %scan3A_213 = arith.constant 0 : i32
    %scan3A_214 = arith.constant 0 : i32
    %scan3A_215 = arith.constant 64 : i32
    %scan3A_216 = arith.addi %scan3A_214, %scan3A_215 : i32
    %scan3A_217 = arith.constant 1 : i32
    scf.for %scan3A_489 = %scan3A_214 to %scan3A_216 step %scan3A_217  : i32 {
      %mul3A_490 = arith.constant 16 : i32
      %mul3A_491 = arith.muli %scan3A_489, %mul3A_490 : i32
      %swap3A_492 = arith.index_cast %mul3A_491 : i32 to index
      %swap3A_493 = tpu.vector_load %arg9[%swap3A_492] {strides = array<i32>} : memref<2048xi32, #tpu.memory_space<vmem>>, vector<16xi32>,
      tpu.vector_store %arg9[%swap3A_492], %broadcast_in_dim3A_42 {strides = array<i32>} : memref<2048xi32, #tpu.memory_space<vmem>>, vector<16xi32>,
    }
    %scan3A_218 = arith.constant 64 : i32
    %add3A_219 = arith.constant 15 : i32
    %add3A_220 = arith.addi %shift_right_logical3A_209, %add3A_219 : i32
    %shift_right_logical3A_221 = arith.constant 4 : i32
    %shift_right_logical3A_222 = arith.shrui %add3A_220, %shift_right_logical3A_221 : i32
    %while3A_223 = arith.constant 0 : i32
    %while3A_224 = arith.constant 0 : i32
    %while3A_225 = arith.subi %shift_right_logical3A_222, %while3A_224 : i32
    %while3A_226 = arith.addi %while3A_224, %while3A_225 : i32
    %while3A_227 = arith.constant 1 : i32
    %while3A_228 = arith.divsi %while3A_225, %while3A_227 : i32
    %while3A_229 = arith.muli %while3A_228, %while3A_227 : i32
    %while3A_230 = arith.addi %while3A_224, %while3A_229 : i32
    %while3A_231 = arith.constant 1 : i32
    scf.for %while3A_489 = %while3A_224 to %while3A_230 step %while3A_231  : i32 {
      %mul3A_490 = arith.constant 16 : i32
      %mul3A_491 = arith.muli %while3A_489, %mul3A_490 : i32
      %add3A_492 = vector.broadcast %mul3A_491 : i32 to vector<16xi32>
      %add3A_493 = arith.addi %iota3A, %add3A_492 : vector<16xi32>
      %lt3A_494 = vector.broadcast %shift_right_logical3A_209 : i32 to vector<16xi32>
      %lt3A_495 = arith.cmpi slt, %add3A_493, %lt3A_494 : vector<16xi32>
      %mul3A_496 = arith.constant 16 : i32
      %mul3A_497 = arith.muli %while3A_489, %mul3A_496 : i32
      %get3A_498 = arith.index_cast %mul3A_497 : i32 to index
      %get3A_499 = tpu.vector_load %arg16[%get3A_498] {strides = array<i32>} : memref<4096xi32, #tpu.memory_space<vmem>>, vector<16xi32>,
      %shift_right_logical3A_500 = arith.constant 0 : i32
      %shift_right_logical3A_501 = vector.broadcast %shift_right_logical3A_500 : i32 to vector<16xi32>
      %shift_right_logical3A_502 = arith.shrui %get3A_499, %shift_right_logical3A_501 : vector<16xi32>
      %and3A_503 = arith.constant 1023 : i32
      %and3A_504 = vector.broadcast %and3A_503 : i32 to vector<16xi32>
      %and3A_505 = arith.andi %shift_right_logical3A_502, %and3A_504 : vector<16xi32>
      %unique3A, %unique3A_506 = tpu.scan_count mask(%lt3A_495 : vector<16xi1>) value(%and3A_505 : vector<16xi32>) : vector<16xi1>, vector<16xi32>
      %and3A_507 = arith.andi %unique3A, %lt3A_495 : vector<16xi1>
      tpu.vector_store_idx %arg9[%and3A_505], %unique3A_506 masked %and3A_507 {add = true} : memref<2048xi32, #tpu.memory_space<vmem>>[vector<16xi32>], vector<16xi32>, vector<16xi1>
    }
    %while3A_232 = arith.constant 1 : i32
    scf.for %while3A_489 = %while3A_230 to %while3A_226 step %while3A_232  : i32 {
      %mul3A_490 = arith.constant 16 : i32
      %mul3A_491 = arith.muli %while3A_489, %mul3A_490 : i32
      %add3A_492 = vector.broadcast %mul3A_491 : i32 to vector<16xi32>
      %add3A_493 = arith.addi %iota3A, %add3A_492 : vector<16xi32>
      %lt3A_494 = vector.broadcast %shift_right_logical3A_209 : i32 to vector<16xi32>
      %lt3A_495 = arith.cmpi slt, %add3A_493, %lt3A_494 : vector<16xi32>
      %mul3A_496 = arith.constant 16 : i32
      %mul3A_497 = arith.muli %while3A_489, %mul3A_496 : i32
      %get3A_498 = arith.index_cast %mul3A_497 : i32 to index
      %get3A_499 = tpu.vector_load %arg16[%get3A_498] {strides = array<i32>} : memref<4096xi32, #tpu.memory_space<vmem>>, vector<16xi32>,
      %shift_right_logical3A_500 = arith.constant 0 : i32
      %shift_right_logical3A_501 = vector.broadcast %shift_right_logical3A_500 : i32 to vector<16xi32>
      %shift_right_logical3A_502 = arith.shrui %get3A_499, %shift_right_logical3A_501 : vector<16xi32>
      %and3A_503 = arith.constant 1023 : i32
      %and3A_504 = vector.broadcast %and3A_503 : i32 to vector<16xi32>
      %and3A_505 = arith.andi %shift_right_logical3A_502, %and3A_504 : vector<16xi32>
      %unique3A, %unique3A_506 = tpu.scan_count mask(%lt3A_495 : vector<16xi1>) value(%and3A_505 : vector<16xi32>) : vector<16xi1>, vector<16xi32>
      %and3A_507 = arith.andi %unique3A, %lt3A_495 : vector<16xi1>
      tpu.vector_store_idx %arg9[%and3A_505], %unique3A_506 masked %and3A_507 {add = true} : memref<2048xi32, #tpu.memory_space<vmem>>[vector<16xi32>], vector<16xi32>, vector<16xi1>
    }
    %mul3A_233 = arith.constant 1024 : i32
    %mul3A_234 = arith.muli %add3A_33, %mul3A_233 : i32
    "tpu.region"() ({
      %run_scoped3A = tpu.sem_alloc : memref<!tpu.dma_semaphore, #tpu.memory_space<semaphore_mem>>
      %dma_start3A_489 = arith.constant 0 : i32
      %dma_start3A_490 = tpu.memref_slice %arg9[%dma_start3A_489] : memref<2048xi32, #tpu.memory_space<vmem>> -> memref<1024xi32, #tpu.memory_space<vmem>>
      %dma_start3A_491 = tpu.memref_slice %arg35[%mul3A_234] : memref<16384xi32, #tpu.memory_space<vmem_shared>> -> memref<1024xi32, #tpu.memory_space<vmem_shared>>
      %dma_start3A_492 = tpu.memref_slice %arg35[%mul3A_234] : memref<16384xi32, #tpu.memory_space<vmem_shared>> -> memref<1024xi32, #tpu.memory_space<vmem_shared>>
      %dma_start3A_493 = arith.constant 0 : i32
      %dma_start3A_494 = tpu.memref_slice %arg9[%dma_start3A_493] : memref<2048xi32, #tpu.memory_space<vmem>> -> memref<1024xi32, #tpu.memory_space<vmem>>
      tpu.enqueue_dma source(%dma_start3A_494 : memref<1024xi32, #tpu.memory_space<vmem>>) target(%dma_start3A_492 : memref<1024xi32, #tpu.memory_space<vmem_shared>>) target_semaphore(%run_scoped3A : memref<!tpu.dma_semaphore, #tpu.memory_space<semaphore_mem>>)
      %dma_wait3A_495 = arith.constant 0 : i32
      %dma_wait3A_496 = tpu.memref_slice %arg9[%dma_wait3A_495] : memref<2048xi32, #tpu.memory_space<vmem>> -> memref<1024xi32, #tpu.memory_space<vmem>>
      %dma_wait3A_497 = tpu.memref_slice %arg35[%mul3A_234] : memref<16384xi32, #tpu.memory_space<vmem_shared>> -> memref<1024xi32, #tpu.memory_space<vmem_shared>>
      %dma_wait3A_498 = tpu.memref_slice %arg35[%mul3A_234] : memref<16384xi32, #tpu.memory_space<vmem_shared>> -> memref<1024xi32, #tpu.memory_space<vmem_shared>>
      %dma_wait3A_499 = arith.constant 0 : i32
      %dma_wait3A_500 = tpu.memref_slice %arg9[%dma_wait3A_499] : memref<2048xi32, #tpu.memory_space<vmem>> -> memref<1024xi32, #tpu.memory_space<vmem>>
      tpu.wait_dma2 semaphore(%run_scoped3A : memref<!tpu.dma_semaphore, #tpu.memory_space<semaphore_mem>>) src(%dma_wait3A_500 : memref<1024xi32, #tpu.memory_space<vmem>>) dst(%dma_wait3A_498 : memref<1024xi32, #tpu.memory_space<vmem_shared>>)
      tpu.yield
    }) : () -> ()
    %barrier3A_235 = arith.constant 0 : index
    tpu.barrier barrier_id(%barrier3A_235)
    %mul3A_236 = arith.constant 4 : i32
    %mul3A_237 = arith.muli %select_n3A, %mul3A_236 : i32
    %add3A_238 = arith.constant 0 : i32
    %add3A_239 = arith.addi %mul3A_237, %add3A_238 : i32
    %mul3A_240 = arith.constant 1024 : i32
    %mul3A_241 = arith.muli %add3A_239, %mul3A_240 : i32
    "tpu.region"() ({
      %run_scoped3A = tpu.sem_alloc : memref<!tpu.dma_semaphore, #tpu.memory_space<semaphore_mem>>
      %dma_start3A_489 = arith.constant 0 : i32
      %dma_start3A_490 = tpu.memref_slice %arg9[%dma_start3A_489] : memref<2048xi32, #tpu.memory_space<vmem>> -> memref<1024xi32, #tpu.memory_space<vmem>>
      %dma_start3A_491 = tpu.memref_slice %arg35[%mul3A_241] : memref<16384xi32, #tpu.memory_space<vmem_shared>> -> memref<1024xi32, #tpu.memory_space<vmem_shared>>
      %dma_start3A_492 = arith.constant 0 : i32
      %dma_start3A_493 = tpu.memref_slice %arg9[%dma_start3A_492] : memref<2048xi32, #tpu.memory_space<vmem>> -> memref<1024xi32, #tpu.memory_space<vmem>>
      %dma_start3A_494 = tpu.memref_slice %arg35[%mul3A_241] : memref<16384xi32, #tpu.memory_space<vmem_shared>> -> memref<1024xi32, #tpu.memory_space<vmem_shared>>
      tpu.enqueue_dma source(%dma_start3A_494 : memref<1024xi32, #tpu.memory_space<vmem_shared>>) target(%dma_start3A_493 : memref<1024xi32, #tpu.memory_space<vmem>>) target_semaphore(%run_scoped3A : memref<!tpu.dma_semaphore, #tpu.memory_space<semaphore_mem>>)
      %dma_wait3A_495 = arith.constant 0 : i32
      %dma_wait3A_496 = tpu.memref_slice %arg9[%dma_wait3A_495] : memref<2048xi32, #tpu.memory_space<vmem>> -> memref<1024xi32, #tpu.memory_space<vmem>>
      %dma_wait3A_497 = tpu.memref_slice %arg35[%mul3A_241] : memref<16384xi32, #tpu.memory_space<vmem_shared>> -> memref<1024xi32, #tpu.memory_space<vmem_shared>>
      %dma_wait3A_498 = arith.constant 0 : i32
      %dma_wait3A_499 = tpu.memref_slice %arg9[%dma_wait3A_498] : memref<2048xi32, #tpu.memory_space<vmem>> -> memref<1024xi32, #tpu.memory_space<vmem>>
      %dma_wait3A_500 = tpu.memref_slice %arg35[%mul3A_241] : memref<16384xi32, #tpu.memory_space<vmem_shared>> -> memref<1024xi32, #tpu.memory_space<vmem_shared>>
      tpu.wait_dma2 semaphore(%run_scoped3A : memref<!tpu.dma_semaphore, #tpu.memory_space<semaphore_mem>>) src(%dma_wait3A_500 : memref<1024xi32, #tpu.memory_space<vmem_shared>>) dst(%dma_wait3A_499 : memref<1024xi32, #tpu.memory_space<vmem>>)
      tpu.yield
    }) : () -> ()
    %mul3A_242 = arith.constant 4 : i32
    %mul3A_243 = arith.muli %select_n3A, %mul3A_242 : i32
    %add3A_244 = arith.constant 1 : i32
    %add3A_245 = arith.addi %mul3A_243, %add3A_244 : i32
    %mul3A_246 = arith.constant 1024 : i32
    %mul3A_247 = arith.muli %add3A_245, %mul3A_246 : i32
    "tpu.region"() ({
      %run_scoped3A = tpu.sem_alloc : memref<!tpu.dma_semaphore, #tpu.memory_space<semaphore_mem>>
      %dma_start3A_489 = arith.constant 0 : i32
      %dma_start3A_490 = tpu.memref_slice %arg10[%dma_start3A_489] : memref<2048xi32, #tpu.memory_space<vmem>> -> memref<1024xi32, #tpu.memory_space<vmem>>
      %dma_start3A_491 = tpu.memref_slice %arg35[%mul3A_247] : memref<16384xi32, #tpu.memory_space<vmem_shared>> -> memref<1024xi32, #tpu.memory_space<vmem_shared>>
      %dma_start3A_492 = arith.constant 0 : i32
      %dma_start3A_493 = tpu.memref_slice %arg10[%dma_start3A_492] : memref<2048xi32, #tpu.memory_space<vmem>> -> memref<1024xi32, #tpu.memory_space<vmem>>
      %dma_start3A_494 = tpu.memref_slice %arg35[%mul3A_247] : memref<16384xi32, #tpu.memory_space<vmem_shared>> -> memref<1024xi32, #tpu.memory_space<vmem_shared>>
      tpu.enqueue_dma source(%dma_start3A_494 : memref<1024xi32, #tpu.memory_space<vmem_shared>>) target(%dma_start3A_493 : memref<1024xi32, #tpu.memory_space<vmem>>) target_semaphore(%run_scoped3A : memref<!tpu.dma_semaphore, #tpu.memory_space<semaphore_mem>>)
      %dma_wait3A_495 = arith.constant 0 : i32
      %dma_wait3A_496 = tpu.memref_slice %arg10[%dma_wait3A_495] : memref<2048xi32, #tpu.memory_space<vmem>> -> memref<1024xi32, #tpu.memory_space<vmem>>
      %dma_wait3A_497 = tpu.memref_slice %arg35[%mul3A_247] : memref<16384xi32, #tpu.memory_space<vmem_shared>> -> memref<1024xi32, #tpu.memory_space<vmem_shared>>
      %dma_wait3A_498 = arith.constant 0 : i32
      %dma_wait3A_499 = tpu.memref_slice %arg10[%dma_wait3A_498] : memref<2048xi32, #tpu.memory_space<vmem>> -> memref<1024xi32, #tpu.memory_space<vmem>>
      %dma_wait3A_500 = tpu.memref_slice %arg35[%mul3A_247] : memref<16384xi32, #tpu.memory_space<vmem_shared>> -> memref<1024xi32, #tpu.memory_space<vmem_shared>>
      tpu.wait_dma2 semaphore(%run_scoped3A : memref<!tpu.dma_semaphore, #tpu.memory_space<semaphore_mem>>) src(%dma_wait3A_500 : memref<1024xi32, #tpu.memory_space<vmem_shared>>) dst(%dma_wait3A_499 : memref<1024xi32, #tpu.memory_space<vmem>>)
      tpu.yield
    }) : () -> ()
    %mul3A_248 = arith.constant 4 : i32
    %mul3A_249 = arith.muli %select_n3A, %mul3A_248 : i32
    %add3A_250 = arith.constant 2 : i32
    %add3A_251 = arith.addi %mul3A_249, %add3A_250 : i32
    %mul3A_252 = arith.constant 1024 : i32
    %mul3A_253 = arith.muli %add3A_251, %mul3A_252 : i32
    "tpu.region"() ({
      %run_scoped3A = tpu.sem_alloc : memref<!tpu.dma_semaphore, #tpu.memory_space<semaphore_mem>>
      %dma_start3A_489 = arith.constant 0 : i32
      %dma_start3A_490 = tpu.memref_slice %arg11[%dma_start3A_489] : memref<2048xi32, #tpu.memory_space<vmem>> -> memref<1024xi32, #tpu.memory_space<vmem>>
      %dma_start3A_491 = tpu.memref_slice %arg35[%mul3A_253] : memref<16384xi32, #tpu.memory_space<vmem_shared>> -> memref<1024xi32, #tpu.memory_space<vmem_shared>>
      %dma_start3A_492 = arith.constant 0 : i32
      %dma_start3A_493 = tpu.memref_slice %arg11[%dma_start3A_492] : memref<2048xi32, #tpu.memory_space<vmem>> -> memref<1024xi32, #tpu.memory_space<vmem>>
      %dma_start3A_494 = tpu.memref_slice %arg35[%mul3A_253] : memref<16384xi32, #tpu.memory_space<vmem_shared>> -> memref<1024xi32, #tpu.memory_space<vmem_shared>>
      tpu.enqueue_dma source(%dma_start3A_494 : memref<1024xi32, #tpu.memory_space<vmem_shared>>) target(%dma_start3A_493 : memref<1024xi32, #tpu.memory_space<vmem>>) target_semaphore(%run_scoped3A : memref<!tpu.dma_semaphore, #tpu.memory_space<semaphore_mem>>)
      %dma_wait3A_495 = arith.constant 0 : i32
      %dma_wait3A_496 = tpu.memref_slice %arg11[%dma_wait3A_495] : memref<2048xi32, #tpu.memory_space<vmem>> -> memref<1024xi32, #tpu.memory_space<vmem>>
      %dma_wait3A_497 = tpu.memref_slice %arg35[%mul3A_253] : memref<16384xi32, #tpu.memory_space<vmem_shared>> -> memref<1024xi32, #tpu.memory_space<vmem_shared>>
      %dma_wait3A_498 = arith.constant 0 : i32
      %dma_wait3A_499 = tpu.memref_slice %arg11[%dma_wait3A_498] : memref<2048xi32, #tpu.memory_space<vmem>> -> memref<1024xi32, #tpu.memory_space<vmem>>
      %dma_wait3A_500 = tpu.memref_slice %arg35[%mul3A_253] : memref<16384xi32, #tpu.memory_space<vmem_shared>> -> memref<1024xi32, #tpu.memory_space<vmem_shared>>
      tpu.wait_dma2 semaphore(%run_scoped3A : memref<!tpu.dma_semaphore, #tpu.memory_space<semaphore_mem>>) src(%dma_wait3A_500 : memref<1024xi32, #tpu.memory_space<vmem_shared>>) dst(%dma_wait3A_499 : memref<1024xi32, #tpu.memory_space<vmem>>)
      tpu.yield
    }) : () -> ()
    %mul3A_254 = arith.constant 4 : i32
    %mul3A_255 = arith.muli %select_n3A, %mul3A_254 : i32
    %add3A_256 = arith.constant 3 : i32
    %add3A_257 = arith.addi %mul3A_255, %add3A_256 : i32
    %mul3A_258 = arith.constant 1024 : i32
    %mul3A_259 = arith.muli %add3A_257, %mul3A_258 : i32
    "tpu.region"() ({
      %run_scoped3A = tpu.sem_alloc : memref<!tpu.dma_semaphore, #tpu.memory_space<semaphore_mem>>
      %dma_start3A_489 = arith.constant 0 : i32
      %dma_start3A_490 = tpu.memref_slice %arg12[%dma_start3A_489] : memref<2048xi32, #tpu.memory_space<vmem>> -> memref<1024xi32, #tpu.memory_space<vmem>>
      %dma_start3A_491 = tpu.memref_slice %arg35[%mul3A_259] : memref<16384xi32, #tpu.memory_space<vmem_shared>> -> memref<1024xi32, #tpu.memory_space<vmem_shared>>
      %dma_start3A_492 = arith.constant 0 : i32
      %dma_start3A_493 = tpu.memref_slice %arg12[%dma_start3A_492] : memref<2048xi32, #tpu.memory_space<vmem>> -> memref<1024xi32, #tpu.memory_space<vmem>>
      %dma_start3A_494 = tpu.memref_slice %arg35[%mul3A_259] : memref<16384xi32, #tpu.memory_space<vmem_shared>> -> memref<1024xi32, #tpu.memory_space<vmem_shared>>
      tpu.enqueue_dma source(%dma_start3A_494 : memref<1024xi32, #tpu.memory_space<vmem_shared>>) target(%dma_start3A_493 : memref<1024xi32, #tpu.memory_space<vmem>>) target_semaphore(%run_scoped3A : memref<!tpu.dma_semaphore, #tpu.memory_space<semaphore_mem>>)
      %dma_wait3A_495 = arith.constant 0 : i32
      %dma_wait3A_496 = tpu.memref_slice %arg12[%dma_wait3A_495] : memref<2048xi32, #tpu.memory_space<vmem>> -> memref<1024xi32, #tpu.memory_space<vmem>>
      %dma_wait3A_497 = tpu.memref_slice %arg35[%mul3A_259] : memref<16384xi32, #tpu.memory_space<vmem_shared>> -> memref<1024xi32, #tpu.memory_space<vmem_shared>>
      %dma_wait3A_498 = arith.constant 0 : i32
      %dma_wait3A_499 = tpu.memref_slice %arg12[%dma_wait3A_498] : memref<2048xi32, #tpu.memory_space<vmem>> -> memref<1024xi32, #tpu.memory_space<vmem>>
      %dma_wait3A_500 = tpu.memref_slice %arg35[%mul3A_259] : memref<16384xi32, #tpu.memory_space<vmem_shared>> -> memref<1024xi32, #tpu.memory_space<vmem_shared>>
      tpu.wait_dma2 semaphore(%run_scoped3A : memref<!tpu.dma_semaphore, #tpu.memory_space<semaphore_mem>>) src(%dma_wait3A_500 : memref<1024xi32, #tpu.memory_space<vmem_shared>>) dst(%dma_wait3A_499 : memref<1024xi32, #tpu.memory_space<vmem>>)
      tpu.yield
    }) : () -> ()
    %scan3A_260 = arith.constant 0 : i32
    %scan3A_261 = arith.constant 0 : i32
    %scan3A_262 = arith.constant 64 : i32
    %scan3A_263 = arith.addi %scan3A_261, %scan3A_262 : i32
    %scan3A_264 = arith.constant 1 : i32
    %scan3A_265:3 = scf.for %scan3A_489 = %scan3A_261 to %scan3A_263 step %scan3A_264 iter_args(%scan3A_490 = %broadcast_in_dim3A_42, %scan3A_491 = %broadcast_in_dim3A_42, %scan3A_492 = %scan3A_260) -> (vector<16xi32>, vector<16xi32>, i32)  : i32 {
      %mul3A_493 = arith.constant 16 : i32
      %mul3A_494 = arith.muli %scan3A_489, %mul3A_493 : i32
      %get3A_495 = arith.index_cast %mul3A_494 : i32 to index
      %get3A_496 = tpu.vector_load %arg9[%get3A_495] {strides = array<i32>} : memref<2048xi32, #tpu.memory_space<vmem>>, vector<16xi32>,
      %get3A_497 = arith.index_cast %mul3A_494 : i32 to index
      %get3A_498 = tpu.vector_load %arg10[%get3A_497] {strides = array<i32>} : memref<2048xi32, #tpu.memory_space<vmem>>, vector<16xi32>,
      %add3A_499 = arith.addi %get3A_496, %get3A_498 : vector<16xi32>
      %get3A_500 = arith.index_cast %mul3A_494 : i32 to index
      %get3A_501 = tpu.vector_load %arg11[%get3A_500] {strides = array<i32>} : memref<2048xi32, #tpu.memory_space<vmem>>, vector<16xi32>,
      %get3A_502 = arith.index_cast %mul3A_494 : i32 to index
      %get3A_503 = tpu.vector_load %arg12[%get3A_502] {strides = array<i32>} : memref<2048xi32, #tpu.memory_space<vmem>>, vector<16xi32>,
      %add3A_504 = arith.addi %get3A_501, %get3A_503 : vector<16xi32>
      %add3A_505 = arith.addi %add3A_499, %add3A_504 : vector<16xi32>
      %broadcast_in_dim3A_506 = arith.constant true
      %broadcast_in_dim3A_507 = vector.broadcast %broadcast_in_dim3A_506 : i1 to vector<16xi1>
      %masked_cumsum3A_508 = tpu.scan <sum>, %add3A_505 masked %broadcast_in_dim3A_507 : vector<16xi32>, vector<16xi1> -> vector<16xi32>
      %add3A_509 = vector.broadcast %scan3A_492 : i32 to vector<16xi32>
      %add3A_510 = arith.addi %masked_cumsum3A_508, %add3A_509 : vector<16xi32>
      %le3A = vector.broadcast %sub3A_188 : i32 to vector<16xi32>
      %le3A_511 = arith.cmpi sle, %add3A_510, %le3A : vector<16xi32>
      %jit3A_512 = arith.constant 1 : i32
      %jit3A_513 = arith.constant 0 : i32
      %broadcast_in_dim3A_514 = vector.broadcast %jit3A_512 : i32 to vector<16xi32>
      %broadcast_in_dim3A_515 = vector.broadcast %jit3A_513 : i32 to vector<16xi32>
      %select_n3A_516 = arith.select %le3A_511, %broadcast_in_dim3A_514, %broadcast_in_dim3A_515 : vector<16xi1>, vector<16xi32>
      %add3A_517 = arith.addi %scan3A_490, %select_n3A_516 : vector<16xi32>
      %jit3A_518 = arith.constant 0 : i32
      %broadcast_in_dim3A_519 = vector.broadcast %jit3A_518 : i32 to vector<16xi32>
      %select_n3A_520 = arith.select %le3A_511, %add3A_510, %broadcast_in_dim3A_519 : vector<16xi1>, vector<16xi32>
      %max3A_521 = arith.maxsi %scan3A_491, %select_n3A_520 : vector<16xi32>
      %reduce_max3A_522 = arith.constant true
      %reduce_max3A_523 = vector.broadcast %reduce_max3A_522 : i1 to vector<16xi1>
      %reduce_max3A_524 = arith.constant -2147483648 : i32
      %reduce_max3A_525 = vector.broadcast %reduce_max3A_524 : i32 to vector<16xi32>
      %reduce_max3A_526 = arith.xori %add3A_510, %reduce_max3A_525 : vector<16xi32>
      %reduce_max3A_527 = tpu.scan <max>, %reduce_max3A_526 masked %reduce_max3A_523 : vector<16xi32>, vector<16xi1> -> vector<16xi32>
      %reduce_max3A_528 = arith.xori %reduce_max3A_527, %reduce_max3A_525 : vector<16xi32>
      %reduce_max3A_529 = vector.extract %reduce_max3A_528[15] : i32 from vector<16xi32>
      scf.yield %add3A_517, %max3A_521, %reduce_max3A_529 : vector<16xi32>, vector<16xi32>, i32
    }
    %scan3A_266 = arith.constant 64 : i32
    %reduce_sum3A_267 = arith.constant true
    %reduce_sum3A_268 = vector.broadcast %reduce_sum3A_267 : i1 to vector<16xi1>
    %reduce_sum3A_269 = tpu.scan <sum>, %scan3A_265#0 masked %reduce_sum3A_268 : vector<16xi32>, vector<16xi1> -> vector<16xi32>
    %reduce_sum3A_270 = vector.extract %reduce_sum3A_269[15] : i32 from vector<16xi32>
    %reduce_max3A_271 = arith.constant true
    %reduce_max3A_272 = vector.broadcast %reduce_max3A_271 : i1 to vector<16xi1>
    %reduce_max3A_273 = arith.constant -2147483648 : i32
    %reduce_max3A_274 = vector.broadcast %reduce_max3A_273 : i32 to vector<16xi32>
    %reduce_max3A_275 = arith.xori %scan3A_265#1, %reduce_max3A_274 : vector<16xi32>
    %reduce_max3A_276 = tpu.scan <max>, %reduce_max3A_275 masked %reduce_max3A_272 : vector<16xi32>, vector<16xi1> -> vector<16xi32>
    %reduce_max3A_277 = arith.xori %reduce_max3A_276, %reduce_max3A_274 : vector<16xi32>
    %reduce_max3A_278 = vector.extract %reduce_max3A_277[15] : i32 from vector<16xi32>
    %sub3A_279 = arith.subi %sub3A_188, %reduce_max3A_278 : i32
    %while3A_280 = arith.constant 0 : i32
    %while3A_281 = arith.subi %shift_right_logical3A_222, %while3A_280 : i32
    %while3A_282 = arith.addi %while3A_280, %while3A_281 : i32
    %while3A_283 = arith.constant 1 : i32
    %while3A_284 = arith.divsi %while3A_281, %while3A_283 : i32
    %while3A_285 = arith.muli %while3A_284, %while3A_283 : i32
    %while3A_286 = arith.addi %while3A_280, %while3A_285 : i32
    %while3A_287 = arith.constant 1 : i32
    %while3A_288 = scf.for %while3A_489 = %while3A_280 to %while3A_286 step %while3A_287 iter_args(%while3A_490 = %broadcast_in_dim3A_42) -> (vector<16xi32>)  : i32 {
      %mul3A_491 = arith.constant 16 : i32
      %mul3A_492 = arith.muli %while3A_489, %mul3A_491 : i32
      %add3A_493 = vector.broadcast %mul3A_492 : i32 to vector<16xi32>
      %add3A_494 = arith.addi %iota3A, %add3A_493 : vector<16xi32>
      %lt3A_495 = vector.broadcast %shift_right_logical3A_209 : i32 to vector<16xi32>
      %lt3A_496 = arith.cmpi slt, %add3A_494, %lt3A_495 : vector<16xi32>
      %mul3A_497 = arith.constant 16 : i32
      %mul3A_498 = arith.muli %while3A_489, %mul3A_497 : i32
      %get3A_499 = arith.index_cast %mul3A_498 : i32 to index
      %get3A_500 = tpu.vector_load %arg16[%get3A_499] {strides = array<i32>} : memref<4096xi32, #tpu.memory_space<vmem>>, vector<16xi32>,
      %mul3A_501 = arith.constant 16 : i32
      %mul3A_502 = arith.muli %while3A_489, %mul3A_501 : i32
      %get3A_503 = arith.index_cast %mul3A_502 : i32 to index
      %get3A_504 = tpu.vector_load %arg17[%get3A_503] {strides = array<i32>} : memref<4096xi32, #tpu.memory_space<vmem>>, vector<16xi32>,
      %shift_right_logical3A_505 = arith.constant 0 : i32
      %shift_right_logical3A_506 = vector.broadcast %shift_right_logical3A_505 : i32 to vector<16xi32>
      %shift_right_logical3A_507 = arith.shrui %get3A_500, %shift_right_logical3A_506 : vector<16xi32>
      %and3A_508 = arith.constant 1023 : i32
      %and3A_509 = vector.broadcast %and3A_508 : i32 to vector<16xi32>
      %and3A_510 = arith.andi %shift_right_logical3A_507, %and3A_509 : vector<16xi32>
      %lt3A_511 = vector.broadcast %reduce_sum3A_270 : i32 to vector<16xi32>
      %lt3A_512 = arith.cmpi slt, %and3A_510, %lt3A_511 : vector<16xi32>
      %and3A_513 = arith.andi %lt3A_496, %lt3A_512 : vector<16xi1>
      %eq3A_514 = vector.broadcast %reduce_sum3A_270 : i32 to vector<16xi32>
      %eq3A_515 = arith.cmpi eq, %and3A_510, %eq3A_514 : vector<16xi32>
      %and3A_516 = arith.andi %lt3A_496, %eq3A_515 : vector<16xi1>
      %jit3A_517 = arith.constant 1 : i32
      %jit3A_518 = arith.constant 0 : i32
      %broadcast_in_dim3A_519 = vector.broadcast %jit3A_517 : i32 to vector<16xi32>
      %broadcast_in_dim3A_520 = vector.broadcast %jit3A_518 : i32 to vector<16xi32>
      %select_n3A_521 = arith.select %and3A_513, %broadcast_in_dim3A_519, %broadcast_in_dim3A_520 : vector<16xi1>, vector<16xi32>
      %jit3A_522 = arith.constant 65536 : i32
      %jit3A_523 = arith.constant 0 : i32
      %broadcast_in_dim3A_524 = vector.broadcast %jit3A_522 : i32 to vector<16xi32>
      %broadcast_in_dim3A_525 = vector.broadcast %jit3A_523 : i32 to vector<16xi32>
      %select_n3A_526 = arith.select %and3A_516, %broadcast_in_dim3A_524, %broadcast_in_dim3A_525 : vector<16xi1>, vector<16xi32>
      %add3A_527 = arith.addi %select_n3A_521, %select_n3A_526 : vector<16xi32>
      %broadcast_in_dim3A_528 = arith.constant true
      %broadcast_in_dim3A_529 = vector.broadcast %broadcast_in_dim3A_528 : i1 to vector<16xi1>
      %masked_cumsum3A_530 = tpu.scan <sum>, %add3A_527 masked %broadcast_in_dim3A_529 : vector<16xi32>, vector<16xi1> -> vector<16xi32>
      %add3A_531 = arith.addi %masked_cumsum3A_530, %while3A_490 : vector<16xi32>
      %and3A_532 = arith.constant 65535 : i32
      %and3A_533 = vector.broadcast %and3A_532 : i32 to vector<16xi32>
      %and3A_534 = arith.andi %add3A_531, %and3A_533 : vector<16xi32>
      %sub3A_535 = arith.constant 1 : i32
      %sub3A_536 = vector.broadcast %sub3A_535 : i32 to vector<16xi32>
      %sub3A_537 = arith.subi %and3A_534, %sub3A_536 : vector<16xi32>
      %add3A_538 = vector.broadcast %add3A_212 : i32 to vector<16xi32>
      %add3A_539 = arith.addi %sub3A_537, %add3A_538 : vector<16xi32>
      %shift_right_logical3A_540 = arith.constant 16 : i32
      %shift_right_logical3A_541 = vector.broadcast %shift_right_logical3A_540 : i32 to vector<16xi32>
      %shift_right_logical3A_542 = arith.shrui %add3A_531, %shift_right_logical3A_541 : vector<16xi32>
      %sub3A_543 = arith.constant 1 : i32
      %sub3A_544 = vector.broadcast %sub3A_543 : i32 to vector<16xi32>
      %sub3A_545 = arith.subi %shift_right_logical3A_542, %sub3A_544 : vector<16xi32>
      tpu.vector_store_idx %arg14[%add3A_539], %get3A_500 masked %and3A_513 : memref<1024xi32, #tpu.memory_space<vmem>>[vector<16xi32>], vector<16xi32>, vector<16xi1>
      tpu.vector_store_idx %arg15[%add3A_539], %get3A_504 masked %and3A_513 : memref<1024xi32, #tpu.memory_space<vmem>>[vector<16xi32>], vector<16xi32>, vector<16xi1>
      tpu.vector_store_idx %arg16[%sub3A_545], %get3A_500 masked %and3A_516 : memref<4096xi32, #tpu.memory_space<vmem>>[vector<16xi32>], vector<16xi32>, vector<16xi1>
      tpu.vector_store_idx %arg17[%sub3A_545], %get3A_504 masked %and3A_516 : memref<4096xi32, #tpu.memory_space<vmem>>[vector<16xi32>], vector<16xi32>, vector<16xi1>
      %all_reduce_population_count3A = tpu.all_reduce %and3A_513 {dim = 0 : i64, kind = #tpu.reduction_kind<sum>} : vector<16xi1> -> vector<16xi32>
      %all_reduce_population_count3A_546 = tpu.all_reduce %and3A_516 {dim = 0 : i64, kind = #tpu.reduction_kind<sum>} : vector<16xi1> -> vector<16xi32>
      %add3A_547 = arith.addi %while3A_490, %all_reduce_population_count3A : vector<16xi32>
      %shift_left3A = arith.constant 16 : i32
      %shift_left3A_548 = vector.broadcast %shift_left3A : i32 to vector<16xi32>
      %shift_left3A_549 = arith.shli %all_reduce_population_count3A_546, %shift_left3A_548 : vector<16xi32>
      %add3A_550 = arith.addi %add3A_547, %shift_left3A_549 : vector<16xi32>
      scf.yield %add3A_550 : vector<16xi32>
    }
    %while3A_289 = arith.constant 1 : i32
    %while3A_290 = scf.for %while3A_489 = %while3A_286 to %while3A_282 step %while3A_289 iter_args(%while3A_490 = %while3A_288) -> (vector<16xi32>)  : i32 {
      %mul3A_491 = arith.constant 16 : i32
      %mul3A_492 = arith.muli %while3A_489, %mul3A_491 : i32
      %add3A_493 = vector.broadcast %mul3A_492 : i32 to vector<16xi32>
      %add3A_494 = arith.addi %iota3A, %add3A_493 : vector<16xi32>
      %lt3A_495 = vector.broadcast %shift_right_logical3A_209 : i32 to vector<16xi32>
      %lt3A_496 = arith.cmpi slt, %add3A_494, %lt3A_495 : vector<16xi32>
      %mul3A_497 = arith.constant 16 : i32
      %mul3A_498 = arith.muli %while3A_489, %mul3A_497 : i32
      %get3A_499 = arith.index_cast %mul3A_498 : i32 to index
      %get3A_500 = tpu.vector_load %arg16[%get3A_499] {strides = array<i32>} : memref<4096xi32, #tpu.memory_space<vmem>>, vector<16xi32>,
      %mul3A_501 = arith.constant 16 : i32
      %mul3A_502 = arith.muli %while3A_489, %mul3A_501 : i32
      %get3A_503 = arith.index_cast %mul3A_502 : i32 to index
      %get3A_504 = tpu.vector_load %arg17[%get3A_503] {strides = array<i32>} : memref<4096xi32, #tpu.memory_space<vmem>>, vector<16xi32>,
      %shift_right_logical3A_505 = arith.constant 0 : i32
      %shift_right_logical3A_506 = vector.broadcast %shift_right_logical3A_505 : i32 to vector<16xi32>
      %shift_right_logical3A_507 = arith.shrui %get3A_500, %shift_right_logical3A_506 : vector<16xi32>
      %and3A_508 = arith.constant 1023 : i32
      %and3A_509 = vector.broadcast %and3A_508 : i32 to vector<16xi32>
      %and3A_510 = arith.andi %shift_right_logical3A_507, %and3A_509 : vector<16xi32>
      %lt3A_511 = vector.broadcast %reduce_sum3A_270 : i32 to vector<16xi32>
      %lt3A_512 = arith.cmpi slt, %and3A_510, %lt3A_511 : vector<16xi32>
      %and3A_513 = arith.andi %lt3A_496, %lt3A_512 : vector<16xi1>
      %eq3A_514 = vector.broadcast %reduce_sum3A_270 : i32 to vector<16xi32>
      %eq3A_515 = arith.cmpi eq, %and3A_510, %eq3A_514 : vector<16xi32>
      %and3A_516 = arith.andi %lt3A_496, %eq3A_515 : vector<16xi1>
      %jit3A_517 = arith.constant 1 : i32
      %jit3A_518 = arith.constant 0 : i32
      %broadcast_in_dim3A_519 = vector.broadcast %jit3A_517 : i32 to vector<16xi32>
      %broadcast_in_dim3A_520 = vector.broadcast %jit3A_518 : i32 to vector<16xi32>
      %select_n3A_521 = arith.select %and3A_513, %broadcast_in_dim3A_519, %broadcast_in_dim3A_520 : vector<16xi1>, vector<16xi32>
      %jit3A_522 = arith.constant 65536 : i32
      %jit3A_523 = arith.constant 0 : i32
      %broadcast_in_dim3A_524 = vector.broadcast %jit3A_522 : i32 to vector<16xi32>
      %broadcast_in_dim3A_525 = vector.broadcast %jit3A_523 : i32 to vector<16xi32>
      %select_n3A_526 = arith.select %and3A_516, %broadcast_in_dim3A_524, %broadcast_in_dim3A_525 : vector<16xi1>, vector<16xi32>
      %add3A_527 = arith.addi %select_n3A_521, %select_n3A_526 : vector<16xi32>
      %broadcast_in_dim3A_528 = arith.constant true
      %broadcast_in_dim3A_529 = vector.broadcast %broadcast_in_dim3A_528 : i1 to vector<16xi1>
      %masked_cumsum3A_530 = tpu.scan <sum>, %add3A_527 masked %broadcast_in_dim3A_529 : vector<16xi32>, vector<16xi1> -> vector<16xi32>
      %add3A_531 = arith.addi %masked_cumsum3A_530, %while3A_490 : vector<16xi32>
      %and3A_532 = arith.constant 65535 : i32
      %and3A_533 = vector.broadcast %and3A_532 : i32 to vector<16xi32>
      %and3A_534 = arith.andi %add3A_531, %and3A_533 : vector<16xi32>
      %sub3A_535 = arith.constant 1 : i32
      %sub3A_536 = vector.broadcast %sub3A_535 : i32 to vector<16xi32>
      %sub3A_537 = arith.subi %and3A_534, %sub3A_536 : vector<16xi32>
      %add3A_538 = vector.broadcast %add3A_212 : i32 to vector<16xi32>
      %add3A_539 = arith.addi %sub3A_537, %add3A_538 : vector<16xi32>
      %shift_right_logical3A_540 = arith.constant 16 : i32
      %shift_right_logical3A_541 = vector.broadcast %shift_right_logical3A_540 : i32 to vector<16xi32>
      %shift_right_logical3A_542 = arith.shrui %add3A_531, %shift_right_logical3A_541 : vector<16xi32>
      %sub3A_543 = arith.constant 1 : i32
      %sub3A_544 = vector.broadcast %sub3A_543 : i32 to vector<16xi32>
      %sub3A_545 = arith.subi %shift_right_logical3A_542, %sub3A_544 : vector<16xi32>
      tpu.vector_store_idx %arg14[%add3A_539], %get3A_500 masked %and3A_513 : memref<1024xi32, #tpu.memory_space<vmem>>[vector<16xi32>], vector<16xi32>, vector<16xi1>
      tpu.vector_store_idx %arg15[%add3A_539], %get3A_504 masked %and3A_513 : memref<1024xi32, #tpu.memory_space<vmem>>[vector<16xi32>], vector<16xi32>, vector<16xi1>
      tpu.vector_store_idx %arg16[%sub3A_545], %get3A_500 masked %and3A_516 : memref<4096xi32, #tpu.memory_space<vmem>>[vector<16xi32>], vector<16xi32>, vector<16xi1>
      tpu.vector_store_idx %arg17[%sub3A_545], %get3A_504 masked %and3A_516 : memref<4096xi32, #tpu.memory_space<vmem>>[vector<16xi32>], vector<16xi32>, vector<16xi1>
      %all_reduce_population_count3A = tpu.all_reduce %and3A_513 {dim = 0 : i64, kind = #tpu.reduction_kind<sum>} : vector<16xi1> -> vector<16xi32>
      %all_reduce_population_count3A_546 = tpu.all_reduce %and3A_516 {dim = 0 : i64, kind = #tpu.reduction_kind<sum>} : vector<16xi1> -> vector<16xi32>
      %add3A_547 = arith.addi %while3A_490, %all_reduce_population_count3A : vector<16xi32>
      %shift_left3A = arith.constant 16 : i32
      %shift_left3A_548 = vector.broadcast %shift_left3A : i32 to vector<16xi32>
      %shift_left3A_549 = arith.shli %all_reduce_population_count3A_546, %shift_left3A_548 : vector<16xi32>
      %add3A_550 = arith.addi %add3A_547, %shift_left3A_549 : vector<16xi32>
      scf.yield %add3A_550 : vector<16xi32>
    }
    %reduce_max3A_291 = arith.constant true
    %reduce_max3A_292 = vector.broadcast %reduce_max3A_291 : i1 to vector<16xi1>
    %reduce_max3A_293 = arith.constant -2147483648 : i32
    %reduce_max3A_294 = vector.broadcast %reduce_max3A_293 : i32 to vector<16xi32>
    %reduce_max3A_295 = arith.xori %while3A_290, %reduce_max3A_294 : vector<16xi32>
    %reduce_max3A_296 = tpu.scan <max>, %reduce_max3A_295 masked %reduce_max3A_292 : vector<16xi32>, vector<16xi1> -> vector<16xi32>
    %reduce_max3A_297 = arith.xori %reduce_max3A_296, %reduce_max3A_294 : vector<16xi32>
    %reduce_max3A_298 = vector.extract %reduce_max3A_297[15] : i32 from vector<16xi32>
    %shift_right_logical3A_299 = arith.constant 16 : i32
    %shift_right_logical3A_300 = arith.shrui %reduce_max3A_298, %shift_right_logical3A_299 : i32
    %and3A_301 = arith.constant 65535 : i32
    %and3A_302 = arith.andi %reduce_max3A_298, %and3A_301 : i32
    %add3A_303 = arith.addi %add3A_212, %and3A_302 : i32
    %add3A_304 = arith.constant 1 : i32
    %add3A_305 = arith.addi %sub3A_279, %add3A_304 : i32
    %eq3A_306 = arith.constant 0 : i32
    %eq3A_307 = vector.broadcast %eq3A_306 : i32 to vector<16xi32>
    %eq3A_308 = arith.cmpi eq, %iota3A, %eq3A_307 : vector<16xi32>
    %jit3A_309 = arith.constant 0 : i32
    %broadcast_in_dim3A_310 = vector.broadcast %shift_right_logical3A_300 : i32 to vector<16xi32>
    %broadcast_in_dim3A_311 = vector.broadcast %jit3A_309 : i32 to vector<16xi32>
    %select_n3A_312 = arith.select %eq3A_308, %broadcast_in_dim3A_310, %broadcast_in_dim3A_311 : vector<16xi1>, vector<16xi32>
    %eq3A_313 = arith.constant 1 : i32
    %eq3A_314 = vector.broadcast %eq3A_313 : i32 to vector<16xi32>
    %eq3A_315 = arith.cmpi eq, %iota3A, %eq3A_314 : vector<16xi32>
    %jit3A_316 = arith.constant 0 : i32
    %broadcast_in_dim3A_317 = vector.broadcast %add3A_303 : i32 to vector<16xi32>
    %broadcast_in_dim3A_318 = vector.broadcast %jit3A_316 : i32 to vector<16xi32>
    %select_n3A_319 = arith.select %eq3A_315, %broadcast_in_dim3A_317, %broadcast_in_dim3A_318 : vector<16xi1>, vector<16xi32>
    %add3A_320 = arith.addi %select_n3A_312, %select_n3A_319 : vector<16xi32>
    %swap3A = arith.constant 0 : index
    %swap3A_321 = tpu.vector_load %arg23[%swap3A] {strides = array<i32>} : memref<16xi32, #tpu.memory_space<vmem>>, vector<16xi32>,
    tpu.vector_store %arg23[%swap3A], %add3A_320 {strides = array<i32>} : memref<16xi32, #tpu.memory_space<vmem>>, vector<16xi32>,
    %mul3A_322 = arith.constant 16 : i32
    %mul3A_323 = arith.muli %add3A_33, %mul3A_322 : i32
    "tpu.region"() ({
      %run_scoped3A = tpu.sem_alloc : memref<!tpu.dma_semaphore, #tpu.memory_space<semaphore_mem>>
      %dma_start3A_489 = tpu.memref_slice %arg36[%mul3A_323] : memref<256xi32, #tpu.memory_space<vmem_shared>> -> memref<16xi32, #tpu.memory_space<vmem_shared>>
      %dma_start3A_490 = tpu.memref_slice %arg36[%mul3A_323] : memref<256xi32, #tpu.memory_space<vmem_shared>> -> memref<16xi32, #tpu.memory_space<vmem_shared>>
      tpu.enqueue_dma source(%arg23 : memref<16xi32, #tpu.memory_space<vmem>>) target(%dma_start3A_490 : memref<16xi32, #tpu.memory_space<vmem_shared>>) target_semaphore(%run_scoped3A : memref<!tpu.dma_semaphore, #tpu.memory_space<semaphore_mem>>)
      %dma_wait3A_491 = tpu.memref_slice %arg36[%mul3A_323] : memref<256xi32, #tpu.memory_space<vmem_shared>> -> memref<16xi32, #tpu.memory_space<vmem_shared>>
      %dma_wait3A_492 = tpu.memref_slice %arg36[%mul3A_323] : memref<256xi32, #tpu.memory_space<vmem_shared>> -> memref<16xi32, #tpu.memory_space<vmem_shared>>
      tpu.wait_dma2 semaphore(%run_scoped3A : memref<!tpu.dma_semaphore, #tpu.memory_space<semaphore_mem>>) src(%arg23 : memref<16xi32, #tpu.memory_space<vmem>>) dst(%dma_wait3A_492 : memref<16xi32, #tpu.memory_space<vmem_shared>>)
      tpu.yield
    }) : () -> ()
    %barrier3A_324 = arith.constant 0 : index
    tpu.barrier barrier_id(%barrier3A_324)
    %mul3A_325 = arith.constant 64 : i32
    %mul3A_326 = arith.muli %select_n3A, %mul3A_325 : i32
    "tpu.region"() ({
      %run_scoped3A = tpu.sem_alloc : memref<!tpu.dma_semaphore, #tpu.memory_space<semaphore_mem>>
      %dma_start3A_489 = tpu.memref_slice %arg36[%mul3A_326] : memref<256xi32, #tpu.memory_space<vmem_shared>> -> memref<64xi32, #tpu.memory_space<vmem_shared>>
      %dma_start3A_490 = tpu.memref_slice %arg36[%mul3A_326] : memref<256xi32, #tpu.memory_space<vmem_shared>> -> memref<64xi32, #tpu.memory_space<vmem_shared>>
      tpu.enqueue_dma source(%dma_start3A_490 : memref<64xi32, #tpu.memory_space<vmem_shared>>) target(%arg22 : memref<64xi32, #tpu.memory_space<vmem>>) target_semaphore(%run_scoped3A : memref<!tpu.dma_semaphore, #tpu.memory_space<semaphore_mem>>)
      %dma_wait3A_491 = tpu.memref_slice %arg36[%mul3A_326] : memref<256xi32, #tpu.memory_space<vmem_shared>> -> memref<64xi32, #tpu.memory_space<vmem_shared>>
      %dma_wait3A_492 = tpu.memref_slice %arg36[%mul3A_326] : memref<256xi32, #tpu.memory_space<vmem_shared>> -> memref<64xi32, #tpu.memory_space<vmem_shared>>
      tpu.wait_dma2 semaphore(%run_scoped3A : memref<!tpu.dma_semaphore, #tpu.memory_space<semaphore_mem>>) src(%dma_wait3A_492 : memref<64xi32, #tpu.memory_space<vmem_shared>>) dst(%arg22 : memref<64xi32, #tpu.memory_space<vmem>>)
      tpu.yield
    }) : () -> ()
    %min3A = arith.constant 3 : i32
    %min3A_327 = vector.broadcast %min3A : i32 to vector<16xi32>
    %min3A_328 = arith.minsi %iota3A, %min3A_327 : vector<16xi32>
    %mul3A_329 = arith.constant 16 : i32
    %mul3A_330 = vector.broadcast %mul3A_329 : i32 to vector<16xi32>
    %mul3A_331 = arith.muli %min3A_328, %mul3A_330 : vector<16xi32>
    %gather3A = tpu.vector_load_idx %arg22[%mul3A_331] : memref<64xi32, #tpu.memory_space<vmem>>[vector<16xi32>], vector<16xi32>,
    %add3A_332 = arith.constant 1 : i32
    %add3A_333 = vector.broadcast %add3A_332 : i32 to vector<16xi32>
    %add3A_334 = arith.addi %mul3A_331, %add3A_333 : vector<16xi32>
    %gather3A_335 = tpu.vector_load_idx %arg22[%add3A_334] : memref<64xi32, #tpu.memory_space<vmem>>[vector<16xi32>], vector<16xi32>,
    %broadcast_in_dim3A_336 = arith.constant true
    %broadcast_in_dim3A_337 = vector.broadcast %broadcast_in_dim3A_336 : i1 to vector<16xi1>
    %masked_cumsum3A = tpu.scan <sum>, %gather3A masked %broadcast_in_dim3A_337 : vector<16xi32>, vector<16xi1> -> vector<16xi32>
    %sub3A_338 = arith.subi %masked_cumsum3A, %gather3A : vector<16xi32>
    %sub3A_339 = vector.broadcast %add3A_305 : i32 to vector<16xi32>
    %sub3A_340 = arith.subi %sub3A_339, %sub3A_338 : vector<16xi32>
    %jit3A_341 = arith.constant 0 : i32
    %max3A = vector.broadcast %jit3A_341 : i32 to vector<16xi32>
    %max3A_342 = arith.maxsi %max3A, %sub3A_340 : vector<16xi32>
    %min3A_343 = arith.minsi %gather3A, %max3A_342 : vector<16xi32>
    %eq3A_344 = vector.broadcast %select_n3A_28 : i32 to vector<16xi32>
    %eq3A_345 = arith.cmpi eq, %iota3A, %eq3A_344 : vector<16xi32>
    %jit3A_346 = arith.constant 0 : i32
    %broadcast_in_dim3A_347 = vector.broadcast %jit3A_346 : i32 to vector<16xi32>
    %select_n3A_348 = arith.select %eq3A_345, %min3A_343, %broadcast_in_dim3A_347 : vector<16xi1>, vector<16xi32>
    %reduce_max3A_349 = arith.constant true
    %reduce_max3A_350 = vector.broadcast %reduce_max3A_349 : i1 to vector<16xi1>
    %reduce_max3A_351 = arith.constant -2147483648 : i32
    %reduce_max3A_352 = vector.broadcast %reduce_max3A_351 : i32 to vector<16xi32>
    %reduce_max3A_353 = arith.xori %select_n3A_348, %reduce_max3A_352 : vector<16xi32>
    %reduce_max3A_354 = tpu.scan <max>, %reduce_max3A_353 masked %reduce_max3A_350 : vector<16xi32>, vector<16xi1> -> vector<16xi32>
    %reduce_max3A_355 = arith.xori %reduce_max3A_354, %reduce_max3A_352 : vector<16xi32>
    %reduce_max3A_356 = vector.extract %reduce_max3A_355[15] : i32 from vector<16xi32>
    %add3A_357 = arith.constant 15 : i32
    %add3A_358 = arith.addi %reduce_max3A_356, %add3A_357 : i32
    %shift_right_logical3A_359 = arith.constant 4 : i32
    %shift_right_logical3A_360 = arith.shrui %add3A_358, %shift_right_logical3A_359 : i32
    %while3A_361 = arith.constant 0 : i32
    %while3A_362 = arith.constant 0 : i32
    %while3A_363 = arith.subi %shift_right_logical3A_360, %while3A_362 : i32
    %while3A_364 = arith.addi %while3A_362, %while3A_363 : i32
    %while3A_365 = arith.constant 1 : i32
    %while3A_366 = arith.divsi %while3A_363, %while3A_365 : i32
    %while3A_367 = arith.muli %while3A_366, %while3A_365 : i32
    %while3A_368 = arith.addi %while3A_362, %while3A_367 : i32
    %while3A_369 = arith.constant 1 : i32
    scf.for %while3A_489 = %while3A_362 to %while3A_368 step %while3A_369  : i32 {
      %mul3A_490 = arith.constant 16 : i32
      %mul3A_491 = arith.muli %while3A_489, %mul3A_490 : i32
      %add3A_492 = vector.broadcast %mul3A_491 : i32 to vector<16xi32>
      %add3A_493 = arith.addi %iota3A, %add3A_492 : vector<16xi32>
      %lt3A_494 = vector.broadcast %reduce_max3A_356 : i32 to vector<16xi32>
      %lt3A_495 = arith.cmpi slt, %add3A_493, %lt3A_494 : vector<16xi32>
      %mul3A_496 = arith.constant 16 : i32
      %mul3A_497 = arith.muli %while3A_489, %mul3A_496 : i32
      %add3A_498 = vector.broadcast %add3A_303 : i32 to vector<16xi32>
      %add3A_499 = arith.addi %add3A_498, %add3A_493 : vector<16xi32>
      %get3A_500 = arith.index_cast %mul3A_497 : i32 to index
      %get3A_501 = tpu.vector_load %arg16[%get3A_500] {strides = array<i32>} : memref<4096xi32, #tpu.memory_space<vmem>>, vector<16xi32>,
      tpu.vector_store_idx %arg14[%add3A_499], %get3A_501 masked %lt3A_495 : memref<1024xi32, #tpu.memory_space<vmem>>[vector<16xi32>], vector<16xi32>, vector<16xi1>
      %add3A_502 = vector.broadcast %add3A_303 : i32 to vector<16xi32>
      %add3A_503 = arith.addi %add3A_502, %add3A_493 : vector<16xi32>
      %get3A_504 = arith.index_cast %mul3A_497 : i32 to index
      %get3A_505 = tpu.vector_load %arg17[%get3A_504] {strides = array<i32>} : memref<4096xi32, #tpu.memory_space<vmem>>, vector<16xi32>,
      tpu.vector_store_idx %arg15[%add3A_503], %get3A_505 masked %lt3A_495 : memref<1024xi32, #tpu.memory_space<vmem>>[vector<16xi32>], vector<16xi32>, vector<16xi1>
    }
    %while3A_370 = arith.constant 1 : i32
    scf.for %while3A_489 = %while3A_368 to %while3A_364 step %while3A_370  : i32 {
      %mul3A_490 = arith.constant 16 : i32
      %mul3A_491 = arith.muli %while3A_489, %mul3A_490 : i32
      %add3A_492 = vector.broadcast %mul3A_491 : i32 to vector<16xi32>
      %add3A_493 = arith.addi %iota3A, %add3A_492 : vector<16xi32>
      %lt3A_494 = vector.broadcast %reduce_max3A_356 : i32 to vector<16xi32>
      %lt3A_495 = arith.cmpi slt, %add3A_493, %lt3A_494 : vector<16xi32>
      %mul3A_496 = arith.constant 16 : i32
      %mul3A_497 = arith.muli %while3A_489, %mul3A_496 : i32
      %add3A_498 = vector.broadcast %add3A_303 : i32 to vector<16xi32>
      %add3A_499 = arith.addi %add3A_498, %add3A_493 : vector<16xi32>
      %get3A_500 = arith.index_cast %mul3A_497 : i32 to index
      %get3A_501 = tpu.vector_load %arg16[%get3A_500] {strides = array<i32>} : memref<4096xi32, #tpu.memory_space<vmem>>, vector<16xi32>,
      tpu.vector_store_idx %arg14[%add3A_499], %get3A_501 masked %lt3A_495 : memref<1024xi32, #tpu.memory_space<vmem>>[vector<16xi32>], vector<16xi32>, vector<16xi1>
      %add3A_502 = vector.broadcast %add3A_303 : i32 to vector<16xi32>
      %add3A_503 = arith.addi %add3A_502, %add3A_493 : vector<16xi32>
      %get3A_504 = arith.index_cast %mul3A_497 : i32 to index
      %get3A_505 = tpu.vector_load %arg17[%get3A_504] {strides = array<i32>} : memref<4096xi32, #tpu.memory_space<vmem>>, vector<16xi32>,
      tpu.vector_store_idx %arg15[%add3A_503], %get3A_505 masked %lt3A_495 : memref<1024xi32, #tpu.memory_space<vmem>>[vector<16xi32>], vector<16xi32>, vector<16xi1>
    }
    %mul3A_371 = arith.constant 1024 : i32
    %mul3A_372 = arith.muli %add3A_33, %mul3A_371 : i32
    "tpu.region"() ({
      %run_scoped3A = tpu.sem_alloc : memref<!tpu.dma_semaphore, #tpu.memory_space<semaphore_mem>>
      %dma_start3A_489 = tpu.memref_slice %arg37[%mul3A_372] : memref<16384xi32, #tpu.memory_space<vmem_shared>> -> memref<1024xi32, #tpu.memory_space<vmem_shared>>
      %dma_start3A_490 = tpu.memref_slice %arg37[%mul3A_372] : memref<16384xi32, #tpu.memory_space<vmem_shared>> -> memref<1024xi32, #tpu.memory_space<vmem_shared>>
      tpu.enqueue_dma source(%arg14 : memref<1024xi32, #tpu.memory_space<vmem>>) target(%dma_start3A_490 : memref<1024xi32, #tpu.memory_space<vmem_shared>>) target_semaphore(%run_scoped3A : memref<!tpu.dma_semaphore, #tpu.memory_space<semaphore_mem>>)
      %dma_wait3A_491 = tpu.memref_slice %arg37[%mul3A_372] : memref<16384xi32, #tpu.memory_space<vmem_shared>> -> memref<1024xi32, #tpu.memory_space<vmem_shared>>
      %dma_wait3A_492 = tpu.memref_slice %arg37[%mul3A_372] : memref<16384xi32, #tpu.memory_space<vmem_shared>> -> memref<1024xi32, #tpu.memory_space<vmem_shared>>
      tpu.wait_dma2 semaphore(%run_scoped3A : memref<!tpu.dma_semaphore, #tpu.memory_space<semaphore_mem>>) src(%arg14 : memref<1024xi32, #tpu.memory_space<vmem>>) dst(%dma_wait3A_492 : memref<1024xi32, #tpu.memory_space<vmem_shared>>)
      tpu.yield
    }) : () -> ()
    %mul3A_373 = arith.constant 1024 : i32
    %mul3A_374 = arith.muli %add3A_33, %mul3A_373 : i32
    "tpu.region"() ({
      %run_scoped3A = tpu.sem_alloc : memref<!tpu.dma_semaphore, #tpu.memory_space<semaphore_mem>>
      %dma_start3A_489 = tpu.memref_slice %arg38[%mul3A_374] : memref<16384xi32, #tpu.memory_space<vmem_shared>> -> memref<1024xi32, #tpu.memory_space<vmem_shared>>
      %dma_start3A_490 = tpu.memref_slice %arg38[%mul3A_374] : memref<16384xi32, #tpu.memory_space<vmem_shared>> -> memref<1024xi32, #tpu.memory_space<vmem_shared>>
      tpu.enqueue_dma source(%arg15 : memref<1024xi32, #tpu.memory_space<vmem>>) target(%dma_start3A_490 : memref<1024xi32, #tpu.memory_space<vmem_shared>>) target_semaphore(%run_scoped3A : memref<!tpu.dma_semaphore, #tpu.memory_space<semaphore_mem>>)
      %dma_wait3A_491 = tpu.memref_slice %arg38[%mul3A_374] : memref<16384xi32, #tpu.memory_space<vmem_shared>> -> memref<1024xi32, #tpu.memory_space<vmem_shared>>
      %dma_wait3A_492 = tpu.memref_slice %arg38[%mul3A_374] : memref<16384xi32, #tpu.memory_space<vmem_shared>> -> memref<1024xi32, #tpu.memory_space<vmem_shared>>
      tpu.wait_dma2 semaphore(%run_scoped3A : memref<!tpu.dma_semaphore, #tpu.memory_space<semaphore_mem>>) src(%arg15 : memref<1024xi32, #tpu.memory_space<vmem>>) dst(%dma_wait3A_492 : memref<1024xi32, #tpu.memory_space<vmem_shared>>)
      tpu.yield
    }) : () -> ()
    %barrier3A_375 = arith.constant 0 : index
    tpu.barrier barrier_id(%barrier3A_375)
    %eq3A_376 = arith.constant 0 : i32
    %eq3A_377 = arith.cmpi eq, %select_n3A_28, %eq3A_376 : i32
    %convert_element_type3A_378 = arith.extui %eq3A_377 : i1 to i32
    %cond3A_379 = arith.constant 0 : i32
    %cond3A_380 = arith.cmpi ne, %convert_element_type3A_378, %cond3A_379 : i32
    scf.if %cond3A_380 {
      %mul3A_489 = arith.constant 4 : i32
      %mul3A_490 = arith.muli %select_n3A, %mul3A_489 : i32
      %mul3A_491 = arith.constant 1024 : i32
      %mul3A_492 = arith.muli %mul3A_490, %mul3A_491 : i32
      "tpu.region"() ({
        %run_scoped3A = tpu.sem_alloc : memref<!tpu.dma_semaphore, #tpu.memory_space<semaphore_mem>>
        %dma_start3A_1770 = tpu.memref_slice %arg37[%mul3A_492] : memref<16384xi32, #tpu.memory_space<vmem_shared>> -> memref<4096xi32, #tpu.memory_space<vmem_shared>>
        %dma_start3A_1771 = tpu.memref_slice %arg37[%mul3A_492] : memref<16384xi32, #tpu.memory_space<vmem_shared>> -> memref<4096xi32, #tpu.memory_space<vmem_shared>>
        tpu.enqueue_dma source(%dma_start3A_1771 : memref<4096xi32, #tpu.memory_space<vmem_shared>>) target(%arg20 : memref<4096xi32, #tpu.memory_space<vmem>>) target_semaphore(%run_scoped3A : memref<!tpu.dma_semaphore, #tpu.memory_space<semaphore_mem>>)
        %dma_wait3A_1772 = tpu.memref_slice %arg37[%mul3A_492] : memref<16384xi32, #tpu.memory_space<vmem_shared>> -> memref<4096xi32, #tpu.memory_space<vmem_shared>>
        %dma_wait3A_1773 = tpu.memref_slice %arg37[%mul3A_492] : memref<16384xi32, #tpu.memory_space<vmem_shared>> -> memref<4096xi32, #tpu.memory_space<vmem_shared>>
        tpu.wait_dma2 semaphore(%run_scoped3A : memref<!tpu.dma_semaphore, #tpu.memory_space<semaphore_mem>>) src(%dma_wait3A_1773 : memref<4096xi32, #tpu.memory_space<vmem_shared>>) dst(%arg20 : memref<4096xi32, #tpu.memory_space<vmem>>)
        tpu.yield
      }) : () -> ()
      %mul3A_493 = arith.constant 4 : i32
      %mul3A_494 = arith.muli %select_n3A, %mul3A_493 : i32
      %mul3A_495 = arith.constant 1024 : i32
      %mul3A_496 = arith.muli %mul3A_494, %mul3A_495 : i32
      "tpu.region"() ({
        %run_scoped3A = tpu.sem_alloc : memref<!tpu.dma_semaphore, #tpu.memory_space<semaphore_mem>>
        %dma_start3A_1770 = tpu.memref_slice %arg38[%mul3A_496] : memref<16384xi32, #tpu.memory_space<vmem_shared>> -> memref<4096xi32, #tpu.memory_space<vmem_shared>>
        %dma_start3A_1771 = tpu.memref_slice %arg38[%mul3A_496] : memref<16384xi32, #tpu.memory_space<vmem_shared>> -> memref<4096xi32, #tpu.memory_space<vmem_shared>>
        tpu.enqueue_dma source(%dma_start3A_1771 : memref<4096xi32, #tpu.memory_space<vmem_shared>>) target(%arg21 : memref<4096xi32, #tpu.memory_space<vmem>>) target_semaphore(%run_scoped3A : memref<!tpu.dma_semaphore, #tpu.memory_space<semaphore_mem>>)
        %dma_wait3A_1772 = tpu.memref_slice %arg38[%mul3A_496] : memref<16384xi32, #tpu.memory_space<vmem_shared>> -> memref<4096xi32, #tpu.memory_space<vmem_shared>>
        %dma_wait3A_1773 = tpu.memref_slice %arg38[%mul3A_496] : memref<16384xi32, #tpu.memory_space<vmem_shared>> -> memref<4096xi32, #tpu.memory_space<vmem_shared>>
        tpu.wait_dma2 semaphore(%run_scoped3A : memref<!tpu.dma_semaphore, #tpu.memory_space<semaphore_mem>>) src(%dma_wait3A_1773 : memref<4096xi32, #tpu.memory_space<vmem_shared>>) dst(%arg21 : memref<4096xi32, #tpu.memory_space<vmem>>)
        tpu.yield
      }) : () -> ()
      %add3A_497 = arith.addi %gather3A_335, %min3A_343 : vector<16xi32>
      %broadcast_in_dim3A_498 = arith.constant true
      %broadcast_in_dim3A_499 = vector.broadcast %broadcast_in_dim3A_498 : i1 to vector<16xi1>
      %masked_cumsum3A_500 = tpu.scan <sum>, %add3A_497 masked %broadcast_in_dim3A_499 : vector<16xi32>, vector<16xi1> -> vector<16xi32>
      %sub3A_501 = arith.subi %masked_cumsum3A_500, %add3A_497 : vector<16xi32>
      %swap3A_502 = arith.constant 0 : index
      %swap3A_503 = tpu.vector_load %arg23[%swap3A_502] {strides = array<i32>} : memref<16xi32, #tpu.memory_space<vmem>>, vector<16xi32>,
      tpu.vector_store %arg23[%swap3A_502], %sub3A_501 {strides = array<i32>} : memref<16xi32, #tpu.memory_space<vmem>>, vector<16xi32>,
      %eq3A_504 = arith.constant 1 : i32
      %eq3A_505 = vector.broadcast %eq3A_504 : i32 to vector<16xi32>
      %eq3A_506 = arith.cmpi eq, %iota3A, %eq3A_505 : vector<16xi32>
      %jit3A_507 = arith.constant 0 : i32
      %broadcast_in_dim3A_508 = vector.broadcast %jit3A_507 : i32 to vector<16xi32>
      %select_n3A_509 = arith.select %eq3A_506, %sub3A_501, %broadcast_in_dim3A_508 : vector<16xi1>, vector<16xi32>
      %reduce_sum3A_510 = arith.constant true
      %reduce_sum3A_511 = vector.broadcast %reduce_sum3A_510 : i1 to vector<16xi1>
      %reduce_sum3A_512 = tpu.scan <sum>, %select_n3A_509 masked %reduce_sum3A_511 : vector<16xi32>, vector<16xi1> -> vector<16xi32>
      %reduce_sum3A_513 = vector.extract %reduce_sum3A_512[15] : i32 from vector<16xi32>
      %eq3A_514 = arith.constant 2 : i32
      %eq3A_515 = vector.broadcast %eq3A_514 : i32 to vector<16xi32>
      %eq3A_516 = arith.cmpi eq, %iota3A, %eq3A_515 : vector<16xi32>
      %jit3A_517 = arith.constant 0 : i32
      %broadcast_in_dim3A_518 = vector.broadcast %jit3A_517 : i32 to vector<16xi32>
      %select_n3A_519 = arith.select %eq3A_516, %sub3A_501, %broadcast_in_dim3A_518 : vector<16xi1>, vector<16xi32>
      %reduce_sum3A_520 = arith.constant true
      %reduce_sum3A_521 = vector.broadcast %reduce_sum3A_520 : i1 to vector<16xi1>
      %reduce_sum3A_522 = tpu.scan <sum>, %select_n3A_519 masked %reduce_sum3A_521 : vector<16xi32>, vector<16xi1> -> vector<16xi32>
      %reduce_sum3A_523 = vector.extract %reduce_sum3A_522[15] : i32 from vector<16xi32>
      %eq3A_524 = arith.constant 3 : i32
      %eq3A_525 = vector.broadcast %eq3A_524 : i32 to vector<16xi32>
      %eq3A_526 = arith.cmpi eq, %iota3A, %eq3A_525 : vector<16xi32>
      %jit3A_527 = arith.constant 0 : i32
      %broadcast_in_dim3A_528 = vector.broadcast %jit3A_527 : i32 to vector<16xi32>
      %select_n3A_529 = arith.select %eq3A_526, %sub3A_501, %broadcast_in_dim3A_528 : vector<16xi1>, vector<16xi32>
      %reduce_sum3A_530 = arith.constant true
      %reduce_sum3A_531 = vector.broadcast %reduce_sum3A_530 : i1 to vector<16xi1>
      %reduce_sum3A_532 = tpu.scan <sum>, %select_n3A_529 masked %reduce_sum3A_531 : vector<16xi32>, vector<16xi1> -> vector<16xi32>
      %reduce_sum3A_533 = vector.extract %reduce_sum3A_532[15] : i32 from vector<16xi32>
      %scan3A_534 = arith.constant 0 : i32
      %scan3A_535 = arith.constant 0 : i32
      %scan3A_536 = arith.constant 64 : i32
      %scan3A_537 = arith.addi %scan3A_535, %scan3A_536 : i32
      %scan3A_538 = arith.constant 1 : i32
      scf.for %scan3A_1770 = %scan3A_535 to %scan3A_537 step %scan3A_538  : i32 {
        %mul3A_1771 = arith.constant 16 : i32
        %mul3A_1772 = arith.muli %scan3A_1770, %mul3A_1771 : i32
        %add3A_1773 = vector.broadcast %mul3A_1772 : i32 to vector<16xi32>
        %add3A_1774 = arith.addi %iota3A, %add3A_1773 : vector<16xi32>
        %ge3A = vector.broadcast %reduce_sum3A_513 : i32 to vector<16xi32>
        %ge3A_1775 = arith.cmpi sge, %add3A_1774, %ge3A : vector<16xi32>
        %jit3A_1776 = arith.constant 1 : i32
        %jit3A_1777 = arith.constant 0 : i32
        %broadcast_in_dim3A_1778 = vector.broadcast %jit3A_1776 : i32 to vector<16xi32>
        %broadcast_in_dim3A_1779 = vector.broadcast %jit3A_1777 : i32 to vector<16xi32>
        %select_n3A_1780 = arith.select %ge3A_1775, %broadcast_in_dim3A_1778, %broadcast_in_dim3A_1779 : vector<16xi1>, vector<16xi32>
        %ge3A_1781 = vector.broadcast %reduce_sum3A_523 : i32 to vector<16xi32>
        %ge3A_1782 = arith.cmpi sge, %add3A_1774, %ge3A_1781 : vector<16xi32>
        %jit3A_1783 = arith.constant 1 : i32
        %jit3A_1784 = arith.constant 0 : i32
        %broadcast_in_dim3A_1785 = vector.broadcast %jit3A_1783 : i32 to vector<16xi32>
        %broadcast_in_dim3A_1786 = vector.broadcast %jit3A_1784 : i32 to vector<16xi32>
        %select_n3A_1787 = arith.select %ge3A_1782, %broadcast_in_dim3A_1785, %broadcast_in_dim3A_1786 : vector<16xi1>, vector<16xi32>
        %add3A_1788 = arith.addi %select_n3A_1780, %select_n3A_1787 : vector<16xi32>
        %ge3A_1789 = vector.broadcast %reduce_sum3A_533 : i32 to vector<16xi32>
        %ge3A_1790 = arith.cmpi sge, %add3A_1774, %ge3A_1789 : vector<16xi32>
        %jit3A_1791 = arith.constant 1 : i32
        %jit3A_1792 = arith.constant 0 : i32
        %broadcast_in_dim3A_1793 = vector.broadcast %jit3A_1791 : i32 to vector<16xi32>
        %broadcast_in_dim3A_1794 = vector.broadcast %jit3A_1792 : i32 to vector<16xi32>
        %select_n3A_1795 = arith.select %ge3A_1790, %broadcast_in_dim3A_1793, %broadcast_in_dim3A_1794 : vector<16xi1>, vector<16xi32>
        %add3A_1796 = arith.addi %add3A_1788, %select_n3A_1795 : vector<16xi32>
        %gather3A_1797 = tpu.vector_load_idx %arg23[%add3A_1796] : memref<16xi32, #tpu.memory_space<vmem>>[vector<16xi32>], vector<16xi32>,
        %mul3A_1798 = arith.constant 1024 : i32
        %mul3A_1799 = vector.broadcast %mul3A_1798 : i32 to vector<16xi32>
        %mul3A_1800 = arith.muli %add3A_1796, %mul3A_1799 : vector<16xi32>
        %sub3A_1801 = arith.subi %add3A_1774, %gather3A_1797 : vector<16xi32>
        %add3A_1802 = arith.addi %mul3A_1800, %sub3A_1801 : vector<16xi32>
        %mul3A_1803 = arith.constant 16 : i32
        %mul3A_1804 = arith.muli %scan3A_1770, %mul3A_1803 : i32
        %gather3A_1805 = tpu.vector_load_idx %arg20[%add3A_1802] : memref<4096xi32, #tpu.memory_space<vmem>>[vector<16xi32>], vector<16xi32>,
        %swap3A_1806 = arith.index_cast %mul3A_1804 : i32 to index
        %swap3A_1807 = tpu.vector_load %arg18[%swap3A_1806] {strides = array<i32>} : memref<1024xi32, #tpu.memory_space<vmem>>, vector<16xi32>,
        tpu.vector_store %arg18[%swap3A_1806], %gather3A_1805 {strides = array<i32>} : memref<1024xi32, #tpu.memory_space<vmem>>, vector<16xi32>,
        %gather3A_1808 = tpu.vector_load_idx %arg21[%add3A_1802] : memref<4096xi32, #tpu.memory_space<vmem>>[vector<16xi32>], vector<16xi32>,
        %swap3A_1809 = arith.index_cast %mul3A_1804 : i32 to index
        %swap3A_1810 = tpu.vector_load %arg19[%swap3A_1809] {strides = array<i32>} : memref<1024xi32, #tpu.memory_space<vmem>>, vector<16xi32>,
        tpu.vector_store %arg19[%swap3A_1809], %gather3A_1808 {strides = array<i32>} : memref<1024xi32, #tpu.memory_space<vmem>>, vector<16xi32>,
      }
      %scan3A_539 = arith.constant 64 : i32
      %scan3A_540 = arith.constant 0 : i32
      %scan3A_541 = arith.constant 0 : i32
      %scan3A_542 = arith.constant 16 : i32
      %scan3A_543 = arith.addi %scan3A_541, %scan3A_542 : i32
      %scan3A_544 = arith.constant 1 : i32
      scf.for %scan3A_1770 = %scan3A_541 to %scan3A_543 step %scan3A_544  : i32 {
        %mul3A_1771 = arith.constant 16 : i32
        %mul3A_1772 = arith.muli %scan3A_1770, %mul3A_1771 : i32
        %swap3A_1773 = arith.index_cast %mul3A_1772 : i32 to index
        %swap3A_1774 = tpu.vector_load %arg9[%swap3A_1773] {strides = array<i32>} : memref<2048xi32, #tpu.memory_space<vmem>>, vector<16xi32>,
        tpu.vector_store %arg9[%swap3A_1773], %broadcast_in_dim3A_42 {strides = array<i32>} : memref<2048xi32, #tpu.memory_space<vmem>>, vector<16xi32>,
      }
      %scan3A_545 = arith.constant 16 : i32
      %scan3A_546 = arith.constant 0 : i32
      %scan3A_547 = arith.constant 0 : i32
      %scan3A_548 = arith.constant 64 : i32
      %scan3A_549 = arith.addi %scan3A_547, %scan3A_548 : i32
      %scan3A_550 = arith.constant 1 : i32
      scf.for %scan3A_1770 = %scan3A_547 to %scan3A_549 step %scan3A_550  : i32 {
        %mul3A_1771 = arith.constant 16 : i32
        %mul3A_1772 = arith.muli %scan3A_1770, %mul3A_1771 : i32
        %get3A_1773 = arith.index_cast %mul3A_1772 : i32 to index
        %get3A_1774 = tpu.vector_load %arg18[%get3A_1773] {strides = array<i32>} : memref<1024xi32, #tpu.memory_space<vmem>>, vector<16xi32>,
        %shift_right_logical3A_1775 = arith.constant 0 : i32
        %shift_right_logical3A_1776 = vector.broadcast %shift_right_logical3A_1775 : i32 to vector<16xi32>
        %shift_right_logical3A_1777 = arith.shrui %get3A_1774, %shift_right_logical3A_1776 : vector<16xi32>
        %and3A_1778 = arith.constant 255 : i32
        %and3A_1779 = vector.broadcast %and3A_1778 : i32 to vector<16xi32>
        %and3A_1780 = arith.andi %shift_right_logical3A_1777, %and3A_1779 : vector<16xi32>
        %broadcast_in_dim3A_1781 = arith.constant true
        %broadcast_in_dim3A_1782 = vector.broadcast %broadcast_in_dim3A_1781 : i1 to vector<16xi1>
        %unique3A, %unique3A_1783 = tpu.scan_count mask(%broadcast_in_dim3A_1782 : vector<16xi1>) value(%and3A_1780 : vector<16xi32>) : vector<16xi1>, vector<16xi32>
        tpu.vector_store_idx %arg9[%and3A_1780], %unique3A_1783 masked %unique3A {add = true} : memref<2048xi32, #tpu.memory_space<vmem>>[vector<16xi32>], vector<16xi32>, vector<16xi1>
      }
      %scan3A_551 = arith.constant 64 : i32
      %get3A_552 = arith.constant 0 : index
      %get3A_553 = tpu.vector_load %arg9[%get3A_552] {strides = array<i32>} : memref<2048xi32, #tpu.memory_space<vmem>>, vector<16xi32>,
      %broadcast_in_dim3A_554 = arith.constant true
      %broadcast_in_dim3A_555 = vector.broadcast %broadcast_in_dim3A_554 : i1 to vector<16xi1>
      %masked_cumsum3A_556 = tpu.scan <sum>, %get3A_553 masked %broadcast_in_dim3A_555 : vector<16xi32>, vector<16xi1> -> vector<16xi32>
      %add3A_557 = arith.constant 0 : i32
      %add3A_558 = vector.broadcast %add3A_557 : i32 to vector<16xi32>
      %add3A_559 = arith.addi %masked_cumsum3A_556, %add3A_558 : vector<16xi32>
      %sub3A_560 = arith.subi %add3A_559, %get3A_553 : vector<16xi32>
      %swap3A_561 = arith.constant 0 : index
      %swap3A_562 = tpu.vector_load %arg13[%swap3A_561] {strides = array<i32>} : memref<256xi32, #tpu.memory_space<vmem>>, vector<16xi32>,
      tpu.vector_store %arg13[%swap3A_561], %sub3A_560 {strides = array<i32>} : memref<256xi32, #tpu.memory_space<vmem>>, vector<16xi32>,
      %reduce_max3A_563 = arith.constant true
      %reduce_max3A_564 = vector.broadcast %reduce_max3A_563 : i1 to vector<16xi1>
      %reduce_max3A_565 = arith.constant -2147483648 : i32
      %reduce_max3A_566 = vector.broadcast %reduce_max3A_565 : i32 to vector<16xi32>
      %reduce_max3A_567 = arith.xori %add3A_559, %reduce_max3A_566 : vector<16xi32>
      %reduce_max3A_568 = tpu.scan <max>, %reduce_max3A_567 masked %reduce_max3A_564 : vector<16xi32>, vector<16xi1> -> vector<16xi32>
      %reduce_max3A_569 = arith.xori %reduce_max3A_568, %reduce_max3A_566 : vector<16xi32>
      %reduce_max3A_570 = vector.extract %reduce_max3A_569[15] : i32 from vector<16xi32>
      %get3A_571 = arith.constant 16 : index
      %get3A_572 = tpu.vector_load %arg9[%get3A_571] {strides = array<i32>} : memref<2048xi32, #tpu.memory_space<vmem>>, vector<16xi32>,
      %broadcast_in_dim3A_573 = arith.constant true
      %broadcast_in_dim3A_574 = vector.broadcast %broadcast_in_dim3A_573 : i1 to vector<16xi1>
      %masked_cumsum3A_575 = tpu.scan <sum>, %get3A_572 masked %broadcast_in_dim3A_574 : vector<16xi32>, vector<16xi1> -> vector<16xi32>
      %add3A_576 = vector.broadcast %reduce_max3A_570 : i32 to vector<16xi32>
      %add3A_577 = arith.addi %masked_cumsum3A_575, %add3A_576 : vector<16xi32>
      %sub3A_578 = arith.subi %add3A_577, %get3A_572 : vector<16xi32>
      %swap3A_579 = arith.constant 16 : index
      %swap3A_580 = tpu.vector_load %arg13[%swap3A_579] {strides = array<i32>} : memref<256xi32, #tpu.memory_space<vmem>>, vector<16xi32>,
      tpu.vector_store %arg13[%swap3A_579], %sub3A_578 {strides = array<i32>} : memref<256xi32, #tpu.memory_space<vmem>>, vector<16xi32>,
      %reduce_max3A_581 = arith.constant true
      %reduce_max3A_582 = vector.broadcast %reduce_max3A_581 : i1 to vector<16xi1>
      %reduce_max3A_583 = arith.constant -2147483648 : i32
      %reduce_max3A_584 = vector.broadcast %reduce_max3A_583 : i32 to vector<16xi32>
      %reduce_max3A_585 = arith.xori %add3A_577, %reduce_max3A_584 : vector<16xi32>
      %reduce_max3A_586 = tpu.scan <max>, %reduce_max3A_585 masked %reduce_max3A_582 : vector<16xi32>, vector<16xi1> -> vector<16xi32>
      %reduce_max3A_587 = arith.xori %reduce_max3A_586, %reduce_max3A_584 : vector<16xi32>
      %reduce_max3A_588 = vector.extract %reduce_max3A_587[15] : i32 from vector<16xi32>
      %get3A_589 = arith.constant 32 : index
      %get3A_590 = tpu.vector_load %arg9[%get3A_589] {strides = array<i32>} : memref<2048xi32, #tpu.memory_space<vmem>>, vector<16xi32>,
      %broadcast_in_dim3A_591 = arith.constant true
      %broadcast_in_dim3A_592 = vector.broadcast %broadcast_in_dim3A_591 : i1 to vector<16xi1>
      %masked_cumsum3A_593 = tpu.scan <sum>, %get3A_590 masked %broadcast_in_dim3A_592 : vector<16xi32>, vector<16xi1> -> vector<16xi32>
      %add3A_594 = vector.broadcast %reduce_max3A_588 : i32 to vector<16xi32>
      %add3A_595 = arith.addi %masked_cumsum3A_593, %add3A_594 : vector<16xi32>
      %sub3A_596 = arith.subi %add3A_595, %get3A_590 : vector<16xi32>
      %swap3A_597 = arith.constant 32 : index
      %swap3A_598 = tpu.vector_load %arg13[%swap3A_597] {strides = array<i32>} : memref<256xi32, #tpu.memory_space<vmem>>, vector<16xi32>,
      tpu.vector_store %arg13[%swap3A_597], %sub3A_596 {strides = array<i32>} : memref<256xi32, #tpu.memory_space<vmem>>, vector<16xi32>,
      %reduce_max3A_599 = arith.constant true
      %reduce_max3A_600 = vector.broadcast %reduce_max3A_599 : i1 to vector<16xi1>
      %reduce_max3A_601 = arith.constant -2147483648 : i32
      %reduce_max3A_602 = vector.broadcast %reduce_max3A_601 : i32 to vector<16xi32>
      %reduce_max3A_603 = arith.xori %add3A_595, %reduce_max3A_602 : vector<16xi32>
      %reduce_max3A_604 = tpu.scan <max>, %reduce_max3A_603 masked %reduce_max3A_600 : vector<16xi32>, vector<16xi1> -> vector<16xi32>
      %reduce_max3A_605 = arith.xori %reduce_max3A_604, %reduce_max3A_602 : vector<16xi32>
      %reduce_max3A_606 = vector.extract %reduce_max3A_605[15] : i32 from vector<16xi32>
      %get3A_607 = arith.constant 48 : index
      %get3A_608 = tpu.vector_load %arg9[%get3A_607] {strides = array<i32>} : memref<2048xi32, #tpu.memory_space<vmem>>, vector<16xi32>,
      %broadcast_in_dim3A_609 = arith.constant true
      %broadcast_in_dim3A_610 = vector.broadcast %broadcast_in_dim3A_609 : i1 to vector<16xi1>
      %masked_cumsum3A_611 = tpu.scan <sum>, %get3A_608 masked %broadcast_in_dim3A_610 : vector<16xi32>, vector<16xi1> -> vector<16xi32>
      %add3A_612 = vector.broadcast %reduce_max3A_606 : i32 to vector<16xi32>
      %add3A_613 = arith.addi %masked_cumsum3A_611, %add3A_612 : vector<16xi32>
      %sub3A_614 = arith.subi %add3A_613, %get3A_608 : vector<16xi32>
      %swap3A_615 = arith.constant 48 : index
      %swap3A_616 = tpu.vector_load %arg13[%swap3A_615] {strides = array<i32>} : memref<256xi32, #tpu.memory_space<vmem>>, vector<16xi32>,
      tpu.vector_store %arg13[%swap3A_615], %sub3A_614 {strides = array<i32>} : memref<256xi32, #tpu.memory_space<vmem>>, vector<16xi32>,
      %reduce_max3A_617 = arith.constant true
      %reduce_max3A_618 = vector.broadcast %reduce_max3A_617 : i1 to vector<16xi1>
      %reduce_max3A_619 = arith.constant -2147483648 : i32
      %reduce_max3A_620 = vector.broadcast %reduce_max3A_619 : i32 to vector<16xi32>
      %reduce_max3A_621 = arith.xori %add3A_613, %reduce_max3A_620 : vector<16xi32>
      %reduce_max3A_622 = tpu.scan <max>, %reduce_max3A_621 masked %reduce_max3A_618 : vector<16xi32>, vector<16xi1> -> vector<16xi32>
      %reduce_max3A_623 = arith.xori %reduce_max3A_622, %reduce_max3A_620 : vector<16xi32>
      %reduce_max3A_624 = vector.extract %reduce_max3A_623[15] : i32 from vector<16xi32>
      %get3A_625 = arith.constant 64 : index
      %get3A_626 = tpu.vector_load %arg9[%get3A_625] {strides = array<i32>} : memref<2048xi32, #tpu.memory_space<vmem>>, vector<16xi32>,
      %broadcast_in_dim3A_627 = arith.constant true
      %broadcast_in_dim3A_628 = vector.broadcast %broadcast_in_dim3A_627 : i1 to vector<16xi1>
      %masked_cumsum3A_629 = tpu.scan <sum>, %get3A_626 masked %broadcast_in_dim3A_628 : vector<16xi32>, vector<16xi1> -> vector<16xi32>
      %add3A_630 = vector.broadcast %reduce_max3A_624 : i32 to vector<16xi32>
      %add3A_631 = arith.addi %masked_cumsum3A_629, %add3A_630 : vector<16xi32>
      %sub3A_632 = arith.subi %add3A_631, %get3A_626 : vector<16xi32>
      %swap3A_633 = arith.constant 64 : index
      %swap3A_634 = tpu.vector_load %arg13[%swap3A_633] {strides = array<i32>} : memref<256xi32, #tpu.memory_space<vmem>>, vector<16xi32>,
      tpu.vector_store %arg13[%swap3A_633], %sub3A_632 {strides = array<i32>} : memref<256xi32, #tpu.memory_space<vmem>>, vector<16xi32>,
      %reduce_max3A_635 = arith.constant true
      %reduce_max3A_636 = vector.broadcast %reduce_max3A_635 : i1 to vector<16xi1>
      %reduce_max3A_637 = arith.constant -2147483648 : i32
      %reduce_max3A_638 = vector.broadcast %reduce_max3A_637 : i32 to vector<16xi32>
      %reduce_max3A_639 = arith.xori %add3A_631, %reduce_max3A_638 : vector<16xi32>
      %reduce_max3A_640 = tpu.scan <max>, %reduce_max3A_639 masked %reduce_max3A_636 : vector<16xi32>, vector<16xi1> -> vector<16xi32>
      %reduce_max3A_641 = arith.xori %reduce_max3A_640, %reduce_max3A_638 : vector<16xi32>
      %reduce_max3A_642 = vector.extract %reduce_max3A_641[15] : i32 from vector<16xi32>
      %get3A_643 = arith.constant 80 : index
      %get3A_644 = tpu.vector_load %arg9[%get3A_643] {strides = array<i32>} : memref<2048xi32, #tpu.memory_space<vmem>>, vector<16xi32>,
      %broadcast_in_dim3A_645 = arith.constant true
      %broadcast_in_dim3A_646 = vector.broadcast %broadcast_in_dim3A_645 : i1 to vector<16xi1>
      %masked_cumsum3A_647 = tpu.scan <sum>, %get3A_644 masked %broadcast_in_dim3A_646 : vector<16xi32>, vector<16xi1> -> vector<16xi32>
      %add3A_648 = vector.broadcast %reduce_max3A_642 : i32 to vector<16xi32>
      %add3A_649 = arith.addi %masked_cumsum3A_647, %add3A_648 : vector<16xi32>
      %sub3A_650 = arith.subi %add3A_649, %get3A_644 : vector<16xi32>
      %swap3A_651 = arith.constant 80 : index
      %swap3A_652 = tpu.vector_load %arg13[%swap3A_651] {strides = array<i32>} : memref<256xi32, #tpu.memory_space<vmem>>, vector<16xi32>,
      tpu.vector_store %arg13[%swap3A_651], %sub3A_650 {strides = array<i32>} : memref<256xi32, #tpu.memory_space<vmem>>, vector<16xi32>,
      %reduce_max3A_653 = arith.constant true
      %reduce_max3A_654 = vector.broadcast %reduce_max3A_653 : i1 to vector<16xi1>
      %reduce_max3A_655 = arith.constant -2147483648 : i32
      %reduce_max3A_656 = vector.broadcast %reduce_max3A_655 : i32 to vector<16xi32>
      %reduce_max3A_657 = arith.xori %add3A_649, %reduce_max3A_656 : vector<16xi32>
      %reduce_max3A_658 = tpu.scan <max>, %reduce_max3A_657 masked %reduce_max3A_654 : vector<16xi32>, vector<16xi1> -> vector<16xi32>
      %reduce_max3A_659 = arith.xori %reduce_max3A_658, %reduce_max3A_656 : vector<16xi32>
      %reduce_max3A_660 = vector.extract %reduce_max3A_659[15] : i32 from vector<16xi32>
      %get3A_661 = arith.constant 96 : index
      %get3A_662 = tpu.vector_load %arg9[%get3A_661] {strides = array<i32>} : memref<2048xi32, #tpu.memory_space<vmem>>, vector<16xi32>,
      %broadcast_in_dim3A_663 = arith.constant true
      %broadcast_in_dim3A_664 = vector.broadcast %broadcast_in_dim3A_663 : i1 to vector<16xi1>
      %masked_cumsum3A_665 = tpu.scan <sum>, %get3A_662 masked %broadcast_in_dim3A_664 : vector<16xi32>, vector<16xi1> -> vector<16xi32>
      %add3A_666 = vector.broadcast %reduce_max3A_660 : i32 to vector<16xi32>
      %add3A_667 = arith.addi %masked_cumsum3A_665, %add3A_666 : vector<16xi32>
      %sub3A_668 = arith.subi %add3A_667, %get3A_662 : vector<16xi32>
      %swap3A_669 = arith.constant 96 : index
      %swap3A_670 = tpu.vector_load %arg13[%swap3A_669] {strides = array<i32>} : memref<256xi32, #tpu.memory_space<vmem>>, vector<16xi32>,
      tpu.vector_store %arg13[%swap3A_669], %sub3A_668 {strides = array<i32>} : memref<256xi32, #tpu.memory_space<vmem>>, vector<16xi32>,
      %reduce_max3A_671 = arith.constant true
      %reduce_max3A_672 = vector.broadcast %reduce_max3A_671 : i1 to vector<16xi1>
      %reduce_max3A_673 = arith.constant -2147483648 : i32
      %reduce_max3A_674 = vector.broadcast %reduce_max3A_673 : i32 to vector<16xi32>
      %reduce_max3A_675 = arith.xori %add3A_667, %reduce_max3A_674 : vector<16xi32>
      %reduce_max3A_676 = tpu.scan <max>, %reduce_max3A_675 masked %reduce_max3A_672 : vector<16xi32>, vector<16xi1> -> vector<16xi32>
      %reduce_max3A_677 = arith.xori %reduce_max3A_676, %reduce_max3A_674 : vector<16xi32>
      %reduce_max3A_678 = vector.extract %reduce_max3A_677[15] : i32 from vector<16xi32>
      %get3A_679 = arith.constant 112 : index
      %get3A_680 = tpu.vector_load %arg9[%get3A_679] {strides = array<i32>} : memref<2048xi32, #tpu.memory_space<vmem>>, vector<16xi32>,
      %broadcast_in_dim3A_681 = arith.constant true
      %broadcast_in_dim3A_682 = vector.broadcast %broadcast_in_dim3A_681 : i1 to vector<16xi1>
      %masked_cumsum3A_683 = tpu.scan <sum>, %get3A_680 masked %broadcast_in_dim3A_682 : vector<16xi32>, vector<16xi1> -> vector<16xi32>
      %add3A_684 = vector.broadcast %reduce_max3A_678 : i32 to vector<16xi32>
      %add3A_685 = arith.addi %masked_cumsum3A_683, %add3A_684 : vector<16xi32>
      %sub3A_686 = arith.subi %add3A_685, %get3A_680 : vector<16xi32>
      %swap3A_687 = arith.constant 112 : index
      %swap3A_688 = tpu.vector_load %arg13[%swap3A_687] {strides = array<i32>} : memref<256xi32, #tpu.memory_space<vmem>>, vector<16xi32>,
      tpu.vector_store %arg13[%swap3A_687], %sub3A_686 {strides = array<i32>} : memref<256xi32, #tpu.memory_space<vmem>>, vector<16xi32>,
      %reduce_max3A_689 = arith.constant true
      %reduce_max3A_690 = vector.broadcast %reduce_max3A_689 : i1 to vector<16xi1>
      %reduce_max3A_691 = arith.constant -2147483648 : i32
      %reduce_max3A_692 = vector.broadcast %reduce_max3A_691 : i32 to vector<16xi32>
      %reduce_max3A_693 = arith.xori %add3A_685, %reduce_max3A_692 : vector<16xi32>
      %reduce_max3A_694 = tpu.scan <max>, %reduce_max3A_693 masked %reduce_max3A_690 : vector<16xi32>, vector<16xi1> -> vector<16xi32>
      %reduce_max3A_695 = arith.xori %reduce_max3A_694, %reduce_max3A_692 : vector<16xi32>
      %reduce_max3A_696 = vector.extract %reduce_max3A_695[15] : i32 from vector<16xi32>
      %get3A_697 = arith.constant 128 : index
      %get3A_698 = tpu.vector_load %arg9[%get3A_697] {strides = array<i32>} : memref<2048xi32, #tpu.memory_space<vmem>>, vector<16xi32>,
      %broadcast_in_dim3A_699 = arith.constant true
      %broadcast_in_dim3A_700 = vector.broadcast %broadcast_in_dim3A_699 : i1 to vector<16xi1>
      %masked_cumsum3A_701 = tpu.scan <sum>, %get3A_698 masked %broadcast_in_dim3A_700 : vector<16xi32>, vector<16xi1> -> vector<16xi32>
      %add3A_702 = vector.broadcast %reduce_max3A_696 : i32 to vector<16xi32>
      %add3A_703 = arith.addi %masked_cumsum3A_701, %add3A_702 : vector<16xi32>
      %sub3A_704 = arith.subi %add3A_703, %get3A_698 : vector<16xi32>
      %swap3A_705 = arith.constant 128 : index
      %swap3A_706 = tpu.vector_load %arg13[%swap3A_705] {strides = array<i32>} : memref<256xi32, #tpu.memory_space<vmem>>, vector<16xi32>,
      tpu.vector_store %arg13[%swap3A_705], %sub3A_704 {strides = array<i32>} : memref<256xi32, #tpu.memory_space<vmem>>, vector<16xi32>,
      %reduce_max3A_707 = arith.constant true
      %reduce_max3A_708 = vector.broadcast %reduce_max3A_707 : i1 to vector<16xi1>
      %reduce_max3A_709 = arith.constant -2147483648 : i32
      %reduce_max3A_710 = vector.broadcast %reduce_max3A_709 : i32 to vector<16xi32>
      %reduce_max3A_711 = arith.xori %add3A_703, %reduce_max3A_710 : vector<16xi32>
      %reduce_max3A_712 = tpu.scan <max>, %reduce_max3A_711 masked %reduce_max3A_708 : vector<16xi32>, vector<16xi1> -> vector<16xi32>
      %reduce_max3A_713 = arith.xori %reduce_max3A_712, %reduce_max3A_710 : vector<16xi32>
      %reduce_max3A_714 = vector.extract %reduce_max3A_713[15] : i32 from vector<16xi32>
      %get3A_715 = arith.constant 144 : index
      %get3A_716 = tpu.vector_load %arg9[%get3A_715] {strides = array<i32>} : memref<2048xi32, #tpu.memory_space<vmem>>, vector<16xi32>,
      %broadcast_in_dim3A_717 = arith.constant true
      %broadcast_in_dim3A_718 = vector.broadcast %broadcast_in_dim3A_717 : i1 to vector<16xi1>
      %masked_cumsum3A_719 = tpu.scan <sum>, %get3A_716 masked %broadcast_in_dim3A_718 : vector<16xi32>, vector<16xi1> -> vector<16xi32>
      %add3A_720 = vector.broadcast %reduce_max3A_714 : i32 to vector<16xi32>
      %add3A_721 = arith.addi %masked_cumsum3A_719, %add3A_720 : vector<16xi32>
      %sub3A_722 = arith.subi %add3A_721, %get3A_716 : vector<16xi32>
      %swap3A_723 = arith.constant 144 : index
      %swap3A_724 = tpu.vector_load %arg13[%swap3A_723] {strides = array<i32>} : memref<256xi32, #tpu.memory_space<vmem>>, vector<16xi32>,
      tpu.vector_store %arg13[%swap3A_723], %sub3A_722 {strides = array<i32>} : memref<256xi32, #tpu.memory_space<vmem>>, vector<16xi32>,
      %reduce_max3A_725 = arith.constant true
      %reduce_max3A_726 = vector.broadcast %reduce_max3A_725 : i1 to vector<16xi1>
      %reduce_max3A_727 = arith.constant -2147483648 : i32
      %reduce_max3A_728 = vector.broadcast %reduce_max3A_727 : i32 to vector<16xi32>
      %reduce_max3A_729 = arith.xori %add3A_721, %reduce_max3A_728 : vector<16xi32>
      %reduce_max3A_730 = tpu.scan <max>, %reduce_max3A_729 masked %reduce_max3A_726 : vector<16xi32>, vector<16xi1> -> vector<16xi32>
      %reduce_max3A_731 = arith.xori %reduce_max3A_730, %reduce_max3A_728 : vector<16xi32>
      %reduce_max3A_732 = vector.extract %reduce_max3A_731[15] : i32 from vector<16xi32>
      %get3A_733 = arith.constant 160 : index
      %get3A_734 = tpu.vector_load %arg9[%get3A_733] {strides = array<i32>} : memref<2048xi32, #tpu.memory_space<vmem>>, vector<16xi32>,
      %broadcast_in_dim3A_735 = arith.constant true
      %broadcast_in_dim3A_736 = vector.broadcast %broadcast_in_dim3A_735 : i1 to vector<16xi1>
      %masked_cumsum3A_737 = tpu.scan <sum>, %get3A_734 masked %broadcast_in_dim3A_736 : vector<16xi32>, vector<16xi1> -> vector<16xi32>
      %add3A_738 = vector.broadcast %reduce_max3A_732 : i32 to vector<16xi32>
      %add3A_739 = arith.addi %masked_cumsum3A_737, %add3A_738 : vector<16xi32>
      %sub3A_740 = arith.subi %add3A_739, %get3A_734 : vector<16xi32>
      %swap3A_741 = arith.constant 160 : index
      %swap3A_742 = tpu.vector_load %arg13[%swap3A_741] {strides = array<i32>} : memref<256xi32, #tpu.memory_space<vmem>>, vector<16xi32>,
      tpu.vector_store %arg13[%swap3A_741], %sub3A_740 {strides = array<i32>} : memref<256xi32, #tpu.memory_space<vmem>>, vector<16xi32>,
      %reduce_max3A_743 = arith.constant true
      %reduce_max3A_744 = vector.broadcast %reduce_max3A_743 : i1 to vector<16xi1>
      %reduce_max3A_745 = arith.constant -2147483648 : i32
      %reduce_max3A_746 = vector.broadcast %reduce_max3A_745 : i32 to vector<16xi32>
      %reduce_max3A_747 = arith.xori %add3A_739, %reduce_max3A_746 : vector<16xi32>
      %reduce_max3A_748 = tpu.scan <max>, %reduce_max3A_747 masked %reduce_max3A_744 : vector<16xi32>, vector<16xi1> -> vector<16xi32>
      %reduce_max3A_749 = arith.xori %reduce_max3A_748, %reduce_max3A_746 : vector<16xi32>
      %reduce_max3A_750 = vector.extract %reduce_max3A_749[15] : i32 from vector<16xi32>
      %get3A_751 = arith.constant 176 : index
      %get3A_752 = tpu.vector_load %arg9[%get3A_751] {strides = array<i32>} : memref<2048xi32, #tpu.memory_space<vmem>>, vector<16xi32>,
      %broadcast_in_dim3A_753 = arith.constant true
      %broadcast_in_dim3A_754 = vector.broadcast %broadcast_in_dim3A_753 : i1 to vector<16xi1>
      %masked_cumsum3A_755 = tpu.scan <sum>, %get3A_752 masked %broadcast_in_dim3A_754 : vector<16xi32>, vector<16xi1> -> vector<16xi32>
      %add3A_756 = vector.broadcast %reduce_max3A_750 : i32 to vector<16xi32>
      %add3A_757 = arith.addi %masked_cumsum3A_755, %add3A_756 : vector<16xi32>
      %sub3A_758 = arith.subi %add3A_757, %get3A_752 : vector<16xi32>
      %swap3A_759 = arith.constant 176 : index
      %swap3A_760 = tpu.vector_load %arg13[%swap3A_759] {strides = array<i32>} : memref<256xi32, #tpu.memory_space<vmem>>, vector<16xi32>,
      tpu.vector_store %arg13[%swap3A_759], %sub3A_758 {strides = array<i32>} : memref<256xi32, #tpu.memory_space<vmem>>, vector<16xi32>,
      %reduce_max3A_761 = arith.constant true
      %reduce_max3A_762 = vector.broadcast %reduce_max3A_761 : i1 to vector<16xi1>
      %reduce_max3A_763 = arith.constant -2147483648 : i32
      %reduce_max3A_764 = vector.broadcast %reduce_max3A_763 : i32 to vector<16xi32>
      %reduce_max3A_765 = arith.xori %add3A_757, %reduce_max3A_764 : vector<16xi32>
      %reduce_max3A_766 = tpu.scan <max>, %reduce_max3A_765 masked %reduce_max3A_762 : vector<16xi32>, vector<16xi1> -> vector<16xi32>
      %reduce_max3A_767 = arith.xori %reduce_max3A_766, %reduce_max3A_764 : vector<16xi32>
      %reduce_max3A_768 = vector.extract %reduce_max3A_767[15] : i32 from vector<16xi32>
      %get3A_769 = arith.constant 192 : index
      %get3A_770 = tpu.vector_load %arg9[%get3A_769] {strides = array<i32>} : memref<2048xi32, #tpu.memory_space<vmem>>, vector<16xi32>,
      %broadcast_in_dim3A_771 = arith.constant true
      %broadcast_in_dim3A_772 = vector.broadcast %broadcast_in_dim3A_771 : i1 to vector<16xi1>
      %masked_cumsum3A_773 = tpu.scan <sum>, %get3A_770 masked %broadcast_in_dim3A_772 : vector<16xi32>, vector<16xi1> -> vector<16xi32>
      %add3A_774 = vector.broadcast %reduce_max3A_768 : i32 to vector<16xi32>
      %add3A_775 = arith.addi %masked_cumsum3A_773, %add3A_774 : vector<16xi32>
      %sub3A_776 = arith.subi %add3A_775, %get3A_770 : vector<16xi32>
      %swap3A_777 = arith.constant 192 : index
      %swap3A_778 = tpu.vector_load %arg13[%swap3A_777] {strides = array<i32>} : memref<256xi32, #tpu.memory_space<vmem>>, vector<16xi32>,
      tpu.vector_store %arg13[%swap3A_777], %sub3A_776 {strides = array<i32>} : memref<256xi32, #tpu.memory_space<vmem>>, vector<16xi32>,
      %reduce_max3A_779 = arith.constant true
      %reduce_max3A_780 = vector.broadcast %reduce_max3A_779 : i1 to vector<16xi1>
      %reduce_max3A_781 = arith.constant -2147483648 : i32
      %reduce_max3A_782 = vector.broadcast %reduce_max3A_781 : i32 to vector<16xi32>
      %reduce_max3A_783 = arith.xori %add3A_775, %reduce_max3A_782 : vector<16xi32>
      %reduce_max3A_784 = tpu.scan <max>, %reduce_max3A_783 masked %reduce_max3A_780 : vector<16xi32>, vector<16xi1> -> vector<16xi32>
      %reduce_max3A_785 = arith.xori %reduce_max3A_784, %reduce_max3A_782 : vector<16xi32>
      %reduce_max3A_786 = vector.extract %reduce_max3A_785[15] : i32 from vector<16xi32>
      %get3A_787 = arith.constant 208 : index
      %get3A_788 = tpu.vector_load %arg9[%get3A_787] {strides = array<i32>} : memref<2048xi32, #tpu.memory_space<vmem>>, vector<16xi32>,
      %broadcast_in_dim3A_789 = arith.constant true
      %broadcast_in_dim3A_790 = vector.broadcast %broadcast_in_dim3A_789 : i1 to vector<16xi1>
      %masked_cumsum3A_791 = tpu.scan <sum>, %get3A_788 masked %broadcast_in_dim3A_790 : vector<16xi32>, vector<16xi1> -> vector<16xi32>
      %add3A_792 = vector.broadcast %reduce_max3A_786 : i32 to vector<16xi32>
      %add3A_793 = arith.addi %masked_cumsum3A_791, %add3A_792 : vector<16xi32>
      %sub3A_794 = arith.subi %add3A_793, %get3A_788 : vector<16xi32>
      %swap3A_795 = arith.constant 208 : index
      %swap3A_796 = tpu.vector_load %arg13[%swap3A_795] {strides = array<i32>} : memref<256xi32, #tpu.memory_space<vmem>>, vector<16xi32>,
      tpu.vector_store %arg13[%swap3A_795], %sub3A_794 {strides = array<i32>} : memref<256xi32, #tpu.memory_space<vmem>>, vector<16xi32>,
      %reduce_max3A_797 = arith.constant true
      %reduce_max3A_798 = vector.broadcast %reduce_max3A_797 : i1 to vector<16xi1>
      %reduce_max3A_799 = arith.constant -2147483648 : i32
      %reduce_max3A_800 = vector.broadcast %reduce_max3A_799 : i32 to vector<16xi32>
      %reduce_max3A_801 = arith.xori %add3A_793, %reduce_max3A_800 : vector<16xi32>
      %reduce_max3A_802 = tpu.scan <max>, %reduce_max3A_801 masked %reduce_max3A_798 : vector<16xi32>, vector<16xi1> -> vector<16xi32>
      %reduce_max3A_803 = arith.xori %reduce_max3A_802, %reduce_max3A_800 : vector<16xi32>
      %reduce_max3A_804 = vector.extract %reduce_max3A_803[15] : i32 from vector<16xi32>
      %get3A_805 = arith.constant 224 : index
      %get3A_806 = tpu.vector_load %arg9[%get3A_805] {strides = array<i32>} : memref<2048xi32, #tpu.memory_space<vmem>>, vector<16xi32>,
      %broadcast_in_dim3A_807 = arith.constant true
      %broadcast_in_dim3A_808 = vector.broadcast %broadcast_in_dim3A_807 : i1 to vector<16xi1>
      %masked_cumsum3A_809 = tpu.scan <sum>, %get3A_806 masked %broadcast_in_dim3A_808 : vector<16xi32>, vector<16xi1> -> vector<16xi32>
      %add3A_810 = vector.broadcast %reduce_max3A_804 : i32 to vector<16xi32>
      %add3A_811 = arith.addi %masked_cumsum3A_809, %add3A_810 : vector<16xi32>
      %sub3A_812 = arith.subi %add3A_811, %get3A_806 : vector<16xi32>
      %swap3A_813 = arith.constant 224 : index
      %swap3A_814 = tpu.vector_load %arg13[%swap3A_813] {strides = array<i32>} : memref<256xi32, #tpu.memory_space<vmem>>, vector<16xi32>,
      tpu.vector_store %arg13[%swap3A_813], %sub3A_812 {strides = array<i32>} : memref<256xi32, #tpu.memory_space<vmem>>, vector<16xi32>,
      %reduce_max3A_815 = arith.constant true
      %reduce_max3A_816 = vector.broadcast %reduce_max3A_815 : i1 to vector<16xi1>
      %reduce_max3A_817 = arith.constant -2147483648 : i32
      %reduce_max3A_818 = vector.broadcast %reduce_max3A_817 : i32 to vector<16xi32>
      %reduce_max3A_819 = arith.xori %add3A_811, %reduce_max3A_818 : vector<16xi32>
      %reduce_max3A_820 = tpu.scan <max>, %reduce_max3A_819 masked %reduce_max3A_816 : vector<16xi32>, vector<16xi1> -> vector<16xi32>
      %reduce_max3A_821 = arith.xori %reduce_max3A_820, %reduce_max3A_818 : vector<16xi32>
      %reduce_max3A_822 = vector.extract %reduce_max3A_821[15] : i32 from vector<16xi32>
      %get3A_823 = arith.constant 240 : index
      %get3A_824 = tpu.vector_load %arg9[%get3A_823] {strides = array<i32>} : memref<2048xi32, #tpu.memory_space<vmem>>, vector<16xi32>,
      %broadcast_in_dim3A_825 = arith.constant true
      %broadcast_in_dim3A_826 = vector.broadcast %broadcast_in_dim3A_825 : i1 to vector<16xi1>
      %masked_cumsum3A_827 = tpu.scan <sum>, %get3A_824 masked %broadcast_in_dim3A_826 : vector<16xi32>, vector<16xi1> -> vector<16xi32>
      %add3A_828 = vector.broadcast %reduce_max3A_822 : i32 to vector<16xi32>
      %add3A_829 = arith.addi %masked_cumsum3A_827, %add3A_828 : vector<16xi32>
      %sub3A_830 = arith.subi %add3A_829, %get3A_824 : vector<16xi32>
      %swap3A_831 = arith.constant 240 : index
      %swap3A_832 = tpu.vector_load %arg13[%swap3A_831] {strides = array<i32>} : memref<256xi32, #tpu.memory_space<vmem>>, vector<16xi32>,
      tpu.vector_store %arg13[%swap3A_831], %sub3A_830 {strides = array<i32>} : memref<256xi32, #tpu.memory_space<vmem>>, vector<16xi32>,
      %reduce_max3A_833 = arith.constant true
      %reduce_max3A_834 = vector.broadcast %reduce_max3A_833 : i1 to vector<16xi1>
      %reduce_max3A_835 = arith.constant -2147483648 : i32
      %reduce_max3A_836 = vector.broadcast %reduce_max3A_835 : i32 to vector<16xi32>
      %reduce_max3A_837 = arith.xori %add3A_829, %reduce_max3A_836 : vector<16xi32>
      %reduce_max3A_838 = tpu.scan <max>, %reduce_max3A_837 masked %reduce_max3A_834 : vector<16xi32>, vector<16xi1> -> vector<16xi32>
      %reduce_max3A_839 = arith.xori %reduce_max3A_838, %reduce_max3A_836 : vector<16xi32>
      %reduce_max3A_840 = vector.extract %reduce_max3A_839[15] : i32 from vector<16xi32>
      %scan3A_841 = arith.constant 0 : i32
      %scan3A_842 = arith.constant 0 : i32
      %scan3A_843 = arith.constant 64 : i32
      %scan3A_844 = arith.addi %scan3A_842, %scan3A_843 : i32
      %scan3A_845 = arith.constant 1 : i32
      scf.for %scan3A_1770 = %scan3A_842 to %scan3A_844 step %scan3A_845  : i32 {
        %mul3A_1771 = arith.constant 16 : i32
        %mul3A_1772 = arith.muli %scan3A_1770, %mul3A_1771 : i32
        %get3A_1773 = arith.index_cast %mul3A_1772 : i32 to index
        %get3A_1774 = tpu.vector_load %arg18[%get3A_1773] {strides = array<i32>} : memref<1024xi32, #tpu.memory_space<vmem>>, vector<16xi32>,
        %mul3A_1775 = arith.constant 16 : i32
        %mul3A_1776 = arith.muli %scan3A_1770, %mul3A_1775 : i32
        %get3A_1777 = arith.index_cast %mul3A_1776 : i32 to index
        %get3A_1778 = tpu.vector_load %arg19[%get3A_1777] {strides = array<i32>} : memref<1024xi32, #tpu.memory_space<vmem>>, vector<16xi32>,
        %shift_right_logical3A_1779 = arith.constant 0 : i32
        %shift_right_logical3A_1780 = vector.broadcast %shift_right_logical3A_1779 : i32 to vector<16xi32>
        %shift_right_logical3A_1781 = arith.shrui %get3A_1774, %shift_right_logical3A_1780 : vector<16xi32>
        %and3A_1782 = arith.constant 255 : i32
        %and3A_1783 = vector.broadcast %and3A_1782 : i32 to vector<16xi32>
        %and3A_1784 = arith.andi %shift_right_logical3A_1781, %and3A_1783 : vector<16xi32>
        %broadcast_in_dim3A_1785 = arith.constant true
        %broadcast_in_dim3A_1786 = vector.broadcast %broadcast_in_dim3A_1785 : i1 to vector<16xi1>
        %unique3A, %unique3A_1787 = tpu.scan_count mask(%broadcast_in_dim3A_1786 : vector<16xi1>) value(%and3A_1784 : vector<16xi32>) : vector<16xi1>, vector<16xi32>
        %gather3A_1788 = tpu.vector_load_idx %arg13[%and3A_1784] : memref<256xi32, #tpu.memory_space<vmem>>[vector<16xi32>], vector<16xi32>,
        %sub3A_1789 = arith.constant 1 : i32
        %sub3A_1790 = vector.broadcast %sub3A_1789 : i32 to vector<16xi32>
        %sub3A_1791 = arith.subi %unique3A_1787, %sub3A_1790 : vector<16xi32>
        %add3A_1792 = arith.addi %gather3A_1788, %sub3A_1791 : vector<16xi32>
        tpu.vector_store_idx %arg14[%add3A_1792], %get3A_1774 : memref<1024xi32, #tpu.memory_space<vmem>>[vector<16xi32>], vector<16xi32>,
        tpu.vector_store_idx %arg15[%add3A_1792], %get3A_1778 : memref<1024xi32, #tpu.memory_space<vmem>>[vector<16xi32>], vector<16xi32>,
        tpu.vector_store_idx %arg13[%and3A_1784], %unique3A_1787 masked %unique3A {add = true} : memref<256xi32, #tpu.memory_space<vmem>>[vector<16xi32>], vector<16xi32>, vector<16xi1>
      }
      %scan3A_846 = arith.constant 64 : i32
      %scan3A_847 = arith.constant 0 : i32
      %scan3A_848 = arith.constant 0 : i32
      %scan3A_849 = arith.constant 16 : i32
      %scan3A_850 = arith.addi %scan3A_848, %scan3A_849 : i32
      %scan3A_851 = arith.constant 1 : i32
      scf.for %scan3A_1770 = %scan3A_848 to %scan3A_850 step %scan3A_851  : i32 {
        %mul3A_1771 = arith.constant 16 : i32
        %mul3A_1772 = arith.muli %scan3A_1770, %mul3A_1771 : i32
        %swap3A_1773 = arith.index_cast %mul3A_1772 : i32 to index
        %swap3A_1774 = tpu.vector_load %arg9[%swap3A_1773] {strides = array<i32>} : memref<2048xi32, #tpu.memory_space<vmem>>, vector<16xi32>,
        tpu.vector_store %arg9[%swap3A_1773], %broadcast_in_dim3A_42 {strides = array<i32>} : memref<2048xi32, #tpu.memory_space<vmem>>, vector<16xi32>,
      }
      %scan3A_852 = arith.constant 16 : i32
      %scan3A_853 = arith.constant 0 : i32
      %scan3A_854 = arith.constant 0 : i32
      %scan3A_855 = arith.constant 64 : i32
      %scan3A_856 = arith.addi %scan3A_854, %scan3A_855 : i32
      %scan3A_857 = arith.constant 1 : i32
      scf.for %scan3A_1770 = %scan3A_854 to %scan3A_856 step %scan3A_857  : i32 {
        %mul3A_1771 = arith.constant 16 : i32
        %mul3A_1772 = arith.muli %scan3A_1770, %mul3A_1771 : i32
        %get3A_1773 = arith.index_cast %mul3A_1772 : i32 to index
        %get3A_1774 = tpu.vector_load %arg14[%get3A_1773] {strides = array<i32>} : memref<1024xi32, #tpu.memory_space<vmem>>, vector<16xi32>,
        %shift_right_logical3A_1775 = arith.constant 8 : i32
        %shift_right_logical3A_1776 = vector.broadcast %shift_right_logical3A_1775 : i32 to vector<16xi32>
        %shift_right_logical3A_1777 = arith.shrui %get3A_1774, %shift_right_logical3A_1776 : vector<16xi32>
        %and3A_1778 = arith.constant 255 : i32
        %and3A_1779 = vector.broadcast %and3A_1778 : i32 to vector<16xi32>
        %and3A_1780 = arith.andi %shift_right_logical3A_1777, %and3A_1779 : vector<16xi32>
        %broadcast_in_dim3A_1781 = arith.constant true
        %broadcast_in_dim3A_1782 = vector.broadcast %broadcast_in_dim3A_1781 : i1 to vector<16xi1>
        %unique3A, %unique3A_1783 = tpu.scan_count mask(%broadcast_in_dim3A_1782 : vector<16xi1>) value(%and3A_1780 : vector<16xi32>) : vector<16xi1>, vector<16xi32>
        tpu.vector_store_idx %arg9[%and3A_1780], %unique3A_1783 masked %unique3A {add = true} : memref<2048xi32, #tpu.memory_space<vmem>>[vector<16xi32>], vector<16xi32>, vector<16xi1>
      }
      %scan3A_858 = arith.constant 64 : i32
      %get3A_859 = arith.constant 0 : index
      %get3A_860 = tpu.vector_load %arg9[%get3A_859] {strides = array<i32>} : memref<2048xi32, #tpu.memory_space<vmem>>, vector<16xi32>,
      %broadcast_in_dim3A_861 = arith.constant true
      %broadcast_in_dim3A_862 = vector.broadcast %broadcast_in_dim3A_861 : i1 to vector<16xi1>
      %masked_cumsum3A_863 = tpu.scan <sum>, %get3A_860 masked %broadcast_in_dim3A_862 : vector<16xi32>, vector<16xi1> -> vector<16xi32>
      %add3A_864 = arith.constant 0 : i32
      %add3A_865 = vector.broadcast %add3A_864 : i32 to vector<16xi32>
      %add3A_866 = arith.addi %masked_cumsum3A_863, %add3A_865 : vector<16xi32>
      %sub3A_867 = arith.subi %add3A_866, %get3A_860 : vector<16xi32>
      %swap3A_868 = arith.constant 0 : index
      %swap3A_869 = tpu.vector_load %arg13[%swap3A_868] {strides = array<i32>} : memref<256xi32, #tpu.memory_space<vmem>>, vector<16xi32>,
      tpu.vector_store %arg13[%swap3A_868], %sub3A_867 {strides = array<i32>} : memref<256xi32, #tpu.memory_space<vmem>>, vector<16xi32>,
      %reduce_max3A_870 = arith.constant true
      %reduce_max3A_871 = vector.broadcast %reduce_max3A_870 : i1 to vector<16xi1>
      %reduce_max3A_872 = arith.constant -2147483648 : i32
      %reduce_max3A_873 = vector.broadcast %reduce_max3A_872 : i32 to vector<16xi32>
      %reduce_max3A_874 = arith.xori %add3A_866, %reduce_max3A_873 : vector<16xi32>
      %reduce_max3A_875 = tpu.scan <max>, %reduce_max3A_874 masked %reduce_max3A_871 : vector<16xi32>, vector<16xi1> -> vector<16xi32>
      %reduce_max3A_876 = arith.xori %reduce_max3A_875, %reduce_max3A_873 : vector<16xi32>
      %reduce_max3A_877 = vector.extract %reduce_max3A_876[15] : i32 from vector<16xi32>
      %get3A_878 = arith.constant 16 : index
      %get3A_879 = tpu.vector_load %arg9[%get3A_878] {strides = array<i32>} : memref<2048xi32, #tpu.memory_space<vmem>>, vector<16xi32>,
      %broadcast_in_dim3A_880 = arith.constant true
      %broadcast_in_dim3A_881 = vector.broadcast %broadcast_in_dim3A_880 : i1 to vector<16xi1>
      %masked_cumsum3A_882 = tpu.scan <sum>, %get3A_879 masked %broadcast_in_dim3A_881 : vector<16xi32>, vector<16xi1> -> vector<16xi32>
      %add3A_883 = vector.broadcast %reduce_max3A_877 : i32 to vector<16xi32>
      %add3A_884 = arith.addi %masked_cumsum3A_882, %add3A_883 : vector<16xi32>
      %sub3A_885 = arith.subi %add3A_884, %get3A_879 : vector<16xi32>
      %swap3A_886 = arith.constant 16 : index
      %swap3A_887 = tpu.vector_load %arg13[%swap3A_886] {strides = array<i32>} : memref<256xi32, #tpu.memory_space<vmem>>, vector<16xi32>,
      tpu.vector_store %arg13[%swap3A_886], %sub3A_885 {strides = array<i32>} : memref<256xi32, #tpu.memory_space<vmem>>, vector<16xi32>,
      %reduce_max3A_888 = arith.constant true
      %reduce_max3A_889 = vector.broadcast %reduce_max3A_888 : i1 to vector<16xi1>
      %reduce_max3A_890 = arith.constant -2147483648 : i32
      %reduce_max3A_891 = vector.broadcast %reduce_max3A_890 : i32 to vector<16xi32>
      %reduce_max3A_892 = arith.xori %add3A_884, %reduce_max3A_891 : vector<16xi32>
      %reduce_max3A_893 = tpu.scan <max>, %reduce_max3A_892 masked %reduce_max3A_889 : vector<16xi32>, vector<16xi1> -> vector<16xi32>
      %reduce_max3A_894 = arith.xori %reduce_max3A_893, %reduce_max3A_891 : vector<16xi32>
      %reduce_max3A_895 = vector.extract %reduce_max3A_894[15] : i32 from vector<16xi32>
      %get3A_896 = arith.constant 32 : index
      %get3A_897 = tpu.vector_load %arg9[%get3A_896] {strides = array<i32>} : memref<2048xi32, #tpu.memory_space<vmem>>, vector<16xi32>,
      %broadcast_in_dim3A_898 = arith.constant true
      %broadcast_in_dim3A_899 = vector.broadcast %broadcast_in_dim3A_898 : i1 to vector<16xi1>
      %masked_cumsum3A_900 = tpu.scan <sum>, %get3A_897 masked %broadcast_in_dim3A_899 : vector<16xi32>, vector<16xi1> -> vector<16xi32>
      %add3A_901 = vector.broadcast %reduce_max3A_895 : i32 to vector<16xi32>
      %add3A_902 = arith.addi %masked_cumsum3A_900, %add3A_901 : vector<16xi32>
      %sub3A_903 = arith.subi %add3A_902, %get3A_897 : vector<16xi32>
      %swap3A_904 = arith.constant 32 : index
      %swap3A_905 = tpu.vector_load %arg13[%swap3A_904] {strides = array<i32>} : memref<256xi32, #tpu.memory_space<vmem>>, vector<16xi32>,
      tpu.vector_store %arg13[%swap3A_904], %sub3A_903 {strides = array<i32>} : memref<256xi32, #tpu.memory_space<vmem>>, vector<16xi32>,
      %reduce_max3A_906 = arith.constant true
      %reduce_max3A_907 = vector.broadcast %reduce_max3A_906 : i1 to vector<16xi1>
      %reduce_max3A_908 = arith.constant -2147483648 : i32
      %reduce_max3A_909 = vector.broadcast %reduce_max3A_908 : i32 to vector<16xi32>
      %reduce_max3A_910 = arith.xori %add3A_902, %reduce_max3A_909 : vector<16xi32>
      %reduce_max3A_911 = tpu.scan <max>, %reduce_max3A_910 masked %reduce_max3A_907 : vector<16xi32>, vector<16xi1> -> vector<16xi32>
      %reduce_max3A_912 = arith.xori %reduce_max3A_911, %reduce_max3A_909 : vector<16xi32>
      %reduce_max3A_913 = vector.extract %reduce_max3A_912[15] : i32 from vector<16xi32>
      %get3A_914 = arith.constant 48 : index
      %get3A_915 = tpu.vector_load %arg9[%get3A_914] {strides = array<i32>} : memref<2048xi32, #tpu.memory_space<vmem>>, vector<16xi32>,
      %broadcast_in_dim3A_916 = arith.constant true
      %broadcast_in_dim3A_917 = vector.broadcast %broadcast_in_dim3A_916 : i1 to vector<16xi1>
      %masked_cumsum3A_918 = tpu.scan <sum>, %get3A_915 masked %broadcast_in_dim3A_917 : vector<16xi32>, vector<16xi1> -> vector<16xi32>
      %add3A_919 = vector.broadcast %reduce_max3A_913 : i32 to vector<16xi32>
      %add3A_920 = arith.addi %masked_cumsum3A_918, %add3A_919 : vector<16xi32>
      %sub3A_921 = arith.subi %add3A_920, %get3A_915 : vector<16xi32>
      %swap3A_922 = arith.constant 48 : index
      %swap3A_923 = tpu.vector_load %arg13[%swap3A_922] {strides = array<i32>} : memref<256xi32, #tpu.memory_space<vmem>>, vector<16xi32>,
      tpu.vector_store %arg13[%swap3A_922], %sub3A_921 {strides = array<i32>} : memref<256xi32, #tpu.memory_space<vmem>>, vector<16xi32>,
      %reduce_max3A_924 = arith.constant true
      %reduce_max3A_925 = vector.broadcast %reduce_max3A_924 : i1 to vector<16xi1>
      %reduce_max3A_926 = arith.constant -2147483648 : i32
      %reduce_max3A_927 = vector.broadcast %reduce_max3A_926 : i32 to vector<16xi32>
      %reduce_max3A_928 = arith.xori %add3A_920, %reduce_max3A_927 : vector<16xi32>
      %reduce_max3A_929 = tpu.scan <max>, %reduce_max3A_928 masked %reduce_max3A_925 : vector<16xi32>, vector<16xi1> -> vector<16xi32>
      %reduce_max3A_930 = arith.xori %reduce_max3A_929, %reduce_max3A_927 : vector<16xi32>
      %reduce_max3A_931 = vector.extract %reduce_max3A_930[15] : i32 from vector<16xi32>
      %get3A_932 = arith.constant 64 : index
      %get3A_933 = tpu.vector_load %arg9[%get3A_932] {strides = array<i32>} : memref<2048xi32, #tpu.memory_space<vmem>>, vector<16xi32>,
      %broadcast_in_dim3A_934 = arith.constant true
      %broadcast_in_dim3A_935 = vector.broadcast %broadcast_in_dim3A_934 : i1 to vector<16xi1>
      %masked_cumsum3A_936 = tpu.scan <sum>, %get3A_933 masked %broadcast_in_dim3A_935 : vector<16xi32>, vector<16xi1> -> vector<16xi32>
      %add3A_937 = vector.broadcast %reduce_max3A_931 : i32 to vector<16xi32>
      %add3A_938 = arith.addi %masked_cumsum3A_936, %add3A_937 : vector<16xi32>
      %sub3A_939 = arith.subi %add3A_938, %get3A_933 : vector<16xi32>
      %swap3A_940 = arith.constant 64 : index
      %swap3A_941 = tpu.vector_load %arg13[%swap3A_940] {strides = array<i32>} : memref<256xi32, #tpu.memory_space<vmem>>, vector<16xi32>,
      tpu.vector_store %arg13[%swap3A_940], %sub3A_939 {strides = array<i32>} : memref<256xi32, #tpu.memory_space<vmem>>, vector<16xi32>,
      %reduce_max3A_942 = arith.constant true
      %reduce_max3A_943 = vector.broadcast %reduce_max3A_942 : i1 to vector<16xi1>
      %reduce_max3A_944 = arith.constant -2147483648 : i32
      %reduce_max3A_945 = vector.broadcast %reduce_max3A_944 : i32 to vector<16xi32>
      %reduce_max3A_946 = arith.xori %add3A_938, %reduce_max3A_945 : vector<16xi32>
      %reduce_max3A_947 = tpu.scan <max>, %reduce_max3A_946 masked %reduce_max3A_943 : vector<16xi32>, vector<16xi1> -> vector<16xi32>
      %reduce_max3A_948 = arith.xori %reduce_max3A_947, %reduce_max3A_945 : vector<16xi32>
      %reduce_max3A_949 = vector.extract %reduce_max3A_948[15] : i32 from vector<16xi32>
      %get3A_950 = arith.constant 80 : index
      %get3A_951 = tpu.vector_load %arg9[%get3A_950] {strides = array<i32>} : memref<2048xi32, #tpu.memory_space<vmem>>, vector<16xi32>,
      %broadcast_in_dim3A_952 = arith.constant true
      %broadcast_in_dim3A_953 = vector.broadcast %broadcast_in_dim3A_952 : i1 to vector<16xi1>
      %masked_cumsum3A_954 = tpu.scan <sum>, %get3A_951 masked %broadcast_in_dim3A_953 : vector<16xi32>, vector<16xi1> -> vector<16xi32>
      %add3A_955 = vector.broadcast %reduce_max3A_949 : i32 to vector<16xi32>
      %add3A_956 = arith.addi %masked_cumsum3A_954, %add3A_955 : vector<16xi32>
      %sub3A_957 = arith.subi %add3A_956, %get3A_951 : vector<16xi32>
      %swap3A_958 = arith.constant 80 : index
      %swap3A_959 = tpu.vector_load %arg13[%swap3A_958] {strides = array<i32>} : memref<256xi32, #tpu.memory_space<vmem>>, vector<16xi32>,
      tpu.vector_store %arg13[%swap3A_958], %sub3A_957 {strides = array<i32>} : memref<256xi32, #tpu.memory_space<vmem>>, vector<16xi32>,
      %reduce_max3A_960 = arith.constant true
      %reduce_max3A_961 = vector.broadcast %reduce_max3A_960 : i1 to vector<16xi1>
      %reduce_max3A_962 = arith.constant -2147483648 : i32
      %reduce_max3A_963 = vector.broadcast %reduce_max3A_962 : i32 to vector<16xi32>
      %reduce_max3A_964 = arith.xori %add3A_956, %reduce_max3A_963 : vector<16xi32>
      %reduce_max3A_965 = tpu.scan <max>, %reduce_max3A_964 masked %reduce_max3A_961 : vector<16xi32>, vector<16xi1> -> vector<16xi32>
      %reduce_max3A_966 = arith.xori %reduce_max3A_965, %reduce_max3A_963 : vector<16xi32>
      %reduce_max3A_967 = vector.extract %reduce_max3A_966[15] : i32 from vector<16xi32>
      %get3A_968 = arith.constant 96 : index
      %get3A_969 = tpu.vector_load %arg9[%get3A_968] {strides = array<i32>} : memref<2048xi32, #tpu.memory_space<vmem>>, vector<16xi32>,
      %broadcast_in_dim3A_970 = arith.constant true
      %broadcast_in_dim3A_971 = vector.broadcast %broadcast_in_dim3A_970 : i1 to vector<16xi1>
      %masked_cumsum3A_972 = tpu.scan <sum>, %get3A_969 masked %broadcast_in_dim3A_971 : vector<16xi32>, vector<16xi1> -> vector<16xi32>
      %add3A_973 = vector.broadcast %reduce_max3A_967 : i32 to vector<16xi32>
      %add3A_974 = arith.addi %masked_cumsum3A_972, %add3A_973 : vector<16xi32>
      %sub3A_975 = arith.subi %add3A_974, %get3A_969 : vector<16xi32>
      %swap3A_976 = arith.constant 96 : index
      %swap3A_977 = tpu.vector_load %arg13[%swap3A_976] {strides = array<i32>} : memref<256xi32, #tpu.memory_space<vmem>>, vector<16xi32>,
      tpu.vector_store %arg13[%swap3A_976], %sub3A_975 {strides = array<i32>} : memref<256xi32, #tpu.memory_space<vmem>>, vector<16xi32>,
      %reduce_max3A_978 = arith.constant true
      %reduce_max3A_979 = vector.broadcast %reduce_max3A_978 : i1 to vector<16xi1>
      %reduce_max3A_980 = arith.constant -2147483648 : i32
      %reduce_max3A_981 = vector.broadcast %reduce_max3A_980 : i32 to vector<16xi32>
      %reduce_max3A_982 = arith.xori %add3A_974, %reduce_max3A_981 : vector<16xi32>
      %reduce_max3A_983 = tpu.scan <max>, %reduce_max3A_982 masked %reduce_max3A_979 : vector<16xi32>, vector<16xi1> -> vector<16xi32>
      %reduce_max3A_984 = arith.xori %reduce_max3A_983, %reduce_max3A_981 : vector<16xi32>
      %reduce_max3A_985 = vector.extract %reduce_max3A_984[15] : i32 from vector<16xi32>
      %get3A_986 = arith.constant 112 : index
      %get3A_987 = tpu.vector_load %arg9[%get3A_986] {strides = array<i32>} : memref<2048xi32, #tpu.memory_space<vmem>>, vector<16xi32>,
      %broadcast_in_dim3A_988 = arith.constant true
      %broadcast_in_dim3A_989 = vector.broadcast %broadcast_in_dim3A_988 : i1 to vector<16xi1>
      %masked_cumsum3A_990 = tpu.scan <sum>, %get3A_987 masked %broadcast_in_dim3A_989 : vector<16xi32>, vector<16xi1> -> vector<16xi32>
      %add3A_991 = vector.broadcast %reduce_max3A_985 : i32 to vector<16xi32>
      %add3A_992 = arith.addi %masked_cumsum3A_990, %add3A_991 : vector<16xi32>
      %sub3A_993 = arith.subi %add3A_992, %get3A_987 : vector<16xi32>
      %swap3A_994 = arith.constant 112 : index
      %swap3A_995 = tpu.vector_load %arg13[%swap3A_994] {strides = array<i32>} : memref<256xi32, #tpu.memory_space<vmem>>, vector<16xi32>,
      tpu.vector_store %arg13[%swap3A_994], %sub3A_993 {strides = array<i32>} : memref<256xi32, #tpu.memory_space<vmem>>, vector<16xi32>,
      %reduce_max3A_996 = arith.constant true
      %reduce_max3A_997 = vector.broadcast %reduce_max3A_996 : i1 to vector<16xi1>
      %reduce_max3A_998 = arith.constant -2147483648 : i32
      %reduce_max3A_999 = vector.broadcast %reduce_max3A_998 : i32 to vector<16xi32>
      %reduce_max3A_1000 = arith.xori %add3A_992, %reduce_max3A_999 : vector<16xi32>
      %reduce_max3A_1001 = tpu.scan <max>, %reduce_max3A_1000 masked %reduce_max3A_997 : vector<16xi32>, vector<16xi1> -> vector<16xi32>
      %reduce_max3A_1002 = arith.xori %reduce_max3A_1001, %reduce_max3A_999 : vector<16xi32>
      %reduce_max3A_1003 = vector.extract %reduce_max3A_1002[15] : i32 from vector<16xi32>
      %get3A_1004 = arith.constant 128 : index
      %get3A_1005 = tpu.vector_load %arg9[%get3A_1004] {strides = array<i32>} : memref<2048xi32, #tpu.memory_space<vmem>>, vector<16xi32>,
      %broadcast_in_dim3A_1006 = arith.constant true
      %broadcast_in_dim3A_1007 = vector.broadcast %broadcast_in_dim3A_1006 : i1 to vector<16xi1>
      %masked_cumsum3A_1008 = tpu.scan <sum>, %get3A_1005 masked %broadcast_in_dim3A_1007 : vector<16xi32>, vector<16xi1> -> vector<16xi32>
      %add3A_1009 = vector.broadcast %reduce_max3A_1003 : i32 to vector<16xi32>
      %add3A_1010 = arith.addi %masked_cumsum3A_1008, %add3A_1009 : vector<16xi32>
      %sub3A_1011 = arith.subi %add3A_1010, %get3A_1005 : vector<16xi32>
      %swap3A_1012 = arith.constant 128 : index
      %swap3A_1013 = tpu.vector_load %arg13[%swap3A_1012] {strides = array<i32>} : memref<256xi32, #tpu.memory_space<vmem>>, vector<16xi32>,
      tpu.vector_store %arg13[%swap3A_1012], %sub3A_1011 {strides = array<i32>} : memref<256xi32, #tpu.memory_space<vmem>>, vector<16xi32>,
      %reduce_max3A_1014 = arith.constant true
      %reduce_max3A_1015 = vector.broadcast %reduce_max3A_1014 : i1 to vector<16xi1>
      %reduce_max3A_1016 = arith.constant -2147483648 : i32
      %reduce_max3A_1017 = vector.broadcast %reduce_max3A_1016 : i32 to vector<16xi32>
      %reduce_max3A_1018 = arith.xori %add3A_1010, %reduce_max3A_1017 : vector<16xi32>
      %reduce_max3A_1019 = tpu.scan <max>, %reduce_max3A_1018 masked %reduce_max3A_1015 : vector<16xi32>, vector<16xi1> -> vector<16xi32>
      %reduce_max3A_1020 = arith.xori %reduce_max3A_1019, %reduce_max3A_1017 : vector<16xi32>
      %reduce_max3A_1021 = vector.extract %reduce_max3A_1020[15] : i32 from vector<16xi32>
      %get3A_1022 = arith.constant 144 : index
      %get3A_1023 = tpu.vector_load %arg9[%get3A_1022] {strides = array<i32>} : memref<2048xi32, #tpu.memory_space<vmem>>, vector<16xi32>,
      %broadcast_in_dim3A_1024 = arith.constant true
      %broadcast_in_dim3A_1025 = vector.broadcast %broadcast_in_dim3A_1024 : i1 to vector<16xi1>
      %masked_cumsum3A_1026 = tpu.scan <sum>, %get3A_1023 masked %broadcast_in_dim3A_1025 : vector<16xi32>, vector<16xi1> -> vector<16xi32>
      %add3A_1027 = vector.broadcast %reduce_max3A_1021 : i32 to vector<16xi32>
      %add3A_1028 = arith.addi %masked_cumsum3A_1026, %add3A_1027 : vector<16xi32>
      %sub3A_1029 = arith.subi %add3A_1028, %get3A_1023 : vector<16xi32>
      %swap3A_1030 = arith.constant 144 : index
      %swap3A_1031 = tpu.vector_load %arg13[%swap3A_1030] {strides = array<i32>} : memref<256xi32, #tpu.memory_space<vmem>>, vector<16xi32>,
      tpu.vector_store %arg13[%swap3A_1030], %sub3A_1029 {strides = array<i32>} : memref<256xi32, #tpu.memory_space<vmem>>, vector<16xi32>,
      %reduce_max3A_1032 = arith.constant true
      %reduce_max3A_1033 = vector.broadcast %reduce_max3A_1032 : i1 to vector<16xi1>
      %reduce_max3A_1034 = arith.constant -2147483648 : i32
      %reduce_max3A_1035 = vector.broadcast %reduce_max3A_1034 : i32 to vector<16xi32>
      %reduce_max3A_1036 = arith.xori %add3A_1028, %reduce_max3A_1035 : vector<16xi32>
      %reduce_max3A_1037 = tpu.scan <max>, %reduce_max3A_1036 masked %reduce_max3A_1033 : vector<16xi32>, vector<16xi1> -> vector<16xi32>
      %reduce_max3A_1038 = arith.xori %reduce_max3A_1037, %reduce_max3A_1035 : vector<16xi32>
      %reduce_max3A_1039 = vector.extract %reduce_max3A_1038[15] : i32 from vector<16xi32>
      %get3A_1040 = arith.constant 160 : index
      %get3A_1041 = tpu.vector_load %arg9[%get3A_1040] {strides = array<i32>} : memref<2048xi32, #tpu.memory_space<vmem>>, vector<16xi32>,
      %broadcast_in_dim3A_1042 = arith.constant true
      %broadcast_in_dim3A_1043 = vector.broadcast %broadcast_in_dim3A_1042 : i1 to vector<16xi1>
      %masked_cumsum3A_1044 = tpu.scan <sum>, %get3A_1041 masked %broadcast_in_dim3A_1043 : vector<16xi32>, vector<16xi1> -> vector<16xi32>
      %add3A_1045 = vector.broadcast %reduce_max3A_1039 : i32 to vector<16xi32>
      %add3A_1046 = arith.addi %masked_cumsum3A_1044, %add3A_1045 : vector<16xi32>
      %sub3A_1047 = arith.subi %add3A_1046, %get3A_1041 : vector<16xi32>
      %swap3A_1048 = arith.constant 160 : index
      %swap3A_1049 = tpu.vector_load %arg13[%swap3A_1048] {strides = array<i32>} : memref<256xi32, #tpu.memory_space<vmem>>, vector<16xi32>,
      tpu.vector_store %arg13[%swap3A_1048], %sub3A_1047 {strides = array<i32>} : memref<256xi32, #tpu.memory_space<vmem>>, vector<16xi32>,
      %reduce_max3A_1050 = arith.constant true
      %reduce_max3A_1051 = vector.broadcast %reduce_max3A_1050 : i1 to vector<16xi1>
      %reduce_max3A_1052 = arith.constant -2147483648 : i32
      %reduce_max3A_1053 = vector.broadcast %reduce_max3A_1052 : i32 to vector<16xi32>
      %reduce_max3A_1054 = arith.xori %add3A_1046, %reduce_max3A_1053 : vector<16xi32>
      %reduce_max3A_1055 = tpu.scan <max>, %reduce_max3A_1054 masked %reduce_max3A_1051 : vector<16xi32>, vector<16xi1> -> vector<16xi32>
      %reduce_max3A_1056 = arith.xori %reduce_max3A_1055, %reduce_max3A_1053 : vector<16xi32>
      %reduce_max3A_1057 = vector.extract %reduce_max3A_1056[15] : i32 from vector<16xi32>
      %get3A_1058 = arith.constant 176 : index
      %get3A_1059 = tpu.vector_load %arg9[%get3A_1058] {strides = array<i32>} : memref<2048xi32, #tpu.memory_space<vmem>>, vector<16xi32>,
      %broadcast_in_dim3A_1060 = arith.constant true
      %broadcast_in_dim3A_1061 = vector.broadcast %broadcast_in_dim3A_1060 : i1 to vector<16xi1>
      %masked_cumsum3A_1062 = tpu.scan <sum>, %get3A_1059 masked %broadcast_in_dim3A_1061 : vector<16xi32>, vector<16xi1> -> vector<16xi32>
      %add3A_1063 = vector.broadcast %reduce_max3A_1057 : i32 to vector<16xi32>
      %add3A_1064 = arith.addi %masked_cumsum3A_1062, %add3A_1063 : vector<16xi32>
      %sub3A_1065 = arith.subi %add3A_1064, %get3A_1059 : vector<16xi32>
      %swap3A_1066 = arith.constant 176 : index
      %swap3A_1067 = tpu.vector_load %arg13[%swap3A_1066] {strides = array<i32>} : memref<256xi32, #tpu.memory_space<vmem>>, vector<16xi32>,
      tpu.vector_store %arg13[%swap3A_1066], %sub3A_1065 {strides = array<i32>} : memref<256xi32, #tpu.memory_space<vmem>>, vector<16xi32>,
      %reduce_max3A_1068 = arith.constant true
      %reduce_max3A_1069 = vector.broadcast %reduce_max3A_1068 : i1 to vector<16xi1>
      %reduce_max3A_1070 = arith.constant -2147483648 : i32
      %reduce_max3A_1071 = vector.broadcast %reduce_max3A_1070 : i32 to vector<16xi32>
      %reduce_max3A_1072 = arith.xori %add3A_1064, %reduce_max3A_1071 : vector<16xi32>
      %reduce_max3A_1073 = tpu.scan <max>, %reduce_max3A_1072 masked %reduce_max3A_1069 : vector<16xi32>, vector<16xi1> -> vector<16xi32>
      %reduce_max3A_1074 = arith.xori %reduce_max3A_1073, %reduce_max3A_1071 : vector<16xi32>
      %reduce_max3A_1075 = vector.extract %reduce_max3A_1074[15] : i32 from vector<16xi32>
      %get3A_1076 = arith.constant 192 : index
      %get3A_1077 = tpu.vector_load %arg9[%get3A_1076] {strides = array<i32>} : memref<2048xi32, #tpu.memory_space<vmem>>, vector<16xi32>,
      %broadcast_in_dim3A_1078 = arith.constant true
      %broadcast_in_dim3A_1079 = vector.broadcast %broadcast_in_dim3A_1078 : i1 to vector<16xi1>
      %masked_cumsum3A_1080 = tpu.scan <sum>, %get3A_1077 masked %broadcast_in_dim3A_1079 : vector<16xi32>, vector<16xi1> -> vector<16xi32>
      %add3A_1081 = vector.broadcast %reduce_max3A_1075 : i32 to vector<16xi32>
      %add3A_1082 = arith.addi %masked_cumsum3A_1080, %add3A_1081 : vector<16xi32>
      %sub3A_1083 = arith.subi %add3A_1082, %get3A_1077 : vector<16xi32>
      %swap3A_1084 = arith.constant 192 : index
      %swap3A_1085 = tpu.vector_load %arg13[%swap3A_1084] {strides = array<i32>} : memref<256xi32, #tpu.memory_space<vmem>>, vector<16xi32>,
      tpu.vector_store %arg13[%swap3A_1084], %sub3A_1083 {strides = array<i32>} : memref<256xi32, #tpu.memory_space<vmem>>, vector<16xi32>,
      %reduce_max3A_1086 = arith.constant true
      %reduce_max3A_1087 = vector.broadcast %reduce_max3A_1086 : i1 to vector<16xi1>
      %reduce_max3A_1088 = arith.constant -2147483648 : i32
      %reduce_max3A_1089 = vector.broadcast %reduce_max3A_1088 : i32 to vector<16xi32>
      %reduce_max3A_1090 = arith.xori %add3A_1082, %reduce_max3A_1089 : vector<16xi32>
      %reduce_max3A_1091 = tpu.scan <max>, %reduce_max3A_1090 masked %reduce_max3A_1087 : vector<16xi32>, vector<16xi1> -> vector<16xi32>
      %reduce_max3A_1092 = arith.xori %reduce_max3A_1091, %reduce_max3A_1089 : vector<16xi32>
      %reduce_max3A_1093 = vector.extract %reduce_max3A_1092[15] : i32 from vector<16xi32>
      %get3A_1094 = arith.constant 208 : index
      %get3A_1095 = tpu.vector_load %arg9[%get3A_1094] {strides = array<i32>} : memref<2048xi32, #tpu.memory_space<vmem>>, vector<16xi32>,
      %broadcast_in_dim3A_1096 = arith.constant true
      %broadcast_in_dim3A_1097 = vector.broadcast %broadcast_in_dim3A_1096 : i1 to vector<16xi1>
      %masked_cumsum3A_1098 = tpu.scan <sum>, %get3A_1095 masked %broadcast_in_dim3A_1097 : vector<16xi32>, vector<16xi1> -> vector<16xi32>
      %add3A_1099 = vector.broadcast %reduce_max3A_1093 : i32 to vector<16xi32>
      %add3A_1100 = arith.addi %masked_cumsum3A_1098, %add3A_1099 : vector<16xi32>
      %sub3A_1101 = arith.subi %add3A_1100, %get3A_1095 : vector<16xi32>
      %swap3A_1102 = arith.constant 208 : index
      %swap3A_1103 = tpu.vector_load %arg13[%swap3A_1102] {strides = array<i32>} : memref<256xi32, #tpu.memory_space<vmem>>, vector<16xi32>,
      tpu.vector_store %arg13[%swap3A_1102], %sub3A_1101 {strides = array<i32>} : memref<256xi32, #tpu.memory_space<vmem>>, vector<16xi32>,
      %reduce_max3A_1104 = arith.constant true
      %reduce_max3A_1105 = vector.broadcast %reduce_max3A_1104 : i1 to vector<16xi1>
      %reduce_max3A_1106 = arith.constant -2147483648 : i32
      %reduce_max3A_1107 = vector.broadcast %reduce_max3A_1106 : i32 to vector<16xi32>
      %reduce_max3A_1108 = arith.xori %add3A_1100, %reduce_max3A_1107 : vector<16xi32>
      %reduce_max3A_1109 = tpu.scan <max>, %reduce_max3A_1108 masked %reduce_max3A_1105 : vector<16xi32>, vector<16xi1> -> vector<16xi32>
      %reduce_max3A_1110 = arith.xori %reduce_max3A_1109, %reduce_max3A_1107 : vector<16xi32>
      %reduce_max3A_1111 = vector.extract %reduce_max3A_1110[15] : i32 from vector<16xi32>
      %get3A_1112 = arith.constant 224 : index
      %get3A_1113 = tpu.vector_load %arg9[%get3A_1112] {strides = array<i32>} : memref<2048xi32, #tpu.memory_space<vmem>>, vector<16xi32>,
      %broadcast_in_dim3A_1114 = arith.constant true
      %broadcast_in_dim3A_1115 = vector.broadcast %broadcast_in_dim3A_1114 : i1 to vector<16xi1>
      %masked_cumsum3A_1116 = tpu.scan <sum>, %get3A_1113 masked %broadcast_in_dim3A_1115 : vector<16xi32>, vector<16xi1> -> vector<16xi32>
      %add3A_1117 = vector.broadcast %reduce_max3A_1111 : i32 to vector<16xi32>
      %add3A_1118 = arith.addi %masked_cumsum3A_1116, %add3A_1117 : vector<16xi32>
      %sub3A_1119 = arith.subi %add3A_1118, %get3A_1113 : vector<16xi32>
      %swap3A_1120 = arith.constant 224 : index
      %swap3A_1121 = tpu.vector_load %arg13[%swap3A_1120] {strides = array<i32>} : memref<256xi32, #tpu.memory_space<vmem>>, vector<16xi32>,
      tpu.vector_store %arg13[%swap3A_1120], %sub3A_1119 {strides = array<i32>} : memref<256xi32, #tpu.memory_space<vmem>>, vector<16xi32>,
      %reduce_max3A_1122 = arith.constant true
      %reduce_max3A_1123 = vector.broadcast %reduce_max3A_1122 : i1 to vector<16xi1>
      %reduce_max3A_1124 = arith.constant -2147483648 : i32
      %reduce_max3A_1125 = vector.broadcast %reduce_max3A_1124 : i32 to vector<16xi32>
      %reduce_max3A_1126 = arith.xori %add3A_1118, %reduce_max3A_1125 : vector<16xi32>
      %reduce_max3A_1127 = tpu.scan <max>, %reduce_max3A_1126 masked %reduce_max3A_1123 : vector<16xi32>, vector<16xi1> -> vector<16xi32>
      %reduce_max3A_1128 = arith.xori %reduce_max3A_1127, %reduce_max3A_1125 : vector<16xi32>
      %reduce_max3A_1129 = vector.extract %reduce_max3A_1128[15] : i32 from vector<16xi32>
      %get3A_1130 = arith.constant 240 : index
      %get3A_1131 = tpu.vector_load %arg9[%get3A_1130] {strides = array<i32>} : memref<2048xi32, #tpu.memory_space<vmem>>, vector<16xi32>,
      %broadcast_in_dim3A_1132 = arith.constant true
      %broadcast_in_dim3A_1133 = vector.broadcast %broadcast_in_dim3A_1132 : i1 to vector<16xi1>
      %masked_cumsum3A_1134 = tpu.scan <sum>, %get3A_1131 masked %broadcast_in_dim3A_1133 : vector<16xi32>, vector<16xi1> -> vector<16xi32>
      %add3A_1135 = vector.broadcast %reduce_max3A_1129 : i32 to vector<16xi32>
      %add3A_1136 = arith.addi %masked_cumsum3A_1134, %add3A_1135 : vector<16xi32>
      %sub3A_1137 = arith.subi %add3A_1136, %get3A_1131 : vector<16xi32>
      %swap3A_1138 = arith.constant 240 : index
      %swap3A_1139 = tpu.vector_load %arg13[%swap3A_1138] {strides = array<i32>} : memref<256xi32, #tpu.memory_space<vmem>>, vector<16xi32>,
      tpu.vector_store %arg13[%swap3A_1138], %sub3A_1137 {strides = array<i32>} : memref<256xi32, #tpu.memory_space<vmem>>, vector<16xi32>,
      %reduce_max3A_1140 = arith.constant true
      %reduce_max3A_1141 = vector.broadcast %reduce_max3A_1140 : i1 to vector<16xi1>
      %reduce_max3A_1142 = arith.constant -2147483648 : i32
      %reduce_max3A_1143 = vector.broadcast %reduce_max3A_1142 : i32 to vector<16xi32>
      %reduce_max3A_1144 = arith.xori %add3A_1136, %reduce_max3A_1143 : vector<16xi32>
      %reduce_max3A_1145 = tpu.scan <max>, %reduce_max3A_1144 masked %reduce_max3A_1141 : vector<16xi32>, vector<16xi1> -> vector<16xi32>
      %reduce_max3A_1146 = arith.xori %reduce_max3A_1145, %reduce_max3A_1143 : vector<16xi32>
      %reduce_max3A_1147 = vector.extract %reduce_max3A_1146[15] : i32 from vector<16xi32>
      %scan3A_1148 = arith.constant 0 : i32
      %scan3A_1149 = arith.constant 0 : i32
      %scan3A_1150 = arith.constant 64 : i32
      %scan3A_1151 = arith.addi %scan3A_1149, %scan3A_1150 : i32
      %scan3A_1152 = arith.constant 1 : i32
      scf.for %scan3A_1770 = %scan3A_1149 to %scan3A_1151 step %scan3A_1152  : i32 {
        %mul3A_1771 = arith.constant 16 : i32
        %mul3A_1772 = arith.muli %scan3A_1770, %mul3A_1771 : i32
        %get3A_1773 = arith.index_cast %mul3A_1772 : i32 to index
        %get3A_1774 = tpu.vector_load %arg14[%get3A_1773] {strides = array<i32>} : memref<1024xi32, #tpu.memory_space<vmem>>, vector<16xi32>,
        %mul3A_1775 = arith.constant 16 : i32
        %mul3A_1776 = arith.muli %scan3A_1770, %mul3A_1775 : i32
        %get3A_1777 = arith.index_cast %mul3A_1776 : i32 to index
        %get3A_1778 = tpu.vector_load %arg15[%get3A_1777] {strides = array<i32>} : memref<1024xi32, #tpu.memory_space<vmem>>, vector<16xi32>,
        %shift_right_logical3A_1779 = arith.constant 8 : i32
        %shift_right_logical3A_1780 = vector.broadcast %shift_right_logical3A_1779 : i32 to vector<16xi32>
        %shift_right_logical3A_1781 = arith.shrui %get3A_1774, %shift_right_logical3A_1780 : vector<16xi32>
        %and3A_1782 = arith.constant 255 : i32
        %and3A_1783 = vector.broadcast %and3A_1782 : i32 to vector<16xi32>
        %and3A_1784 = arith.andi %shift_right_logical3A_1781, %and3A_1783 : vector<16xi32>
        %broadcast_in_dim3A_1785 = arith.constant true
        %broadcast_in_dim3A_1786 = vector.broadcast %broadcast_in_dim3A_1785 : i1 to vector<16xi1>
        %unique3A, %unique3A_1787 = tpu.scan_count mask(%broadcast_in_dim3A_1786 : vector<16xi1>) value(%and3A_1784 : vector<16xi32>) : vector<16xi1>, vector<16xi32>
        %gather3A_1788 = tpu.vector_load_idx %arg13[%and3A_1784] : memref<256xi32, #tpu.memory_space<vmem>>[vector<16xi32>], vector<16xi32>,
        %sub3A_1789 = arith.constant 1 : i32
        %sub3A_1790 = vector.broadcast %sub3A_1789 : i32 to vector<16xi32>
        %sub3A_1791 = arith.subi %unique3A_1787, %sub3A_1790 : vector<16xi32>
        %add3A_1792 = arith.addi %gather3A_1788, %sub3A_1791 : vector<16xi32>
        tpu.vector_store_idx %arg18[%add3A_1792], %get3A_1774 : memref<1024xi32, #tpu.memory_space<vmem>>[vector<16xi32>], vector<16xi32>,
        tpu.vector_store_idx %arg19[%add3A_1792], %get3A_1778 : memref<1024xi32, #tpu.memory_space<vmem>>[vector<16xi32>], vector<16xi32>,
        tpu.vector_store_idx %arg13[%and3A_1784], %unique3A_1787 masked %unique3A {add = true} : memref<256xi32, #tpu.memory_space<vmem>>[vector<16xi32>], vector<16xi32>, vector<16xi1>
      }
      %scan3A_1153 = arith.constant 64 : i32
      %scan3A_1154 = arith.constant 0 : i32
      %scan3A_1155 = arith.constant 0 : i32
      %scan3A_1156 = arith.constant 16 : i32
      %scan3A_1157 = arith.addi %scan3A_1155, %scan3A_1156 : i32
      %scan3A_1158 = arith.constant 1 : i32
      scf.for %scan3A_1770 = %scan3A_1155 to %scan3A_1157 step %scan3A_1158  : i32 {
        %mul3A_1771 = arith.constant 16 : i32
        %mul3A_1772 = arith.muli %scan3A_1770, %mul3A_1771 : i32
        %swap3A_1773 = arith.index_cast %mul3A_1772 : i32 to index
        %swap3A_1774 = tpu.vector_load %arg9[%swap3A_1773] {strides = array<i32>} : memref<2048xi32, #tpu.memory_space<vmem>>, vector<16xi32>,
        tpu.vector_store %arg9[%swap3A_1773], %broadcast_in_dim3A_42 {strides = array<i32>} : memref<2048xi32, #tpu.memory_space<vmem>>, vector<16xi32>,
      }
      %scan3A_1159 = arith.constant 16 : i32
      %scan3A_1160 = arith.constant 0 : i32
      %scan3A_1161 = arith.constant 0 : i32
      %scan3A_1162 = arith.constant 64 : i32
      %scan3A_1163 = arith.addi %scan3A_1161, %scan3A_1162 : i32
      %scan3A_1164 = arith.constant 1 : i32
      scf.for %scan3A_1770 = %scan3A_1161 to %scan3A_1163 step %scan3A_1164  : i32 {
        %mul3A_1771 = arith.constant 16 : i32
        %mul3A_1772 = arith.muli %scan3A_1770, %mul3A_1771 : i32
        %get3A_1773 = arith.index_cast %mul3A_1772 : i32 to index
        %get3A_1774 = tpu.vector_load %arg18[%get3A_1773] {strides = array<i32>} : memref<1024xi32, #tpu.memory_space<vmem>>, vector<16xi32>,
        %shift_right_logical3A_1775 = arith.constant 16 : i32
        %shift_right_logical3A_1776 = vector.broadcast %shift_right_logical3A_1775 : i32 to vector<16xi32>
        %shift_right_logical3A_1777 = arith.shrui %get3A_1774, %shift_right_logical3A_1776 : vector<16xi32>
        %and3A_1778 = arith.constant 255 : i32
        %and3A_1779 = vector.broadcast %and3A_1778 : i32 to vector<16xi32>
        %and3A_1780 = arith.andi %shift_right_logical3A_1777, %and3A_1779 : vector<16xi32>
        %broadcast_in_dim3A_1781 = arith.constant true
        %broadcast_in_dim3A_1782 = vector.broadcast %broadcast_in_dim3A_1781 : i1 to vector<16xi1>
        %unique3A, %unique3A_1783 = tpu.scan_count mask(%broadcast_in_dim3A_1782 : vector<16xi1>) value(%and3A_1780 : vector<16xi32>) : vector<16xi1>, vector<16xi32>
        tpu.vector_store_idx %arg9[%and3A_1780], %unique3A_1783 masked %unique3A {add = true} : memref<2048xi32, #tpu.memory_space<vmem>>[vector<16xi32>], vector<16xi32>, vector<16xi1>
      }
      %scan3A_1165 = arith.constant 64 : i32
      %get3A_1166 = arith.constant 0 : index
      %get3A_1167 = tpu.vector_load %arg9[%get3A_1166] {strides = array<i32>} : memref<2048xi32, #tpu.memory_space<vmem>>, vector<16xi32>,
      %broadcast_in_dim3A_1168 = arith.constant true
      %broadcast_in_dim3A_1169 = vector.broadcast %broadcast_in_dim3A_1168 : i1 to vector<16xi1>
      %masked_cumsum3A_1170 = tpu.scan <sum>, %get3A_1167 masked %broadcast_in_dim3A_1169 : vector<16xi32>, vector<16xi1> -> vector<16xi32>
      %add3A_1171 = arith.constant 0 : i32
      %add3A_1172 = vector.broadcast %add3A_1171 : i32 to vector<16xi32>
      %add3A_1173 = arith.addi %masked_cumsum3A_1170, %add3A_1172 : vector<16xi32>
      %sub3A_1174 = arith.subi %add3A_1173, %get3A_1167 : vector<16xi32>
      %swap3A_1175 = arith.constant 0 : index
      %swap3A_1176 = tpu.vector_load %arg13[%swap3A_1175] {strides = array<i32>} : memref<256xi32, #tpu.memory_space<vmem>>, vector<16xi32>,
      tpu.vector_store %arg13[%swap3A_1175], %sub3A_1174 {strides = array<i32>} : memref<256xi32, #tpu.memory_space<vmem>>, vector<16xi32>,
      %reduce_max3A_1177 = arith.constant true
      %reduce_max3A_1178 = vector.broadcast %reduce_max3A_1177 : i1 to vector<16xi1>
      %reduce_max3A_1179 = arith.constant -2147483648 : i32
      %reduce_max3A_1180 = vector.broadcast %reduce_max3A_1179 : i32 to vector<16xi32>
      %reduce_max3A_1181 = arith.xori %add3A_1173, %reduce_max3A_1180 : vector<16xi32>
      %reduce_max3A_1182 = tpu.scan <max>, %reduce_max3A_1181 masked %reduce_max3A_1178 : vector<16xi32>, vector<16xi1> -> vector<16xi32>
      %reduce_max3A_1183 = arith.xori %reduce_max3A_1182, %reduce_max3A_1180 : vector<16xi32>
      %reduce_max3A_1184 = vector.extract %reduce_max3A_1183[15] : i32 from vector<16xi32>
      %get3A_1185 = arith.constant 16 : index
      %get3A_1186 = tpu.vector_load %arg9[%get3A_1185] {strides = array<i32>} : memref<2048xi32, #tpu.memory_space<vmem>>, vector<16xi32>,
      %broadcast_in_dim3A_1187 = arith.constant true
      %broadcast_in_dim3A_1188 = vector.broadcast %broadcast_in_dim3A_1187 : i1 to vector<16xi1>
      %masked_cumsum3A_1189 = tpu.scan <sum>, %get3A_1186 masked %broadcast_in_dim3A_1188 : vector<16xi32>, vector<16xi1> -> vector<16xi32>
      %add3A_1190 = vector.broadcast %reduce_max3A_1184 : i32 to vector<16xi32>
      %add3A_1191 = arith.addi %masked_cumsum3A_1189, %add3A_1190 : vector<16xi32>
      %sub3A_1192 = arith.subi %add3A_1191, %get3A_1186 : vector<16xi32>
      %swap3A_1193 = arith.constant 16 : index
      %swap3A_1194 = tpu.vector_load %arg13[%swap3A_1193] {strides = array<i32>} : memref<256xi32, #tpu.memory_space<vmem>>, vector<16xi32>,
      tpu.vector_store %arg13[%swap3A_1193], %sub3A_1192 {strides = array<i32>} : memref<256xi32, #tpu.memory_space<vmem>>, vector<16xi32>,
      %reduce_max3A_1195 = arith.constant true
      %reduce_max3A_1196 = vector.broadcast %reduce_max3A_1195 : i1 to vector<16xi1>
      %reduce_max3A_1197 = arith.constant -2147483648 : i32
      %reduce_max3A_1198 = vector.broadcast %reduce_max3A_1197 : i32 to vector<16xi32>
      %reduce_max3A_1199 = arith.xori %add3A_1191, %reduce_max3A_1198 : vector<16xi32>
      %reduce_max3A_1200 = tpu.scan <max>, %reduce_max3A_1199 masked %reduce_max3A_1196 : vector<16xi32>, vector<16xi1> -> vector<16xi32>
      %reduce_max3A_1201 = arith.xori %reduce_max3A_1200, %reduce_max3A_1198 : vector<16xi32>
      %reduce_max3A_1202 = vector.extract %reduce_max3A_1201[15] : i32 from vector<16xi32>
      %get3A_1203 = arith.constant 32 : index
      %get3A_1204 = tpu.vector_load %arg9[%get3A_1203] {strides = array<i32>} : memref<2048xi32, #tpu.memory_space<vmem>>, vector<16xi32>,
      %broadcast_in_dim3A_1205 = arith.constant true
      %broadcast_in_dim3A_1206 = vector.broadcast %broadcast_in_dim3A_1205 : i1 to vector<16xi1>
      %masked_cumsum3A_1207 = tpu.scan <sum>, %get3A_1204 masked %broadcast_in_dim3A_1206 : vector<16xi32>, vector<16xi1> -> vector<16xi32>
      %add3A_1208 = vector.broadcast %reduce_max3A_1202 : i32 to vector<16xi32>
      %add3A_1209 = arith.addi %masked_cumsum3A_1207, %add3A_1208 : vector<16xi32>
      %sub3A_1210 = arith.subi %add3A_1209, %get3A_1204 : vector<16xi32>
      %swap3A_1211 = arith.constant 32 : index
      %swap3A_1212 = tpu.vector_load %arg13[%swap3A_1211] {strides = array<i32>} : memref<256xi32, #tpu.memory_space<vmem>>, vector<16xi32>,
      tpu.vector_store %arg13[%swap3A_1211], %sub3A_1210 {strides = array<i32>} : memref<256xi32, #tpu.memory_space<vmem>>, vector<16xi32>,
      %reduce_max3A_1213 = arith.constant true
      %reduce_max3A_1214 = vector.broadcast %reduce_max3A_1213 : i1 to vector<16xi1>
      %reduce_max3A_1215 = arith.constant -2147483648 : i32
      %reduce_max3A_1216 = vector.broadcast %reduce_max3A_1215 : i32 to vector<16xi32>
      %reduce_max3A_1217 = arith.xori %add3A_1209, %reduce_max3A_1216 : vector<16xi32>
      %reduce_max3A_1218 = tpu.scan <max>, %reduce_max3A_1217 masked %reduce_max3A_1214 : vector<16xi32>, vector<16xi1> -> vector<16xi32>
      %reduce_max3A_1219 = arith.xori %reduce_max3A_1218, %reduce_max3A_1216 : vector<16xi32>
      %reduce_max3A_1220 = vector.extract %reduce_max3A_1219[15] : i32 from vector<16xi32>
      %get3A_1221 = arith.constant 48 : index
      %get3A_1222 = tpu.vector_load %arg9[%get3A_1221] {strides = array<i32>} : memref<2048xi32, #tpu.memory_space<vmem>>, vector<16xi32>,
      %broadcast_in_dim3A_1223 = arith.constant true
      %broadcast_in_dim3A_1224 = vector.broadcast %broadcast_in_dim3A_1223 : i1 to vector<16xi1>
      %masked_cumsum3A_1225 = tpu.scan <sum>, %get3A_1222 masked %broadcast_in_dim3A_1224 : vector<16xi32>, vector<16xi1> -> vector<16xi32>
      %add3A_1226 = vector.broadcast %reduce_max3A_1220 : i32 to vector<16xi32>
      %add3A_1227 = arith.addi %masked_cumsum3A_1225, %add3A_1226 : vector<16xi32>
      %sub3A_1228 = arith.subi %add3A_1227, %get3A_1222 : vector<16xi32>
      %swap3A_1229 = arith.constant 48 : index
      %swap3A_1230 = tpu.vector_load %arg13[%swap3A_1229] {strides = array<i32>} : memref<256xi32, #tpu.memory_space<vmem>>, vector<16xi32>,
      tpu.vector_store %arg13[%swap3A_1229], %sub3A_1228 {strides = array<i32>} : memref<256xi32, #tpu.memory_space<vmem>>, vector<16xi32>,
      %reduce_max3A_1231 = arith.constant true
      %reduce_max3A_1232 = vector.broadcast %reduce_max3A_1231 : i1 to vector<16xi1>
      %reduce_max3A_1233 = arith.constant -2147483648 : i32
      %reduce_max3A_1234 = vector.broadcast %reduce_max3A_1233 : i32 to vector<16xi32>
      %reduce_max3A_1235 = arith.xori %add3A_1227, %reduce_max3A_1234 : vector<16xi32>
      %reduce_max3A_1236 = tpu.scan <max>, %reduce_max3A_1235 masked %reduce_max3A_1232 : vector<16xi32>, vector<16xi1> -> vector<16xi32>
      %reduce_max3A_1237 = arith.xori %reduce_max3A_1236, %reduce_max3A_1234 : vector<16xi32>
      %reduce_max3A_1238 = vector.extract %reduce_max3A_1237[15] : i32 from vector<16xi32>
      %get3A_1239 = arith.constant 64 : index
      %get3A_1240 = tpu.vector_load %arg9[%get3A_1239] {strides = array<i32>} : memref<2048xi32, #tpu.memory_space<vmem>>, vector<16xi32>,
      %broadcast_in_dim3A_1241 = arith.constant true
      %broadcast_in_dim3A_1242 = vector.broadcast %broadcast_in_dim3A_1241 : i1 to vector<16xi1>
      %masked_cumsum3A_1243 = tpu.scan <sum>, %get3A_1240 masked %broadcast_in_dim3A_1242 : vector<16xi32>, vector<16xi1> -> vector<16xi32>
      %add3A_1244 = vector.broadcast %reduce_max3A_1238 : i32 to vector<16xi32>
      %add3A_1245 = arith.addi %masked_cumsum3A_1243, %add3A_1244 : vector<16xi32>
      %sub3A_1246 = arith.subi %add3A_1245, %get3A_1240 : vector<16xi32>
      %swap3A_1247 = arith.constant 64 : index
      %swap3A_1248 = tpu.vector_load %arg13[%swap3A_1247] {strides = array<i32>} : memref<256xi32, #tpu.memory_space<vmem>>, vector<16xi32>,
      tpu.vector_store %arg13[%swap3A_1247], %sub3A_1246 {strides = array<i32>} : memref<256xi32, #tpu.memory_space<vmem>>, vector<16xi32>,
      %reduce_max3A_1249 = arith.constant true
      %reduce_max3A_1250 = vector.broadcast %reduce_max3A_1249 : i1 to vector<16xi1>
      %reduce_max3A_1251 = arith.constant -2147483648 : i32
      %reduce_max3A_1252 = vector.broadcast %reduce_max3A_1251 : i32 to vector<16xi32>
      %reduce_max3A_1253 = arith.xori %add3A_1245, %reduce_max3A_1252 : vector<16xi32>
      %reduce_max3A_1254 = tpu.scan <max>, %reduce_max3A_1253 masked %reduce_max3A_1250 : vector<16xi32>, vector<16xi1> -> vector<16xi32>
      %reduce_max3A_1255 = arith.xori %reduce_max3A_1254, %reduce_max3A_1252 : vector<16xi32>
      %reduce_max3A_1256 = vector.extract %reduce_max3A_1255[15] : i32 from vector<16xi32>
      %get3A_1257 = arith.constant 80 : index
      %get3A_1258 = tpu.vector_load %arg9[%get3A_1257] {strides = array<i32>} : memref<2048xi32, #tpu.memory_space<vmem>>, vector<16xi32>,
      %broadcast_in_dim3A_1259 = arith.constant true
      %broadcast_in_dim3A_1260 = vector.broadcast %broadcast_in_dim3A_1259 : i1 to vector<16xi1>
      %masked_cumsum3A_1261 = tpu.scan <sum>, %get3A_1258 masked %broadcast_in_dim3A_1260 : vector<16xi32>, vector<16xi1> -> vector<16xi32>
      %add3A_1262 = vector.broadcast %reduce_max3A_1256 : i32 to vector<16xi32>
      %add3A_1263 = arith.addi %masked_cumsum3A_1261, %add3A_1262 : vector<16xi32>
      %sub3A_1264 = arith.subi %add3A_1263, %get3A_1258 : vector<16xi32>
      %swap3A_1265 = arith.constant 80 : index
      %swap3A_1266 = tpu.vector_load %arg13[%swap3A_1265] {strides = array<i32>} : memref<256xi32, #tpu.memory_space<vmem>>, vector<16xi32>,
      tpu.vector_store %arg13[%swap3A_1265], %sub3A_1264 {strides = array<i32>} : memref<256xi32, #tpu.memory_space<vmem>>, vector<16xi32>,
      %reduce_max3A_1267 = arith.constant true
      %reduce_max3A_1268 = vector.broadcast %reduce_max3A_1267 : i1 to vector<16xi1>
      %reduce_max3A_1269 = arith.constant -2147483648 : i32
      %reduce_max3A_1270 = vector.broadcast %reduce_max3A_1269 : i32 to vector<16xi32>
      %reduce_max3A_1271 = arith.xori %add3A_1263, %reduce_max3A_1270 : vector<16xi32>
      %reduce_max3A_1272 = tpu.scan <max>, %reduce_max3A_1271 masked %reduce_max3A_1268 : vector<16xi32>, vector<16xi1> -> vector<16xi32>
      %reduce_max3A_1273 = arith.xori %reduce_max3A_1272, %reduce_max3A_1270 : vector<16xi32>
      %reduce_max3A_1274 = vector.extract %reduce_max3A_1273[15] : i32 from vector<16xi32>
      %get3A_1275 = arith.constant 96 : index
      %get3A_1276 = tpu.vector_load %arg9[%get3A_1275] {strides = array<i32>} : memref<2048xi32, #tpu.memory_space<vmem>>, vector<16xi32>,
      %broadcast_in_dim3A_1277 = arith.constant true
      %broadcast_in_dim3A_1278 = vector.broadcast %broadcast_in_dim3A_1277 : i1 to vector<16xi1>
      %masked_cumsum3A_1279 = tpu.scan <sum>, %get3A_1276 masked %broadcast_in_dim3A_1278 : vector<16xi32>, vector<16xi1> -> vector<16xi32>
      %add3A_1280 = vector.broadcast %reduce_max3A_1274 : i32 to vector<16xi32>
      %add3A_1281 = arith.addi %masked_cumsum3A_1279, %add3A_1280 : vector<16xi32>
      %sub3A_1282 = arith.subi %add3A_1281, %get3A_1276 : vector<16xi32>
      %swap3A_1283 = arith.constant 96 : index
      %swap3A_1284 = tpu.vector_load %arg13[%swap3A_1283] {strides = array<i32>} : memref<256xi32, #tpu.memory_space<vmem>>, vector<16xi32>,
      tpu.vector_store %arg13[%swap3A_1283], %sub3A_1282 {strides = array<i32>} : memref<256xi32, #tpu.memory_space<vmem>>, vector<16xi32>,
      %reduce_max3A_1285 = arith.constant true
      %reduce_max3A_1286 = vector.broadcast %reduce_max3A_1285 : i1 to vector<16xi1>
      %reduce_max3A_1287 = arith.constant -2147483648 : i32
      %reduce_max3A_1288 = vector.broadcast %reduce_max3A_1287 : i32 to vector<16xi32>
      %reduce_max3A_1289 = arith.xori %add3A_1281, %reduce_max3A_1288 : vector<16xi32>
      %reduce_max3A_1290 = tpu.scan <max>, %reduce_max3A_1289 masked %reduce_max3A_1286 : vector<16xi32>, vector<16xi1> -> vector<16xi32>
      %reduce_max3A_1291 = arith.xori %reduce_max3A_1290, %reduce_max3A_1288 : vector<16xi32>
      %reduce_max3A_1292 = vector.extract %reduce_max3A_1291[15] : i32 from vector<16xi32>
      %get3A_1293 = arith.constant 112 : index
      %get3A_1294 = tpu.vector_load %arg9[%get3A_1293] {strides = array<i32>} : memref<2048xi32, #tpu.memory_space<vmem>>, vector<16xi32>,
      %broadcast_in_dim3A_1295 = arith.constant true
      %broadcast_in_dim3A_1296 = vector.broadcast %broadcast_in_dim3A_1295 : i1 to vector<16xi1>
      %masked_cumsum3A_1297 = tpu.scan <sum>, %get3A_1294 masked %broadcast_in_dim3A_1296 : vector<16xi32>, vector<16xi1> -> vector<16xi32>
      %add3A_1298 = vector.broadcast %reduce_max3A_1292 : i32 to vector<16xi32>
      %add3A_1299 = arith.addi %masked_cumsum3A_1297, %add3A_1298 : vector<16xi32>
      %sub3A_1300 = arith.subi %add3A_1299, %get3A_1294 : vector<16xi32>
      %swap3A_1301 = arith.constant 112 : index
      %swap3A_1302 = tpu.vector_load %arg13[%swap3A_1301] {strides = array<i32>} : memref<256xi32, #tpu.memory_space<vmem>>, vector<16xi32>,
      tpu.vector_store %arg13[%swap3A_1301], %sub3A_1300 {strides = array<i32>} : memref<256xi32, #tpu.memory_space<vmem>>, vector<16xi32>,
      %reduce_max3A_1303 = arith.constant true
      %reduce_max3A_1304 = vector.broadcast %reduce_max3A_1303 : i1 to vector<16xi1>
      %reduce_max3A_1305 = arith.constant -2147483648 : i32
      %reduce_max3A_1306 = vector.broadcast %reduce_max3A_1305 : i32 to vector<16xi32>
      %reduce_max3A_1307 = arith.xori %add3A_1299, %reduce_max3A_1306 : vector<16xi32>
      %reduce_max3A_1308 = tpu.scan <max>, %reduce_max3A_1307 masked %reduce_max3A_1304 : vector<16xi32>, vector<16xi1> -> vector<16xi32>
      %reduce_max3A_1309 = arith.xori %reduce_max3A_1308, %reduce_max3A_1306 : vector<16xi32>
      %reduce_max3A_1310 = vector.extract %reduce_max3A_1309[15] : i32 from vector<16xi32>
      %get3A_1311 = arith.constant 128 : index
      %get3A_1312 = tpu.vector_load %arg9[%get3A_1311] {strides = array<i32>} : memref<2048xi32, #tpu.memory_space<vmem>>, vector<16xi32>,
      %broadcast_in_dim3A_1313 = arith.constant true
      %broadcast_in_dim3A_1314 = vector.broadcast %broadcast_in_dim3A_1313 : i1 to vector<16xi1>
      %masked_cumsum3A_1315 = tpu.scan <sum>, %get3A_1312 masked %broadcast_in_dim3A_1314 : vector<16xi32>, vector<16xi1> -> vector<16xi32>
      %add3A_1316 = vector.broadcast %reduce_max3A_1310 : i32 to vector<16xi32>
      %add3A_1317 = arith.addi %masked_cumsum3A_1315, %add3A_1316 : vector<16xi32>
      %sub3A_1318 = arith.subi %add3A_1317, %get3A_1312 : vector<16xi32>
      %swap3A_1319 = arith.constant 128 : index
      %swap3A_1320 = tpu.vector_load %arg13[%swap3A_1319] {strides = array<i32>} : memref<256xi32, #tpu.memory_space<vmem>>, vector<16xi32>,
      tpu.vector_store %arg13[%swap3A_1319], %sub3A_1318 {strides = array<i32>} : memref<256xi32, #tpu.memory_space<vmem>>, vector<16xi32>,
      %reduce_max3A_1321 = arith.constant true
      %reduce_max3A_1322 = vector.broadcast %reduce_max3A_1321 : i1 to vector<16xi1>
      %reduce_max3A_1323 = arith.constant -2147483648 : i32
      %reduce_max3A_1324 = vector.broadcast %reduce_max3A_1323 : i32 to vector<16xi32>
      %reduce_max3A_1325 = arith.xori %add3A_1317, %reduce_max3A_1324 : vector<16xi32>
      %reduce_max3A_1326 = tpu.scan <max>, %reduce_max3A_1325 masked %reduce_max3A_1322 : vector<16xi32>, vector<16xi1> -> vector<16xi32>
      %reduce_max3A_1327 = arith.xori %reduce_max3A_1326, %reduce_max3A_1324 : vector<16xi32>
      %reduce_max3A_1328 = vector.extract %reduce_max3A_1327[15] : i32 from vector<16xi32>
      %get3A_1329 = arith.constant 144 : index
      %get3A_1330 = tpu.vector_load %arg9[%get3A_1329] {strides = array<i32>} : memref<2048xi32, #tpu.memory_space<vmem>>, vector<16xi32>,
      %broadcast_in_dim3A_1331 = arith.constant true
      %broadcast_in_dim3A_1332 = vector.broadcast %broadcast_in_dim3A_1331 : i1 to vector<16xi1>
      %masked_cumsum3A_1333 = tpu.scan <sum>, %get3A_1330 masked %broadcast_in_dim3A_1332 : vector<16xi32>, vector<16xi1> -> vector<16xi32>
      %add3A_1334 = vector.broadcast %reduce_max3A_1328 : i32 to vector<16xi32>
      %add3A_1335 = arith.addi %masked_cumsum3A_1333, %add3A_1334 : vector<16xi32>
      %sub3A_1336 = arith.subi %add3A_1335, %get3A_1330 : vector<16xi32>
      %swap3A_1337 = arith.constant 144 : index
      %swap3A_1338 = tpu.vector_load %arg13[%swap3A_1337] {strides = array<i32>} : memref<256xi32, #tpu.memory_space<vmem>>, vector<16xi32>,
      tpu.vector_store %arg13[%swap3A_1337], %sub3A_1336 {strides = array<i32>} : memref<256xi32, #tpu.memory_space<vmem>>, vector<16xi32>,
      %reduce_max3A_1339 = arith.constant true
      %reduce_max3A_1340 = vector.broadcast %reduce_max3A_1339 : i1 to vector<16xi1>
      %reduce_max3A_1341 = arith.constant -2147483648 : i32
      %reduce_max3A_1342 = vector.broadcast %reduce_max3A_1341 : i32 to vector<16xi32>
      %reduce_max3A_1343 = arith.xori %add3A_1335, %reduce_max3A_1342 : vector<16xi32>
      %reduce_max3A_1344 = tpu.scan <max>, %reduce_max3A_1343 masked %reduce_max3A_1340 : vector<16xi32>, vector<16xi1> -> vector<16xi32>
      %reduce_max3A_1345 = arith.xori %reduce_max3A_1344, %reduce_max3A_1342 : vector<16xi32>
      %reduce_max3A_1346 = vector.extract %reduce_max3A_1345[15] : i32 from vector<16xi32>
      %get3A_1347 = arith.constant 160 : index
      %get3A_1348 = tpu.vector_load %arg9[%get3A_1347] {strides = array<i32>} : memref<2048xi32, #tpu.memory_space<vmem>>, vector<16xi32>,
      %broadcast_in_dim3A_1349 = arith.constant true
      %broadcast_in_dim3A_1350 = vector.broadcast %broadcast_in_dim3A_1349 : i1 to vector<16xi1>
      %masked_cumsum3A_1351 = tpu.scan <sum>, %get3A_1348 masked %broadcast_in_dim3A_1350 : vector<16xi32>, vector<16xi1> -> vector<16xi32>
      %add3A_1352 = vector.broadcast %reduce_max3A_1346 : i32 to vector<16xi32>
      %add3A_1353 = arith.addi %masked_cumsum3A_1351, %add3A_1352 : vector<16xi32>
      %sub3A_1354 = arith.subi %add3A_1353, %get3A_1348 : vector<16xi32>
      %swap3A_1355 = arith.constant 160 : index
      %swap3A_1356 = tpu.vector_load %arg13[%swap3A_1355] {strides = array<i32>} : memref<256xi32, #tpu.memory_space<vmem>>, vector<16xi32>,
      tpu.vector_store %arg13[%swap3A_1355], %sub3A_1354 {strides = array<i32>} : memref<256xi32, #tpu.memory_space<vmem>>, vector<16xi32>,
      %reduce_max3A_1357 = arith.constant true
      %reduce_max3A_1358 = vector.broadcast %reduce_max3A_1357 : i1 to vector<16xi1>
      %reduce_max3A_1359 = arith.constant -2147483648 : i32
      %reduce_max3A_1360 = vector.broadcast %reduce_max3A_1359 : i32 to vector<16xi32>
      %reduce_max3A_1361 = arith.xori %add3A_1353, %reduce_max3A_1360 : vector<16xi32>
      %reduce_max3A_1362 = tpu.scan <max>, %reduce_max3A_1361 masked %reduce_max3A_1358 : vector<16xi32>, vector<16xi1> -> vector<16xi32>
      %reduce_max3A_1363 = arith.xori %reduce_max3A_1362, %reduce_max3A_1360 : vector<16xi32>
      %reduce_max3A_1364 = vector.extract %reduce_max3A_1363[15] : i32 from vector<16xi32>
      %get3A_1365 = arith.constant 176 : index
      %get3A_1366 = tpu.vector_load %arg9[%get3A_1365] {strides = array<i32>} : memref<2048xi32, #tpu.memory_space<vmem>>, vector<16xi32>,
      %broadcast_in_dim3A_1367 = arith.constant true
      %broadcast_in_dim3A_1368 = vector.broadcast %broadcast_in_dim3A_1367 : i1 to vector<16xi1>
      %masked_cumsum3A_1369 = tpu.scan <sum>, %get3A_1366 masked %broadcast_in_dim3A_1368 : vector<16xi32>, vector<16xi1> -> vector<16xi32>
      %add3A_1370 = vector.broadcast %reduce_max3A_1364 : i32 to vector<16xi32>
      %add3A_1371 = arith.addi %masked_cumsum3A_1369, %add3A_1370 : vector<16xi32>
      %sub3A_1372 = arith.subi %add3A_1371, %get3A_1366 : vector<16xi32>
      %swap3A_1373 = arith.constant 176 : index
      %swap3A_1374 = tpu.vector_load %arg13[%swap3A_1373] {strides = array<i32>} : memref<256xi32, #tpu.memory_space<vmem>>, vector<16xi32>,
      tpu.vector_store %arg13[%swap3A_1373], %sub3A_1372 {strides = array<i32>} : memref<256xi32, #tpu.memory_space<vmem>>, vector<16xi32>,
      %reduce_max3A_1375 = arith.constant true
      %reduce_max3A_1376 = vector.broadcast %reduce_max3A_1375 : i1 to vector<16xi1>
      %reduce_max3A_1377 = arith.constant -2147483648 : i32
      %reduce_max3A_1378 = vector.broadcast %reduce_max3A_1377 : i32 to vector<16xi32>
      %reduce_max3A_1379 = arith.xori %add3A_1371, %reduce_max3A_1378 : vector<16xi32>
      %reduce_max3A_1380 = tpu.scan <max>, %reduce_max3A_1379 masked %reduce_max3A_1376 : vector<16xi32>, vector<16xi1> -> vector<16xi32>
      %reduce_max3A_1381 = arith.xori %reduce_max3A_1380, %reduce_max3A_1378 : vector<16xi32>
      %reduce_max3A_1382 = vector.extract %reduce_max3A_1381[15] : i32 from vector<16xi32>
      %get3A_1383 = arith.constant 192 : index
      %get3A_1384 = tpu.vector_load %arg9[%get3A_1383] {strides = array<i32>} : memref<2048xi32, #tpu.memory_space<vmem>>, vector<16xi32>,
      %broadcast_in_dim3A_1385 = arith.constant true
      %broadcast_in_dim3A_1386 = vector.broadcast %broadcast_in_dim3A_1385 : i1 to vector<16xi1>
      %masked_cumsum3A_1387 = tpu.scan <sum>, %get3A_1384 masked %broadcast_in_dim3A_1386 : vector<16xi32>, vector<16xi1> -> vector<16xi32>
      %add3A_1388 = vector.broadcast %reduce_max3A_1382 : i32 to vector<16xi32>
      %add3A_1389 = arith.addi %masked_cumsum3A_1387, %add3A_1388 : vector<16xi32>
      %sub3A_1390 = arith.subi %add3A_1389, %get3A_1384 : vector<16xi32>
      %swap3A_1391 = arith.constant 192 : index
      %swap3A_1392 = tpu.vector_load %arg13[%swap3A_1391] {strides = array<i32>} : memref<256xi32, #tpu.memory_space<vmem>>, vector<16xi32>,
      tpu.vector_store %arg13[%swap3A_1391], %sub3A_1390 {strides = array<i32>} : memref<256xi32, #tpu.memory_space<vmem>>, vector<16xi32>,
      %reduce_max3A_1393 = arith.constant true
      %reduce_max3A_1394 = vector.broadcast %reduce_max3A_1393 : i1 to vector<16xi1>
      %reduce_max3A_1395 = arith.constant -2147483648 : i32
      %reduce_max3A_1396 = vector.broadcast %reduce_max3A_1395 : i32 to vector<16xi32>
      %reduce_max3A_1397 = arith.xori %add3A_1389, %reduce_max3A_1396 : vector<16xi32>
      %reduce_max3A_1398 = tpu.scan <max>, %reduce_max3A_1397 masked %reduce_max3A_1394 : vector<16xi32>, vector<16xi1> -> vector<16xi32>
      %reduce_max3A_1399 = arith.xori %reduce_max3A_1398, %reduce_max3A_1396 : vector<16xi32>
      %reduce_max3A_1400 = vector.extract %reduce_max3A_1399[15] : i32 from vector<16xi32>
      %get3A_1401 = arith.constant 208 : index
      %get3A_1402 = tpu.vector_load %arg9[%get3A_1401] {strides = array<i32>} : memref<2048xi32, #tpu.memory_space<vmem>>, vector<16xi32>,
      %broadcast_in_dim3A_1403 = arith.constant true
      %broadcast_in_dim3A_1404 = vector.broadcast %broadcast_in_dim3A_1403 : i1 to vector<16xi1>
      %masked_cumsum3A_1405 = tpu.scan <sum>, %get3A_1402 masked %broadcast_in_dim3A_1404 : vector<16xi32>, vector<16xi1> -> vector<16xi32>
      %add3A_1406 = vector.broadcast %reduce_max3A_1400 : i32 to vector<16xi32>
      %add3A_1407 = arith.addi %masked_cumsum3A_1405, %add3A_1406 : vector<16xi32>
      %sub3A_1408 = arith.subi %add3A_1407, %get3A_1402 : vector<16xi32>
      %swap3A_1409 = arith.constant 208 : index
      %swap3A_1410 = tpu.vector_load %arg13[%swap3A_1409] {strides = array<i32>} : memref<256xi32, #tpu.memory_space<vmem>>, vector<16xi32>,
      tpu.vector_store %arg13[%swap3A_1409], %sub3A_1408 {strides = array<i32>} : memref<256xi32, #tpu.memory_space<vmem>>, vector<16xi32>,
      %reduce_max3A_1411 = arith.constant true
      %reduce_max3A_1412 = vector.broadcast %reduce_max3A_1411 : i1 to vector<16xi1>
      %reduce_max3A_1413 = arith.constant -2147483648 : i32
      %reduce_max3A_1414 = vector.broadcast %reduce_max3A_1413 : i32 to vector<16xi32>
      %reduce_max3A_1415 = arith.xori %add3A_1407, %reduce_max3A_1414 : vector<16xi32>
      %reduce_max3A_1416 = tpu.scan <max>, %reduce_max3A_1415 masked %reduce_max3A_1412 : vector<16xi32>, vector<16xi1> -> vector<16xi32>
      %reduce_max3A_1417 = arith.xori %reduce_max3A_1416, %reduce_max3A_1414 : vector<16xi32>
      %reduce_max3A_1418 = vector.extract %reduce_max3A_1417[15] : i32 from vector<16xi32>
      %get3A_1419 = arith.constant 224 : index
      %get3A_1420 = tpu.vector_load %arg9[%get3A_1419] {strides = array<i32>} : memref<2048xi32, #tpu.memory_space<vmem>>, vector<16xi32>,
      %broadcast_in_dim3A_1421 = arith.constant true
      %broadcast_in_dim3A_1422 = vector.broadcast %broadcast_in_dim3A_1421 : i1 to vector<16xi1>
      %masked_cumsum3A_1423 = tpu.scan <sum>, %get3A_1420 masked %broadcast_in_dim3A_1422 : vector<16xi32>, vector<16xi1> -> vector<16xi32>
      %add3A_1424 = vector.broadcast %reduce_max3A_1418 : i32 to vector<16xi32>
      %add3A_1425 = arith.addi %masked_cumsum3A_1423, %add3A_1424 : vector<16xi32>
      %sub3A_1426 = arith.subi %add3A_1425, %get3A_1420 : vector<16xi32>
      %swap3A_1427 = arith.constant 224 : index
      %swap3A_1428 = tpu.vector_load %arg13[%swap3A_1427] {strides = array<i32>} : memref<256xi32, #tpu.memory_space<vmem>>, vector<16xi32>,
      tpu.vector_store %arg13[%swap3A_1427], %sub3A_1426 {strides = array<i32>} : memref<256xi32, #tpu.memory_space<vmem>>, vector<16xi32>,
      %reduce_max3A_1429 = arith.constant true
      %reduce_max3A_1430 = vector.broadcast %reduce_max3A_1429 : i1 to vector<16xi1>
      %reduce_max3A_1431 = arith.constant -2147483648 : i32
      %reduce_max3A_1432 = vector.broadcast %reduce_max3A_1431 : i32 to vector<16xi32>
      %reduce_max3A_1433 = arith.xori %add3A_1425, %reduce_max3A_1432 : vector<16xi32>
      %reduce_max3A_1434 = tpu.scan <max>, %reduce_max3A_1433 masked %reduce_max3A_1430 : vector<16xi32>, vector<16xi1> -> vector<16xi32>
      %reduce_max3A_1435 = arith.xori %reduce_max3A_1434, %reduce_max3A_1432 : vector<16xi32>
      %reduce_max3A_1436 = vector.extract %reduce_max3A_1435[15] : i32 from vector<16xi32>
      %get3A_1437 = arith.constant 240 : index
      %get3A_1438 = tpu.vector_load %arg9[%get3A_1437] {strides = array<i32>} : memref<2048xi32, #tpu.memory_space<vmem>>, vector<16xi32>,
      %broadcast_in_dim3A_1439 = arith.constant true
      %broadcast_in_dim3A_1440 = vector.broadcast %broadcast_in_dim3A_1439 : i1 to vector<16xi1>
      %masked_cumsum3A_1441 = tpu.scan <sum>, %get3A_1438 masked %broadcast_in_dim3A_1440 : vector<16xi32>, vector<16xi1> -> vector<16xi32>
      %add3A_1442 = vector.broadcast %reduce_max3A_1436 : i32 to vector<16xi32>
      %add3A_1443 = arith.addi %masked_cumsum3A_1441, %add3A_1442 : vector<16xi32>
      %sub3A_1444 = arith.subi %add3A_1443, %get3A_1438 : vector<16xi32>
      %swap3A_1445 = arith.constant 240 : index
      %swap3A_1446 = tpu.vector_load %arg13[%swap3A_1445] {strides = array<i32>} : memref<256xi32, #tpu.memory_space<vmem>>, vector<16xi32>,
      tpu.vector_store %arg13[%swap3A_1445], %sub3A_1444 {strides = array<i32>} : memref<256xi32, #tpu.memory_space<vmem>>, vector<16xi32>,
      %reduce_max3A_1447 = arith.constant true
      %reduce_max3A_1448 = vector.broadcast %reduce_max3A_1447 : i1 to vector<16xi1>
      %reduce_max3A_1449 = arith.constant -2147483648 : i32
      %reduce_max3A_1450 = vector.broadcast %reduce_max3A_1449 : i32 to vector<16xi32>
      %reduce_max3A_1451 = arith.xori %add3A_1443, %reduce_max3A_1450 : vector<16xi32>
      %reduce_max3A_1452 = tpu.scan <max>, %reduce_max3A_1451 masked %reduce_max3A_1448 : vector<16xi32>, vector<16xi1> -> vector<16xi32>
      %reduce_max3A_1453 = arith.xori %reduce_max3A_1452, %reduce_max3A_1450 : vector<16xi32>
      %reduce_max3A_1454 = vector.extract %reduce_max3A_1453[15] : i32 from vector<16xi32>
      %scan3A_1455 = arith.constant 0 : i32
      %scan3A_1456 = arith.constant 0 : i32
      %scan3A_1457 = arith.constant 64 : i32
      %scan3A_1458 = arith.addi %scan3A_1456, %scan3A_1457 : i32
      %scan3A_1459 = arith.constant 1 : i32
      scf.for %scan3A_1770 = %scan3A_1456 to %scan3A_1458 step %scan3A_1459  : i32 {
        %mul3A_1771 = arith.constant 16 : i32
        %mul3A_1772 = arith.muli %scan3A_1770, %mul3A_1771 : i32
        %get3A_1773 = arith.index_cast %mul3A_1772 : i32 to index
        %get3A_1774 = tpu.vector_load %arg18[%get3A_1773] {strides = array<i32>} : memref<1024xi32, #tpu.memory_space<vmem>>, vector<16xi32>,
        %mul3A_1775 = arith.constant 16 : i32
        %mul3A_1776 = arith.muli %scan3A_1770, %mul3A_1775 : i32
        %get3A_1777 = arith.index_cast %mul3A_1776 : i32 to index
        %get3A_1778 = tpu.vector_load %arg19[%get3A_1777] {strides = array<i32>} : memref<1024xi32, #tpu.memory_space<vmem>>, vector<16xi32>,
        %shift_right_logical3A_1779 = arith.constant 16 : i32
        %shift_right_logical3A_1780 = vector.broadcast %shift_right_logical3A_1779 : i32 to vector<16xi32>
        %shift_right_logical3A_1781 = arith.shrui %get3A_1774, %shift_right_logical3A_1780 : vector<16xi32>
        %and3A_1782 = arith.constant 255 : i32
        %and3A_1783 = vector.broadcast %and3A_1782 : i32 to vector<16xi32>
        %and3A_1784 = arith.andi %shift_right_logical3A_1781, %and3A_1783 : vector<16xi32>
        %broadcast_in_dim3A_1785 = arith.constant true
        %broadcast_in_dim3A_1786 = vector.broadcast %broadcast_in_dim3A_1785 : i1 to vector<16xi1>
        %unique3A, %unique3A_1787 = tpu.scan_count mask(%broadcast_in_dim3A_1786 : vector<16xi1>) value(%and3A_1784 : vector<16xi32>) : vector<16xi1>, vector<16xi32>
        %gather3A_1788 = tpu.vector_load_idx %arg13[%and3A_1784] : memref<256xi32, #tpu.memory_space<vmem>>[vector<16xi32>], vector<16xi32>,
        %sub3A_1789 = arith.constant 1 : i32
        %sub3A_1790 = vector.broadcast %sub3A_1789 : i32 to vector<16xi32>
        %sub3A_1791 = arith.subi %unique3A_1787, %sub3A_1790 : vector<16xi32>
        %add3A_1792 = arith.addi %gather3A_1788, %sub3A_1791 : vector<16xi32>
        tpu.vector_store_idx %arg14[%add3A_1792], %get3A_1774 : memref<1024xi32, #tpu.memory_space<vmem>>[vector<16xi32>], vector<16xi32>,
        tpu.vector_store_idx %arg15[%add3A_1792], %get3A_1778 : memref<1024xi32, #tpu.memory_space<vmem>>[vector<16xi32>], vector<16xi32>,
        tpu.vector_store_idx %arg13[%and3A_1784], %unique3A_1787 masked %unique3A {add = true} : memref<256xi32, #tpu.memory_space<vmem>>[vector<16xi32>], vector<16xi32>, vector<16xi1>
      }
      %scan3A_1460 = arith.constant 64 : i32
      %scan3A_1461 = arith.constant 0 : i32
      %scan3A_1462 = arith.constant 0 : i32
      %scan3A_1463 = arith.constant 16 : i32
      %scan3A_1464 = arith.addi %scan3A_1462, %scan3A_1463 : i32
      %scan3A_1465 = arith.constant 1 : i32
      scf.for %scan3A_1770 = %scan3A_1462 to %scan3A_1464 step %scan3A_1465  : i32 {
        %mul3A_1771 = arith.constant 16 : i32
        %mul3A_1772 = arith.muli %scan3A_1770, %mul3A_1771 : i32
        %swap3A_1773 = arith.index_cast %mul3A_1772 : i32 to index
        %swap3A_1774 = tpu.vector_load %arg9[%swap3A_1773] {strides = array<i32>} : memref<2048xi32, #tpu.memory_space<vmem>>, vector<16xi32>,
        tpu.vector_store %arg9[%swap3A_1773], %broadcast_in_dim3A_42 {strides = array<i32>} : memref<2048xi32, #tpu.memory_space<vmem>>, vector<16xi32>,
      }
      %scan3A_1466 = arith.constant 16 : i32
      %scan3A_1467 = arith.constant 0 : i32
      %scan3A_1468 = arith.constant 0 : i32
      %scan3A_1469 = arith.constant 64 : i32
      %scan3A_1470 = arith.addi %scan3A_1468, %scan3A_1469 : i32
      %scan3A_1471 = arith.constant 1 : i32
      scf.for %scan3A_1770 = %scan3A_1468 to %scan3A_1470 step %scan3A_1471  : i32 {
        %mul3A_1771 = arith.constant 16 : i32
        %mul3A_1772 = arith.muli %scan3A_1770, %mul3A_1771 : i32
        %get3A_1773 = arith.index_cast %mul3A_1772 : i32 to index
        %get3A_1774 = tpu.vector_load %arg14[%get3A_1773] {strides = array<i32>} : memref<1024xi32, #tpu.memory_space<vmem>>, vector<16xi32>,
        %shift_right_logical3A_1775 = arith.constant 24 : i32
        %shift_right_logical3A_1776 = vector.broadcast %shift_right_logical3A_1775 : i32 to vector<16xi32>
        %shift_right_logical3A_1777 = arith.shrui %get3A_1774, %shift_right_logical3A_1776 : vector<16xi32>
        %and3A_1778 = arith.constant 255 : i32
        %and3A_1779 = vector.broadcast %and3A_1778 : i32 to vector<16xi32>
        %and3A_1780 = arith.andi %shift_right_logical3A_1777, %and3A_1779 : vector<16xi32>
        %broadcast_in_dim3A_1781 = arith.constant true
        %broadcast_in_dim3A_1782 = vector.broadcast %broadcast_in_dim3A_1781 : i1 to vector<16xi1>
        %unique3A, %unique3A_1783 = tpu.scan_count mask(%broadcast_in_dim3A_1782 : vector<16xi1>) value(%and3A_1780 : vector<16xi32>) : vector<16xi1>, vector<16xi32>
        tpu.vector_store_idx %arg9[%and3A_1780], %unique3A_1783 masked %unique3A {add = true} : memref<2048xi32, #tpu.memory_space<vmem>>[vector<16xi32>], vector<16xi32>, vector<16xi1>
      }
      %scan3A_1472 = arith.constant 64 : i32
      %get3A_1473 = arith.constant 0 : index
      %get3A_1474 = tpu.vector_load %arg9[%get3A_1473] {strides = array<i32>} : memref<2048xi32, #tpu.memory_space<vmem>>, vector<16xi32>,
      %broadcast_in_dim3A_1475 = arith.constant true
      %broadcast_in_dim3A_1476 = vector.broadcast %broadcast_in_dim3A_1475 : i1 to vector<16xi1>
      %masked_cumsum3A_1477 = tpu.scan <sum>, %get3A_1474 masked %broadcast_in_dim3A_1476 : vector<16xi32>, vector<16xi1> -> vector<16xi32>
      %add3A_1478 = arith.constant 0 : i32
      %add3A_1479 = vector.broadcast %add3A_1478 : i32 to vector<16xi32>
      %add3A_1480 = arith.addi %masked_cumsum3A_1477, %add3A_1479 : vector<16xi32>
      %sub3A_1481 = arith.subi %add3A_1480, %get3A_1474 : vector<16xi32>
      %swap3A_1482 = arith.constant 0 : index
      %swap3A_1483 = tpu.vector_load %arg13[%swap3A_1482] {strides = array<i32>} : memref<256xi32, #tpu.memory_space<vmem>>, vector<16xi32>,
      tpu.vector_store %arg13[%swap3A_1482], %sub3A_1481 {strides = array<i32>} : memref<256xi32, #tpu.memory_space<vmem>>, vector<16xi32>,
      %reduce_max3A_1484 = arith.constant true
      %reduce_max3A_1485 = vector.broadcast %reduce_max3A_1484 : i1 to vector<16xi1>
      %reduce_max3A_1486 = arith.constant -2147483648 : i32
      %reduce_max3A_1487 = vector.broadcast %reduce_max3A_1486 : i32 to vector<16xi32>
      %reduce_max3A_1488 = arith.xori %add3A_1480, %reduce_max3A_1487 : vector<16xi32>
      %reduce_max3A_1489 = tpu.scan <max>, %reduce_max3A_1488 masked %reduce_max3A_1485 : vector<16xi32>, vector<16xi1> -> vector<16xi32>
      %reduce_max3A_1490 = arith.xori %reduce_max3A_1489, %reduce_max3A_1487 : vector<16xi32>
      %reduce_max3A_1491 = vector.extract %reduce_max3A_1490[15] : i32 from vector<16xi32>
      %get3A_1492 = arith.constant 16 : index
      %get3A_1493 = tpu.vector_load %arg9[%get3A_1492] {strides = array<i32>} : memref<2048xi32, #tpu.memory_space<vmem>>, vector<16xi32>,
      %broadcast_in_dim3A_1494 = arith.constant true
      %broadcast_in_dim3A_1495 = vector.broadcast %broadcast_in_dim3A_1494 : i1 to vector<16xi1>
      %masked_cumsum3A_1496 = tpu.scan <sum>, %get3A_1493 masked %broadcast_in_dim3A_1495 : vector<16xi32>, vector<16xi1> -> vector<16xi32>
      %add3A_1497 = vector.broadcast %reduce_max3A_1491 : i32 to vector<16xi32>
      %add3A_1498 = arith.addi %masked_cumsum3A_1496, %add3A_1497 : vector<16xi32>
      %sub3A_1499 = arith.subi %add3A_1498, %get3A_1493 : vector<16xi32>
      %swap3A_1500 = arith.constant 16 : index
      %swap3A_1501 = tpu.vector_load %arg13[%swap3A_1500] {strides = array<i32>} : memref<256xi32, #tpu.memory_space<vmem>>, vector<16xi32>,
      tpu.vector_store %arg13[%swap3A_1500], %sub3A_1499 {strides = array<i32>} : memref<256xi32, #tpu.memory_space<vmem>>, vector<16xi32>,
      %reduce_max3A_1502 = arith.constant true
      %reduce_max3A_1503 = vector.broadcast %reduce_max3A_1502 : i1 to vector<16xi1>
      %reduce_max3A_1504 = arith.constant -2147483648 : i32
      %reduce_max3A_1505 = vector.broadcast %reduce_max3A_1504 : i32 to vector<16xi32>
      %reduce_max3A_1506 = arith.xori %add3A_1498, %reduce_max3A_1505 : vector<16xi32>
      %reduce_max3A_1507 = tpu.scan <max>, %reduce_max3A_1506 masked %reduce_max3A_1503 : vector<16xi32>, vector<16xi1> -> vector<16xi32>
      %reduce_max3A_1508 = arith.xori %reduce_max3A_1507, %reduce_max3A_1505 : vector<16xi32>
      %reduce_max3A_1509 = vector.extract %reduce_max3A_1508[15] : i32 from vector<16xi32>
      %get3A_1510 = arith.constant 32 : index
      %get3A_1511 = tpu.vector_load %arg9[%get3A_1510] {strides = array<i32>} : memref<2048xi32, #tpu.memory_space<vmem>>, vector<16xi32>,
      %broadcast_in_dim3A_1512 = arith.constant true
      %broadcast_in_dim3A_1513 = vector.broadcast %broadcast_in_dim3A_1512 : i1 to vector<16xi1>
      %masked_cumsum3A_1514 = tpu.scan <sum>, %get3A_1511 masked %broadcast_in_dim3A_1513 : vector<16xi32>, vector<16xi1> -> vector<16xi32>
      %add3A_1515 = vector.broadcast %reduce_max3A_1509 : i32 to vector<16xi32>
      %add3A_1516 = arith.addi %masked_cumsum3A_1514, %add3A_1515 : vector<16xi32>
      %sub3A_1517 = arith.subi %add3A_1516, %get3A_1511 : vector<16xi32>
      %swap3A_1518 = arith.constant 32 : index
      %swap3A_1519 = tpu.vector_load %arg13[%swap3A_1518] {strides = array<i32>} : memref<256xi32, #tpu.memory_space<vmem>>, vector<16xi32>,
      tpu.vector_store %arg13[%swap3A_1518], %sub3A_1517 {strides = array<i32>} : memref<256xi32, #tpu.memory_space<vmem>>, vector<16xi32>,
      %reduce_max3A_1520 = arith.constant true
      %reduce_max3A_1521 = vector.broadcast %reduce_max3A_1520 : i1 to vector<16xi1>
      %reduce_max3A_1522 = arith.constant -2147483648 : i32
      %reduce_max3A_1523 = vector.broadcast %reduce_max3A_1522 : i32 to vector<16xi32>
      %reduce_max3A_1524 = arith.xori %add3A_1516, %reduce_max3A_1523 : vector<16xi32>
      %reduce_max3A_1525 = tpu.scan <max>, %reduce_max3A_1524 masked %reduce_max3A_1521 : vector<16xi32>, vector<16xi1> -> vector<16xi32>
      %reduce_max3A_1526 = arith.xori %reduce_max3A_1525, %reduce_max3A_1523 : vector<16xi32>
      %reduce_max3A_1527 = vector.extract %reduce_max3A_1526[15] : i32 from vector<16xi32>
      %get3A_1528 = arith.constant 48 : index
      %get3A_1529 = tpu.vector_load %arg9[%get3A_1528] {strides = array<i32>} : memref<2048xi32, #tpu.memory_space<vmem>>, vector<16xi32>,
      %broadcast_in_dim3A_1530 = arith.constant true
      %broadcast_in_dim3A_1531 = vector.broadcast %broadcast_in_dim3A_1530 : i1 to vector<16xi1>
      %masked_cumsum3A_1532 = tpu.scan <sum>, %get3A_1529 masked %broadcast_in_dim3A_1531 : vector<16xi32>, vector<16xi1> -> vector<16xi32>
      %add3A_1533 = vector.broadcast %reduce_max3A_1527 : i32 to vector<16xi32>
      %add3A_1534 = arith.addi %masked_cumsum3A_1532, %add3A_1533 : vector<16xi32>
      %sub3A_1535 = arith.subi %add3A_1534, %get3A_1529 : vector<16xi32>
      %swap3A_1536 = arith.constant 48 : index
      %swap3A_1537 = tpu.vector_load %arg13[%swap3A_1536] {strides = array<i32>} : memref<256xi32, #tpu.memory_space<vmem>>, vector<16xi32>,
      tpu.vector_store %arg13[%swap3A_1536], %sub3A_1535 {strides = array<i32>} : memref<256xi32, #tpu.memory_space<vmem>>, vector<16xi32>,
      %reduce_max3A_1538 = arith.constant true
      %reduce_max3A_1539 = vector.broadcast %reduce_max3A_1538 : i1 to vector<16xi1>
      %reduce_max3A_1540 = arith.constant -2147483648 : i32
      %reduce_max3A_1541 = vector.broadcast %reduce_max3A_1540 : i32 to vector<16xi32>
      %reduce_max3A_1542 = arith.xori %add3A_1534, %reduce_max3A_1541 : vector<16xi32>
      %reduce_max3A_1543 = tpu.scan <max>, %reduce_max3A_1542 masked %reduce_max3A_1539 : vector<16xi32>, vector<16xi1> -> vector<16xi32>
      %reduce_max3A_1544 = arith.xori %reduce_max3A_1543, %reduce_max3A_1541 : vector<16xi32>
      %reduce_max3A_1545 = vector.extract %reduce_max3A_1544[15] : i32 from vector<16xi32>
      %get3A_1546 = arith.constant 64 : index
      %get3A_1547 = tpu.vector_load %arg9[%get3A_1546] {strides = array<i32>} : memref<2048xi32, #tpu.memory_space<vmem>>, vector<16xi32>,
      %broadcast_in_dim3A_1548 = arith.constant true
      %broadcast_in_dim3A_1549 = vector.broadcast %broadcast_in_dim3A_1548 : i1 to vector<16xi1>
      %masked_cumsum3A_1550 = tpu.scan <sum>, %get3A_1547 masked %broadcast_in_dim3A_1549 : vector<16xi32>, vector<16xi1> -> vector<16xi32>
      %add3A_1551 = vector.broadcast %reduce_max3A_1545 : i32 to vector<16xi32>
      %add3A_1552 = arith.addi %masked_cumsum3A_1550, %add3A_1551 : vector<16xi32>
      %sub3A_1553 = arith.subi %add3A_1552, %get3A_1547 : vector<16xi32>
      %swap3A_1554 = arith.constant 64 : index
      %swap3A_1555 = tpu.vector_load %arg13[%swap3A_1554] {strides = array<i32>} : memref<256xi32, #tpu.memory_space<vmem>>, vector<16xi32>,
      tpu.vector_store %arg13[%swap3A_1554], %sub3A_1553 {strides = array<i32>} : memref<256xi32, #tpu.memory_space<vmem>>, vector<16xi32>,
      %reduce_max3A_1556 = arith.constant true
      %reduce_max3A_1557 = vector.broadcast %reduce_max3A_1556 : i1 to vector<16xi1>
      %reduce_max3A_1558 = arith.constant -2147483648 : i32
      %reduce_max3A_1559 = vector.broadcast %reduce_max3A_1558 : i32 to vector<16xi32>
      %reduce_max3A_1560 = arith.xori %add3A_1552, %reduce_max3A_1559 : vector<16xi32>
      %reduce_max3A_1561 = tpu.scan <max>, %reduce_max3A_1560 masked %reduce_max3A_1557 : vector<16xi32>, vector<16xi1> -> vector<16xi32>
      %reduce_max3A_1562 = arith.xori %reduce_max3A_1561, %reduce_max3A_1559 : vector<16xi32>
      %reduce_max3A_1563 = vector.extract %reduce_max3A_1562[15] : i32 from vector<16xi32>
      %get3A_1564 = arith.constant 80 : index
      %get3A_1565 = tpu.vector_load %arg9[%get3A_1564] {strides = array<i32>} : memref<2048xi32, #tpu.memory_space<vmem>>, vector<16xi32>,
      %broadcast_in_dim3A_1566 = arith.constant true
      %broadcast_in_dim3A_1567 = vector.broadcast %broadcast_in_dim3A_1566 : i1 to vector<16xi1>
      %masked_cumsum3A_1568 = tpu.scan <sum>, %get3A_1565 masked %broadcast_in_dim3A_1567 : vector<16xi32>, vector<16xi1> -> vector<16xi32>
      %add3A_1569 = vector.broadcast %reduce_max3A_1563 : i32 to vector<16xi32>
      %add3A_1570 = arith.addi %masked_cumsum3A_1568, %add3A_1569 : vector<16xi32>
      %sub3A_1571 = arith.subi %add3A_1570, %get3A_1565 : vector<16xi32>
      %swap3A_1572 = arith.constant 80 : index
      %swap3A_1573 = tpu.vector_load %arg13[%swap3A_1572] {strides = array<i32>} : memref<256xi32, #tpu.memory_space<vmem>>, vector<16xi32>,
      tpu.vector_store %arg13[%swap3A_1572], %sub3A_1571 {strides = array<i32>} : memref<256xi32, #tpu.memory_space<vmem>>, vector<16xi32>,
      %reduce_max3A_1574 = arith.constant true
      %reduce_max3A_1575 = vector.broadcast %reduce_max3A_1574 : i1 to vector<16xi1>
      %reduce_max3A_1576 = arith.constant -2147483648 : i32
      %reduce_max3A_1577 = vector.broadcast %reduce_max3A_1576 : i32 to vector<16xi32>
      %reduce_max3A_1578 = arith.xori %add3A_1570, %reduce_max3A_1577 : vector<16xi32>
      %reduce_max3A_1579 = tpu.scan <max>, %reduce_max3A_1578 masked %reduce_max3A_1575 : vector<16xi32>, vector<16xi1> -> vector<16xi32>
      %reduce_max3A_1580 = arith.xori %reduce_max3A_1579, %reduce_max3A_1577 : vector<16xi32>
      %reduce_max3A_1581 = vector.extract %reduce_max3A_1580[15] : i32 from vector<16xi32>
      %get3A_1582 = arith.constant 96 : index
      %get3A_1583 = tpu.vector_load %arg9[%get3A_1582] {strides = array<i32>} : memref<2048xi32, #tpu.memory_space<vmem>>, vector<16xi32>,
      %broadcast_in_dim3A_1584 = arith.constant true
      %broadcast_in_dim3A_1585 = vector.broadcast %broadcast_in_dim3A_1584 : i1 to vector<16xi1>
      %masked_cumsum3A_1586 = tpu.scan <sum>, %get3A_1583 masked %broadcast_in_dim3A_1585 : vector<16xi32>, vector<16xi1> -> vector<16xi32>
      %add3A_1587 = vector.broadcast %reduce_max3A_1581 : i32 to vector<16xi32>
      %add3A_1588 = arith.addi %masked_cumsum3A_1586, %add3A_1587 : vector<16xi32>
      %sub3A_1589 = arith.subi %add3A_1588, %get3A_1583 : vector<16xi32>
      %swap3A_1590 = arith.constant 96 : index
      %swap3A_1591 = tpu.vector_load %arg13[%swap3A_1590] {strides = array<i32>} : memref<256xi32, #tpu.memory_space<vmem>>, vector<16xi32>,
      tpu.vector_store %arg13[%swap3A_1590], %sub3A_1589 {strides = array<i32>} : memref<256xi32, #tpu.memory_space<vmem>>, vector<16xi32>,
      %reduce_max3A_1592 = arith.constant true
      %reduce_max3A_1593 = vector.broadcast %reduce_max3A_1592 : i1 to vector<16xi1>
      %reduce_max3A_1594 = arith.constant -2147483648 : i32
      %reduce_max3A_1595 = vector.broadcast %reduce_max3A_1594 : i32 to vector<16xi32>
      %reduce_max3A_1596 = arith.xori %add3A_1588, %reduce_max3A_1595 : vector<16xi32>
      %reduce_max3A_1597 = tpu.scan <max>, %reduce_max3A_1596 masked %reduce_max3A_1593 : vector<16xi32>, vector<16xi1> -> vector<16xi32>
      %reduce_max3A_1598 = arith.xori %reduce_max3A_1597, %reduce_max3A_1595 : vector<16xi32>
      %reduce_max3A_1599 = vector.extract %reduce_max3A_1598[15] : i32 from vector<16xi32>
      %get3A_1600 = arith.constant 112 : index
      %get3A_1601 = tpu.vector_load %arg9[%get3A_1600] {strides = array<i32>} : memref<2048xi32, #tpu.memory_space<vmem>>, vector<16xi32>,
      %broadcast_in_dim3A_1602 = arith.constant true
      %broadcast_in_dim3A_1603 = vector.broadcast %broadcast_in_dim3A_1602 : i1 to vector<16xi1>
      %masked_cumsum3A_1604 = tpu.scan <sum>, %get3A_1601 masked %broadcast_in_dim3A_1603 : vector<16xi32>, vector<16xi1> -> vector<16xi32>
      %add3A_1605 = vector.broadcast %reduce_max3A_1599 : i32 to vector<16xi32>
      %add3A_1606 = arith.addi %masked_cumsum3A_1604, %add3A_1605 : vector<16xi32>
      %sub3A_1607 = arith.subi %add3A_1606, %get3A_1601 : vector<16xi32>
      %swap3A_1608 = arith.constant 112 : index
      %swap3A_1609 = tpu.vector_load %arg13[%swap3A_1608] {strides = array<i32>} : memref<256xi32, #tpu.memory_space<vmem>>, vector<16xi32>,
      tpu.vector_store %arg13[%swap3A_1608], %sub3A_1607 {strides = array<i32>} : memref<256xi32, #tpu.memory_space<vmem>>, vector<16xi32>,
      %reduce_max3A_1610 = arith.constant true
      %reduce_max3A_1611 = vector.broadcast %reduce_max3A_1610 : i1 to vector<16xi1>
      %reduce_max3A_1612 = arith.constant -2147483648 : i32
      %reduce_max3A_1613 = vector.broadcast %reduce_max3A_1612 : i32 to vector<16xi32>
      %reduce_max3A_1614 = arith.xori %add3A_1606, %reduce_max3A_1613 : vector<16xi32>
      %reduce_max3A_1615 = tpu.scan <max>, %reduce_max3A_1614 masked %reduce_max3A_1611 : vector<16xi32>, vector<16xi1> -> vector<16xi32>
      %reduce_max3A_1616 = arith.xori %reduce_max3A_1615, %reduce_max3A_1613 : vector<16xi32>
      %reduce_max3A_1617 = vector.extract %reduce_max3A_1616[15] : i32 from vector<16xi32>
      %get3A_1618 = arith.constant 128 : index
      %get3A_1619 = tpu.vector_load %arg9[%get3A_1618] {strides = array<i32>} : memref<2048xi32, #tpu.memory_space<vmem>>, vector<16xi32>,
      %broadcast_in_dim3A_1620 = arith.constant true
      %broadcast_in_dim3A_1621 = vector.broadcast %broadcast_in_dim3A_1620 : i1 to vector<16xi1>
      %masked_cumsum3A_1622 = tpu.scan <sum>, %get3A_1619 masked %broadcast_in_dim3A_1621 : vector<16xi32>, vector<16xi1> -> vector<16xi32>
      %add3A_1623 = vector.broadcast %reduce_max3A_1617 : i32 to vector<16xi32>
      %add3A_1624 = arith.addi %masked_cumsum3A_1622, %add3A_1623 : vector<16xi32>
      %sub3A_1625 = arith.subi %add3A_1624, %get3A_1619 : vector<16xi32>
      %swap3A_1626 = arith.constant 128 : index
      %swap3A_1627 = tpu.vector_load %arg13[%swap3A_1626] {strides = array<i32>} : memref<256xi32, #tpu.memory_space<vmem>>, vector<16xi32>,
      tpu.vector_store %arg13[%swap3A_1626], %sub3A_1625 {strides = array<i32>} : memref<256xi32, #tpu.memory_space<vmem>>, vector<16xi32>,
      %reduce_max3A_1628 = arith.constant true
      %reduce_max3A_1629 = vector.broadcast %reduce_max3A_1628 : i1 to vector<16xi1>
      %reduce_max3A_1630 = arith.constant -2147483648 : i32
      %reduce_max3A_1631 = vector.broadcast %reduce_max3A_1630 : i32 to vector<16xi32>
      %reduce_max3A_1632 = arith.xori %add3A_1624, %reduce_max3A_1631 : vector<16xi32>
      %reduce_max3A_1633 = tpu.scan <max>, %reduce_max3A_1632 masked %reduce_max3A_1629 : vector<16xi32>, vector<16xi1> -> vector<16xi32>
      %reduce_max3A_1634 = arith.xori %reduce_max3A_1633, %reduce_max3A_1631 : vector<16xi32>
      %reduce_max3A_1635 = vector.extract %reduce_max3A_1634[15] : i32 from vector<16xi32>
      %get3A_1636 = arith.constant 144 : index
      %get3A_1637 = tpu.vector_load %arg9[%get3A_1636] {strides = array<i32>} : memref<2048xi32, #tpu.memory_space<vmem>>, vector<16xi32>,
      %broadcast_in_dim3A_1638 = arith.constant true
      %broadcast_in_dim3A_1639 = vector.broadcast %broadcast_in_dim3A_1638 : i1 to vector<16xi1>
      %masked_cumsum3A_1640 = tpu.scan <sum>, %get3A_1637 masked %broadcast_in_dim3A_1639 : vector<16xi32>, vector<16xi1> -> vector<16xi32>
      %add3A_1641 = vector.broadcast %reduce_max3A_1635 : i32 to vector<16xi32>
      %add3A_1642 = arith.addi %masked_cumsum3A_1640, %add3A_1641 : vector<16xi32>
      %sub3A_1643 = arith.subi %add3A_1642, %get3A_1637 : vector<16xi32>
      %swap3A_1644 = arith.constant 144 : index
      %swap3A_1645 = tpu.vector_load %arg13[%swap3A_1644] {strides = array<i32>} : memref<256xi32, #tpu.memory_space<vmem>>, vector<16xi32>,
      tpu.vector_store %arg13[%swap3A_1644], %sub3A_1643 {strides = array<i32>} : memref<256xi32, #tpu.memory_space<vmem>>, vector<16xi32>,
      %reduce_max3A_1646 = arith.constant true
      %reduce_max3A_1647 = vector.broadcast %reduce_max3A_1646 : i1 to vector<16xi1>
      %reduce_max3A_1648 = arith.constant -2147483648 : i32
      %reduce_max3A_1649 = vector.broadcast %reduce_max3A_1648 : i32 to vector<16xi32>
      %reduce_max3A_1650 = arith.xori %add3A_1642, %reduce_max3A_1649 : vector<16xi32>
      %reduce_max3A_1651 = tpu.scan <max>, %reduce_max3A_1650 masked %reduce_max3A_1647 : vector<16xi32>, vector<16xi1> -> vector<16xi32>
      %reduce_max3A_1652 = arith.xori %reduce_max3A_1651, %reduce_max3A_1649 : vector<16xi32>
      %reduce_max3A_1653 = vector.extract %reduce_max3A_1652[15] : i32 from vector<16xi32>
      %get3A_1654 = arith.constant 160 : index
      %get3A_1655 = tpu.vector_load %arg9[%get3A_1654] {strides = array<i32>} : memref<2048xi32, #tpu.memory_space<vmem>>, vector<16xi32>,
      %broadcast_in_dim3A_1656 = arith.constant true
      %broadcast_in_dim3A_1657 = vector.broadcast %broadcast_in_dim3A_1656 : i1 to vector<16xi1>
      %masked_cumsum3A_1658 = tpu.scan <sum>, %get3A_1655 masked %broadcast_in_dim3A_1657 : vector<16xi32>, vector<16xi1> -> vector<16xi32>
      %add3A_1659 = vector.broadcast %reduce_max3A_1653 : i32 to vector<16xi32>
      %add3A_1660 = arith.addi %masked_cumsum3A_1658, %add3A_1659 : vector<16xi32>
      %sub3A_1661 = arith.subi %add3A_1660, %get3A_1655 : vector<16xi32>
      %swap3A_1662 = arith.constant 160 : index
      %swap3A_1663 = tpu.vector_load %arg13[%swap3A_1662] {strides = array<i32>} : memref<256xi32, #tpu.memory_space<vmem>>, vector<16xi32>,
      tpu.vector_store %arg13[%swap3A_1662], %sub3A_1661 {strides = array<i32>} : memref<256xi32, #tpu.memory_space<vmem>>, vector<16xi32>,
      %reduce_max3A_1664 = arith.constant true
      %reduce_max3A_1665 = vector.broadcast %reduce_max3A_1664 : i1 to vector<16xi1>
      %reduce_max3A_1666 = arith.constant -2147483648 : i32
      %reduce_max3A_1667 = vector.broadcast %reduce_max3A_1666 : i32 to vector<16xi32>
      %reduce_max3A_1668 = arith.xori %add3A_1660, %reduce_max3A_1667 : vector<16xi32>
      %reduce_max3A_1669 = tpu.scan <max>, %reduce_max3A_1668 masked %reduce_max3A_1665 : vector<16xi32>, vector<16xi1> -> vector<16xi32>
      %reduce_max3A_1670 = arith.xori %reduce_max3A_1669, %reduce_max3A_1667 : vector<16xi32>
      %reduce_max3A_1671 = vector.extract %reduce_max3A_1670[15] : i32 from vector<16xi32>
      %get3A_1672 = arith.constant 176 : index
      %get3A_1673 = tpu.vector_load %arg9[%get3A_1672] {strides = array<i32>} : memref<2048xi32, #tpu.memory_space<vmem>>, vector<16xi32>,
      %broadcast_in_dim3A_1674 = arith.constant true
      %broadcast_in_dim3A_1675 = vector.broadcast %broadcast_in_dim3A_1674 : i1 to vector<16xi1>
      %masked_cumsum3A_1676 = tpu.scan <sum>, %get3A_1673 masked %broadcast_in_dim3A_1675 : vector<16xi32>, vector<16xi1> -> vector<16xi32>
      %add3A_1677 = vector.broadcast %reduce_max3A_1671 : i32 to vector<16xi32>
      %add3A_1678 = arith.addi %masked_cumsum3A_1676, %add3A_1677 : vector<16xi32>
      %sub3A_1679 = arith.subi %add3A_1678, %get3A_1673 : vector<16xi32>
      %swap3A_1680 = arith.constant 176 : index
      %swap3A_1681 = tpu.vector_load %arg13[%swap3A_1680] {strides = array<i32>} : memref<256xi32, #tpu.memory_space<vmem>>, vector<16xi32>,
      tpu.vector_store %arg13[%swap3A_1680], %sub3A_1679 {strides = array<i32>} : memref<256xi32, #tpu.memory_space<vmem>>, vector<16xi32>,
      %reduce_max3A_1682 = arith.constant true
      %reduce_max3A_1683 = vector.broadcast %reduce_max3A_1682 : i1 to vector<16xi1>
      %reduce_max3A_1684 = arith.constant -2147483648 : i32
      %reduce_max3A_1685 = vector.broadcast %reduce_max3A_1684 : i32 to vector<16xi32>
      %reduce_max3A_1686 = arith.xori %add3A_1678, %reduce_max3A_1685 : vector<16xi32>
      %reduce_max3A_1687 = tpu.scan <max>, %reduce_max3A_1686 masked %reduce_max3A_1683 : vector<16xi32>, vector<16xi1> -> vector<16xi32>
      %reduce_max3A_1688 = arith.xori %reduce_max3A_1687, %reduce_max3A_1685 : vector<16xi32>
      %reduce_max3A_1689 = vector.extract %reduce_max3A_1688[15] : i32 from vector<16xi32>
      %get3A_1690 = arith.constant 192 : index
      %get3A_1691 = tpu.vector_load %arg9[%get3A_1690] {strides = array<i32>} : memref<2048xi32, #tpu.memory_space<vmem>>, vector<16xi32>,
      %broadcast_in_dim3A_1692 = arith.constant true
      %broadcast_in_dim3A_1693 = vector.broadcast %broadcast_in_dim3A_1692 : i1 to vector<16xi1>
      %masked_cumsum3A_1694 = tpu.scan <sum>, %get3A_1691 masked %broadcast_in_dim3A_1693 : vector<16xi32>, vector<16xi1> -> vector<16xi32>
      %add3A_1695 = vector.broadcast %reduce_max3A_1689 : i32 to vector<16xi32>
      %add3A_1696 = arith.addi %masked_cumsum3A_1694, %add3A_1695 : vector<16xi32>
      %sub3A_1697 = arith.subi %add3A_1696, %get3A_1691 : vector<16xi32>
      %swap3A_1698 = arith.constant 192 : index
      %swap3A_1699 = tpu.vector_load %arg13[%swap3A_1698] {strides = array<i32>} : memref<256xi32, #tpu.memory_space<vmem>>, vector<16xi32>,
      tpu.vector_store %arg13[%swap3A_1698], %sub3A_1697 {strides = array<i32>} : memref<256xi32, #tpu.memory_space<vmem>>, vector<16xi32>,
      %reduce_max3A_1700 = arith.constant true
      %reduce_max3A_1701 = vector.broadcast %reduce_max3A_1700 : i1 to vector<16xi1>
      %reduce_max3A_1702 = arith.constant -2147483648 : i32
      %reduce_max3A_1703 = vector.broadcast %reduce_max3A_1702 : i32 to vector<16xi32>
      %reduce_max3A_1704 = arith.xori %add3A_1696, %reduce_max3A_1703 : vector<16xi32>
      %reduce_max3A_1705 = tpu.scan <max>, %reduce_max3A_1704 masked %reduce_max3A_1701 : vector<16xi32>, vector<16xi1> -> vector<16xi32>
      %reduce_max3A_1706 = arith.xori %reduce_max3A_1705, %reduce_max3A_1703 : vector<16xi32>
      %reduce_max3A_1707 = vector.extract %reduce_max3A_1706[15] : i32 from vector<16xi32>
      %get3A_1708 = arith.constant 208 : index
      %get3A_1709 = tpu.vector_load %arg9[%get3A_1708] {strides = array<i32>} : memref<2048xi32, #tpu.memory_space<vmem>>, vector<16xi32>,
      %broadcast_in_dim3A_1710 = arith.constant true
      %broadcast_in_dim3A_1711 = vector.broadcast %broadcast_in_dim3A_1710 : i1 to vector<16xi1>
      %masked_cumsum3A_1712 = tpu.scan <sum>, %get3A_1709 masked %broadcast_in_dim3A_1711 : vector<16xi32>, vector<16xi1> -> vector<16xi32>
      %add3A_1713 = vector.broadcast %reduce_max3A_1707 : i32 to vector<16xi32>
      %add3A_1714 = arith.addi %masked_cumsum3A_1712, %add3A_1713 : vector<16xi32>
      %sub3A_1715 = arith.subi %add3A_1714, %get3A_1709 : vector<16xi32>
      %swap3A_1716 = arith.constant 208 : index
      %swap3A_1717 = tpu.vector_load %arg13[%swap3A_1716] {strides = array<i32>} : memref<256xi32, #tpu.memory_space<vmem>>, vector<16xi32>,
      tpu.vector_store %arg13[%swap3A_1716], %sub3A_1715 {strides = array<i32>} : memref<256xi32, #tpu.memory_space<vmem>>, vector<16xi32>,
      %reduce_max3A_1718 = arith.constant true
      %reduce_max3A_1719 = vector.broadcast %reduce_max3A_1718 : i1 to vector<16xi1>
      %reduce_max3A_1720 = arith.constant -2147483648 : i32
      %reduce_max3A_1721 = vector.broadcast %reduce_max3A_1720 : i32 to vector<16xi32>
      %reduce_max3A_1722 = arith.xori %add3A_1714, %reduce_max3A_1721 : vector<16xi32>
      %reduce_max3A_1723 = tpu.scan <max>, %reduce_max3A_1722 masked %reduce_max3A_1719 : vector<16xi32>, vector<16xi1> -> vector<16xi32>
      %reduce_max3A_1724 = arith.xori %reduce_max3A_1723, %reduce_max3A_1721 : vector<16xi32>
      %reduce_max3A_1725 = vector.extract %reduce_max3A_1724[15] : i32 from vector<16xi32>
      %get3A_1726 = arith.constant 224 : index
      %get3A_1727 = tpu.vector_load %arg9[%get3A_1726] {strides = array<i32>} : memref<2048xi32, #tpu.memory_space<vmem>>, vector<16xi32>,
      %broadcast_in_dim3A_1728 = arith.constant true
      %broadcast_in_dim3A_1729 = vector.broadcast %broadcast_in_dim3A_1728 : i1 to vector<16xi1>
      %masked_cumsum3A_1730 = tpu.scan <sum>, %get3A_1727 masked %broadcast_in_dim3A_1729 : vector<16xi32>, vector<16xi1> -> vector<16xi32>
      %add3A_1731 = vector.broadcast %reduce_max3A_1725 : i32 to vector<16xi32>
      %add3A_1732 = arith.addi %masked_cumsum3A_1730, %add3A_1731 : vector<16xi32>
      %sub3A_1733 = arith.subi %add3A_1732, %get3A_1727 : vector<16xi32>
      %swap3A_1734 = arith.constant 224 : index
      %swap3A_1735 = tpu.vector_load %arg13[%swap3A_1734] {strides = array<i32>} : memref<256xi32, #tpu.memory_space<vmem>>, vector<16xi32>,
      tpu.vector_store %arg13[%swap3A_1734], %sub3A_1733 {strides = array<i32>} : memref<256xi32, #tpu.memory_space<vmem>>, vector<16xi32>,
      %reduce_max3A_1736 = arith.constant true
      %reduce_max3A_1737 = vector.broadcast %reduce_max3A_1736 : i1 to vector<16xi1>
      %reduce_max3A_1738 = arith.constant -2147483648 : i32
      %reduce_max3A_1739 = vector.broadcast %reduce_max3A_1738 : i32 to vector<16xi32>
      %reduce_max3A_1740 = arith.xori %add3A_1732, %reduce_max3A_1739 : vector<16xi32>
      %reduce_max3A_1741 = tpu.scan <max>, %reduce_max3A_1740 masked %reduce_max3A_1737 : vector<16xi32>, vector<16xi1> -> vector<16xi32>
      %reduce_max3A_1742 = arith.xori %reduce_max3A_1741, %reduce_max3A_1739 : vector<16xi32>
      %reduce_max3A_1743 = vector.extract %reduce_max3A_1742[15] : i32 from vector<16xi32>
      %get3A_1744 = arith.constant 240 : index
      %get3A_1745 = tpu.vector_load %arg9[%get3A_1744] {strides = array<i32>} : memref<2048xi32, #tpu.memory_space<vmem>>, vector<16xi32>,
      %broadcast_in_dim3A_1746 = arith.constant true
      %broadcast_in_dim3A_1747 = vector.broadcast %broadcast_in_dim3A_1746 : i1 to vector<16xi1>
      %masked_cumsum3A_1748 = tpu.scan <sum>, %get3A_1745 masked %broadcast_in_dim3A_1747 : vector<16xi32>, vector<16xi1> -> vector<16xi32>
      %add3A_1749 = vector.broadcast %reduce_max3A_1743 : i32 to vector<16xi32>
      %add3A_1750 = arith.addi %masked_cumsum3A_1748, %add3A_1749 : vector<16xi32>
      %sub3A_1751 = arith.subi %add3A_1750, %get3A_1745 : vector<16xi32>
      %swap3A_1752 = arith.constant 240 : index
      %swap3A_1753 = tpu.vector_load %arg13[%swap3A_1752] {strides = array<i32>} : memref<256xi32, #tpu.memory_space<vmem>>, vector<16xi32>,
      tpu.vector_store %arg13[%swap3A_1752], %sub3A_1751 {strides = array<i32>} : memref<256xi32, #tpu.memory_space<vmem>>, vector<16xi32>,
      %reduce_max3A_1754 = arith.constant true
      %reduce_max3A_1755 = vector.broadcast %reduce_max3A_1754 : i1 to vector<16xi1>
      %reduce_max3A_1756 = arith.constant -2147483648 : i32
      %reduce_max3A_1757 = vector.broadcast %reduce_max3A_1756 : i32 to vector<16xi32>
      %reduce_max3A_1758 = arith.xori %add3A_1750, %reduce_max3A_1757 : vector<16xi32>
      %reduce_max3A_1759 = tpu.scan <max>, %reduce_max3A_1758 masked %reduce_max3A_1755 : vector<16xi32>, vector<16xi1> -> vector<16xi32>
      %reduce_max3A_1760 = arith.xori %reduce_max3A_1759, %reduce_max3A_1757 : vector<16xi32>
      %reduce_max3A_1761 = vector.extract %reduce_max3A_1760[15] : i32 from vector<16xi32>
      %scan3A_1762 = arith.constant 0 : i32
      %scan3A_1763 = arith.constant 0 : i32
      %scan3A_1764 = arith.constant 64 : i32
      %scan3A_1765 = arith.addi %scan3A_1763, %scan3A_1764 : i32
      %scan3A_1766 = arith.constant 1 : i32
      scf.for %scan3A_1770 = %scan3A_1763 to %scan3A_1765 step %scan3A_1766  : i32 {
        %mul3A_1771 = arith.constant 16 : i32
        %mul3A_1772 = arith.muli %scan3A_1770, %mul3A_1771 : i32
        %get3A_1773 = arith.index_cast %mul3A_1772 : i32 to index
        %get3A_1774 = tpu.vector_load %arg14[%get3A_1773] {strides = array<i32>} : memref<1024xi32, #tpu.memory_space<vmem>>, vector<16xi32>,
        %mul3A_1775 = arith.constant 16 : i32
        %mul3A_1776 = arith.muli %scan3A_1770, %mul3A_1775 : i32
        %get3A_1777 = arith.index_cast %mul3A_1776 : i32 to index
        %get3A_1778 = tpu.vector_load %arg15[%get3A_1777] {strides = array<i32>} : memref<1024xi32, #tpu.memory_space<vmem>>, vector<16xi32>,
        %shift_right_logical3A_1779 = arith.constant 24 : i32
        %shift_right_logical3A_1780 = vector.broadcast %shift_right_logical3A_1779 : i32 to vector<16xi32>
        %shift_right_logical3A_1781 = arith.shrui %get3A_1774, %shift_right_logical3A_1780 : vector<16xi32>
        %and3A_1782 = arith.constant 255 : i32
        %and3A_1783 = vector.broadcast %and3A_1782 : i32 to vector<16xi32>
        %and3A_1784 = arith.andi %shift_right_logical3A_1781, %and3A_1783 : vector<16xi32>
        %broadcast_in_dim3A_1785 = arith.constant true
        %broadcast_in_dim3A_1786 = vector.broadcast %broadcast_in_dim3A_1785 : i1 to vector<16xi1>
        %unique3A, %unique3A_1787 = tpu.scan_count mask(%broadcast_in_dim3A_1786 : vector<16xi1>) value(%and3A_1784 : vector<16xi32>) : vector<16xi1>, vector<16xi32>
        %gather3A_1788 = tpu.vector_load_idx %arg13[%and3A_1784] : memref<256xi32, #tpu.memory_space<vmem>>[vector<16xi32>], vector<16xi32>,
        %sub3A_1789 = arith.constant 1 : i32
        %sub3A_1790 = vector.broadcast %sub3A_1789 : i32 to vector<16xi32>
        %sub3A_1791 = arith.subi %unique3A_1787, %sub3A_1790 : vector<16xi32>
        %add3A_1792 = arith.addi %gather3A_1788, %sub3A_1791 : vector<16xi32>
        tpu.vector_store_idx %arg19[%add3A_1792], %get3A_1778 : memref<1024xi32, #tpu.memory_space<vmem>>[vector<16xi32>], vector<16xi32>,
        tpu.vector_store_idx %arg13[%and3A_1784], %unique3A_1787 masked %unique3A {add = true} : memref<256xi32, #tpu.memory_space<vmem>>[vector<16xi32>], vector<16xi32>, vector<16xi1>
      }
      %scan3A_1767 = arith.constant 64 : i32
      %mul3A_1768 = arith.constant 1024 : i32
      %mul3A_1769 = arith.muli %select_n3A, %mul3A_1768 : i32
      "tpu.region"() ({
        %run_scoped3A = tpu.sem_alloc : memref<!tpu.dma_semaphore, #tpu.memory_space<semaphore_mem>>
        %dma_start3A_1770 = tpu.memref_slice %arg39[%mul3A_1769] : memref<4096xi32, #tpu.memory_space<vmem_shared>> -> memref<1024xi32, #tpu.memory_space<vmem_shared>>
        %dma_start3A_1771 = tpu.memref_slice %arg39[%mul3A_1769] : memref<4096xi32, #tpu.memory_space<vmem_shared>> -> memref<1024xi32, #tpu.memory_space<vmem_shared>>
        tpu.enqueue_dma source(%arg19 : memref<1024xi32, #tpu.memory_space<vmem>>) target(%dma_start3A_1771 : memref<1024xi32, #tpu.memory_space<vmem_shared>>) target_semaphore(%run_scoped3A : memref<!tpu.dma_semaphore, #tpu.memory_space<semaphore_mem>>)
        %dma_wait3A_1772 = tpu.memref_slice %arg39[%mul3A_1769] : memref<4096xi32, #tpu.memory_space<vmem_shared>> -> memref<1024xi32, #tpu.memory_space<vmem_shared>>
        %dma_wait3A_1773 = tpu.memref_slice %arg39[%mul3A_1769] : memref<4096xi32, #tpu.memory_space<vmem_shared>> -> memref<1024xi32, #tpu.memory_space<vmem_shared>>
        tpu.wait_dma2 semaphore(%run_scoped3A : memref<!tpu.dma_semaphore, #tpu.memory_space<semaphore_mem>>) src(%arg19 : memref<1024xi32, #tpu.memory_space<vmem>>) dst(%dma_wait3A_1773 : memref<1024xi32, #tpu.memory_space<vmem_shared>>)
        tpu.yield
      }) : () -> ()
    } else {
    }
    %barrier3A_381 = arith.constant 0 : index
    tpu.barrier barrier_id(%barrier3A_381)
    %get3A = arith.constant 0 : index
    %get3A_382 = tpu.vector_load %arg24[%get3A] {strides = array<i32>} : memref<16xi32, #tpu.memory_space<vmem>>, vector<16xi32>,
    %mul3A_383 = arith.constant 1024 : i32
    %mul3A_384 = arith.muli %select_n3A, %mul3A_383 : i32
    %mul3A_385 = arith.constant 256 : i32
    %mul3A_386 = arith.muli %select_n3A_28, %mul3A_385 : i32
    %add3A_387 = arith.addi %mul3A_384, %mul3A_386 : i32
    "tpu.region"() ({
      %run_scoped3A = tpu.sem_alloc : memref<!tpu.dma_semaphore, #tpu.memory_space<semaphore_mem>>
      %dma_start3A_489 = tpu.memref_slice %arg39[%add3A_387] : memref<4096xi32, #tpu.memory_space<vmem_shared>> -> memref<256xi32, #tpu.memory_space<vmem_shared>>
      %dma_start3A_490 = tpu.memref_slice %arg39[%add3A_387] : memref<4096xi32, #tpu.memory_space<vmem_shared>> -> memref<256xi32, #tpu.memory_space<vmem_shared>>
      tpu.enqueue_dma source(%dma_start3A_490 : memref<256xi32, #tpu.memory_space<vmem_shared>>) target(%arg29 : memref<256xi32, #tpu.memory_space<vmem>>) target_semaphore(%run_scoped3A : memref<!tpu.dma_semaphore, #tpu.memory_space<semaphore_mem>>)
      %dma_wait3A_491 = tpu.memref_slice %arg39[%add3A_387] : memref<4096xi32, #tpu.memory_space<vmem_shared>> -> memref<256xi32, #tpu.memory_space<vmem_shared>>
      %dma_wait3A_492 = tpu.memref_slice %arg39[%add3A_387] : memref<4096xi32, #tpu.memory_space<vmem_shared>> -> memref<256xi32, #tpu.memory_space<vmem_shared>>
      tpu.wait_dma2 semaphore(%run_scoped3A : memref<!tpu.dma_semaphore, #tpu.memory_space<semaphore_mem>>) src(%dma_wait3A_492 : memref<256xi32, #tpu.memory_space<vmem_shared>>) dst(%arg29 : memref<256xi32, #tpu.memory_space<vmem>>)
      tpu.yield
    }) : () -> ()
    %scan3A_388 = arith.constant 0 : i32
    %scan3A_389 = arith.constant 0 : i32
    %scan3A_390 = arith.constant 16 : i32
    %scan3A_391 = arith.addi %scan3A_389, %scan3A_390 : i32
    %scan3A_392 = arith.constant 1 : i32
    scf.for %scan3A_489 = %scan3A_389 to %scan3A_391 step %scan3A_392  : i32 {
      %mul3A_490 = arith.constant 16 : i32
      %mul3A_491 = arith.muli %scan3A_489, %mul3A_490 : i32
      %get3A_492 = arith.index_cast %mul3A_491 : i32 to index
      %get3A_493 = tpu.vector_load %arg29[%get3A_492] {strides = array<i32>} : memref<256xi32, #tpu.memory_space<vmem>>, vector<16xi32>,
      %mul3A_494 = arith.constant 16384 : i32
      %mul3A_495 = arith.muli %add3A_30, %mul3A_494 : i32
      %add3A_496 = vector.broadcast %mul3A_495 : i32 to vector<16xi32>
      %add3A_497 = arith.addi %get3A_493, %add3A_496 : vector<16xi32>
      %add3A_498 = arith.addi %add3A_497, %get3A_382 : vector<16xi32>
      %swap3A_499 = arith.index_cast %mul3A_491 : i32 to index
      %swap3A_500 = tpu.vector_load %arg29[%swap3A_499] {strides = array<i32>} : memref<256xi32, #tpu.memory_space<vmem>>, vector<16xi32>,
      tpu.vector_store %arg29[%swap3A_499], %add3A_498 {strides = array<i32>} : memref<256xi32, #tpu.memory_space<vmem>>, vector<16xi32>,
    }
    %scan3A_393 = arith.constant 16 : i32
    %dma_start3A = arith.constant 0 : i32
    %dma_start3A_394 = arith.constant 0 : i32
    %dma_start3A_395 = tpu.memref_slice %arg30[%dma_start3A, %dma_start3A_394] : memref<128x256xf32, #tpu.memory_space<vmem>> -> memref<64x256xf32, #tpu.memory_space<vmem>>
    %dma_start3A_396 = arith.constant 0 : i32
    %dma_start3A_397 = tpu.memref_slice %arg29[%dma_start3A_396] : memref<256xi32, #tpu.memory_space<vmem>> -> memref<64xi32, #tpu.memory_space<vmem>>
    %dma_start3A_398 = arith.constant 0 : i32
    %dma_start3A_399 = arith.constant 0 : i32
    %dma_start3A_400 = tpu.memref_slice %arg5[%dma_start3A_398, %dma_start3A_399] : memref<131072x256xf32, #tpu.memory_space<hbm>> -> memref<131072x256xf32, #tpu.memory_space<hbm>>
    tpu.enqueue_indirect_dma source(%dma_start3A_400 : memref<131072x256xf32, #tpu.memory_space<hbm>>) target(%dma_start3A_395 : memref<64x256xf32, #tpu.memory_space<vmem>>) offsets(%dma_start3A_397 : memref<64xi32, #tpu.memory_space<vmem>>) semaphore(%arg31 : memref<!tpu.dma_semaphore, #tpu.memory_space<semaphore_mem>>)
    %dma_start3A_401 = arith.constant 64 : i32
    %dma_start3A_402 = arith.constant 0 : i32
    %dma_start3A_403 = tpu.memref_slice %arg30[%dma_start3A_401, %dma_start3A_402] : memref<128x256xf32, #tpu.memory_space<vmem>> -> memref<64x256xf32, #tpu.memory_space<vmem>>
    %dma_start3A_404 = arith.constant 64 : i32
    %dma_start3A_405 = tpu.memref_slice %arg29[%dma_start3A_404] : memref<256xi32, #tpu.memory_space<vmem>> -> memref<64xi32, #tpu.memory_space<vmem>>
    %dma_start3A_406 = arith.constant 0 : i32
    %dma_start3A_407 = arith.constant 0 : i32
    %dma_start3A_408 = tpu.memref_slice %arg5[%dma_start3A_406, %dma_start3A_407] : memref<131072x256xf32, #tpu.memory_space<hbm>> -> memref<131072x256xf32, #tpu.memory_space<hbm>>
    tpu.enqueue_indirect_dma source(%dma_start3A_408 : memref<131072x256xf32, #tpu.memory_space<hbm>>) target(%dma_start3A_403 : memref<64x256xf32, #tpu.memory_space<vmem>>) offsets(%dma_start3A_405 : memref<64xi32, #tpu.memory_space<vmem>>) semaphore(%arg31 : memref<!tpu.dma_semaphore, #tpu.memory_space<semaphore_mem>>)
    %dma_wait3A = arith.constant 0 : i32
    %dma_wait3A_409 = arith.constant 0 : i32
    %dma_wait3A_410 = tpu.memref_slice %arg30[%dma_wait3A, %dma_wait3A_409] : memref<128x256xf32, #tpu.memory_space<vmem>> -> memref<64x256xf32, #tpu.memory_space<vmem>>
    %dma_wait3A_411 = arith.constant 0 : i32
    %dma_wait3A_412 = tpu.memref_slice %arg29[%dma_wait3A_411] : memref<256xi32, #tpu.memory_space<vmem>> -> memref<64xi32, #tpu.memory_space<vmem>>
    %dma_wait3A_413 = arith.constant 0 : i32
    %dma_wait3A_414 = arith.constant 0 : i32
    %dma_wait3A_415 = tpu.memref_slice %arg5[%dma_wait3A_413, %dma_wait3A_414] : memref<131072x256xf32, #tpu.memory_space<hbm>> -> memref<131072x256xf32, #tpu.memory_space<hbm>>
    tpu.wait_indirect_dma semaphore(%arg31 : memref<!tpu.dma_semaphore, #tpu.memory_space<semaphore_mem>>) src(%dma_wait3A_415 : memref<131072x256xf32, #tpu.memory_space<hbm>>) dst(%dma_wait3A_410 : memref<64x256xf32, #tpu.memory_space<vmem>>)
    %mul3A_416 = arith.constant 1024 : i32
    %mul3A_417 = arith.muli %add3A_30, %mul3A_416 : i32
    %mul3A_418 = arith.constant 256 : i32
    %mul3A_419 = arith.muli %select_n3A_28, %mul3A_418 : i32
    %add3A_420 = arith.addi %mul3A_417, %mul3A_419 : i32
    %add3A_421 = arith.constant 0 : i32
    %add3A_422 = arith.addi %add3A_420, %add3A_421 : i32
    "tpu.region"() ({
      %run_scoped3A = tpu.sem_alloc : memref<!tpu.dma_semaphore, #tpu.memory_space<semaphore_mem>>
      %dma_start3A_489 = arith.constant 0 : i32
      %dma_start3A_490 = arith.constant 0 : i32
      %dma_start3A_491 = tpu.memref_slice %arg30[%dma_start3A_489, %dma_start3A_490] : memref<128x256xf32, #tpu.memory_space<vmem>> -> memref<64x256xf32, #tpu.memory_space<vmem>>
      %dma_start3A_492 = arith.constant 0 : i32
      %dma_start3A_493 = tpu.memref_slice %arg6[%add3A_422, %dma_start3A_492] : memref<8192x256xf32, #tpu.memory_space<hbm>> -> memref<64x256xf32, #tpu.memory_space<hbm>>
      %dma_start3A_494 = arith.constant 0 : i32
      %dma_start3A_495 = tpu.memref_slice %arg6[%add3A_422, %dma_start3A_494] : memref<8192x256xf32, #tpu.memory_space<hbm>> -> memref<64x256xf32, #tpu.memory_space<hbm>>
      %dma_start3A_496 = arith.constant 0 : i32
      %dma_start3A_497 = arith.constant 0 : i32
      %dma_start3A_498 = tpu.memref_slice %arg30[%dma_start3A_496, %dma_start3A_497] : memref<128x256xf32, #tpu.memory_space<vmem>> -> memref<64x256xf32, #tpu.memory_space<vmem>>
      tpu.enqueue_dma source(%dma_start3A_498 : memref<64x256xf32, #tpu.memory_space<vmem>>) target(%dma_start3A_495 : memref<64x256xf32, #tpu.memory_space<hbm>>) target_semaphore(%run_scoped3A : memref<!tpu.dma_semaphore, #tpu.memory_space<semaphore_mem>>)
      %dma_wait3A_499 = arith.constant 0 : i32
      %dma_wait3A_500 = arith.constant 0 : i32
      %dma_wait3A_501 = tpu.memref_slice %arg30[%dma_wait3A_499, %dma_wait3A_500] : memref<128x256xf32, #tpu.memory_space<vmem>> -> memref<64x256xf32, #tpu.memory_space<vmem>>
      %dma_wait3A_502 = arith.constant 0 : i32
      %dma_wait3A_503 = tpu.memref_slice %arg6[%add3A_422, %dma_wait3A_502] : memref<8192x256xf32, #tpu.memory_space<hbm>> -> memref<64x256xf32, #tpu.memory_space<hbm>>
      %dma_wait3A_504 = arith.constant 0 : i32
      %dma_wait3A_505 = tpu.memref_slice %arg6[%add3A_422, %dma_wait3A_504] : memref<8192x256xf32, #tpu.memory_space<hbm>> -> memref<64x256xf32, #tpu.memory_space<hbm>>
      %dma_wait3A_506 = arith.constant 0 : i32
      %dma_wait3A_507 = arith.constant 0 : i32
      %dma_wait3A_508 = tpu.memref_slice %arg30[%dma_wait3A_506, %dma_wait3A_507] : memref<128x256xf32, #tpu.memory_space<vmem>> -> memref<64x256xf32, #tpu.memory_space<vmem>>
      tpu.wait_dma2 semaphore(%run_scoped3A : memref<!tpu.dma_semaphore, #tpu.memory_space<semaphore_mem>>) src(%dma_wait3A_508 : memref<64x256xf32, #tpu.memory_space<vmem>>) dst(%dma_wait3A_505 : memref<64x256xf32, #tpu.memory_space<hbm>>)
      tpu.yield
    }) : () -> ()
    %dma_start3A_423 = arith.constant 0 : i32
    %dma_start3A_424 = arith.constant 0 : i32
    %dma_start3A_425 = tpu.memref_slice %arg30[%dma_start3A_423, %dma_start3A_424] : memref<128x256xf32, #tpu.memory_space<vmem>> -> memref<64x256xf32, #tpu.memory_space<vmem>>
    %dma_start3A_426 = arith.constant 128 : i32
    %dma_start3A_427 = tpu.memref_slice %arg29[%dma_start3A_426] : memref<256xi32, #tpu.memory_space<vmem>> -> memref<64xi32, #tpu.memory_space<vmem>>
    %dma_start3A_428 = arith.constant 0 : i32
    %dma_start3A_429 = arith.constant 0 : i32
    %dma_start3A_430 = tpu.memref_slice %arg5[%dma_start3A_428, %dma_start3A_429] : memref<131072x256xf32, #tpu.memory_space<hbm>> -> memref<131072x256xf32, #tpu.memory_space<hbm>>
    tpu.enqueue_indirect_dma source(%dma_start3A_430 : memref<131072x256xf32, #tpu.memory_space<hbm>>) target(%dma_start3A_425 : memref<64x256xf32, #tpu.memory_space<vmem>>) offsets(%dma_start3A_427 : memref<64xi32, #tpu.memory_space<vmem>>) semaphore(%arg31 : memref<!tpu.dma_semaphore, #tpu.memory_space<semaphore_mem>>)
    %dma_wait3A_431 = arith.constant 64 : i32
    %dma_wait3A_432 = arith.constant 0 : i32
    %dma_wait3A_433 = tpu.memref_slice %arg30[%dma_wait3A_431, %dma_wait3A_432] : memref<128x256xf32, #tpu.memory_space<vmem>> -> memref<64x256xf32, #tpu.memory_space<vmem>>
    %dma_wait3A_434 = arith.constant 64 : i32
    %dma_wait3A_435 = tpu.memref_slice %arg29[%dma_wait3A_434] : memref<256xi32, #tpu.memory_space<vmem>> -> memref<64xi32, #tpu.memory_space<vmem>>
    %dma_wait3A_436 = arith.constant 0 : i32
    %dma_wait3A_437 = arith.constant 0 : i32
    %dma_wait3A_438 = tpu.memref_slice %arg5[%dma_wait3A_436, %dma_wait3A_437] : memref<131072x256xf32, #tpu.memory_space<hbm>> -> memref<131072x256xf32, #tpu.memory_space<hbm>>
    tpu.wait_indirect_dma semaphore(%arg31 : memref<!tpu.dma_semaphore, #tpu.memory_space<semaphore_mem>>) src(%dma_wait3A_438 : memref<131072x256xf32, #tpu.memory_space<hbm>>) dst(%dma_wait3A_433 : memref<64x256xf32, #tpu.memory_space<vmem>>)
    %mul3A_439 = arith.constant 1024 : i32
    %mul3A_440 = arith.muli %add3A_30, %mul3A_439 : i32
    %mul3A_441 = arith.constant 256 : i32
    %mul3A_442 = arith.muli %select_n3A_28, %mul3A_441 : i32
    %add3A_443 = arith.addi %mul3A_440, %mul3A_442 : i32
    %add3A_444 = arith.constant 64 : i32
    %add3A_445 = arith.addi %add3A_443, %add3A_444 : i32
    "tpu.region"() ({
      %run_scoped3A = tpu.sem_alloc : memref<!tpu.dma_semaphore, #tpu.memory_space<semaphore_mem>>
      %dma_start3A_489 = arith.constant 64 : i32
      %dma_start3A_490 = arith.constant 0 : i32
      %dma_start3A_491 = tpu.memref_slice %arg30[%dma_start3A_489, %dma_start3A_490] : memref<128x256xf32, #tpu.memory_space<vmem>> -> memref<64x256xf32, #tpu.memory_space<vmem>>
      %dma_start3A_492 = arith.constant 0 : i32
      %dma_start3A_493 = tpu.memref_slice %arg6[%add3A_445, %dma_start3A_492] : memref<8192x256xf32, #tpu.memory_space<hbm>> -> memref<64x256xf32, #tpu.memory_space<hbm>>
      %dma_start3A_494 = arith.constant 0 : i32
      %dma_start3A_495 = tpu.memref_slice %arg6[%add3A_445, %dma_start3A_494] : memref<8192x256xf32, #tpu.memory_space<hbm>> -> memref<64x256xf32, #tpu.memory_space<hbm>>
      %dma_start3A_496 = arith.constant 64 : i32
      %dma_start3A_497 = arith.constant 0 : i32
      %dma_start3A_498 = tpu.memref_slice %arg30[%dma_start3A_496, %dma_start3A_497] : memref<128x256xf32, #tpu.memory_space<vmem>> -> memref<64x256xf32, #tpu.memory_space<vmem>>
      tpu.enqueue_dma source(%dma_start3A_498 : memref<64x256xf32, #tpu.memory_space<vmem>>) target(%dma_start3A_495 : memref<64x256xf32, #tpu.memory_space<hbm>>) target_semaphore(%run_scoped3A : memref<!tpu.dma_semaphore, #tpu.memory_space<semaphore_mem>>)
      %dma_wait3A_499 = arith.constant 64 : i32
      %dma_wait3A_500 = arith.constant 0 : i32
      %dma_wait3A_501 = tpu.memref_slice %arg30[%dma_wait3A_499, %dma_wait3A_500] : memref<128x256xf32, #tpu.memory_space<vmem>> -> memref<64x256xf32, #tpu.memory_space<vmem>>
      %dma_wait3A_502 = arith.constant 0 : i32
      %dma_wait3A_503 = tpu.memref_slice %arg6[%add3A_445, %dma_wait3A_502] : memref<8192x256xf32, #tpu.memory_space<hbm>> -> memref<64x256xf32, #tpu.memory_space<hbm>>
      %dma_wait3A_504 = arith.constant 0 : i32
      %dma_wait3A_505 = tpu.memref_slice %arg6[%add3A_445, %dma_wait3A_504] : memref<8192x256xf32, #tpu.memory_space<hbm>> -> memref<64x256xf32, #tpu.memory_space<hbm>>
      %dma_wait3A_506 = arith.constant 64 : i32
      %dma_wait3A_507 = arith.constant 0 : i32
      %dma_wait3A_508 = tpu.memref_slice %arg30[%dma_wait3A_506, %dma_wait3A_507] : memref<128x256xf32, #tpu.memory_space<vmem>> -> memref<64x256xf32, #tpu.memory_space<vmem>>
      tpu.wait_dma2 semaphore(%run_scoped3A : memref<!tpu.dma_semaphore, #tpu.memory_space<semaphore_mem>>) src(%dma_wait3A_508 : memref<64x256xf32, #tpu.memory_space<vmem>>) dst(%dma_wait3A_505 : memref<64x256xf32, #tpu.memory_space<hbm>>)
      tpu.yield
    }) : () -> ()
    %dma_start3A_446 = arith.constant 64 : i32
    %dma_start3A_447 = arith.constant 0 : i32
    %dma_start3A_448 = tpu.memref_slice %arg30[%dma_start3A_446, %dma_start3A_447] : memref<128x256xf32, #tpu.memory_space<vmem>> -> memref<64x256xf32, #tpu.memory_space<vmem>>
    %dma_start3A_449 = arith.constant 192 : i32
    %dma_start3A_450 = tpu.memref_slice %arg29[%dma_start3A_449] : memref<256xi32, #tpu.memory_space<vmem>> -> memref<64xi32, #tpu.memory_space<vmem>>
    %dma_start3A_451 = arith.constant 0 : i32
    %dma_start3A_452 = arith.constant 0 : i32
    %dma_start3A_453 = tpu.memref_slice %arg5[%dma_start3A_451, %dma_start3A_452] : memref<131072x256xf32, #tpu.memory_space<hbm>> -> memref<131072x256xf32, #tpu.memory_space<hbm>>
    tpu.enqueue_indirect_dma source(%dma_start3A_453 : memref<131072x256xf32, #tpu.memory_space<hbm>>) target(%dma_start3A_448 : memref<64x256xf32, #tpu.memory_space<vmem>>) offsets(%dma_start3A_450 : memref<64xi32, #tpu.memory_space<vmem>>) semaphore(%arg31 : memref<!tpu.dma_semaphore, #tpu.memory_space<semaphore_mem>>)
    %dma_wait3A_454 = arith.constant 0 : i32
    %dma_wait3A_455 = arith.constant 0 : i32
    %dma_wait3A_456 = tpu.memref_slice %arg30[%dma_wait3A_454, %dma_wait3A_455] : memref<128x256xf32, #tpu.memory_space<vmem>> -> memref<64x256xf32, #tpu.memory_space<vmem>>
    %dma_wait3A_457 = arith.constant 128 : i32
    %dma_wait3A_458 = tpu.memref_slice %arg29[%dma_wait3A_457] : memref<256xi32, #tpu.memory_space<vmem>> -> memref<64xi32, #tpu.memory_space<vmem>>
    %dma_wait3A_459 = arith.constant 0 : i32
    %dma_wait3A_460 = arith.constant 0 : i32
    %dma_wait3A_461 = tpu.memref_slice %arg5[%dma_wait3A_459, %dma_wait3A_460] : memref<131072x256xf32, #tpu.memory_space<hbm>> -> memref<131072x256xf32, #tpu.memory_space<hbm>>
    tpu.wait_indirect_dma semaphore(%arg31 : memref<!tpu.dma_semaphore, #tpu.memory_space<semaphore_mem>>) src(%dma_wait3A_461 : memref<131072x256xf32, #tpu.memory_space<hbm>>) dst(%dma_wait3A_456 : memref<64x256xf32, #tpu.memory_space<vmem>>)
    %mul3A_462 = arith.constant 1024 : i32
    %mul3A_463 = arith.muli %add3A_30, %mul3A_462 : i32
    %mul3A_464 = arith.constant 256 : i32
    %mul3A_465 = arith.muli %select_n3A_28, %mul3A_464 : i32
    %add3A_466 = arith.addi %mul3A_463, %mul3A_465 : i32
    %add3A_467 = arith.constant 128 : i32
    %add3A_468 = arith.addi %add3A_466, %add3A_467 : i32
    "tpu.region"() ({
      %run_scoped3A = tpu.sem_alloc : memref<!tpu.dma_semaphore, #tpu.memory_space<semaphore_mem>>
      %dma_start3A_489 = arith.constant 0 : i32
      %dma_start3A_490 = arith.constant 0 : i32
      %dma_start3A_491 = tpu.memref_slice %arg30[%dma_start3A_489, %dma_start3A_490] : memref<128x256xf32, #tpu.memory_space<vmem>> -> memref<64x256xf32, #tpu.memory_space<vmem>>
      %dma_start3A_492 = arith.constant 0 : i32
      %dma_start3A_493 = tpu.memref_slice %arg6[%add3A_468, %dma_start3A_492] : memref<8192x256xf32, #tpu.memory_space<hbm>> -> memref<64x256xf32, #tpu.memory_space<hbm>>
      %dma_start3A_494 = arith.constant 0 : i32
      %dma_start3A_495 = tpu.memref_slice %arg6[%add3A_468, %dma_start3A_494] : memref<8192x256xf32, #tpu.memory_space<hbm>> -> memref<64x256xf32, #tpu.memory_space<hbm>>
      %dma_start3A_496 = arith.constant 0 : i32
      %dma_start3A_497 = arith.constant 0 : i32
      %dma_start3A_498 = tpu.memref_slice %arg30[%dma_start3A_496, %dma_start3A_497] : memref<128x256xf32, #tpu.memory_space<vmem>> -> memref<64x256xf32, #tpu.memory_space<vmem>>
      tpu.enqueue_dma source(%dma_start3A_498 : memref<64x256xf32, #tpu.memory_space<vmem>>) target(%dma_start3A_495 : memref<64x256xf32, #tpu.memory_space<hbm>>) target_semaphore(%run_scoped3A : memref<!tpu.dma_semaphore, #tpu.memory_space<semaphore_mem>>)
      %dma_wait3A_499 = arith.constant 0 : i32
      %dma_wait3A_500 = arith.constant 0 : i32
      %dma_wait3A_501 = tpu.memref_slice %arg30[%dma_wait3A_499, %dma_wait3A_500] : memref<128x256xf32, #tpu.memory_space<vmem>> -> memref<64x256xf32, #tpu.memory_space<vmem>>
      %dma_wait3A_502 = arith.constant 0 : i32
      %dma_wait3A_503 = tpu.memref_slice %arg6[%add3A_468, %dma_wait3A_502] : memref<8192x256xf32, #tpu.memory_space<hbm>> -> memref<64x256xf32, #tpu.memory_space<hbm>>
      %dma_wait3A_504 = arith.constant 0 : i32
      %dma_wait3A_505 = tpu.memref_slice %arg6[%add3A_468, %dma_wait3A_504] : memref<8192x256xf32, #tpu.memory_space<hbm>> -> memref<64x256xf32, #tpu.memory_space<hbm>>
      %dma_wait3A_506 = arith.constant 0 : i32
      %dma_wait3A_507 = arith.constant 0 : i32
      %dma_wait3A_508 = tpu.memref_slice %arg30[%dma_wait3A_506, %dma_wait3A_507] : memref<128x256xf32, #tpu.memory_space<vmem>> -> memref<64x256xf32, #tpu.memory_space<vmem>>
      tpu.wait_dma2 semaphore(%run_scoped3A : memref<!tpu.dma_semaphore, #tpu.memory_space<semaphore_mem>>) src(%dma_wait3A_508 : memref<64x256xf32, #tpu.memory_space<vmem>>) dst(%dma_wait3A_505 : memref<64x256xf32, #tpu.memory_space<hbm>>)
      tpu.yield
    }) : () -> ()
    %dma_wait3A_469 = arith.constant 64 : i32
    %dma_wait3A_470 = arith.constant 0 : i32
    %dma_wait3A_471 = tpu.memref_slice %arg30[%dma_wait3A_469, %dma_wait3A_470] : memref<128x256xf32, #tpu.memory_space<vmem>> -> memref<64x256xf32, #tpu.memory_space<vmem>>
    %dma_wait3A_472 = arith.constant 192 : i32
    %dma_wait3A_473 = tpu.memref_slice %arg29[%dma_wait3A_472] : memref<256xi32, #tpu.memory_space<vmem>> -> memref<64xi32, #tpu.memory_space<vmem>>
    %dma_wait3A_474 = arith.constant 0 : i32
    %dma_wait3A_475 = arith.constant 0 : i32
    %dma_wait3A_476 = tpu.memref_slice %arg5[%dma_wait3A_474, %dma_wait3A_475] : memref<131072x256xf32, #tpu.memory_space<hbm>> -> memref<131072x256xf32, #tpu.memory_space<hbm>>
    tpu.wait_indirect_dma semaphore(%arg31 : memref<!tpu.dma_semaphore, #tpu.memory_space<semaphore_mem>>) src(%dma_wait3A_476 : memref<131072x256xf32, #tpu.memory_space<hbm>>) dst(%dma_wait3A_471 : memref<64x256xf32, #tpu.memory_space<vmem>>)
    %mul3A_477 = arith.constant 1024 : i32
    %mul3A_478 = arith.muli %add3A_30, %mul3A_477 : i32
    %mul3A_479 = arith.constant 256 : i32
    %mul3A_480 = arith.muli %select_n3A_28, %mul3A_479 : i32
    %add3A_481 = arith.addi %mul3A_478, %mul3A_480 : i32
    %add3A_482 = arith.constant 192 : i32
    %add3A_483 = arith.addi %add3A_481, %add3A_482 : i32
    "tpu.region"() ({
      %run_scoped3A = tpu.sem_alloc : memref<!tpu.dma_semaphore, #tpu.memory_space<semaphore_mem>>
      %dma_start3A_489 = arith.constant 64 : i32
      %dma_start3A_490 = arith.constant 0 : i32
      %dma_start3A_491 = tpu.memref_slice %arg30[%dma_start3A_489, %dma_start3A_490] : memref<128x256xf32, #tpu.memory_space<vmem>> -> memref<64x256xf32, #tpu.memory_space<vmem>>
      %dma_start3A_492 = arith.constant 0 : i32
      %dma_start3A_493 = tpu.memref_slice %arg6[%add3A_483, %dma_start3A_492] : memref<8192x256xf32, #tpu.memory_space<hbm>> -> memref<64x256xf32, #tpu.memory_space<hbm>>
      %dma_start3A_494 = arith.constant 0 : i32
      %dma_start3A_495 = tpu.memref_slice %arg6[%add3A_483, %dma_start3A_494] : memref<8192x256xf32, #tpu.memory_space<hbm>> -> memref<64x256xf32, #tpu.memory_space<hbm>>
      %dma_start3A_496 = arith.constant 64 : i32
      %dma_start3A_497 = arith.constant 0 : i32
      %dma_start3A_498 = tpu.memref_slice %arg30[%dma_start3A_496, %dma_start3A_497] : memref<128x256xf32, #tpu.memory_space<vmem>> -> memref<64x256xf32, #tpu.memory_space<vmem>>
      tpu.enqueue_dma source(%dma_start3A_498 : memref<64x256xf32, #tpu.memory_space<vmem>>) target(%dma_start3A_495 : memref<64x256xf32, #tpu.memory_space<hbm>>) target_semaphore(%run_scoped3A : memref<!tpu.dma_semaphore, #tpu.memory_space<semaphore_mem>>)
      %dma_wait3A_499 = arith.constant 64 : i32
      %dma_wait3A_500 = arith.constant 0 : i32
      %dma_wait3A_501 = tpu.memref_slice %arg30[%dma_wait3A_499, %dma_wait3A_500] : memref<128x256xf32, #tpu.memory_space<vmem>> -> memref<64x256xf32, #tpu.memory_space<vmem>>
      %dma_wait3A_502 = arith.constant 0 : i32
      %dma_wait3A_503 = tpu.memref_slice %arg6[%add3A_483, %dma_wait3A_502] : memref<8192x256xf32, #tpu.memory_space<hbm>> -> memref<64x256xf32, #tpu.memory_space<hbm>>
      %dma_wait3A_504 = arith.constant 0 : i32
      %dma_wait3A_505 = tpu.memref_slice %arg6[%add3A_483, %dma_wait3A_504] : memref<8192x256xf32, #tpu.memory_space<hbm>> -> memref<64x256xf32, #tpu.memory_space<hbm>>
      %dma_wait3A_506 = arith.constant 64 : i32
      %dma_wait3A_507 = arith.constant 0 : i32
      %dma_wait3A_508 = tpu.memref_slice %arg30[%dma_wait3A_506, %dma_wait3A_507] : memref<128x256xf32, #tpu.memory_space<vmem>> -> memref<64x256xf32, #tpu.memory_space<vmem>>
      tpu.wait_dma2 semaphore(%run_scoped3A : memref<!tpu.dma_semaphore, #tpu.memory_space<semaphore_mem>>) src(%dma_wait3A_508 : memref<64x256xf32, #tpu.memory_space<vmem>>) dst(%dma_wait3A_505 : memref<64x256xf32, #tpu.memory_space<hbm>>)
      tpu.yield
    }) : () -> ()
    %eq3A_484 = arith.constant 0 : i32
    %eq3A_485 = arith.cmpi eq, %select_n3A_28, %eq3A_484 : i32
    %convert_element_type3A_486 = arith.extui %eq3A_485 : i1 to i32
    %cond3A_487 = arith.constant 0 : i32
    %cond3A_488 = arith.cmpi ne, %convert_element_type3A_486, %cond3A_487 : i32
    scf.if %cond3A_488 {
      %add3A_489 = arith.constant 0 : i32
      %add3A_490 = arith.addi %add3A_489, %add3A_30 : i32
      %mul3A_491 = arith.constant 16384 : i32
      %mul3A_492 = arith.muli %add3A_490, %mul3A_491 : i32
      %dma_wait3A_493 = tpu.memref_slice %arg3[%mul3A_492] : memref<393216xf32, #tpu.memory_space<hbm>> -> memref<16384xf32, #tpu.memory_space<hbm>>
      %dma_wait3A_494 = tpu.memref_slice %arg3[%mul3A_492] : memref<393216xf32, #tpu.memory_space<hbm>> -> memref<16384xf32, #tpu.memory_space<hbm>>
      tpu.wait_dma2 semaphore(%arg32 : memref<!tpu.dma_semaphore, #tpu.memory_space<semaphore_mem>>) src(%dma_wait3A_494 : memref<16384xf32, #tpu.memory_space<hbm>>) dst(%arg25 : memref<16384xf32, #tpu.memory_space<vmem>>)
      %dma_wait3A_495 = tpu.memref_slice %arg3[%mul3A_492] : memref<393216xf32, #tpu.memory_space<hbm>> -> memref<16384xf32, #tpu.memory_space<hbm>>
      %dma_wait3A_496 = tpu.memref_slice %arg3[%mul3A_492] : memref<393216xf32, #tpu.memory_space<hbm>> -> memref<16384xf32, #tpu.memory_space<hbm>>
      tpu.wait_dma2 semaphore(%arg32 : memref<!tpu.dma_semaphore, #tpu.memory_space<semaphore_mem>>) src(%dma_wait3A_496 : memref<16384xf32, #tpu.memory_space<hbm>>) dst(%arg25 : memref<16384xf32, #tpu.memory_space<vmem>>)
      %dma_wait3A_497 = tpu.memref_slice %arg3[%mul3A_492] : memref<393216xf32, #tpu.memory_space<hbm>> -> memref<16384xf32, #tpu.memory_space<hbm>>
      %dma_wait3A_498 = tpu.memref_slice %arg3[%mul3A_492] : memref<393216xf32, #tpu.memory_space<hbm>> -> memref<16384xf32, #tpu.memory_space<hbm>>
      tpu.wait_dma2 semaphore(%arg32 : memref<!tpu.dma_semaphore, #tpu.memory_space<semaphore_mem>>) src(%dma_wait3A_498 : memref<16384xf32, #tpu.memory_space<hbm>>) dst(%arg25 : memref<16384xf32, #tpu.memory_space<vmem>>)
      %scan3A_499 = arith.constant 0 : i32
      %scan3A_500 = arith.constant 0 : i32
      %scan3A_501 = arith.constant 64 : i32
      %scan3A_502 = arith.addi %scan3A_500, %scan3A_501 : i32
      %scan3A_503 = arith.constant 1 : i32
      scf.for %scan3A_509 = %scan3A_500 to %scan3A_502 step %scan3A_503  : i32 {
        %mul3A_510 = arith.constant 16 : i32
        %mul3A_511 = arith.muli %scan3A_509, %mul3A_510 : i32
        %get3A_512 = arith.index_cast %mul3A_511 : i32 to index
        %get3A_513 = tpu.vector_load %arg19[%get3A_512] {strides = array<i32>} : memref<1024xi32, #tpu.memory_space<vmem>>, vector<16xi32>,
        %mul3A_514 = arith.constant 16 : i32
        %mul3A_515 = arith.muli %scan3A_509, %mul3A_514 : i32
        %add3A_516 = vector.broadcast %mul3A_515 : i32 to vector<16xi32>
        %add3A_517 = arith.addi %iota3A, %add3A_516 : vector<16xi32>
        %mul3A_518 = arith.constant 3 : i32
        %mul3A_519 = vector.broadcast %mul3A_518 : i32 to vector<16xi32>
        %mul3A_520 = arith.muli %add3A_517, %mul3A_519 : vector<16xi32>
        %gather3A_521 = tpu.vector_load_idx %arg25[%get3A_513] : memref<16384xf32, #tpu.memory_space<vmem>>[vector<16xi32>], vector<16xf32>,
        tpu.vector_store_idx %arg28[%mul3A_520], %gather3A_521 : memref<3072xf32, #tpu.memory_space<vmem>>[vector<16xi32>], vector<16xf32>,
        %add3A_522 = arith.constant 1 : i32
        %add3A_523 = vector.broadcast %add3A_522 : i32 to vector<16xi32>
        %add3A_524 = arith.addi %mul3A_520, %add3A_523 : vector<16xi32>
        %gather3A_525 = tpu.vector_load_idx %arg26[%get3A_513] : memref<16384xf32, #tpu.memory_space<vmem>>[vector<16xi32>], vector<16xf32>,
        tpu.vector_store_idx %arg28[%add3A_524], %gather3A_525 : memref<3072xf32, #tpu.memory_space<vmem>>[vector<16xi32>], vector<16xf32>,
        %add3A_526 = arith.constant 2 : i32
        %add3A_527 = vector.broadcast %add3A_526 : i32 to vector<16xi32>
        %add3A_528 = arith.addi %mul3A_520, %add3A_527 : vector<16xi32>
        %gather3A_529 = tpu.vector_load_idx %arg27[%get3A_513] : memref<16384xf32, #tpu.memory_space<vmem>>[vector<16xi32>], vector<16xf32>,
        tpu.vector_store_idx %arg28[%add3A_528], %gather3A_529 : memref<3072xf32, #tpu.memory_space<vmem>>[vector<16xi32>], vector<16xf32>,
      }
      %scan3A_504 = arith.constant 64 : i32
      %mul3A_505 = arith.constant 3 : i32
      %mul3A_506 = arith.muli %add3A_30, %mul3A_505 : i32
      %mul3A_507 = arith.constant 1024 : i32
      %mul3A_508 = arith.muli %mul3A_506, %mul3A_507 : i32
      "tpu.region"() ({
        %run_scoped3A = tpu.sem_alloc : memref<!tpu.dma_semaphore, #tpu.memory_space<semaphore_mem>>
        %dma_start3A_509 = tpu.memref_slice %arg7[%mul3A_508] : memref<24576xf32, #tpu.memory_space<hbm>> -> memref<3072xf32, #tpu.memory_space<hbm>>
        %dma_start3A_510 = tpu.memref_slice %arg7[%mul3A_508] : memref<24576xf32, #tpu.memory_space<hbm>> -> memref<3072xf32, #tpu.memory_space<hbm>>
        tpu.enqueue_dma source(%arg28 : memref<3072xf32, #tpu.memory_space<vmem>>) target(%dma_start3A_510 : memref<3072xf32, #tpu.memory_space<hbm>>) target_semaphore(%run_scoped3A : memref<!tpu.dma_semaphore, #tpu.memory_space<semaphore_mem>>)
        %dma_wait3A_511 = tpu.memref_slice %arg7[%mul3A_508] : memref<24576xf32, #tpu.memory_space<hbm>> -> memref<3072xf32, #tpu.memory_space<hbm>>
        %dma_wait3A_512 = tpu.memref_slice %arg7[%mul3A_508] : memref<24576xf32, #tpu.memory_space<hbm>> -> memref<3072xf32, #tpu.memory_space<hbm>>
        tpu.wait_dma2 semaphore(%run_scoped3A : memref<!tpu.dma_semaphore, #tpu.memory_space<semaphore_mem>>) src(%arg28 : memref<3072xf32, #tpu.memory_space<vmem>>) dst(%dma_wait3A_512 : memref<3072xf32, #tpu.memory_space<hbm>>)
        tpu.yield
      }) : () -> ()
    } else {
    }
    return
  }
}

module attributes {stable_mosaic.version = 14 : i64} {
  func.func @_dist_body(%arg0: memref<3x8x16384xf32, #tpu.memory_space<vmem>>, %arg1: memref<3x8x1xf32, #tpu.memory_space<vmem>>, %arg2: memref<8x16384xi32, #tpu.memory_space<vmem>>) attributes {dimension_semantics = [], scalar_prefetch = 0 : i64, scratch_operands = 0 : i64, tpu.core_type = #tpu.core_type<tc>} {
    %get3A = arith.constant 0 : index
    %get3A_0 = arith.constant 0 : index
    %get3A_1 = arith.constant 0 : index
    %get3A_2 = vector.load %arg0[%get3A, %get3A_0, %get3A_1] : memref<3x8x16384xf32, #tpu.memory_space<vmem>>, vector<1x8x16384xf32>
    %get3A_3 = vector.shape_cast %get3A_2 : vector<1x8x16384xf32> to vector<8x16384xf32>
    %get3A_4 = arith.constant 0 : index
    %get3A_5 = arith.constant 0 : index
    %get3A_6 = arith.constant 0 : index
    %get3A_7 = vector.load %arg1[%get3A_4, %get3A_5, %get3A_6] : memref<3x8x1xf32, #tpu.memory_space<vmem>>, vector<1x8x1xf32>
    %get3A_8 = vector.shape_cast %get3A_7 : vector<1x8x1xf32> to vector<8x1xf32>
    %sub3A = vector.broadcast %get3A_8 : vector<8x1xf32> to vector<8x16384xf32>
    %sub3A_9 = arith.subf %get3A_3, %sub3A : vector<8x16384xf32>
    %get3A_10 = arith.constant 1 : index
    %get3A_11 = arith.constant 0 : index
    %get3A_12 = arith.constant 0 : index
    %get3A_13 = vector.load %arg0[%get3A_10, %get3A_11, %get3A_12] : memref<3x8x16384xf32, #tpu.memory_space<vmem>>, vector<1x8x16384xf32>
    %get3A_14 = vector.shape_cast %get3A_13 : vector<1x8x16384xf32> to vector<8x16384xf32>
    %get3A_15 = arith.constant 1 : index
    %get3A_16 = arith.constant 0 : index
    %get3A_17 = arith.constant 0 : index
    %get3A_18 = vector.load %arg1[%get3A_15, %get3A_16, %get3A_17] : memref<3x8x1xf32, #tpu.memory_space<vmem>>, vector<1x8x1xf32>
    %get3A_19 = vector.shape_cast %get3A_18 : vector<1x8x1xf32> to vector<8x1xf32>
    %sub3A_20 = vector.broadcast %get3A_19 : vector<8x1xf32> to vector<8x16384xf32>
    %sub3A_21 = arith.subf %get3A_14, %sub3A_20 : vector<8x16384xf32>
    %get3A_22 = arith.constant 2 : index
    %get3A_23 = arith.constant 0 : index
    %get3A_24 = arith.constant 0 : index
    %get3A_25 = vector.load %arg0[%get3A_22, %get3A_23, %get3A_24] : memref<3x8x16384xf32, #tpu.memory_space<vmem>>, vector<1x8x16384xf32>
    %get3A_26 = vector.shape_cast %get3A_25 : vector<1x8x16384xf32> to vector<8x16384xf32>
    %get3A_27 = arith.constant 2 : index
    %get3A_28 = arith.constant 0 : index
    %get3A_29 = arith.constant 0 : index
    %get3A_30 = vector.load %arg1[%get3A_27, %get3A_28, %get3A_29] : memref<3x8x1xf32, #tpu.memory_space<vmem>>, vector<1x8x1xf32>
    %get3A_31 = vector.shape_cast %get3A_30 : vector<1x8x1xf32> to vector<8x1xf32>
    %sub3A_32 = vector.broadcast %get3A_31 : vector<8x1xf32> to vector<8x16384xf32>
    %sub3A_33 = arith.subf %get3A_26, %sub3A_32 : vector<8x16384xf32>
    %mul3A = arith.mulf %sub3A_9, %sub3A_9 : vector<8x16384xf32>
    %mul3A_34 = arith.mulf %sub3A_21, %sub3A_21 : vector<8x16384xf32>
    %add3A = arith.addf %mul3A, %mul3A_34 : vector<8x16384xf32>
    %mul3A_35 = arith.mulf %sub3A_33, %sub3A_33 : vector<8x16384xf32>
    %add3A_36 = arith.addf %add3A, %mul3A_35 : vector<8x16384xf32>
    %sqrt3A = math.sqrt %add3A_36 : vector<8x16384xf32>
    %bitcast_convert_type3A = tpu.bitcast %sqrt3A : vector<8x16384xf32> -> vector<8x16384xi32>
    %swap3A = arith.constant 0 : index
    %swap3A_37 = arith.constant 0 : index
    %swap3A_38 = vector.load %arg2[%swap3A, %swap3A_37] : memref<8x16384xi32, #tpu.memory_space<vmem>>, vector<8x16384xi32>
    tpu.vector_store %arg2[%swap3A, %swap3A_37], %bitcast_convert_type3A {strides = array<i32>} : memref<8x16384xi32, #tpu.memory_space<vmem>>, vector<8x16384xi32>,
    return
  }
}

</mosaic_0001>

<sc_bundles>
// kernel: kernel.4.cloned.1.call-start
scs
__scs_entry_jumppad:
0x0: {  	(pc) =	sbr.rel $0x88, $3  }
0x1: {  	(tag) =	ssettag $0x0;
	lr =	simm.s32 $0x1  }
0x2: {  	[smem:$0x3F9D] =	sst lr;
	_ =	strace $0xD0000000  }
0x3: {  	_ = 	snop  }
0x4: {  	_ = 	snop  }
0x5: {  	_ = 	snop  }
0x6: {  	_ = 	snop  }
0x7: {  	_ = 	snop  }
__scs_overlays_trampoline_lowered:
0x8: {  	[smem:$0x3FAC] =	sst s0  }
0x9: {  	[smem:$0x3FAD] =	sst s1  }
0xa: {  	[smem:$0x3FAE] =	sst s2  }
0xb: {  	[smem:$0x3FAF] =	sst s3  }
0xc: {  	[smem:$0x3FB0] =	sst s4  }
0xd: {  	[smem:$0x3FB1] =	sst s5  }
0xe: {  	[smem:$0x3FB2] =	sst s6  }
0xf: {  	[smem:$0x3FB3] =	sst s7  }
0x10: {  	[smem:$0x3FB4] =	sst s8  }
0x11: {  	[smem:$0x3FB5] =	sst s9;
	s0 =	simm.s32 @!p0 $0x0  }
0x12: {  	s1 =	sld [smem:$0x3F9B];
	s0 =	simm.s32 @p0 $0x1  }
0x13: {  	[smem:$0x3FB6] =	sst s0;
	s0 =	simm.s32 @!p1 $0x0  }
0x14: {  	s2 =	sld [smem:$0x3F9A];
	s0 =	simm.s32 @p1 $0x1  }
0x15: {  	[smem:$0x3FB7] =	sst s0;
	s0 =	simm.s32 @!p2 $0x0  }
0x16: {  	s3 =	sld [smem:$0x3FDB];
	s0 =	simm.s32 @p2 $0x1  }
0x17: {  	s4 =	simm.s32 $0x1BF5;
	[smem:$0x3FB9] =	sst s0  }
0x18: {  	s0 =	sld [smem:$0x3F9C];
	_ =	swait.ge [sflag:s4], $0x0  }
0x19: {  	s7 =	sld [smem:$0x3F9D]  }
0x1a: {  	s8 =	sadd.s32 $0xFFFFE003, lr  }
0x1b: {  	s9 =	sadd.s32 $0xFFFFFEF7, lr;
	s5 =	simm.s32 $0xFFFFFFFF;
	p2 =	slt.u32 s8, $0xFFFFF086  }
0x1c: {  	p1 =	slt.u32 s9, $0xF7A;
	s5 =	simm.s32 @!p2 $0x0  }
0x1d: {  	s5 =	simm.s32 @p1 $0x1;
	p0 =	seq.s32 s7, s2  }
0x1e: {  	s7 =	smul.u32 @!p0 $0xF7A, s2;
	p2 =	seq.s32 @!p0 s5, $0x0  }
0x1f: {  	s9 =	smul.u32 $0xF7A, s1;
	s8 =	simm.s32 @!p0 $0x1BF5;
	p2 =	por !p2, p0  }
0x20: {  	[sflag:s8] =	ssyncset.s32 @!p0 $0xFFFFF086;
	s6 =	sadd.s32 @!p0 s3, s7;
	s7 =	simm.s32 @!p0 $0x108  }
0x21: {  	s3 =	sadd.s32 s3, s9;
	s6 =	sadd.s32 @!p0 $0x88, s6;
	s7 =	simm.s32 @p2 $0x1082  }
0x22: {  	[simem:s7], [sflag:s8] =	dma.local @!p0 [hbm:s6], $0xF7A  }
0x23: {  	s9 =	sor.u32 $0xD0000000, s2;
	s6 =	simm.s32 $0x108;
	_ =	swait.ge @!p0 [sflag:s8], $0x0  }
0x24: {  	s3 =	sadd.s32 $0x88, s3;
	s6 =	simm.s32 @!p1 $0x1082;
	[sflag:s4] =	ssyncset.s32 $0xFFFFF086  }
0x25: {  	[simem:s6], [sflag:s4] =	dma.local [hbm:s3], $0xF7A  }
0x26: {  	[smem:$0x3F9D] =	sst s1;
	(tag) =	ssettag s2;
	_ =	strace s9  }
0x27: {  	s1 =	sld [smem:$0x3FAD]  }
0x28: {  	s2 =	sld [smem:$0x3FAE]  }
0x29: {  	s4 =	sld [smem:$0x3FB0]  }
0x2a: {  	p0 =	seq.s32 s5, $0x0;
	s5 =	sld [smem:$0x3FB1]  }
0x2b: {  	s6 =	sld [smem:$0x3FB2]  }
0x2c: {  	s7 =	sld [smem:$0x3FB3]  }
0x2d: {  	s3 =	simm.s32 $0x108;
	s8 =	sld [smem:$0x3FB4]  }
0x2e: {  	s3 =	simm.s32 @!p0 $0x1082;
	s9 =	sld [smem:$0x3FB5]  }
0x2f: {  	lr =	sadd.s32 s0, s3;
	s0 =	sld [smem:$0x3FAC]  }
0x30: {  	s3 =	sld [smem:$0x3FAF]  }
0x31: {  	[smem:$0x3FB8] =	sst s10  }
0x32: {  	s10 =	sld [smem:$0x3FB6];
	_ =	sdelay $0x3  }
0x33: {  	p0 =	seq.s32 s10, $0x1;
	s10 =	sld [smem:$0x3FB8];
	_ =	sdelay $0x3  }
0x34: {  	[smem:$0x3FB8] =	sst s10  }
0x35: {  	s10 =	sld [smem:$0x3FB7];
	_ =	sdelay $0x3  }
0x36: {  	p1 =	seq.s32 s10, $0x1;
	s10 =	sld [smem:$0x3FB8];
	_ =	sdelay $0x3  }
0x37: {  	[smem:$0x3FB8] =	sst s10  }
0x38: {  	s10 =	sld [smem:$0x3FB9]  }
0x39: {  	_ = 	snop;
	(pc) =	sbr.ind lr, $3  }
0x3a: {  	_ = 	snop  }
0x3b: {  	_ = 	snop  }
0x3c: {  	p2 =	seq.s32 s10, $0x1;
	s10 =	sld [smem:$0x3FB8]  }
0x3d: {  	_ =	shalt  }
0x3e: {  	_ =	shalt  }
0x3f: {  	_ =	shalt  }
0x40: {  	_ =	shalt  }
0x41: {  	_ =	shalt  }
0x42: {  	_ =	shalt  }
0x43: {  	_ =	shalt  }
0x44: {  	_ =	shalt  }
0x45: {  	_ =	shalt  }
0x46: {  	_ =	shalt  }
0x47: {  	_ =	shalt  }
0x48: {  	_ =	shalt  }
0x49: {  	_ =	shalt  }
0x4a: {  	_ =	shalt  }
0x4b: {  	_ =	shalt  }
0x4c: {  	_ =	shalt  }
0x4d: {  	_ =	shalt  }
0x4e: {  	_ =	shalt  }
0x4f: {  	_ =	shalt  }
0x50: {  	_ =	shalt  }
0x51: {  	_ =	shalt  }
0x52: {  	_ =	shalt  }
0x53: {  	_ =	shalt  }
0x54: {  	_ =	shalt  }
0x55: {  	_ =	shalt  }
0x56: {  	_ =	shalt  }
0x57: {  	_ =	shalt  }
0x58: {  	_ =	shalt  }
0x59: {  	_ =	shalt  }
0x5a: {  	_ =	shalt  }
0x5b: {  	_ =	shalt  }
0x5c: {  	_ =	shalt  }
0x5d: {  	_ =	shalt  }
0x5e: {  	_ =	shalt  }
0x5f: {  	_ =	shalt  }
0x60: {  	_ =	shalt  }
0x61: {  	_ =	shalt  }
0x62: {  	_ =	shalt  }
0x63: {  	_ =	shalt  }
0x64: {  	_ =	shalt  }
0x65: {  	_ =	shalt  }
0x66: {  	_ =	shalt  }
0x67: {  	_ =	shalt  }
0x68: {  	_ =	shalt  }
0x69: {  	_ =	shalt  }
0x6a: {  	_ =	shalt  }
0x6b: {  	_ =	shalt  }
0x6c: {  	_ =	shalt  }
0x6d: {  	_ =	shalt  }
0x6e: {  	_ =	shalt  }
0x6f: {  	_ =	shalt  }
0x70: {  	_ =	shalt  }
0x71: {  	_ =	shalt  }
0x72: {  	_ =	shalt  }
0x73: {  	_ =	shalt  }
0x74: {  	_ =	shalt  }
0x75: {  	_ =	shalt  }
0x76: {  	_ =	shalt  }
0x77: {  	_ =	shalt  }
0x78: {  	_ =	shalt  }
0x79: {  	_ =	shalt  }
0x7a: {  	_ =	shalt  }
0x7b: {  	_ =	shalt  }
0x7c: {  	_ =	shalt  }
0x7d: {  	_ =	shalt  }
0x7e: {  	_ =	shalt  }
0x7f: {  	_ =	shalt  }
0x80: {  	_ =	shalt  }
0x81: {  	_ =	shalt  }
0x82: {  	_ =	shalt  }
0x83: {  	_ =	shalt  }
0x84: {  	_ =	shalt  }
0x85: {  	_ =	shalt  }
0x86: {  	_ =	shalt  }
0x87: {  	_ =	shalt  }
.Lfunc_end0:
.L_simem_size_0:
called_computation_lowered:
.L_overlay_start_0:
0x88: {  	s2 =	sld [smem:$0x3FD9]  }
0x89: {  	s3 =	sld [smem:$0x3FFE];
	_ =	sdelay $0x1  }
0x8a: {  	s1 =	srdreg.scid  }
0x8b: {  	s0 =	sand.u32 $0x1, s1  }
0x8c: {  	s14 =	sshll.u32 s0, $0xA;
	s2 =	sadd.s32 s3, s2  }
0x8d: {  	s2 =	sadd.s32 s2, s14  }
0x8e: {  	[smem:$0x3FC4] =	sst s2  }
0x8f: {  	_ = 	snop  }
0x90: {  	s2 =	sld [smem:$0x3FD0];
	_ =	sdelay $0x2  }
0x91: {  	s4 =	simm.s32 $0xA;
	s5 =	simm.s32 $0x10;
	s15 =	sld [smem:$0x3FC9]  }
0x92: {  	[smem:s5], [sflag:s4] =	dma.local [hbm:s2], $0x1  }
0x93: {  	_ =	swait.eq [sflag:s4], $0x1  }
0x94: {  	[sflag:s4] =	ssyncset.done $0x0  }
0x95: {  	s16 =	sld [smem:$0x10];
	[sflag:s4] =	ssyncadd.s32 $0xFFFFFFFF  }
0x96: {  	s17 =	sld [smem:$0x11];
	(tm) =	ssettm $0x1  }
0x97: {  	s18 =	sld [smem:$0x3FFB];
	_ =	sdelay $0x3  }
0x98: {  	_ =	strace s18  }
0x99: {  	s5 =	sld [smem:$0x3FFC];
	_ =	sdelay $0x3  }
0x9a: {  	_ =	strace s5  }
0x9b: {  	s5 =	sld [smem:$0x3FFD];
	_ =	sdelay $0x3  }
0x9c: {  	_ =	strace s5  }
0x9d: {  	_ =	strace $0x8FFFFFFF  }
0x9e: {  	s19 =	sld [smem:$0x3FDB];
	_ =	sdelay $0x1  }
0x9f: {  	s6 =	simm.s32 $_scs_section_size  }
0xa0: {  	s7 =	simm.s32 $_size__tile_overlayer_lowered;
	s8 =	simm.s32 $_tile_overlayer_lowered  }
0xa1: {  	s22 =	simm.s32 $0x1BFF;
	s21 =	sshll.u32 s8, $0x1;
	s5 =	sadd.s32 s6, s19  }
0xa2: {  	s9 =	simm.s32 $0x0;
	s20 =	sshll.u32 s7, $0x1;
	s7 =	sadd.s32 s21, s5  }
0xa3: {  	[timem:s9], [sflag:s22] =	dma.local [hbm:s7], s20  }
0xa4: {  	_ =	swait.ge [sflag:s22], s20  }
0xa5: {  	s6 =	ssub.s32 $0x0, s20;
	[sflag:s22] =	ssyncset.done $0x0  }
0xa6: {  	[sflag:s22] =	ssyncadd.s32 s6;
	_ =	sdelay $0x1  }
0xa7: {  	s23 =	simm.s32 $0x1B8B  }
0xa8: {  	_ =	swait.ge [sflag:s23], $0x1  }
0xa9: {  	[sflag:s23] =	ssyncset.done $0x0  }
0xaa: {  	s25 =	simm.s32 $0x1B8E;
	s24 =	sld [smem:$0x3FFE];
	[sflag:s23] =	ssyncadd.s32 $0xFFFFFFFF  }
0xab: {  	s26 =	simm.s32 $execute0_lowered;
	[smem:$0x3FD2] =	sst s25  }
0xac: {  	s7 =	sshll.u32 s26, $0x1;
	_ =	strace $0x80000046;
	[dreg:$0x1] =	wrdreg $0xFFFFFFFF  }
0xad: {  	s28 =	simm.s32 $_size_execute0_lowered;
	s5 =	sadd.s32 s5, s7;
	[dreg:$0x0] =	wrdreg $0x0  }
0xae: {  	s7 =	sshll.u32 s28, $0x1;
	[dreg:$0x2] =	wrdreg s5  }
0xaf: {  	[dreg:$0x3] =	wrdreg s7  }
0xb0: {  	[dreg:$0x4] =	wrdreg $0xC0  }
0xb1: {  	_ =	task [dreg:s9], $0x5FFFF  }
0xb2: {  	[dreg:$0x1] =	wrdreg $0xFFFFFFFF  }
0xb3: {  	[dreg:$0x0] =	wrdreg $0x60  }
0xb4: {  	[dreg:$0x2] =	wrdreg s24  }
0xb5: {  	[dreg:$0x3] =	wrdreg s15  }
0xb6: {  	[dreg:$0x4] =	wrdreg s16  }
0xb7: {  	[dreg:$0x5] =	wrdreg s17  }
0xb8: {  	[dreg:$0x6] =	wrdreg $0x1CF800  }
0xb9: {  	[dreg:$0x7] =	wrdreg $0x1D7800  }
0xba: {  	[dreg:$0x8] =	wrdreg $0x1DB800  }
0xbb: {  	[dreg:$0x9] =	wrdreg $0x1DF800  }
0xbc: {  	[dreg:$0xa] =	wrdreg $0x1DF900  }
0xbd: {  	[dreg:$0xb] =	wrdreg $0x1E3900  }
0xbe: {  	[dreg:$0xc] =	wrdreg $0x1E7900  }
0xbf: {  	[dreg:$0xd] =	wrdreg $0x9  }
0xc0: {  	_ =	task.clear_ibuf [dreg:s9], $0xEFFFF;
	_ =	strace $0x90000046  }
0xc1: {  	s29 =	simm.s32 $0x9;
	_ =	strace $0x80000048  }
0xc2: {  	_ =	swait.ge [sflag:s29], $0x1  }
0xc3: {  	[sflag:s29] =	ssyncadd.s32 $0xFFFFFFFF  }
0xc4: {  	_ =	strace $0x90000048  }
0xc5: {  	_ =	sfence  }
0xc6: {  	s30 =	sld [smem:$0x0];
	_ =	sdelay $0x2  }
0xc7: {  	s31 =	sshll.u32 s1, $0xD;
	s1 =	sshrl.u32 s1, $0x2  }
0xc8: {  	s3 =	sand.u32 $0x4000, s31;
	s1 =	sadd.s32 s1, s30  }
0xc9: {  	s0 =	sor.u32 s3, s0;
	s1 =	sshll.u32 s1, $0x11  }
0xca: {  	s0 =	sor.u32 s1, s0  }
0xcb: {  	s0 =	sadd.s32 $0x8F2B, s0  }
0xcc: {  	[sflag:s0] =	ssyncadd.remote.s32 $0x1  }
0xcd: {  	_ =	sfence.sel $0xFFFF  }
0xce: {  	[dreg:$0x0] =	wrdreg $0xFFFFFFFF;
	(pc) =	sbr.abs _section_cstart, $3  }
0xcf: {  	[dreg:$0x1] =	wrdreg $0xFFFFFFFF  }
0xd0: {  	_ =	task.clear_ibuf [dreg:s9], $0x2FFFF;
	_ =	strace $0x9FFFFFFF  }
0xd1: {  	(tm) =	ssettm $0x7FFFFFFF  }
tec
execute0_lowered:
.L_overlay_start_1:
0x0: {  	(tag) =	ssettag $0x1  }
0x1: {  	s2 =	rddreg [dreg:$0x4]  }
0x2: {  	s3 =	rddreg [dreg:$0x5]  }
0x3: {  	s4 =	rddreg [dreg:$0x6]  }
0x4: {  	s5 =	rddreg [dreg:$0x7]  }
0x5: {  	s6 =	rddreg [dreg:$0x8]  }
0x6: {  	s7 =	rddreg [dreg:$0x9];
	s0 =	srdreg.scid  }
0x7: {  	s1 =	simm.s32 $0x0;
	s15 =	stileid.u32;
	s29 =	simm.s32 $0x14280  }
0x8: {  	s0 =	sand.u32 $0x1, s0;
	s8 =	sshrl.u32 s15, $0x2;
	[smem:$0x7FF] =	sst s1  }
0x9: {  	s21 =	sand.u32 $0xC, s15;
	s11 =	sshll.u32 s15, $0xB;
	s14 =	sshll.u32 s15, $0xA  }
0xa: {  	s9 =	sshll.u32 s0, $0x2;
	s0 =	ssub.s32 $0x2, s0;
	s11 =	sadd.s32 s11, s2  }
0xb: {  	s22 =	sshll.u32 s8, $0xD;
	s26 =	sadd.s32 s14, s3;
	[dreg:$0xc] =	wrdreg s11  }
0xc: {  	s12 =	sor.u32 $0x1, s21;
	s18 =	sadd.s32 s14, s4;
	[dreg:$0x11] =	wrdreg s26  }
0xd: {  	s11 =	sadd.s32 s22, s2;
	s23 =	sshll.u32 s12, $0xB;
	[dreg:$0x16] =	wrdreg s18  }
0xe: {  	s30 =	sshll.u32 s12, $0xA;
	[dreg:$0xd] =	wrdreg s11;
	s11 =	sadd.s32 s23, s2  }
0xf: {  	s12 =	sadd.s32 s30, s3;
	s19 =	sadd.s32 s30, s4;
	s30 =	rddreg [dreg:$0x0]  }
0x10: {  	s13 =	sor.u32 $0x3, s15;
	s10 =	sshrl.u32 s0, $0x1;
	[dreg:$0xe] =	wrdreg s11  }
0x11: {  	s17 =	sshll.u32 s13, $0xA;
	s0 =	ssub.s32 s0, s10;
	[dreg:$0x13] =	wrdreg s12  }
0x12: {  	s10 =	sor.u32 $0x2, s21;
	s21 =	sadd.s32 s17, s4;
	[dreg:$0x17] =	wrdreg s19  }
0x13: {  	s31 =	simm.s32 $0x10280;
	s24 =	sshll.u32 s10, $0xB;
	[dreg:$0x19] =	wrdreg s21  }
0x14: {  	s25 =	sshll.u32 s13, $0xB;
	s12 =	rddreg [dreg:$0x2];
	s11 =	sadd.s32 s24, s2  }
0x15: {  	s10 =	sshll.u32 s10, $0xA;
	s2 =	sadd.s32 s25, s2;
	[dreg:$0xf] =	wrdreg s11  }
0x16: {  	s9 =	sor.u32 s8, s9;
	s16 =	sadd.s32 s10, s3;
	[dreg:$0x10] =	wrdreg s2  }
0x17: {  	s22 =	sshll.u32 s15, $0x4;
	s20 =	sadd.s32 s10, s4;
	[dreg:$0x14] =	wrdreg s16  }
0x18: {  	s23 =	sshll.u32 s8, $0x6;
	s24 =	sadd.s32 s14, s6;
	[dreg:$0x18] =	wrdreg s20  }
0x19: {  	s21 =	sshll.u32 s9, $0xB;
	s25 =	sadd.s32 s14, s7;
	[dreg:$0x1d] =	wrdreg s24  }
0x1a: {  	s14 =	sand.u32 $0x3, s15;
	s2 =	sshll.u32 s8, $0xC;
	[dreg:$0x1e] =	wrdreg s25  }
0x1b: {  	s13 =	sshll.u32 s14, $0xC;
	s26 =	sadd.s32 s2, s6;
	s6 =	rddreg [dreg:$0xa]  }
0x1c: {  	s28 =	sadd.s32 s2, s3;
	s3 =	sadd.s32 s17, s3;
	s17 =	rddreg [dreg:$0x3]  }
0x1d: {  	s0 =	smax.u32 s0, $0x1;
	s15 =	smul.u32 $0x180, s9;
	[smem:$0x7F0] =	sst s13  }
0x1e: {  	s8 =	sshll.u32 s14, $0xD;
	s20 =	sshll.u32 s9, $0xE;
	[dreg:$0x12] =	wrdreg s28  }
0x1f: {  	s24 =	sshll.u32 s14, $0x8;
	s4 =	sadd.s32 s2, s4;
	[dreg:$0x15] =	wrdreg s3  }
0x20: {  	p0 =	sne.s32 s14, $0x0;
	s18 =	sor.u32 s13, s20;
	[dreg:$0x1a] =	wrdreg s4  }
0x21: {  	s13 =	simm.s32 $0x8180;
	s3 =	sadd.s32 s22, s5;
	[dreg:$0x1f] =	wrdreg s26  }
0x22: {  	s28 =	sadd.s32 s2, s7;
	s2 =	sshrl.u32 s2, $0x2;
	s7 =	sshll.u32 s9, $0xF  }
0x23: {  	s19 =	sshrl.u32 s18, $0x3;
	s4 =	sadd.s32 s21, s30;
	s9 =	simm.s32 $0x3100  }
0x24: {  	s18 =	simm.s32 $0x5900;
	[dreg:$0x1b] =	wrdreg s3;
	s3 =	sadd.s32 s23, s5  }
0x25: {  	[smem:$0x7EF] =	sst s28;
	s10 =	sadd.s32 s2, s6;
	s11 =	sor.u32 s8, s7  }
0x26: {  	s2 =	sadd.s32 s17, s15;
	s22 =	sadd.s32 $0x4A00, s4;
	s23 =	sadd.s32 $0x8A00, s4  }
0x27: {  	s25 =	sadd.s32 $0xCA00, s4;
	s8 =	simm.s32 $0x3;
	[dreg:$0x1c] =	wrdreg s3  }
0x28: {  	s5 =	simm.s32 $0x1000;
	[smem:$0x7F1] =	sst s2;
	s3 =	sadd.s32 $0x10A00, s30  }
0x29: {  	s6 =	simm.s32 $0x2000;
	_ =	strace $0x80000047;
	[smem:$0x7F2] =	sst s3  }
0x2a: {  	s7 =	simm.s32 $0x2800;
	s15 =	simm.s32 $0x6100;
	[smem:$0x7F4] =	sst s22  }
0x2b: {  	s17 =	simm.s32 $0x3000;
	s4 =	simm.s32 $0x1;
	[smem:$0x7F5] =	sst s23  }
0x2c: {  	s16 =	sadd.s32 s12, s11;
	s2 =	sadd.s32 s19, s30;
	[smem:$0x7F6] =	sst s25  }
0x2d: {  	s11 =	simm.s32 $0x3900;
	s12 =	simm.s32 $0x4900;
	[smem:$0x7F7] =	sst s10  }
0x2e: {  	s19 =	simm.s32 $0x5D00;
	s2 =	sadd.s32 $0xA00, s2;
	[smem:$0x7F9] =	sst s0  }
0x2f: {  	v3 =	vimm.s32 $0x30201000;
	v4 =	vimm.s32 $0x31211101;
	s26 =	sadd.s32 $0x800, s16;
	s28 =	sadd.s32 $0x1000, s16;
	[smem:$0x7FC] =	sst s16  }
.Ltmp0:
0x30: {  	v1 =	vlaneseq.u32;
	vm1 =	vcmask $0x300;
	v3 =	vunpack.c.0.s8.s32 v3;
	s30 =	sadd.s32 $0x1800, s16;
	[smem:$0x7F3] =	sst s2;
	(pc) =	sbr.rel .LBB2_1-.Ltmp0, $4  }
0x31: {  	vm3 =	vcmask $0xF00;
	vm2 =	vcmask $0x704;
	v4 =	vunpack.c.0.s8.s32 v4;
	s16 =	simm.s32 $0x7100;
	s22 =	simm.s32 $0x8280;
	[smem:$0x7FA] =	sst s26  }
0x32: {  	vm4 =	vcmask $0x70C;
	vm5 =	vcmask $0xB10;
	v3 =	vnsel vm3, $0x30, v3;
	s3 =	simm.s32 $0x0;
	s23 =	simm.s32 $0x19780;
	[smem:$0x7FB] =	sst s28  }
0x33: {  	v4 =	vnsel vm3, $0x31, v4;
	vm3 =	vcmask $0x308;
	v2 =	vmov s14;
	s2 =	sadd.s32 s24, s10;
	[smem:$0x7FD] =	sst s30;
	s10 =	simm.s32 $0x3500  }
0x34: {  	v0 =	vmov s20;
	vm0 =	veq.s32 v2, v1;
	v2 =	vimm.s32 $0x0;
	s24 =	simm.s32 $0xC280;
	[smem:$0x7F8] =	sst s2;
	s2 =	simm.s32 $0x1800  }
.LBB2_67:
0x35: {  	_ =	sdelay $0x1  }
0x36: {  	s0 =	sld [smem:$0x7F1];
	_ =	sdelay $0x1  }
0x37: {  	[tilespmem:v8+s29+$0x0] =	vst.idx.msk $0xffff, v9  }
0x38: {  	[hbm4b:s0+s1] =	stream.linear.scatter [tilespmem:s29], [sflag:$0x3], $0xC00, $0x38;
	[tilespmem:$0x1E890] =	vst v63  }
0x39: {  	_ =	swait.ge [sflag:s8], $0xC00  }
0x3a: {  	[sflag:s8] =	ssyncset.done $0x0  }
0x3b: {  	s3 =	sld [smem:$0x7EE];
	[sflag:s8] =	ssyncadd.s32 $0xFFFFF400  }
.LBB2_68:
0x3c: {  	s0 =	sld [smem:$0x7F9];
	_ =	sdelay $0x1  }
0x3d: {  	s3 =	sadd.s32 $0x1, s3  }
0x3e: {  	p1 =	sne.s32 s3, s0  }
.Ltmp1:
0x3f: {  	_ = 	snop;
	(pc) =	sbr.rel @!p1 .LBB2_69-.Ltmp1, $1  }
0x40: {  	_ =	sdelay $0x3  }
.LBB2_1:
0x41: {  	s0 =	sld [smem:$0x7F3];
	_ =	sdelay $0x1  }
0x42: {  	[smem:$0x7EE] =	sst s3  }
0x43: {  	[tilespmem:s1], [sflag:$0x3] =	stream.linear.gather [hbm4b:s0+s1], $0x1000, $0x38;
	[tilespmem:$0x1E890] =	vst v63  }
0x44: {  	_ =	swait.ge [sflag:s8], $0x1000  }
0x45: {  	s28 =	sld [smem:$0x7F2]  }
0x46: {  	[sflag:s8] =	ssyncset.done $0x0  }
0x47: {  	s30 =	simm.s32 $0x8200;
	[sflag:s8] =	ssyncadd.s32 $0xFFFFF000  }
0x48: {  	[tilespmem:s30], [sflag:$0x3] =	stream.linear.gather [hbm4b:s28+s1], $0x80, $0x38;
	[tilespmem:$0x1E890] =	vst v63  }
0x49: {  	_ =	swait.ge [sflag:s8], $0x80  }
0x4a: {  	s14 =	sld [smem:$0x7F4]  }
0x4b: {  	[sflag:s8] =	ssyncset.done $0x0  }
0x4c: {  	s3 =	simm.s32 @!p0 $0x8280;
	s0 =	simm.s32 @!p0 $0x0;
	[sflag:s8] =	ssyncadd.s32 $0xFFFFFF80  }
0x4d: {  	[tilespmem:s3], [sflag:$0x2] =	stream.linear.gather @!p0 [hbm4b:s14+s0], $0x4000, $0x38;
	[tilespmem:$0x1E890] =	vst v63  }
0x4e: {  	s14 =	sld [smem:$0x7F5];
	_ =	sdelay $0x1  }
0x4f: {  	s3 =	simm.s32 @!p0 $0xC280  }
0x50: {  	[tilespmem:s3], [sflag:$0x2] =	stream.linear.gather @!p0 [hbm4b:s14+s0], $0x4000, $0x38;
	[tilespmem:$0x1E890] =	vst v63  }
0x51: {  	s14 =	sld [smem:$0x7F6];
	_ =	sdelay $0x1  }
0x52: {  	s3 =	simm.s32 @!p0 $0x10280  }
0x53: {  	[tilespmem:s3], [sflag:$0x2] =	stream.linear.gather @!p0 [hbm4b:s14+s0], $0x4000, $0x38;
	[tilespmem:$0x1E890] =	vst v63  }
0x54: {  	s0 =	simm.s32 $0x40;
	s3 =	simm.s32 $0x0  }
.LBB2_2:
0x55: {  	p1 =	sne.s32 s0, $0x1FC0;
	[tilespmem:s3+$0x2800] =	vst v2;
	s14 =	smov.u32 s0;
	s0 =	sadd.s32 $0x40, s0  }
.Ltmp2:
0x56: {  	[tilespmem:s3+$0x2000] =	vst v2;
	(pc) =	sbr.rel @p1 .LBB2_2-.Ltmp2, $3  }
0x57: {  	[tilespmem:s3+$0x1000] =	vst v2  }
0x58: {  	[tilespmem:s3+$0x1800] =	vst v2;
	_ =	sdelay $0x1  }
0x59: {  	s3 =	sshra.s32 s14, $0x2  }
0x5a: {  	[tilespmem:s3+$0x2800] =	vst v2  }
0x5b: {  	[tilespmem:s3+$0x2000] =	vst v2  }
0x5c: {  	[tilespmem:s3+$0x1000] =	vst v2  }
0x5d: {  	s0 =	simm.s32 $0x0;
	[tilespmem:s3+$0x1800] =	vst v2  }
.LBB2_4:
0x5e: {  	s3 =	sshra.s32 s0, $0x2  }
0x5f: {  	v5 =	vld [tilespmem:s3+$0x0];
	_ =	sdelay $0x4  }
0x60: {  	v5 =	vshrl.u32 v5, $0x14  }
0x61: {  	(xrf1) =	vunique.msk.u32 $0xffff, v5;
	_ =	sdelay $0xd  }
0x62: {  	_, v6, vm6 =	vpop (xrf1);
	_ =	sdelay $0x5  }
0x63: {  	[tilespmem:v5+s5+$0x0] =	vst.idx.add.s32.msk vm6, v6  }
0x64: {  	v5 =	vld [tilespmem:s3+$0x10];
	_ =	sdelay $0x4  }
0x65: {  	v5 =	vshrl.u32 v5, $0x14  }
0x66: {  	(xrf1) =	vunique.msk.u32 $0xffff, v5;
	_ =	sdelay $0xd  }
0x67: {  	_, v6, vm6 =	vpop (xrf1);
	_ =	sdelay $0x5  }
0x68: {  	[tilespmem:v5+s2+$0x0] =	vst.idx.add.s32.msk vm6, v6  }
0x69: {  	v5 =	vld [tilespmem:s3+$0x20];
	_ =	sdelay $0x4  }
0x6a: {  	v5 =	vshrl.u32 v5, $0x14  }
0x6b: {  	(xrf1) =	vunique.msk.u32 $0xffff, v5;
	_ =	sdelay $0xd  }
0x6c: {  	_, v6, vm6 =	vpop (xrf1);
	_ =	sdelay $0x5  }
0x6d: {  	[tilespmem:v5+s6+$0x0] =	vst.idx.add.s32.msk vm6, v6  }
0x6e: {  	v5 =	vld [tilespmem:s3+$0x30];
	_ =	sdelay $0x4  }
0x6f: {  	v5 =	vshrl.u32 v5, $0x14  }
0x70: {  	(xrf1) =	vunique.msk.u32 $0xffff, v5;
	_ =	sdelay $0xd  }
0x71: {  	_, v6, vm6 =	vpop (xrf1)  }
0x72: {  	p1 =	sne.s32 s0, $0x3F00  }
.Ltmp3:
0x73: {  	_ = 	snop;
	(pc) =	sbr.rel @p1 .LBB2_4-.Ltmp3, $2  }
0x74: {  	_ =	sdelay $0x2  }
0x75: {  	s0 =	sadd.s32 $0x100, s0;
	[tilespmem:v5+s7+$0x0] =	vst.idx.add.s32.msk vm6, v6  }
0x76: {  	s0 =	simm.s32 $0x0  }
0x77: {  	s3 =	simm.s32 $0x40;
	v5 =	vld [tilespmem:s0+$0x1800]  }
.LBB2_6:
0x78: {  	p1 =	sne.s32 s3, $0x1FC0;
	v6 =	vld [tilespmem:s0+$0x1000]  }
0x79: {  	v7 =	vld [tilespmem:s0+$0x2000]  }
0x7a: {  	v8 =	vld [tilespmem:s0+$0x2800];
	_ =	sdelay $0x1  }
.Ltmp4:
0x7b: {  	(pc) =	sbr.rel @p1 .LBB2_6-.Ltmp4, $4  }
0x7c: {  	v5 =	vadd.s32 v6, v5  }
0x7d: {  	v5 =	vadd.s32 v7, v5  }
0x7e: {  	s14 =	sshra.s32 s3, $0x2;
	v6 =	vadd.s32 v8, v5  }
0x7f: {  	s3 =	sadd.s32 $0x40, s3;
	v5 =	vld [tilespmem:s14+$0x1800];
	[tilespmem:s0+$0x1000] =	vst v6;
	s0 =	smov.u32 s14  }
0x80: {  	v6 =	vld [tilespmem:s0+$0x1000]  }
0x81: {  	v7 =	vld [tilespmem:s0+$0x2000]  }
0x82: {  	v8 =	vld [tilespmem:s0+$0x2800];
	_ =	sdelay $0x2  }
0x83: {  	v5 =	vadd.s32 v6, v5  }
0x84: {  	v5 =	vadd.s32 v7, v5  }
0x85: {  	v5 =	vadd.s32 v8, v5  }
0x86: {  	s14 =	rddreg [dreg:$0xc];
	[tilespmem:s0+$0x1000] =	vst v5  }
0x87: {  	[spmem:s14] =	stream.linear.scatter [tilespmem:s5], [sflag:$0x3], $0x800, $0x38;
	[tilespmem:$0x1E890] =	vst v63  }
0x88: {  	_ =	swait.ge [sflag:s8], $0x800  }
0x89: {  	[sflag:s8] =	ssyncset.done $0x0  }
0x8a: {  	[sflag:s8] =	ssyncadd.s32 $0xFFFFF800  }
0x8b: {  	[bflag:$0x0] =	sbarrier.arrive $0xFFFF  }
0x8c: {  	s20 =	rddreg [dreg:$0xd]  }
0x8d: {  	[tilespmem:s5], [sflag:$0x3] =	stream.linear.gather [spmem:s20], $0x800, $0x38;
	[tilespmem:$0x1E890] =	vst v63  }
0x8e: {  	_ =	swait.ge [sflag:s8], $0x800  }
0x8f: {  	[sflag:s8] =	ssyncset.done $0x0  }
0x90: {  	s21 =	rddreg [dreg:$0xe];
	[sflag:s8] =	ssyncadd.s32 $0xFFFFF800  }
0x91: {  	[tilespmem:s2], [sflag:$0x3] =	stream.linear.gather [spmem:s21], $0x800, $0x38;
	[tilespmem:$0x1E890] =	vst v63  }
0x92: {  	_ =	swait.ge [sflag:s8], $0x800  }
0x93: {  	[sflag:s8] =	ssyncset.done $0x0  }
0x94: {  	s25 =	rddreg [dreg:$0xf];
	[sflag:s8] =	ssyncadd.s32 $0xFFFFF800  }
0x95: {  	[tilespmem:s6], [sflag:$0x3] =	stream.linear.gather [spmem:s25], $0x800, $0x38;
	[tilespmem:$0x1E890] =	vst v63  }
0x96: {  	_ =	swait.ge [sflag:s8], $0x800  }
0x97: {  	[sflag:s8] =	ssyncset.done $0x0  }
0x98: {  	s26 =	rddreg [dreg:$0x10];
	[sflag:s8] =	ssyncadd.s32 $0xFFFFF800  }
0x99: {  	[tilespmem:s7], [sflag:$0x3] =	stream.linear.gather [spmem:s26], $0x800, $0x38;
	[tilespmem:$0x1E890] =	vst v63  }
0x9a: {  	_ =	swait.ge [sflag:s8], $0x800  }
0x9b: {  	[sflag:s8] =	ssyncset.done $0x0  }
0x9c: {  	s28 =	simm.s32 $0x0;
	[sflag:s8] =	ssyncadd.s32 $0xFFFFF800  }
0x9d: {  	v5 =	vld [tilespmem:s28+$0x1000]  }
0x9e: {  	v6 =	vld [tilespmem:s28+$0x1800]  }
0x9f: {  	v7 =	vld [tilespmem:s28+$0x2000]  }
0xa0: {  	v8 =	vld [tilespmem:s28+$0x2800];
	_ =	sdelay $0x2  }
0xa1: {  	v5 =	vadd.s32 v5, v6  }
0xa2: {  	v5 =	vadd.s32 v7, v5  }
0xa3: {  	v5 =	vadd.s32 v8, v5  }
0xa4: {  	(xrf0) =	vadd.scan.msk.s32 $0xffff, v5;
	_ =	sdelay $0x5  }
0xa5: {  	s30 =	simm.s32 $0x0;
	v5, _, _ =	vpop (xrf0)  }
0xa6: {  	v5 =	vadd.s32 s30, v5  }
0xa7: {  	v7 =	vxor.u32 $0x80000000, v5  }
0xa8: {  	(xrf0) =	vmax.scan.msk.u32 $0xffff, v7;
	_ =	sdelay $0x5  }
0xa9: {  	v10, _, _ =	vpop (xrf0)  }
0xaa: {  	s3 =	simm.s32 $0x10;
	(v2sf) =	vpush v10, $0xF  }
0xab: {  	v6 =	vld [tilespmem:s3+$0x1000]  }
0xac: {  	v8 =	vld [tilespmem:s3+$0x1800]  }
0xad: {  	v7 =	vld [tilespmem:s3+$0x2000]  }
0xae: {  	v9 =	vld [tilespmem:s3+$0x2800];
	_ =	sdelay $0x2  }
0xaf: {  	v6 =	vadd.s32 v6, v8;
	vm6 =	vlt.s32 v5, $0x400  }
0xb0: {  	v8 =	vimm.s32 $0x0;
	v5 =	vnsel vm6, $0x0, v5;
	v6 =	vadd.s32 v7, v6  }
0xb1: {  	v7 =	vsel vm6, $0x1, v2;
	vm6 =	vgt.s32 v8, v5;
	v9 =	vadd.s32 v9, v6  }
0xb2: {  	s0 =	simm.s32 $0x80;
	v6 =	vadd.s32 v7, v8;
	v5 =	vsel vm6, v8, v5;
	(xrf0) =	vadd.scan.msk.s32 $0xffff, v9  }
.LBB2_8:
0xb3: {  	_ =	sdelay $0x2  }
0xb4: {  	p1 =	sne.s32 s0, $0x1FC0;
	s3 =	smov.u32 s0;
	s0 =	sadd.s32 $0x40, s0  }
0xb5: {  	s14 =	spop (v2sf)  }
0xb6: {  	v7, _, _ =	vpop (xrf0);
	s14 =	sxor.u32 $0x80000000, s14  }
0xb7: {  	v7 =	vadd.s32 s14, v7  }
0xb8: {  	vm6 =	vlt.s32 v7, $0x400;
	v8 =	vxor.u32 $0x80000000, v7  }
0xb9: {  	v9 =	vsel vm6, $0x1, v2;
	v7 =	vnsel vm6, $0x0, v7;
	(xrf0) =	vmax.scan.msk.u32 $0xffff, v8  }
0xba: {  	v6 =	vadd.s32 v9, v6;
	vm6 =	vgt.s32 v5, v7  }
0xbb: {  	v5 =	vsel vm6, v5, v7;
	_ =	sdelay $0x3  }
0xbc: {  	s3 =	sshra.s32 s3, $0x2;
	v7, _, _ =	vpop (xrf0)  }
0xbd: {  	v8 =	vld [tilespmem:s3+$0x2000];
	(v2sf) =	vpush v7, $0xF  }
0xbe: {  	v7 =	vld [tilespmem:s3+$0x1000]  }
0xbf: {  	v9 =	vld [tilespmem:s3+$0x1800]  }
0xc0: {  	v10 =	vld [tilespmem:s3+$0x2800];
	_ =	sdelay $0x2  }
.Ltmp5:
0xc1: {  	(pc) =	sbr.rel @p1 .LBB2_8-.Ltmp5, $4  }
0xc2: {  	v7 =	vadd.s32 v7, v9  }
0xc3: {  	v7 =	vadd.s32 v8, v7  }
0xc4: {  	v7 =	vadd.s32 v10, v7  }
0xc5: {  	(xrf0) =	vadd.scan.msk.s32 $0xffff, v7  }
0xc6: {  	_ =	sdelay $0x3  }
0xc7: {  	s0 =	spop (v2sf)  }
0xc8: {  	v7, _, _ =	vpop (xrf0);
	s0 =	sxor.u32 $0x80000000, s0  }
0xc9: {  	v7 =	vadd.s32 s0, v7  }
0xca: {  	vm7 =	vlt.s32 v7, $0x400  }
0xcb: {  	v8 =	vxor.u32 $0x80000000, v7;
	v9 =	vsel vm7, $0x1, v2  }
0xcc: {  	(xrf0) =	vmax.scan.msk.u32 $0xffff, v8;
	v6 =	vadd.s32 v9, v6  }
0xcd: {  	(xrf0) =	vadd.scan.msk.s32 $0xffff, v6;
	_ =	sdelay $0x1  }
0xce: {  	s3 =	simm.s32 $0x0  }
0xcf: {  	v8 =	vld [tilespmem:s3+$0x0];
	_ =	sdelay $0x1  }
0xd0: {  	v9, _, _ =	vpop (xrf0)  }
0xd1: {  	v6, _, _ =	vpop (xrf0)  }
0xd2: {  	v6 =	vbroadcast v6, $0xF  }
0xd3: {  	v10 =	vshrl.u32 v8, $0x14  }
0xd4: {  	vm8 =	vlt.s32 v10, v6;
	vm6 =	veq.s32 v10, v6  }
0xd5: {  	v10 =	vsel vm8, $0x1, v2;
	v11 =	vsel vm6, $0x10000, v2  }
0xd6: {  	v10 =	vor.u32 v10, v11  }
0xd7: {  	(xrf0) =	vadd.scan.msk.s32 $0xffff, v10  }
0xd8: {  	(v2sf) =	vpush v9, $0xF;
	_ =	sdelay $0x4  }
0xd9: {  	v10 =	vimm.s32 $0x0;
	v9, _, _ =	vpop (xrf0)  }
0xda: {  	v9 =	vadd.s32 v10, v9  }
0xdb: {  	v11 =	vand.u32 $0xFFFF, v9  }
0xdc: {  	v11 =	vadd.s32 $0xFFFFFFFF, v11  }
0xdd: {  	v9 =	vshrl.u32 v9, $0x10  }
0xde: {  	s14 =	sld [smem:$0x7F0];
	v9 =	vadd.s32 $0xFFFFFFFF, v9  }
0xdf: {  	v12 =	vmpcnt.ones.xlane vm8;
	v13 =	vmpcnt.ones.xlane vm6  }
0xe0: {  	v14 =	vnsel vm7, $0x0, v7  }
0xe1: {  	v63 =	vshll.u32 v13, $0x10;
	v7 =	vadd.s32 v10, v12;
	v10 =	vor.u32 s14, v1;
	[tilespmem:v11+s9+$0x0] =	vst.idx.msk vm8, v8  }
0xe2: {  	s25 =	simm.s32 $0x80;
	vm7 =	vgt.s32 v5, v14;
	v7 =	vadd.s32 v63, v7;
	[tilespmem:v11+s10+$0x0] =	vst.idx.msk vm8, v10  }
0xe3: {  	s20 =	simm.s32 $0x40;
	s0 =	simm.s32 $0x40;
	v5 =	vsel vm7, v5, v14;
	s30 =	spop (v2sf);
	[tilespmem:v9+s11+$0x0] =	vst.idx.msk vm6, v8;
	v8 =	vmov v7  }
.LBB2_10:
0xe4: {  	s26 =	sshra.s32 s20, $0x2  }
0xe5: {  	[tilespmem:v9+s12+$0x0] =	vst.idx.msk vm6, v10;
	s14 =	sadd.s32 $0x10, s14;
	s20 =	smov.u32 s25;
	s28 =	sadd.s32 $0x40, s25  }
0xe6: {  	p1 =	sne.s32 s25, $0x3FC0;
	v11 =	vld [tilespmem:s26+$0x0];
	_ =	sdelay $0x4  }
0xe7: {  	v9 =	vshrl.u32 v11, $0x14  }
0xe8: {  	vm7 =	vlt.s32 v9, v6;
	vm6 =	veq.s32 v9, v6  }
0xe9: {  	v9 =	vsel vm7, $0x1, v2;
	v10 =	vsel vm6, $0x10000, v2;
	v12 =	vmpcnt.ones.xlane vm7  }
0xea: {  	v9 =	vor.u32 v9, v10;
	v10 =	vmpcnt.ones.xlane vm6  }
0xeb: {  	v7 =	vadd.s32 v7, v12;
	(xrf0) =	vadd.scan.msk.s32 $0xffff, v9  }
0xec: {  	v9 =	vshll.u32 v10, $0x10  }
0xed: {  	v7 =	vadd.s32 v9, v7;
	_ =	sdelay $0x3  }
0xee: {  	v9, _, _ =	vpop (xrf0)  }
0xef: {  	v9 =	vadd.s32 v8, v9;
	v8 =	vmov v7  }
0xf0: {  	v10 =	vand.u32 $0xFFFF, v9;
	v9 =	vshrl.u32 v9, $0x10  }
0xf1: {  	v12 =	vadd.s32 $0xFFFFFFFF, v10;
	_ =	sdelay $0x1  }
0xf2: {  	v9 =	vadd.s32 $0xFFFFFFFF, v9  }
.Ltmp6:
0xf3: {  	(pc) =	sbr.rel @p1 .LBB2_10-.Ltmp6, $4  }
0xf4: {  	_ = 	snop  }
0xf5: {  	v10 =	vor.u32 s14, v1;
	[tilespmem:v12+s9+$0x0] =	vst.idx.msk vm7, v11  }
0xf6: {  	[tilespmem:v12+s10+$0x0] =	vst.idx.msk vm7, v10  }
0xf7: {  	s25 =	smov.u32 s28;
	[tilespmem:v9+s11+$0x0] =	vst.idx.msk vm6, v11  }
0xf8: {  	_ =	sdelay $0x4  }
0xf9: {  	s20 =	sshra.s32 s20, $0x2;
	[tilespmem:v9+s12+$0x0] =	vst.idx.msk vm6, v10  }
0xfa: {  	v9 =	vld [tilespmem:s20+$0x0];
	_ =	sdelay $0x4  }
0xfb: {  	v62 =	vshrl.u32 v9, $0x14  }
0xfc: {  	vm6 =	vlt.s32 v62, v6;
	vm7 =	veq.s32 v62, v6  }
0xfd: {  	v6 =	vsel vm6, $0x1, v2;
	v10 =	vsel vm7, $0x10000, v2  }
0xfe: {  	v6 =	vor.u32 v6, v10  }
0xff: {  	(xrf0) =	vadd.scan.msk.s32 $0xffff, v6;
	_ =	sdelay $0x5  }
0x100: {  	v6, _, _ =	vpop (xrf0)  }
0x101: {  	v6 =	vadd.s32 v8, v6  }
0x102: {  	v8 =	vand.u32 $0xFFFF, v6  }
0x103: {  	v8 =	vadd.s32 $0xFFFFFFFF, v8  }
0x104: {  	v6 =	vshrl.u32 v6, $0x10  }
0x105: {  	v63 =	vadd.s32 $0xFFFFFFFF, v6;
	_ =	sdelay $0x1  }
0x106: {  	s14 =	sadd.s32 $0x10, s14  }
0x107: {  	v12 =	vor.u32 s14, v1;
	v11 =	vmpcnt.ones.xlane vm7;
	v6 =	vmpcnt.ones.xlane vm6;
	[tilespmem:v8+s9+$0x0] =	vst.idx.msk vm6, v9  }
0x108: {  	[tilespmem:v8+s10+$0x0] =	vst.idx.msk vm6, v12  }
0x109: {  	v6 =	vadd.s32 v7, v6;
	v7 =	vshll.u32 v11, $0x10;
	[tilespmem:v63+s11+$0x0] =	vst.idx.msk vm7, v9  }
0x10a: {  	v6 =	vadd.s32 v7, v6;
	[tilespmem:v63+s12+$0x0] =	vst.idx.msk vm7, v12  }
.LBB2_12:
0x10b: {  	p1 =	sne.s32 s0, $0xFC0;
	[tilespmem:s3+$0x1000] =	vst v2;
	s3 =	smov.u32 s0;
	s0 =	sadd.s32 $0x40, s0  }
.Ltmp7:
0x10c: {  	(pc) =	sbr.rel @p1 .LBB2_12-.Ltmp7, $2  }
0x10d: {  	_ =	sdelay $0x2  }
0x10e: {  	s3 =	sshra.s32 s3, $0x2  }
0x10f: {  	v5 =	vxor.u32 $0x80000000, v5  }
0x110: {  	(xrf0) =	vmax.scan.msk.u32 $0xffff, v5;
	v5 =	vxor.u32 $0x80000000, v6  }
0x111: {  	(xrf0) =	vmax.scan.msk.u32 $0xffff, v5;
	_ =	sdelay $0x4  }
0x112: {  	v5, _, _ =	vpop (xrf0)  }
0x113: {  	(v2sf) =	vpush v5, $0xF;
	v5, _, _ =	vpop (xrf0)  }
0x114: {  	(v2sf) =	vpush v5, $0xF;
	_ =	sdelay $0xd  }
0x115: {  	s28 =	spop (v2sf)  }
0x116: {  	s0 =	spop (v2sf)  }
0x117: {  	s14 =	sshrl.u32 s0, $0x10  }
0x118: {  	s14 =	sxor.u32 $0x8000, s14  }
0x119: {  	s20 =	sadd.s32 $0xF, s14  }
0x11a: {  	s26 =	sshrl.u32 s20, $0x4  }
0x11b: {  	p1 =	seq.s32 s26, $0x0  }
.Ltmp8:
0x11c: {  	_ = 	snop;
	(pc) =	sbr.rel @p1 .LBB2_17-.Ltmp8, $2  }
0x11d: {  	_ =	sdelay $0x2  }
0x11e: {  	[tilespmem:s3+$0x1000] =	vst v2  }
0x11f: {  	s3 =	simm.s32 $0x3900  }
0x120: {  	v6 =	vld [tilespmem:s3+$0x0];
	_ =	sdelay $0x2  }
0x121: {  	v5 =	vmul.u32 $0xFFFFFFFF, v1  }
0x122: {  	s20 =	simm.s32 $0x0  }
0x123: {  	v7 =	vmov s20;
	v5 =	vadd.s32 s14, v5;
	v6 =	vshrl.u32 v6, $0xA  }
0x124: {  	vm6 =	vlt.s32 v7, v5;
	v6 =	vand.u32 $0x3FF, v6  }
0x125: {  	(xrf1) =	vunique.msk.u32 vm6, v6;
	_ =	sdelay $0x8  }
0x126: {  	s20 =	sshll.u32 s26, $0x4  }
0x127: {  	p2 =	sne.s32 s20, $0x10  }
.Ltmp9:
0x128: {  	_ = 	snop;
	(pc) =	sbr.rel @!p2 .LBB2_16-.Ltmp9, $3  }
0x129: {  	_ =	sdelay $0x1  }
0x12a: {  	_, v7, vm7 =	vpop (xrf1)  }
0x12b: {  	s30 =	simm.s32 $0x10;
	vm6 =	vmand vm6, vm7  }
.LBB2_15:
0x12c: {  	_ =	sdelay $0x4  }
0x12d: {  	[tilespmem:v6+s5+$0x0] =	vst.idx.add.s32.msk vm6, v7;
	s3 =	sadd.s32 $0x10, s3;
	s25 =	smov.u32 s30;
	s30 =	sadd.s32 $0x10, s30  }
0x12e: {  	v6 =	vld [tilespmem:s3+$0x0];
	p2 =	sne.s32 s20, s30;
	_ =	sdelay $0x4  }
0x12f: {  	v7 =	vmov s25;
	v6 =	vshrl.u32 v6, $0xA  }
0x130: {  	vm6 =	vlt.s32 v7, v5;
	v6 =	vand.u32 $0x3FF, v6  }
0x131: {  	(xrf1) =	vunique.msk.u32 vm6, v6;
	_ =	sdelay $0xa  }
.Ltmp10:
0x132: {  	(pc) =	sbr.rel @p2 .LBB2_15-.Ltmp10, $3  }
0x133: {  	_ =	sdelay $0x1  }
0x134: {  	_, v7, vm7 =	vpop (xrf1)  }
0x135: {  	vm6 =	vmand vm6, vm7  }
.LBB2_16:
0x136: {  	_ =	sdelay $0x4  }
0x137: {  	[tilespmem:v6+s5+$0x0] =	vst.idx.add.s32.msk vm6, v7  }
.LBB2_17:
0x138: {  	s3 =	rddreg [dreg:$0x11]  }
0x139: {  	[spmem:s3] =	stream.linear.scatter [tilespmem:s5], [sflag:$0x3], $0x400, $0x38;
	[tilespmem:$0x1E890] =	vst v63  }
0x13a: {  	_ =	swait.ge [sflag:s8], $0x400  }
0x13b: {  	[sflag:s8] =	ssyncset.done $0x0  }
0x13c: {  	[sflag:s8] =	ssyncadd.s32 $0xFFFFFC00  }
0x13d: {  	[bflag:$0x0] =	sbarrier.arrive $0xFFFF  }
0x13e: {  	s21 =	rddreg [dreg:$0x12]  }
0x13f: {  	[tilespmem:s5], [sflag:$0x3] =	stream.linear.gather [spmem:s21], $0x400, $0x38;
	[tilespmem:$0x1E890] =	vst v63  }
0x140: {  	_ =	swait.ge [sflag:s8], $0x400  }
0x141: {  	[sflag:s8] =	ssyncset.done $0x0  }
0x142: {  	s25 =	rddreg [dreg:$0x13];
	[sflag:s8] =	ssyncadd.s32 $0xFFFFFC00  }
0x143: {  	[tilespmem:s2], [sflag:$0x3] =	stream.linear.gather [spmem:s25], $0x400, $0x38;
	[tilespmem:$0x1E890] =	vst v63  }
0x144: {  	_ =	swait.ge [sflag:s8], $0x400  }
0x145: {  	[sflag:s8] =	ssyncset.done $0x0  }
0x146: {  	s30 =	rddreg [dreg:$0x14];
	[sflag:s8] =	ssyncadd.s32 $0xFFFFFC00  }
0x147: {  	[tilespmem:s6], [sflag:$0x3] =	stream.linear.gather [spmem:s30], $0x400, $0x38;
	[tilespmem:$0x1E890] =	vst v63  }
0x148: {  	_ =	swait.ge [sflag:s8], $0x400  }
0x149: {  	[sflag:s8] =	ssyncset.done $0x0  }
0x14a: {  	s20 =	rddreg [dreg:$0x15];
	[sflag:s8] =	ssyncadd.s32 $0xFFFFFC00  }
0x14b: {  	[tilespmem:s7], [sflag:$0x3] =	stream.linear.gather [spmem:s20], $0x400, $0x38;
	[tilespmem:$0x1E890] =	vst v63  }
0x14c: {  	_ =	swait.ge [sflag:s8], $0x400  }
0x14d: {  	[sflag:s8] =	ssyncset.done $0x0  }
0x14e: {  	s21 =	simm.s32 $0x0;
	[sflag:s8] =	ssyncadd.s32 $0xFFFFFC00  }
0x14f: {  	v5 =	vld [tilespmem:s21+$0x1000]  }
0x150: {  	v6 =	vld [tilespmem:s21+$0x1800]  }
0x151: {  	v7 =	vld [tilespmem:s21+$0x2000]  }
0x152: {  	v8 =	vld [tilespmem:s21+$0x2800];
	_ =	sdelay $0x2  }
0x153: {  	v5 =	vadd.s32 v5, v6  }
0x154: {  	v5 =	vadd.s32 v7, v5  }
0x155: {  	v5 =	vadd.s32 v8, v5  }
0x156: {  	(xrf0) =	vadd.scan.msk.s32 $0xffff, v5;
	_ =	sdelay $0x5  }
0x157: {  	s25 =	simm.s32 $0x0;
	v5, _, _ =	vpop (xrf0)  }
0x158: {  	v5 =	vadd.s32 s25, v5  }
0x159: {  	v6 =	vxor.u32 $0x80000000, v5  }
0x15a: {  	(xrf0) =	vmax.scan.msk.u32 $0xffff, v6;
	_ =	sdelay $0x5  }
0x15b: {  	v63, _, _ =	vpop (xrf0)  }
0x15c: {  	s20 =	simm.s32 $0x10;
	(v2sf) =	vpush v63, $0xF  }
0x15d: {  	v7 =	vld [tilespmem:s20+$0x1000]  }
0x15e: {  	v8 =	vld [tilespmem:s20+$0x1800]  }
0x15f: {  	v9 =	vld [tilespmem:s20+$0x2000]  }
0x160: {  	s30 =	sxor.u32 $0x80000000, s28;
	v10 =	vld [tilespmem:s20+$0x2800]  }
0x161: {  	s28 =	ssub.s32 $0x3FF, s30  }
0x162: {  	v6 =	vmov s28  }
0x163: {  	v7 =	vadd.s32 v7, v8;
	vm6 =	vle.s32 v5, v6  }
0x164: {  	v8 =	vimm.s32 $0x0;
	v11 =	vnsel vm6, $0x0, v5;
	v5 =	vadd.s32 v9, v7  }
0x165: {  	v7 =	vsel vm6, $0x1, v2;
	vm6 =	vgt.s32 v8, v11;
	v9 =	vadd.s32 v10, v5  }
0x166: {  	s3 =	sand.u32 $0xFFFF, s0;
	s0 =	simm.s32 $0x80;
	v5 =	vadd.s32 v7, v8;
	v7 =	vsel vm6, v8, v11;
	(xrf0) =	vadd.scan.msk.s32 $0xffff, v9  }
.LBB2_18:
0x167: {  	_ =	sdelay $0x2  }
0x168: {  	p2 =	sne.s32 s0, $0xFC0;
	s20 =	smov.u32 s0;
	s0 =	sadd.s32 $0x40, s0  }
0x169: {  	s25 =	spop (v2sf)  }
0x16a: {  	v8, _, _ =	vpop (xrf0);
	s25 =	sxor.u32 $0x80000000, s25  }
0x16b: {  	v8 =	vadd.s32 s25, v8  }
0x16c: {  	vm6 =	vle.s32 v8, v6;
	v9 =	vxor.u32 $0x80000000, v8  }
0x16d: {  	v10 =	vsel vm6, $0x1, v2;
	v8 =	vnsel vm6, $0x0, v8;
	(xrf0) =	vmax.scan.msk.u32 $0xffff, v9  }
0x16e: {  	v5 =	vadd.s32 v10, v5;
	vm6 =	vgt.s32 v7, v8  }
0x16f: {  	v7 =	vsel vm6, v7, v8;
	_ =	sdelay $0x3  }
0x170: {  	s20 =	sshra.s32 s20, $0x2;
	v8, _, _ =	vpop (xrf0)  }
0x171: {  	v9 =	vld [tilespmem:s20+$0x2000];
	(v2sf) =	vpush v8, $0xF  }
0x172: {  	v8 =	vld [tilespmem:s20+$0x1000]  }
0x173: {  	v10 =	vld [tilespmem:s20+$0x1800]  }
0x174: {  	v11 =	vld [tilespmem:s20+$0x2800];
	_ =	sdelay $0x2  }
.Ltmp11:
0x175: {  	(pc) =	sbr.rel @p2 .LBB2_18-.Ltmp11, $4  }
0x176: {  	v8 =	vadd.s32 v8, v10  }
0x177: {  	v8 =	vadd.s32 v9, v8  }
0x178: {  	v8 =	vadd.s32 v11, v8  }
0x179: {  	(xrf0) =	vadd.scan.msk.s32 $0xffff, v8  }
0x17a: {  	_ =	sdelay $0x3  }
0x17b: {  	s0 =	spop (v2sf)  }
0x17c: {  	v8, _, _ =	vpop (xrf0);
	s0 =	sxor.u32 $0x80000000, s0  }
0x17d: {  	v8 =	vadd.s32 s0, v8  }
0x17e: {  	vm6 =	vle.s32 v8, v6  }
0x17f: {  	v6 =	vnsel vm6, $0x0, v8  }
0x180: {  	vm7 =	vgt.s32 v7, v6  }
0x181: {  	v6 =	vsel vm7, v7, v6;
	v7 =	vxor.u32 $0x80000000, v8  }
0x182: {  	(xrf0) =	vmax.scan.msk.u32 $0xffff, v7;
	v6 =	vxor.u32 $0x80000000, v6  }
0x183: {  	(xrf0) =	vmax.scan.msk.u32 $0xffff, v6;
	_ =	sdelay $0x4  }
0x184: {  	v6, _, _ =	vpop (xrf0)  }
0x185: {  	(v2sf) =	vpush v6, $0xF;
	v6, _, _ =	vpop (xrf0)  }
0x186: {  	(v2sf) =	vpush v6, $0xF;
	_ =	sdelay $0xa  }
.Ltmp12:
0x187: {  	_ = 	snop;
	(pc) =	sbr.rel @p1 .LBB2_20-.Ltmp12, $3  }
0x188: {  	_ =	sdelay $0x1  }
0x189: {  	v6 =	vsel vm6, $0x1, v2;
	s30 =	spop (v2sf)  }
0x18a: {  	v5 =	vadd.s32 v6, v5;
	s0 =	spop (v2sf)  }
0x18b: {  	(xrf0) =	vadd.scan.msk.s32 $0xffff, v5  }
0x18c: {  	s20 =	simm.s32 $0x3900  }
0x18d: {  	v8 =	vld [tilespmem:s20+$0x0];
	_ =	sdelay $0x3  }
0x18e: {  	v6 =	vmul.u32 $0xFFFFFFFF, v1;
	v5, _, _ =	vpop (xrf0)  }
0x18f: {  	s25 =	simm.s32 $0x0;
	v7 =	vshrl.u32 v8, $0xA;
	v5 =	vbroadcast v5, $0xF  }
0x190: {  	v9 =	vmov s25;
	v6 =	vadd.s32 s14, v6;
	v7 =	vand.u32 $0x3FF, v7  }
0x191: {  	vm6 =	vlt.s32 v9, v6;
	vm7 =	vlt.s32 v7, v5;
	vm8 =	veq.s32 v7, v5  }
0x192: {  	vm7 =	vmand vm6, vm7;
	vm6 =	vmand vm6, vm8  }
0x193: {  	v7 =	vsel vm7, $0x1, v2;
	v9 =	vsel vm6, $0x10000, v2  }
0x194: {  	v7 =	vor.u32 v7, v9  }
0x195: {  	(xrf0) =	vadd.scan.msk.s32 $0xffff, v7;
	_ =	sdelay $0x4  }
0x196: {  	v7 =	vmov s3  }
0x197: {  	v9 =	vimm.s32 $0x0;
	v7 =	vadd.s32 $0xFFFFFFFF, v7;
	v10, _, _ =	vpop (xrf0)  }
0x198: {  	v7 =	vbroadcast v7, $0x0;
	v10 =	vadd.s32 v9, v10  }
0x199: {  	v11 =	vand.u32 $0xFFFF, v10  }
0x19a: {  	s14 =	simm.s32 $0x4900;
	v11 =	vadd.s32 v7, v11  }
0x19b: {  	v12 =	vld [tilespmem:s14+$0x0];
	v10 =	vshrl.u32 v10, $0x10  }
0x19c: {  	s26 =	sshll.u32 s26, $0x4;
	v10 =	vadd.s32 $0xFFFFFFFF, v10  }
0x19d: {  	p1 =	sne.s32 s26, $0x10  }
.Ltmp13:
0x19e: {  	_ = 	snop;
	(pc) =	sbr.rel @!p1 .LBB2_23-.Ltmp13, $4  }
0x19f: {  	v13 =	vmpcnt.ones.xlane vm7;
	v14 =	vmpcnt.ones.xlane vm6;
	[tilespmem:v11+s9+$0x0] =	vst.idx.msk vm7, v8  }
0x1a0: {  	[tilespmem:v11+s10+$0x0] =	vst.idx.msk vm7, v12  }
0x1a1: {  	v9 =	vadd.s32 v9, v13;
	v11 =	vshll.u32 v14, $0x10;
	[tilespmem:v10+s11+$0x0] =	vst.idx.msk vm6, v8  }
0x1a2: {  	s30 =	simm.s32 $0x3910;
	s20 =	simm.s32 $0x10;
	v8 =	vadd.s32 v11, v9;
	[tilespmem:v10+s12+$0x0] =	vst.idx.msk vm6, v12  }
.LBB2_22:
0x1a3: {  	v9 =	vld [tilespmem:s30+$0x0];
	s14 =	sadd.s32 $0x10, s14;
	v10 =	vmov v8;
	s25 =	smov.u32 s20  }
0x1a4: {  	v11 =	vld [tilespmem:s14+$0x0];
	_ =	sdelay $0x1  }
0x1a5: {  	s20 =	sadd.s32 $0x10, s20  }
0x1a6: {  	p1 =	sne.s32 s26, s20  }
0x1a7: {  	v12 =	vshrl.u32 v9, $0xA  }
0x1a8: {  	v13 =	vmov s25;
	v12 =	vand.u32 $0x3FF, v12  }
0x1a9: {  	vm6 =	vlt.s32 v13, v6;
	vm7 =	vlt.s32 v12, v5;
	vm8 =	veq.s32 v12, v5  }
0x1aa: {  	vm7 =	vmand vm6, vm7;
	vm6 =	vmand vm6, vm8  }
0x1ab: {  	v12 =	vsel vm7, $0x1, v2;
	v13 =	vsel vm6, $0x10000, v2;
	v14 =	vmpcnt.ones.xlane vm7  }
0x1ac: {  	v12 =	vor.u32 v12, v13;
	v13 =	vmpcnt.ones.xlane vm6  }
0x1ad: {  	v8 =	vadd.s32 v8, v14;
	(xrf0) =	vadd.scan.msk.s32 $0xffff, v12  }
0x1ae: {  	v12 =	vshll.u32 v13, $0x10  }
0x1af: {  	v8 =	vadd.s32 v12, v8;
	_ =	sdelay $0x3  }
0x1b0: {  	v12, _, _ =	vpop (xrf0)  }
0x1b1: {  	v10 =	vadd.s32 v10, v12  }
0x1b2: {  	v12 =	vand.u32 $0xFFFF, v10  }
0x1b3: {  	v12 =	vadd.s32 v7, v12  }
0x1b4: {  	v10 =	vshrl.u32 v10, $0x10  }
0x1b5: {  	v10 =	vadd.s32 $0xFFFFFFFF, v10;
	_ =	sdelay $0x1  }
.Ltmp14:
0x1b6: {  	(pc) =	sbr.rel @p1 .LBB2_22-.Ltmp14, $4  }
0x1b7: {  	[tilespmem:v12+s9+$0x0] =	vst.idx.msk vm7, v9  }
0x1b8: {  	[tilespmem:v12+s10+$0x0] =	vst.idx.msk vm7, v11  }
0x1b9: {  	[tilespmem:v10+s11+$0x0] =	vst.idx.msk vm6, v9  }
0x1ba: {  	s30 =	sadd.s32 $0x10, s30;
	[tilespmem:v10+s12+$0x0] =	vst.idx.msk vm6, v11  }
.LBB2_23:
.Ltmp15:
0x1bb: {  	(pc) =	sbr.rel .LBB2_24-.Ltmp15, $2  }
0x1bc: {  	_ =	sdelay $0x2  }
0x1bd: {  	v5 =	vxor.u32 $0x80000000, v8  }
.LBB2_20:
0x1be: {  	v5 =	vimm.s32 $0x80000000  }
.LBB2_24:
0x1bf: {  	s0 =	sxor.u32 $0x80000000, s0  }
0x1c0: {  	s20 =	simm.s32 $0x0;
	s26 =	ssub.s32 s28, s0;
	s0 =	simm.s32 $0x40  }
.LBB2_25:
0x1c1: {  	p1 =	sne.s32 s0, $0xFC0;
	[tilespmem:s20+$0x1000] =	vst v2;
	s14 =	smov.u32 s0;
	s0 =	sadd.s32 $0x40, s0  }
.Ltmp16:
0x1c2: {  	(pc) =	sbr.rel @p1 .LBB2_25-.Ltmp16, $2  }
0x1c3: {  	_ =	sdelay $0x2  }
0x1c4: {  	s20 =	sshra.s32 s14, $0x2  }
0x1c5: {  	(xrf0) =	vmax.scan.msk.u32 $0xffff, v5;
	_ =	sdelay $0x5  }
0x1c6: {  	v5, _, _ =	vpop (xrf0)  }
0x1c7: {  	(v2sf) =	vpush v5, $0xF;
	_ =	sdelay $0xe  }
0x1c8: {  	s0 =	spop (v2sf)  }
0x1c9: {  	s14 =	sshrl.u32 s0, $0x10  }
0x1ca: {  	s14 =	sxor.u32 $0x8000, s14  }
0x1cb: {  	s25 =	sadd.s32 $0xF, s14  }
0x1cc: {  	s28 =	sshrl.u32 s25, $0x4  }
0x1cd: {  	p1 =	seq.s32 s28, $0x0  }
.Ltmp17:
0x1ce: {  	_ = 	snop;
	(pc) =	sbr.rel @p1 .LBB2_30-.Ltmp17, $2  }
0x1cf: {  	_ =	sdelay $0x2  }
0x1d0: {  	[tilespmem:s20+$0x1000] =	vst v2  }
0x1d1: {  	s20 =	simm.s32 $0x3900  }
0x1d2: {  	v6 =	vld [tilespmem:s20+$0x0];
	_ =	sdelay $0x1  }
0x1d3: {  	v5 =	vmul.u32 $0xFFFFFFFF, v1  }
0x1d4: {  	s25 =	simm.s32 $0x0  }
0x1d5: {  	v7 =	vmov s25;
	v5 =	vadd.s32 s14, v5  }
0x1d6: {  	vm6 =	vlt.s32 v7, v5;
	v6 =	vand.u32 $0x3FF, v6  }
0x1d7: {  	(xrf1) =	vunique.msk.u32 vm6, v6;
	_ =	sdelay $0x8  }
0x1d8: {  	s30 =	sshll.u32 s28, $0x4  }
0x1d9: {  	p2 =	sne.s32 s30, $0x10  }
.Ltmp18:
0x1da: {  	_ = 	snop;
	(pc) =	sbr.rel @!p2 .LBB2_29-.Ltmp18, $3  }
0x1db: {  	_ =	sdelay $0x1  }
0x1dc: {  	_, v7, vm7 =	vpop (xrf1)  }
0x1dd: {  	s25 =	simm.s32 $0x10;
	vm6 =	vmand vm6, vm7  }
.LBB2_28:
0x1de: {  	_ =	sdelay $0x4  }
0x1df: {  	[tilespmem:v6+s5+$0x0] =	vst.idx.add.s32.msk vm6, v7;
	s20 =	sadd.s32 $0x10, s20;
	s21 =	smov.u32 s25;
	s25 =	sadd.s32 $0x10, s25  }
0x1e0: {  	v6 =	vld [tilespmem:s20+$0x0];
	p2 =	sne.s32 s30, s25;
	_ =	sdelay $0x3  }
0x1e1: {  	v7 =	vmov s21  }
0x1e2: {  	vm6 =	vlt.s32 v7, v5;
	v6 =	vand.u32 $0x3FF, v6  }
0x1e3: {  	(xrf1) =	vunique.msk.u32 vm6, v6;
	_ =	sdelay $0xa  }
.Ltmp19:
0x1e4: {  	(pc) =	sbr.rel @p2 .LBB2_28-.Ltmp19, $3  }
0x1e5: {  	_ =	sdelay $0x1  }
0x1e6: {  	_, v7, vm7 =	vpop (xrf1)  }
0x1e7: {  	vm6 =	vmand vm6, vm7  }
.LBB2_29:
0x1e8: {  	_ =	sdelay $0x4  }
0x1e9: {  	[tilespmem:v6+s5+$0x0] =	vst.idx.add.s32.msk vm6, v7  }
.LBB2_30:
0x1ea: {  	s20 =	rddreg [dreg:$0x16]  }
0x1eb: {  	[spmem:s20] =	stream.linear.scatter [tilespmem:s5], [sflag:$0x3], $0x400, $0x38;
	[tilespmem:$0x1E890] =	vst v63  }
0x1ec: {  	_ =	swait.ge [sflag:s8], $0x400  }
0x1ed: {  	[sflag:s8] =	ssyncset.done $0x0  }
0x1ee: {  	[sflag:s8] =	ssyncadd.s32 $0xFFFFFC00  }
0x1ef: {  	[bflag:$0x0] =	sbarrier.arrive $0xFFFF  }
0x1f0: {  	s25 =	rddreg [dreg:$0x1a]  }
0x1f1: {  	[tilespmem:s5], [sflag:$0x3] =	stream.linear.gather [spmem:s25], $0x400, $0x38;
	[tilespmem:$0x1E890] =	vst v63  }
0x1f2: {  	_ =	swait.ge [sflag:s8], $0x400  }
0x1f3: {  	[sflag:s8] =	ssyncset.done $0x0  }
0x1f4: {  	s30 =	rddreg [dreg:$0x17];
	[sflag:s8] =	ssyncadd.s32 $0xFFFFFC00  }
0x1f5: {  	[tilespmem:s2], [sflag:$0x3] =	stream.linear.gather [spmem:s30], $0x400, $0x38;
	[tilespmem:$0x1E890] =	vst v63  }
0x1f6: {  	_ =	swait.ge [sflag:s8], $0x400  }
0x1f7: {  	[sflag:s8] =	ssyncset.done $0x0  }
0x1f8: {  	s2 =	rddreg [dreg:$0x18];
	[sflag:s8] =	ssyncadd.s32 $0xFFFFFC00  }
0x1f9: {  	[tilespmem:s6], [sflag:$0x3] =	stream.linear.gather [spmem:s2], $0x400, $0x38;
	[tilespmem:$0x1E890] =	vst v63  }
0x1fa: {  	_ =	swait.ge [sflag:s8], $0x400  }
0x1fb: {  	[sflag:s8] =	ssyncset.done $0x0  }
0x1fc: {  	s21 =	rddreg [dreg:$0x19];
	[sflag:s8] =	ssyncadd.s32 $0xFFFFFC00  }
0x1fd: {  	[tilespmem:s7], [sflag:$0x3] =	stream.linear.gather [spmem:s21], $0x400, $0x38;
	[tilespmem:$0x1E890] =	vst v63  }
0x1fe: {  	_ =	swait.ge [sflag:s8], $0x400  }
0x1ff: {  	[sflag:s8] =	ssyncset.done $0x0  }
0x200: {  	s25 =	simm.s32 $0x0;
	[sflag:s8] =	ssyncadd.s32 $0xFFFFFC00  }
0x201: {  	v5 =	vld [tilespmem:s25+$0x1000]  }
0x202: {  	v6 =	vld [tilespmem:s25+$0x1800]  }
0x203: {  	v7 =	vld [tilespmem:s25+$0x2000]  }
0x204: {  	v8 =	vld [tilespmem:s25+$0x2800];
	_ =	sdelay $0x2  }
0x205: {  	v5 =	vadd.s32 v5, v6  }
0x206: {  	v5 =	vadd.s32 v7, v5  }
0x207: {  	v5 =	vadd.s32 v8, v5  }
0x208: {  	(xrf0) =	vadd.scan.msk.s32 $0xffff, v5;
	_ =	sdelay $0x5  }
0x209: {  	s30 =	simm.s32 $0x0;
	v5, _, _ =	vpop (xrf0)  }
0x20a: {  	v5 =	vadd.s32 s30, v5  }
0x20b: {  	v6 =	vxor.u32 $0x80000000, v5  }
0x20c: {  	(xrf0) =	vmax.scan.msk.u32 $0xffff, v6;
	_ =	sdelay $0x5  }
0x20d: {  	v63, _, _ =	vpop (xrf0)  }
0x20e: {  	s21 =	simm.s32 $0x10;
	(v2sf) =	vpush v63, $0xF  }
0x20f: {  	v7 =	vld [tilespmem:s21+$0x1000]  }
0x210: {  	v8 =	vld [tilespmem:s21+$0x1800]  }
0x211: {  	v9 =	vld [tilespmem:s21+$0x2000]  }
0x212: {  	v10 =	vld [tilespmem:s21+$0x2800];
	_ =	sdelay $0x1  }
0x213: {  	v6 =	vmov s26  }
0x214: {  	v7 =	vadd.s32 v7, v8;
	vm6 =	vle.s32 v5, v6  }
0x215: {  	v8 =	vimm.s32 $0x0;
	v11 =	vnsel vm6, $0x0, v5;
	v5 =	vadd.s32 v9, v7  }
0x216: {  	s0 =	sand.u32 $0xFFFF, s0;
	v7 =	vsel vm6, $0x1, v2;
	vm6 =	vgt.s32 v8, v11;
	v9 =	vadd.s32 v10, v5  }
0x217: {  	s3 =	sadd.s32 s3, s0;
	s0 =	simm.s32 $0x80;
	v5 =	vadd.s32 v7, v8;
	v7 =	vsel vm6, v8, v11;
	(xrf0) =	vadd.scan.msk.s32 $0xffff, v9  }
.LBB2_31:
0x218: {  	_ =	sdelay $0x2  }
0x219: {  	p2 =	sne.s32 s0, $0xFC0;
	s20 =	smov.u32 s0;
	s0 =	sadd.s32 $0x40, s0  }
0x21a: {  	s21 =	spop (v2sf)  }
0x21b: {  	v8, _, _ =	vpop (xrf0);
	s21 =	sxor.u32 $0x80000000, s21  }
0x21c: {  	v8 =	vadd.s32 s21, v8  }
0x21d: {  	vm6 =	vle.s32 v8, v6;
	v9 =	vxor.u32 $0x80000000, v8  }
0x21e: {  	v10 =	vsel vm6, $0x1, v2;
	v8 =	vnsel vm6, $0x0, v8;
	(xrf0) =	vmax.scan.msk.u32 $0xffff, v9  }
0x21f: {  	v5 =	vadd.s32 v10, v5;
	vm6 =	vgt.s32 v7, v8  }
0x220: {  	v7 =	vsel vm6, v7, v8;
	_ =	sdelay $0x3  }
0x221: {  	s20 =	sshra.s32 s20, $0x2;
	v8, _, _ =	vpop (xrf0)  }
0x222: {  	v9 =	vld [tilespmem:s20+$0x2000];
	(v2sf) =	vpush v8, $0xF  }
0x223: {  	v8 =	vld [tilespmem:s20+$0x1000]  }
0x224: {  	v10 =	vld [tilespmem:s20+$0x1800]  }
0x225: {  	v11 =	vld [tilespmem:s20+$0x2800];
	_ =	sdelay $0x2  }
.Ltmp20:
0x226: {  	(pc) =	sbr.rel @p2 .LBB2_31-.Ltmp20, $4  }
0x227: {  	v8 =	vadd.s32 v8, v10  }
0x228: {  	v8 =	vadd.s32 v9, v8  }
0x229: {  	v8 =	vadd.s32 v11, v8  }
0x22a: {  	(xrf0) =	vadd.scan.msk.s32 $0xffff, v8  }
0x22b: {  	_ =	sdelay $0x3  }
0x22c: {  	s0 =	spop (v2sf)  }
0x22d: {  	v8, _, _ =	vpop (xrf0);
	s0 =	sxor.u32 $0x80000000, s0  }
0x22e: {  	v8 =	vadd.s32 s0, v8  }
0x22f: {  	vm6 =	vle.s32 v8, v6  }
0x230: {  	v6 =	vnsel vm6, $0x0, v8  }
0x231: {  	vm7 =	vgt.s32 v7, v6  }
0x232: {  	v6 =	vsel vm7, v7, v6;
	v7 =	vxor.u32 $0x80000000, v8  }
0x233: {  	(xrf0) =	vmax.scan.msk.u32 $0xffff, v7;
	v6 =	vxor.u32 $0x80000000, v6  }
0x234: {  	(xrf0) =	vmax.scan.msk.u32 $0xffff, v6;
	_ =	sdelay $0x4  }
0x235: {  	v6, _, _ =	vpop (xrf0)  }
0x236: {  	(v2sf) =	vpush v6, $0xF;
	v6, _, _ =	vpop (xrf0)  }
0x237: {  	(v2sf) =	vpush v6, $0xF;
	_ =	sdelay $0xa  }
.Ltmp21:
0x238: {  	_ = 	snop;
	(pc) =	sbr.rel @p1 .LBB2_33-.Ltmp21, $3  }
0x239: {  	_ =	sdelay $0x1  }
0x23a: {  	v6 =	vsel vm6, $0x1, v2;
	s30 =	spop (v2sf)  }
0x23b: {  	v5 =	vadd.s32 v6, v5;
	s0 =	spop (v2sf)  }
0x23c: {  	(xrf0) =	vadd.scan.msk.s32 $0xffff, v5;
	_ =	sdelay $0x1  }
0x23d: {  	s20 =	simm.s32 $0x3900  }
0x23e: {  	v8 =	vld [tilespmem:s20+$0x0];
	_ =	sdelay $0x2  }
0x23f: {  	v6 =	vmul.u32 $0xFFFFFFFF, v1;
	v5, _, _ =	vpop (xrf0)  }
0x240: {  	s25 =	simm.s32 $0x0;
	v5 =	vbroadcast v5, $0xF  }
0x241: {  	v7 =	vmov s25;
	v6 =	vadd.s32 s14, v6;
	v9 =	vand.u32 $0x3FF, v8  }
0x242: {  	vm6 =	vlt.s32 v7, v6;
	vm7 =	vlt.s32 v9, v5;
	vm8 =	veq.s32 v9, v5  }
0x243: {  	vm7 =	vmand vm6, vm7;
	vm6 =	vmand vm6, vm8  }
0x244: {  	v7 =	vsel vm7, $0x1, v2;
	v9 =	vsel vm6, $0x10000, v2  }
0x245: {  	v7 =	vor.u32 v7, v9  }
0x246: {  	(xrf0) =	vadd.scan.msk.s32 $0xffff, v7;
	_ =	sdelay $0x4  }
0x247: {  	v7 =	vmov s3  }
0x248: {  	v9 =	vimm.s32 $0x0;
	v7 =	vadd.s32 $0xFFFFFFFF, v7;
	v10, _, _ =	vpop (xrf0)  }
0x249: {  	v7 =	vbroadcast v7, $0x0;
	v10 =	vadd.s32 v9, v10  }
0x24a: {  	v11 =	vand.u32 $0xFFFF, v10  }
0x24b: {  	s14 =	simm.s32 $0x4900;
	v11 =	vadd.s32 v7, v11  }
0x24c: {  	v12 =	vld [tilespmem:s14+$0x0];
	v10 =	vshrl.u32 v10, $0x10  }
0x24d: {  	s28 =	sshll.u32 s28, $0x4;
	v10 =	vadd.s32 $0xFFFFFFFF, v10  }
0x24e: {  	p1 =	sne.s32 s28, $0x10  }
.Ltmp22:
0x24f: {  	_ = 	snop;
	(pc) =	sbr.rel @!p1 .LBB2_36-.Ltmp22, $4  }
0x250: {  	v13 =	vmpcnt.ones.xlane vm7;
	v14 =	vmpcnt.ones.xlane vm6;
	[tilespmem:v11+s9+$0x0] =	vst.idx.msk vm7, v8  }
0x251: {  	[tilespmem:v11+s10+$0x0] =	vst.idx.msk vm7, v12  }
0x252: {  	v9 =	vadd.s32 v9, v13;
	v11 =	vshll.u32 v14, $0x10;
	[tilespmem:v10+s11+$0x0] =	vst.idx.msk vm6, v8  }
0x253: {  	s30 =	simm.s32 $0x3910;
	s20 =	simm.s32 $0x10;
	v8 =	vadd.s32 v11, v9;
	[tilespmem:v10+s12+$0x0] =	vst.idx.msk vm6, v12  }
.LBB2_35:
0x254: {  	v9 =	vld [tilespmem:s30+$0x0];
	s14 =	sadd.s32 $0x10, s14;
	v10 =	vmov v8;
	s21 =	smov.u32 s20  }
0x255: {  	v11 =	vld [tilespmem:s14+$0x0];
	_ =	sdelay $0x1  }
0x256: {  	s20 =	sadd.s32 $0x10, s20  }
0x257: {  	p1 =	sne.s32 s28, s20  }
0x258: {  	v12 =	vmov s21;
	v13 =	vand.u32 $0x3FF, v9  }
0x259: {  	vm6 =	vlt.s32 v12, v6;
	vm7 =	vlt.s32 v13, v5;
	vm8 =	veq.s32 v13, v5  }
0x25a: {  	vm7 =	vmand vm6, vm7;
	vm6 =	vmand vm6, vm8  }
0x25b: {  	v12 =	vsel vm7, $0x1, v2;
	v13 =	vsel vm6, $0x10000, v2;
	v14 =	vmpcnt.ones.xlane vm7  }
0x25c: {  	v12 =	vor.u32 v12, v13;
	v13 =	vmpcnt.ones.xlane vm6  }
0x25d: {  	v8 =	vadd.s32 v8, v14;
	(xrf0) =	vadd.scan.msk.s32 $0xffff, v12  }
0x25e: {  	v12 =	vshll.u32 v13, $0x10  }
0x25f: {  	v8 =	vadd.s32 v12, v8;
	_ =	sdelay $0x3  }
0x260: {  	v12, _, _ =	vpop (xrf0)  }
0x261: {  	v10 =	vadd.s32 v10, v12  }
0x262: {  	v12 =	vand.u32 $0xFFFF, v10  }
0x263: {  	v12 =	vadd.s32 v7, v12  }
0x264: {  	v10 =	vshrl.u32 v10, $0x10  }
0x265: {  	v10 =	vadd.s32 $0xFFFFFFFF, v10;
	_ =	sdelay $0x1  }
.Ltmp23:
0x266: {  	(pc) =	sbr.rel @p1 .LBB2_35-.Ltmp23, $4  }
0x267: {  	[tilespmem:v12+s9+$0x0] =	vst.idx.msk vm7, v9  }
0x268: {  	[tilespmem:v12+s10+$0x0] =	vst.idx.msk vm7, v11  }
0x269: {  	[tilespmem:v10+s11+$0x0] =	vst.idx.msk vm6, v9  }
0x26a: {  	s30 =	sadd.s32 $0x10, s30;
	[tilespmem:v10+s12+$0x0] =	vst.idx.msk vm6, v11  }
.LBB2_36:
.Ltmp24:
0x26b: {  	(pc) =	sbr.rel .LBB2_37-.Ltmp24, $2  }
0x26c: {  	_ =	sdelay $0x2  }
0x26d: {  	v5 =	vxor.u32 $0x80000000, v8  }
.LBB2_33:
0x26e: {  	v5 =	vimm.s32 $0x80000000  }
.LBB2_37:
0x26f: {  	(xrf0) =	vmax.scan.msk.u32 $0xffff, v5;
	_ =	sdelay $0x5  }
0x270: {  	v5, _, _ =	vpop (xrf0)  }
0x271: {  	(v2sf) =	vpush v5, $0xF;
	_ =	sdelay $0xe  }
0x272: {  	s14 =	spop (v2sf)  }
0x273: {  	s20 =	sshrl.u32 s14, $0x10;
	s14 =	sand.u32 $0xFFFF, s14  }
0x274: {  	s20 =	sxor.u32 $0x8000, s20;
	s3 =	sadd.s32 s3, s14  }
0x275: {  	v5 =	vmov s20;
	v6 =	vmov s3  }
0x276: {  	v5 =	vnsel vm1, $0x0, v5;
	v7 =	vnsel vm2, $0x0, v6  }
0x277: {  	v5 =	vadd.s32 v5, v7  }
0x278: {  	s21 =	rddreg [dreg:$0x1b];
	[tilespmem:$0x8180] =	vst v5  }
0x279: {  	[spmem:s21] =	stream.linear.scatter [tilespmem:s13], [sflag:$0x3], $0x10, $0x38;
	[tilespmem:$0x1E890] =	vst v63  }
0x27a: {  	_ =	swait.ge [sflag:s8], $0x10  }
0x27b: {  	[sflag:s8] =	ssyncset.done $0x0  }
0x27c: {  	[sflag:s8] =	ssyncadd.s32 $0xFFFFFFF0  }
0x27d: {  	[bflag:$0x0] =	sbarrier.arrive $0xFFFF  }
0x27e: {  	s28 =	simm.s32 $0x8100;
	s25 =	rddreg [dreg:$0x1c]  }
0x27f: {  	[tilespmem:s28], [sflag:$0x3] =	stream.linear.gather [spmem:s25], $0x40, $0x38;
	[tilespmem:$0x1E890] =	vst v63  }
0x280: {  	_ =	swait.ge [sflag:s8], $0x40  }
0x281: {  	[sflag:s8] =	ssyncset.done $0x0  }
0x282: {  	[sflag:s8] =	ssyncadd.s32 $0xFFFFFFC0  }
0x283: {  	v5 =	vld.idx.msk [tilespmem:v3+s28+$0x0], $0xffff;
	_ =	sdelay $0x4  }
0x284: {  	(xrf0) =	vadd.scan.msk.s32 $0xffff, v5;
	_ =	sdelay $0x2  }
0x285: {  	s0 =	sxor.u32 $0x7FFFFFFF, s0  }
0x286: {  	s0 =	sadd.s32 s0, s26  }
0x287: {  	s0 =	sadd.s32 $0x2, s0  }
0x288: {  	v8 =	vadd.s32 s0, v5;
	v7, _, _ =	vpop (xrf0)  }
0x289: {  	v7 =	vsub.s32 v8, v7  }
0x28a: {  	vm6 =	vgt.s32 v7, $0x0  }
0x28b: {  	v7 =	vnsel vm6, $0x0, v7  }
0x28c: {  	vm6 =	vlt.s32 v5, v7  }
0x28d: {  	v5 =	vsel vm6, v5, v7  }
0x28e: {  	v7 =	vxor.u32 $0x80000000, v5  }
0x28f: {  	v7 =	vnsel vm0, $0x80000000, v7  }
0x290: {  	(xrf0) =	vmax.scan.msk.u32 $0xffff, v7;
	_ =	sdelay $0x5  }
0x291: {  	v7, _, _ =	vpop (xrf0)  }
0x292: {  	(v2sf) =	vpush v7, $0xF;
	_ =	sdelay $0xe  }
0x293: {  	s0 =	spop (v2sf)  }
0x294: {  	s30 =	sadd.s32 $0x8000000F, s0  }
0x295: {  	s14 =	sshrl.u32 s30, $0x4  }
0x296: {  	p1 =	seq.s32 s14, $0x0  }
.Ltmp25:
0x297: {  	_ = 	snop;
	(pc) =	sbr.rel @p1 .LBB2_44-.Ltmp25, $2  }
0x298: {  	_ =	sdelay $0x2  }
0x299: {  	v7 =	vld.idx.msk [tilespmem:v4+s28+$0x0], $0xffff  }
0x29a: {  	p2 =	sne.s32 s14, $0x1  }
.Ltmp26:
0x29b: {  	_ = 	snop;
	(pc) =	sbr.rel @!p2 .LBB2_39-.Ltmp26, $3  }
0x29c: {  	_ =	sdelay $0x1  }
0x29d: {  	s3 =	sxor.u32 $0x80000000, s0;
	s0 =	simm.s32 $0x3900;
	s20 =	simm.s32 $0x0  }
0x29e: {  	s14 =	sadd.s32 $0xFFFFFFFF, s14;
	p1 =	por $0x0, $0x0;
	v8 =	vmov s3;
	s3 =	simm.s32 $0x4900;
	v10 =	vor.u32 s20, v1  }
0x29f: {  	vm6 =	vlt.s32 v10, v8  }
0x2a0: {  	v9 =	vadd.s32 v6, v10;
	v10 =	vld [tilespmem:s0+$0x0];
	_ =	sdelay $0x4  }
0x2a1: {  	p2 =	sne.s32 s14, $0x1;
	[tilespmem:v9+s9+$0x0] =	vst.idx.msk vm6, v10  }
.Ltmp27:
0x2a2: {  	v11 =	vld [tilespmem:s3+$0x0];
	(pc) =	sbr.rel @!p2 .LBB2_41-.Ltmp27, $3  }
0x2a3: {  	_ =	sdelay $0x1  }
0x2a4: {  	s25 =	simm.s32 $0x10;
	s26 =	sadd.s32 $0xFFFFFFFF, s14  }
0x2a5: {  	p1 =	por $0x1, $0x1;
	s20 =	simm.s32 $0x3900;
	s14 =	simm.s32 $0x4900;
	v10 =	vor.u32 s25, v1  }
.LBB2_42:
0x2a6: {  	p2 =	sne.s32 s26, $0x1;
	[tilespmem:v9+s10+$0x0] =	vst.idx.msk vm6, v11;
	vm6 =	vlt.s32 v10, v8;
	s20 =	sadd.s32 $0x10, s20  }
0x2a7: {  	v9 =	vadd.s32 v6, v10;
	v10 =	vld [tilespmem:s20+$0x0];
	_ =	sdelay $0x4  }
0x2a8: {  	s14 =	sadd.s32 $0x10, s14;
	[tilespmem:v9+s9+$0x0] =	vst.idx.msk vm6, v10  }
.Ltmp28:
0x2a9: {  	v11 =	vld [tilespmem:s14+$0x0];
	(pc) =	sbr.rel @p2 .LBB2_42-.Ltmp28, $3  }
0x2aa: {  	_ =	sdelay $0x1  }
0x2ab: {  	s25 =	sadd.s32 $0x10, s25  }
0x2ac: {  	s26 =	sadd.s32 $0xFFFFFFFF, s26;
	v10 =	vor.u32 s25, v1  }
.LBB2_43:
0x2ad: {  	_ =	sdelay $0x3  }
0x2ae: {  	s20 =	sadd.s32 @p1 $0x10, s20  }
0x2af: {  	vm7 =	vlt.s32 v10, v8;
	[tilespmem:v9+s10+$0x0] =	vst.idx.msk @p1 vm6, v11;
	s0 =	smov.u32 @p1 s20  }
0x2b0: {  	v6 =	vadd.s32 v6, v10;
	v8 =	vld [tilespmem:s0+$0x0];
	_ =	sdelay $0x3  }
0x2b1: {  	s0 =	sadd.s32 @p1 $0x10, s14  }
0x2b2: {  	s3 =	smov.u32 @p1 s0;
	[tilespmem:v6+s9+$0x0] =	vst.idx.msk vm7, v8  }
0x2b3: {  	v8 =	vld [tilespmem:s3+$0x0];
	_ =	sdelay $0x4  }
0x2b4: {  	[tilespmem:v6+s10+$0x0] =	vst.idx.msk vm7, v8  }
.LBB2_44:
0x2b5: {  	s0 =	rddreg [dreg:$0x1d]  }
0x2b6: {  	[spmem:s0] =	stream.linear.scatter [tilespmem:s9], [sflag:$0x3], $0x400, $0x38;
	[tilespmem:$0x1E890] =	vst v63  }
0x2b7: {  	_ =	swait.ge [sflag:s8], $0x400  }
0x2b8: {  	[sflag:s8] =	ssyncset.done $0x0  }
0x2b9: {  	s30 =	rddreg [dreg:$0x1e];
	[sflag:s8] =	ssyncadd.s32 $0xFFFFFC00  }
0x2ba: {  	[spmem:s30] =	stream.linear.scatter [tilespmem:s10], [sflag:$0x3], $0x400, $0x38;
	[tilespmem:$0x1E890] =	vst v63  }
.Ltmp29:
0x2bb: {  	_ =	swait.ge [sflag:s8], $0x400;
	(pc) =	sbr.rel @p0 .LBB2_64-.Ltmp29, $3  }
0x2bc: {  	[sflag:s8] =	ssyncset.done $0x0  }
0x2bd: {  	[sflag:s8] =	ssyncadd.s32 $0xFFFFFC00  }
0x2be: {  	[bflag:$0x0] =	sbarrier.arrive $0xFFFF;
	_ =	sdelay $0x1  }
0x2bf: {  	s0 =	rddreg [dreg:$0x1f]  }
0x2c0: {  	[tilespmem:s15], [sflag:$0x3] =	stream.linear.gather [spmem:s0], $0x1000, $0x38;
	[tilespmem:$0x1E890] =	vst v63  }
0x2c1: {  	_ =	swait.ge [sflag:s8], $0x1000  }
0x2c2: {  	s25 =	sld [smem:$0x7EF]  }
0x2c3: {  	[sflag:s8] =	ssyncset.done $0x0  }
0x2c4: {  	[sflag:s8] =	ssyncadd.s32 $0xFFFFF000  }
0x2c5: {  	[tilespmem:s16], [sflag:$0x3] =	stream.linear.gather [spmem:s25], $0x1000, $0x38;
	[tilespmem:$0x1E890] =	vst v63  }
0x2c6: {  	v5 =	vadd.s32 v7, v5;
	_ =	swait.ge [sflag:s8], $0x1000  }
0x2c7: {  	(xrf0) =	vadd.scan.msk.s32 $0xffff, v5;
	_ =	sdelay $0x5  }
0x2c8: {  	v6, _, _ =	vpop (xrf0)  }
0x2c9: {  	v8 =	vsub.s32 v6, v5  }
0x2ca: {  	v5 =	vsel vm3, $0x0, v8  }
0x2cb: {  	(xrf0) =	vadd.scan.msk.s32 $0xffff, v5;
	v5 =	vsel vm4, $0x0, v8  }
0x2cc: {  	(xrf0) =	vadd.scan.msk.s32 $0xffff, v5;
	v5 =	vsel vm5, $0x0, v8  }
0x2cd: {  	(xrf0) =	vadd.scan.msk.s32 $0xffff, v5;
	_ =	sdelay $0x3  }
0x2ce: {  	v5, _, _ =	vpop (xrf0)  }
0x2cf: {  	v7, _, _ =	vpop (xrf0)  }
0x2d0: {  	s26 =	simm.s32 $0x0;
	v6 =	vbroadcast v5, $0xF;
	v9, _, _ =	vpop (xrf0);
	v7 =	vbroadcast v7, $0xF  }
0x2d1: {  	v5 =	vbroadcast v9, $0xF;
	v9 =	vor.u32 s26, v1  }
0x2d2: {  	vm6 =	vge.s32 v9, v6;
	vm7 =	vge.s32 v9, v7  }
0x2d3: {  	v10 =	vsel vm6, $0x1, v2;
	v11 =	vsel vm7, $0x1, v2;
	vm6 =	vge.s32 v9, v5  }
0x2d4: {  	v10 =	vadd.s32 v11, v10;
	v11 =	vsel vm6, $0x1, v2  }
0x2d5: {  	v10 =	vadd.s32 v11, v10;
	_ =	sdelay $0x1  }
0x2d6: {  	[sflag:s8] =	ssyncset.done $0x0  }
0x2d7: {  	[sflag:s8] =	ssyncadd.s32 $0xFFFFF000  }
0x2d8: {  	[tilespmem:$0x8180] =	vst v8  }
0x2d9: {  	v8 =	vld.idx.msk [tilespmem:v10+s13+$0x0], $0xffff;
	_ =	sdelay $0x4  }
0x2da: {  	v10 =	vshll.u32 v10, $0xA;
	v8 =	vsub.s32 v9, v8  }
0x2db: {  	v8 =	vadd.s32 v10, v8;
	_ =	sdelay $0x4  }
0x2dc: {  	v9 =	vld.idx.msk [tilespmem:v8+s15+$0x0], $0xffff;
	_ =	sdelay $0x1  }
0x2dd: {  	s28 =	simm.s32 $0x10  }
0x2de: {  	v10 =	vor.u32 s28, v1  }
0x2df: {  	s30 =	simm.s32 $0x5900;
	vm6 =	vge.s32 v10, v6;
	vm7 =	vge.s32 v10, v7  }
0x2e0: {  	v11 =	vsel vm7, $0x1, v2;
	[tilespmem:s30+$0x0] =	vst v9;
	v9 =	vsel vm6, $0x1, v2;
	vm6 =	vge.s32 v10, v5  }
0x2e1: {  	v8 =	vld.idx.msk [tilespmem:v8+s16+$0x0], $0xffff;
	v9 =	vadd.s32 v11, v9;
	v11 =	vsel vm6, $0x1, v2  }
0x2e2: {  	v9 =	vadd.s32 v11, v9;
	_ =	sdelay $0x2  }
0x2e3: {  	s0 =	simm.s32 $0x5D00  }
0x2e4: {  	[tilespmem:s0+$0x0] =	vst v8  }
0x2e5: {  	v8 =	vld.idx.msk [tilespmem:v9+s13+$0x0], $0xffff;
	_ =	sdelay $0x4  }
0x2e6: {  	v9 =	vshll.u32 v9, $0xA;
	v8 =	vsub.s32 v10, v8  }
0x2e7: {  	v9 =	vadd.s32 v9, v8;
	_ =	sdelay $0x4  }
0x2e8: {  	v10 =	vld.idx.msk [tilespmem:v9+s15+$0x0], $0xffff;
	_ =	sdelay $0x2  }
0x2e9: {  	s3 =	simm.s32 $0x20  }
0x2ea: {  	s14 =	simm.s32 $0x30;
	v8 =	vor.u32 s3, v1;
	s3 =	simm.s32 $0x5910  }
.LBB2_46:
0x2eb: {  	p1 =	sne.s32 s14, $0x3F0;
	vm6 =	vge.s32 v8, v6;
	vm7 =	vge.s32 v8, v7;
	[tilespmem:s3+$0x0] =	vst v10  }
0x2ec: {  	v10 =	vsel vm6, $0x1, v2;
	v11 =	vsel vm7, $0x1, v2;
	vm6 =	vge.s32 v8, v5;
	v9 =	vld.idx.msk [tilespmem:v9+s16+$0x0], $0xffff  }
0x2ed: {  	v10 =	vadd.s32 v11, v10;
	v11 =	vsel vm6, $0x1, v2  }
0x2ee: {  	v10 =	vadd.s32 v11, v10;
	_ =	sdelay $0x2  }
0x2ef: {  	s0 =	sadd.s32 $0x10, s0  }
0x2f0: {  	[tilespmem:s0+$0x0] =	vst v9  }
0x2f1: {  	v9 =	vld.idx.msk [tilespmem:v10+s13+$0x0], $0xffff;
	_ =	sdelay $0x5  }
0x2f2: {  	v10 =	vshll.u32 v10, $0xA;
	v8 =	vsub.s32 v8, v9  }
0x2f3: {  	v9 =	vadd.s32 v10, v8;
	_ =	sdelay $0x4  }
0x2f4: {  	v10 =	vld.idx.msk [tilespmem:v9+s15+$0x0], $0xffff  }
.Ltmp30:
0x2f5: {  	(pc) =	sbr.rel @p1 .LBB2_46-.Ltmp30, $2  }
0x2f6: {  	_ =	sdelay $0x2  }
0x2f7: {  	s3 =	sadd.s32 $0x10, s3;
	v8 =	vor.u32 s14, v1;
	s14 =	sadd.s32 $0x10, s14  }
0x2f8: {  	_ =	sdelay $0x1  }
0x2f9: {  	vm6 =	vge.s32 v8, v6;
	vm7 =	vge.s32 v8, v7  }
0x2fa: {  	[tilespmem:s3+$0x0] =	vst v10;
	v6 =	vsel vm6, $0x1, v2;
	v7 =	vsel vm7, $0x1, v2;
	vm6 =	vge.s32 v8, v5  }
0x2fb: {  	v5 =	vld.idx.msk [tilespmem:v9+s16+$0x0], $0xffff;
	v6 =	vadd.s32 v7, v6;
	v7 =	vsel vm6, $0x1, v2  }
0x2fc: {  	v6 =	vadd.s32 v7, v6;
	_ =	sdelay $0x2  }
0x2fd: {  	s0 =	sadd.s32 $0x10, s0  }
0x2fe: {  	[tilespmem:s0+$0x0] =	vst v5  }
0x2ff: {  	v5 =	vld.idx.msk [tilespmem:v6+s13+$0x0], $0xffff;
	_ =	sdelay $0x4  }
0x300: {  	v6 =	vshll.u32 v6, $0xA;
	v5 =	vsub.s32 v8, v5  }
0x301: {  	v5 =	vadd.s32 v6, v5;
	_ =	sdelay $0x4  }
0x302: {  	v6 =	vld.idx.msk [tilespmem:v5+s15+$0x0], $0xffff;
	_ =	sdelay $0x3  }
0x303: {  	s30 =	sadd.s32 $0x10, s3  }
0x304: {  	[tilespmem:s30+$0x0] =	vst v6  }
0x305: {  	v5 =	vld.idx.msk [tilespmem:v5+s16+$0x0], $0xffff;
	_ =	sdelay $0x3  }
0x306: {  	s0 =	sadd.s32 $0x10, s0  }
0x307: {  	[tilespmem:s0+$0x0] =	vst v5  }
0x308: {  	[tilespmem:$0x1000] =	vst v2  }
0x309: {  	[tilespmem:$0x1010] =	vst v2  }
0x30a: {  	[tilespmem:$0x1020] =	vst v2  }
0x30b: {  	[tilespmem:$0x1030] =	vst v2  }
0x30c: {  	[tilespmem:$0x1040] =	vst v2  }
0x30d: {  	[tilespmem:$0x1050] =	vst v2  }
0x30e: {  	[tilespmem:$0x1060] =	vst v2  }
0x30f: {  	[tilespmem:$0x1070] =	vst v2  }
0x310: {  	[tilespmem:$0x1080] =	vst v2  }
0x311: {  	[tilespmem:$0x1090] =	vst v2  }
0x312: {  	[tilespmem:$0x10A0] =	vst v2  }
0x313: {  	[tilespmem:$0x10B0] =	vst v2  }
0x314: {  	[tilespmem:$0x10C0] =	vst v2  }
0x315: {  	[tilespmem:$0x10D0] =	vst v2  }
0x316: {  	[tilespmem:$0x10E0] =	vst v2  }
0x317: {  	s3 =	simm.s32 $0x0;
	s0 =	simm.s32 $0x40;
	[tilespmem:$0x10F0] =	vst v2  }
.LBB2_48:
0x318: {  	p1 =	sne.s32 s0, $0xFC0;
	v5 =	vld [tilespmem:s3+$0x5900];
	_ =	sdelay $0x4  }
0x319: {  	v5 =	vand.u32 $0xFF, v5  }
0x31a: {  	(xrf1) =	vunique.msk.u32 $0xffff, v5;
	_ =	sdelay $0xd  }
0x31b: {  	_, v6, vm6 =	vpop (xrf1);
	_ =	sdelay $0x1  }
.Ltmp31:
0x31c: {  	(pc) =	sbr.rel @p1 .LBB2_48-.Ltmp31, $2  }
0x31d: {  	_ =	sdelay $0x2  }
0x31e: {  	s3 =	sshra.s32 s0, $0x2;
	s0 =	sadd.s32 $0x40, s0;
	[tilespmem:v5+s5+$0x0] =	vst.idx.add.s32.msk vm6, v6  }
0x31f: {  	v5 =	vld [tilespmem:s3+$0x5900];
	_ =	sdelay $0x4  }
0x320: {  	v5 =	vand.u32 $0xFF, v5  }
0x321: {  	(xrf1) =	vunique.msk.u32 $0xffff, v5;
	_ =	sdelay $0xd  }
0x322: {  	_, v6, vm6 =	vpop (xrf1);
	_ =	sdelay $0x5  }
0x323: {  	[tilespmem:v5+s5+$0x0] =	vst.idx.add.s32.msk vm6, v6  }
0x324: {  	v5 =	vld [tilespmem:$0x1000];
	_ =	sdelay $0x4  }
0x325: {  	(xrf0) =	vadd.scan.msk.s32 $0xffff, v5;
	_ =	sdelay $0x5  }
0x326: {  	v6, _, _ =	vpop (xrf0)  }
0x327: {  	v7 =	vxor.u32 $0x80000000, v6  }
0x328: {  	(xrf0) =	vmax.scan.msk.u32 $0xffff, v7;
	_ =	sdelay $0x5  }
0x329: {  	v7, _, _ =	vpop (xrf0)  }
0x32a: {  	(v2sf) =	vpush v7, $0xF;
	_ =	sdelay $0x4  }
0x32b: {  	v7 =	vld [tilespmem:$0x1010];
	_ =	sdelay $0x4  }
0x32c: {  	(xrf0) =	vadd.scan.msk.s32 $0xffff, v7;
	_ =	sdelay $0x4  }
0x32d: {  	s0 =	spop (v2sf)  }
0x32e: {  	v8, _, _ =	vpop (xrf0);
	s0 =	sxor.u32 $0x80000000, s0  }
0x32f: {  	v8 =	vadd.s32 s0, v8  }
0x330: {  	v9 =	vxor.u32 $0x80000000, v8  }
0x331: {  	(xrf0) =	vmax.scan.msk.u32 $0xffff, v9;
	_ =	sdelay $0x5  }
0x332: {  	v9, _, _ =	vpop (xrf0)  }
0x333: {  	(v2sf) =	vpush v9, $0xF;
	_ =	sdelay $0x4  }
0x334: {  	v51 =	vld [tilespmem:$0x1020];
	_ =	sdelay $0x4  }
0x335: {  	(xrf0) =	vadd.scan.msk.s32 $0xffff, v51;
	_ =	sdelay $0x4  }
0x336: {  	s25 =	spop (v2sf)  }
0x337: {  	v10, _, _ =	vpop (xrf0);
	s0 =	sxor.u32 $0x80000000, s25  }
0x338: {  	v10 =	vadd.s32 s0, v10  }
0x339: {  	v11 =	vxor.u32 $0x80000000, v10  }
0x33a: {  	(xrf0) =	vmax.scan.msk.u32 $0xffff, v11;
	_ =	sdelay $0x5  }
0x33b: {  	v11, _, _ =	vpop (xrf0)  }
0x33c: {  	(v2sf) =	vpush v11, $0xF;
	_ =	sdelay $0x4  }
0x33d: {  	v52 =	vld [tilespmem:$0x1030];
	_ =	sdelay $0x4  }
0x33e: {  	(xrf0) =	vadd.scan.msk.s32 $0xffff, v52;
	_ =	sdelay $0x4  }
0x33f: {  	s26 =	spop (v2sf)  }
0x340: {  	v12, _, _ =	vpop (xrf0);
	s0 =	sxor.u32 $0x80000000, s26  }
0x341: {  	v12 =	vadd.s32 s0, v12  }
0x342: {  	v13 =	vxor.u32 $0x80000000, v12  }
0x343: {  	(xrf0) =	vmax.scan.msk.u32 $0xffff, v13;
	_ =	sdelay $0x5  }
0x344: {  	v13, _, _ =	vpop (xrf0)  }
0x345: {  	(v2sf) =	vpush v13, $0xF;
	_ =	sdelay $0x4  }
0x346: {  	v53 =	vld [tilespmem:$0x1040];
	_ =	sdelay $0x4  }
0x347: {  	(xrf0) =	vadd.scan.msk.s32 $0xffff, v53;
	_ =	sdelay $0x4  }
0x348: {  	s28 =	spop (v2sf)  }
0x349: {  	v14, _, _ =	vpop (xrf0);
	s0 =	sxor.u32 $0x80000000, s28  }
0x34a: {  	v14 =	vadd.s32 s0, v14  }
0x34b: {  	v15 =	vxor.u32 $0x80000000, v14  }
0x34c: {  	(xrf0) =	vmax.scan.msk.u32 $0xffff, v15;
	_ =	sdelay $0x5  }
0x34d: {  	v15, _, _ =	vpop (xrf0)  }
0x34e: {  	(v2sf) =	vpush v15, $0xF;
	_ =	sdelay $0x4  }
0x34f: {  	v54 =	vld [tilespmem:$0x1050];
	_ =	sdelay $0x4  }
0x350: {  	(xrf0) =	vadd.scan.msk.s32 $0xffff, v54;
	_ =	sdelay $0x4  }
0x351: {  	s30 =	spop (v2sf)  }
0x352: {  	v16, _, _ =	vpop (xrf0);
	s0 =	sxor.u32 $0x80000000, s30  }
0x353: {  	v16 =	vadd.s32 s0, v16  }
0x354: {  	v17 =	vxor.u32 $0x80000000, v16  }
0x355: {  	(xrf0) =	vmax.scan.msk.u32 $0xffff, v17;
	_ =	sdelay $0x5  }
0x356: {  	v17, _, _ =	vpop (xrf0)  }
0x357: {  	(v2sf) =	vpush v17, $0xF;
	_ =	sdelay $0x4  }
0x358: {  	v55 =	vld [tilespmem:$0x1060];
	_ =	sdelay $0x4  }
0x359: {  	(xrf0) =	vadd.scan.msk.s32 $0xffff, v55;
	_ =	sdelay $0x4  }
0x35a: {  	s2 =	spop (v2sf)  }
0x35b: {  	v18, _, _ =	vpop (xrf0);
	s0 =	sxor.u32 $0x80000000, s2  }
0x35c: {  	v18 =	vadd.s32 s0, v18  }
0x35d: {  	v19 =	vxor.u32 $0x80000000, v18  }
0x35e: {  	(xrf0) =	vmax.scan.msk.u32 $0xffff, v19;
	_ =	sdelay $0x5  }
0x35f: {  	v19, _, _ =	vpop (xrf0)  }
0x360: {  	(v2sf) =	vpush v19, $0xF;
	_ =	sdelay $0x4  }
0x361: {  	v56 =	vld [tilespmem:$0x1070];
	_ =	sdelay $0x4  }
0x362: {  	(xrf0) =	vadd.scan.msk.s32 $0xffff, v56;
	_ =	sdelay $0x4  }
0x363: {  	s3 =	spop (v2sf)  }
0x364: {  	v20, _, _ =	vpop (xrf0);
	s0 =	sxor.u32 $0x80000000, s3  }
0x365: {  	v20 =	vadd.s32 s0, v20  }
0x366: {  	v21 =	vxor.u32 $0x80000000, v20  }
0x367: {  	(xrf0) =	vmax.scan.msk.u32 $0xffff, v21;
	_ =	sdelay $0x5  }
0x368: {  	v21, _, _ =	vpop (xrf0)  }
0x369: {  	(v2sf) =	vpush v21, $0xF;
	_ =	sdelay $0x4  }
0x36a: {  	v57 =	vld [tilespmem:$0x1080];
	_ =	sdelay $0x4  }
0x36b: {  	(xrf0) =	vadd.scan.msk.s32 $0xffff, v57;
	_ =	sdelay $0x4  }
0x36c: {  	s6 =	spop (v2sf)  }
0x36d: {  	v22, _, _ =	vpop (xrf0);
	s0 =	sxor.u32 $0x80000000, s6  }
0x36e: {  	v22 =	vadd.s32 s0, v22  }
0x36f: {  	v23 =	vxor.u32 $0x80000000, v22  }
0x370: {  	(xrf0) =	vmax.scan.msk.u32 $0xffff, v23;
	_ =	sdelay $0x5  }
0x371: {  	v23, _, _ =	vpop (xrf0)  }
0x372: {  	(v2sf) =	vpush v23, $0xF;
	_ =	sdelay $0x4  }
0x373: {  	v58 =	vld [tilespmem:$0x1090];
	_ =	sdelay $0x4  }
0x374: {  	(xrf0) =	vadd.scan.msk.s32 $0xffff, v58;
	_ =	sdelay $0x4  }
0x375: {  	s7 =	spop (v2sf)  }
0x376: {  	v24, _, _ =	vpop (xrf0);
	s0 =	sxor.u32 $0x80000000, s7  }
0x377: {  	v24 =	vadd.s32 s0, v24  }
0x378: {  	v25 =	vxor.u32 $0x80000000, v24  }
0x379: {  	(xrf0) =	vmax.scan.msk.u32 $0xffff, v25;
	_ =	sdelay $0x5  }
0x37a: {  	v25, _, _ =	vpop (xrf0)  }
0x37b: {  	(v2sf) =	vpush v25, $0xF;
	_ =	sdelay $0x4  }
0x37c: {  	v59 =	vld [tilespmem:$0x10A0];
	_ =	sdelay $0x4  }
0x37d: {  	(xrf0) =	vadd.scan.msk.s32 $0xffff, v59;
	_ =	sdelay $0x4  }
0x37e: {  	s14 =	spop (v2sf)  }
0x37f: {  	v26, _, _ =	vpop (xrf0);
	s0 =	sxor.u32 $0x80000000, s14  }
0x380: {  	v26 =	vadd.s32 s0, v26  }
0x381: {  	v27 =	vxor.u32 $0x80000000, v26  }
0x382: {  	(xrf0) =	vmax.scan.msk.u32 $0xffff, v27;
	_ =	sdelay $0x5  }
0x383: {  	v27, _, _ =	vpop (xrf0)  }
0x384: {  	(v2sf) =	vpush v27, $0xF;
	_ =	sdelay $0x4  }
0x385: {  	v60 =	vld [tilespmem:$0x10B0];
	_ =	sdelay $0x4  }
0x386: {  	(xrf0) =	vadd.scan.msk.s32 $0xffff, v60;
	_ =	sdelay $0x4  }
0x387: {  	s20 =	spop (v2sf)  }
0x388: {  	v28, _, _ =	vpop (xrf0);
	s0 =	sxor.u32 $0x80000000, s20  }
0x389: {  	v28 =	vadd.s32 s0, v28  }
0x38a: {  	v29 =	vxor.u32 $0x80000000, v28  }
0x38b: {  	(xrf0) =	vmax.scan.msk.u32 $0xffff, v29;
	_ =	sdelay $0x5  }
0x38c: {  	v29, _, _ =	vpop (xrf0)  }
0x38d: {  	(v2sf) =	vpush v29, $0xF;
	_ =	sdelay $0x4  }
0x38e: {  	v61 =	vld [tilespmem:$0x10C0];
	_ =	sdelay $0x4  }
0x38f: {  	(xrf0) =	vadd.scan.msk.s32 $0xffff, v61;
	_ =	sdelay $0x4  }
0x390: {  	s21 =	spop (v2sf)  }
0x391: {  	v30, _, _ =	vpop (xrf0);
	s0 =	sxor.u32 $0x80000000, s21  }
0x392: {  	v30 =	vadd.s32 s0, v30  }
0x393: {  	v31 =	vxor.u32 $0x80000000, v30  }
0x394: {  	(xrf0) =	vmax.scan.msk.u32 $0xffff, v31;
	_ =	sdelay $0x5  }
0x395: {  	v31, _, _ =	vpop (xrf0)  }
0x396: {  	(v2sf) =	vpush v31, $0xF;
	_ =	sdelay $0x4  }
0x397: {  	v62 =	vld [tilespmem:$0x10D0];
	_ =	sdelay $0x4  }
0x398: {  	(xrf0) =	vadd.scan.msk.s32 $0xffff, v62;
	_ =	sdelay $0x4  }
0x399: {  	s25 =	spop (v2sf)  }
0x39a: {  	v32, _, _ =	vpop (xrf0);
	s0 =	sxor.u32 $0x80000000, s25  }
0x39b: {  	v32 =	vadd.s32 s0, v32  }
0x39c: {  	v33 =	vxor.u32 $0x80000000, v32  }
0x39d: {  	(xrf0) =	vmax.scan.msk.u32 $0xffff, v33;
	_ =	sdelay $0x5  }
0x39e: {  	v33, _, _ =	vpop (xrf0)  }
0x39f: {  	(v2sf) =	vpush v33, $0xF;
	_ =	sdelay $0x4  }
0x3a0: {  	v63 =	vld [tilespmem:$0x10E0];
	_ =	sdelay $0x4  }
0x3a1: {  	(xrf0) =	vadd.scan.msk.s32 $0xffff, v63;
	_ =	sdelay $0x4  }
0x3a2: {  	s26 =	spop (v2sf)  }
0x3a3: {  	v34, _, _ =	vpop (xrf0);
	s0 =	sxor.u32 $0x80000000, s26  }
0x3a4: {  	v34 =	vadd.s32 s0, v34  }
0x3a5: {  	v35 =	vxor.u32 $0x80000000, v34  }
0x3a6: {  	(xrf0) =	vmax.scan.msk.u32 $0xffff, v35;
	_ =	sdelay $0x5  }
0x3a7: {  	v35, _, _ =	vpop (xrf0)  }
0x3a8: {  	(v2sf) =	vpush v35, $0xF;
	_ =	sdelay $0x1  }
0x3a9: {  	v5 =	vsub.s32 v6, v5  }
0x3aa: {  	[tilespmem:$0x3000] =	vst v5;
	v5 =	vsub.s32 v8, v7  }
0x3ab: {  	v6 =	vld [tilespmem:$0x10F0];
	[tilespmem:$0x3010] =	vst v5;
	v5 =	vsub.s32 v10, v51  }
0x3ac: {  	[tilespmem:$0x3020] =	vst v5;
	v5 =	vsub.s32 v12, v52  }
0x3ad: {  	[tilespmem:$0x3030] =	vst v5;
	v5 =	vsub.s32 v14, v53  }
0x3ae: {  	[tilespmem:$0x3040] =	vst v5;
	v5 =	vsub.s32 v16, v54  }
0x3af: {  	[tilespmem:$0x3050] =	vst v5;
	v5 =	vsub.s32 v18, v55  }
0x3b0: {  	[tilespmem:$0x3060] =	vst v5;
	v5 =	vsub.s32 v20, v56;
	(xrf0) =	vadd.scan.msk.s32 $0xffff, v6  }
0x3b1: {  	[tilespmem:$0x3070] =	vst v5;
	v5 =	vsub.s32 v22, v57  }
0x3b2: {  	[tilespmem:$0x3080] =	vst v5;
	v5 =	vsub.s32 v24, v58  }
0x3b3: {  	[tilespmem:$0x3090] =	vst v5;
	v5 =	vsub.s32 v26, v59  }
0x3b4: {  	[tilespmem:$0x30A0] =	vst v5;
	v5 =	vsub.s32 v28, v60  }
0x3b5: {  	[tilespmem:$0x30B0] =	vst v5;
	v5 =	vsub.s32 v30, v61  }
0x3b6: {  	[tilespmem:$0x30C0] =	vst v5;
	v5 =	vsub.s32 v32, v62;
	v7, _, _ =	vpop (xrf0);
	s28 =	spop (v2sf)  }
0x3b7: {  	[tilespmem:$0x30D0] =	vst v5;
	v5 =	vsub.s32 v34, v63;
	v6 =	vsub.s32 v7, v6;
	s0 =	sxor.u32 $0x80000000, s28  }
0x3b8: {  	[tilespmem:$0x30E0] =	vst v5;
	v5 =	vadd.s32 s0, v6  }
0x3b9: {  	s30 =	simm.s32 $0x0;
	[tilespmem:$0x30F0] =	vst v5  }
0x3ba: {  	v5 =	vld [tilespmem:s30+$0x5900]  }
0x3bb: {  	s0 =	simm.s32 $0x40;
	v6 =	vld [tilespmem:s30+$0x5D00]  }
.LBB2_50:
0x3bc: {  	p1 =	sne.s32 s0, $0xFC0;
	_ =	sdelay $0x2  }
0x3bd: {  	v7 =	vand.u32 $0xFF, v5  }
0x3be: {  	(xrf1) =	vunique.msk.u32 $0xffff, v7;
	_ =	sdelay $0x8  }
0x3bf: {  	v8 =	vld.idx.msk [tilespmem:v7+s17+$0x0], $0xffff;
	_ =	sdelay $0x4  }
0x3c0: {  	_, v9, vm6 =	vpop (xrf1)  }
0x3c1: {  	v8 =	vadd.s32 v9, v8  }
0x3c2: {  	v8 =	vadd.s32 $0xFFFFFFFF, v8;
	_ =	sdelay $0x4  }
.Ltmp32:
0x3c3: {  	[tilespmem:v8+s9+$0x0] =	vst.idx.msk $0xffff, v5;
	(pc) =	sbr.rel @p1 .LBB2_50-.Ltmp32, $4  }
0x3c4: {  	[tilespmem:v8+s10+$0x0] =	vst.idx.msk $0xffff, v6  }
0x3c5: {  	s3 =	sshra.s32 s0, $0x2;
	[tilespmem:v7+s17+$0x0] =	vst.idx.add.s32.msk vm6, v9  }
0x3c6: {  	v5 =	vld [tilespmem:s3+$0x5900]  }
0x3c7: {  	s0 =	sadd.s32 $0x40, s0;
	v6 =	vld [tilespmem:s3+$0x5D00]  }
0x3c8: {  	_ =	sdelay $0x2  }
0x3c9: {  	v7 =	vand.u32 $0xFF, v5  }
0x3ca: {  	(xrf1) =	vunique.msk.u32 $0xffff, v7;
	_ =	sdelay $0x9  }
0x3cb: {  	v8 =	vld.idx.msk [tilespmem:v7+s17+$0x0], $0xffff;
	_ =	sdelay $0x3  }
0x3cc: {  	_, v9, vm6 =	vpop (xrf1)  }
0x3cd: {  	v8 =	vadd.s32 v9, v8  }
0x3ce: {  	v8 =	vadd.s32 $0xFFFFFFFF, v8;
	_ =	sdelay $0x4  }
0x3cf: {  	[tilespmem:v8+s9+$0x0] =	vst.idx.msk $0xffff, v5  }
0x3d0: {  	[tilespmem:v8+s10+$0x0] =	vst.idx.msk $0xffff, v6  }
0x3d1: {  	[tilespmem:v7+s17+$0x0] =	vst.idx.add.s32.msk vm6, v9  }
0x3d2: {  	[tilespmem:$0x1000] =	vst v2  }
0x3d3: {  	[tilespmem:$0x1010] =	vst v2  }
0x3d4: {  	[tilespmem:$0x1020] =	vst v2  }
0x3d5: {  	[tilespmem:$0x1030] =	vst v2  }
0x3d6: {  	[tilespmem:$0x1040] =	vst v2  }
0x3d7: {  	[tilespmem:$0x1050] =	vst v2  }
0x3d8: {  	[tilespmem:$0x1060] =	vst v2  }
0x3d9: {  	[tilespmem:$0x1070] =	vst v2  }
0x3da: {  	[tilespmem:$0x1080] =	vst v2  }
0x3db: {  	[tilespmem:$0x1090] =	vst v2  }
0x3dc: {  	[tilespmem:$0x10A0] =	vst v2  }
0x3dd: {  	[tilespmem:$0x10B0] =	vst v2  }
0x3de: {  	[tilespmem:$0x10C0] =	vst v2  }
0x3df: {  	[tilespmem:$0x10D0] =	vst v2  }
0x3e0: {  	[tilespmem:$0x10E0] =	vst v2  }
0x3e1: {  	s3 =	simm.s32 $0x0;
	s0 =	simm.s32 $0x40;
	[tilespmem:$0x10F0] =	vst v2  }
.LBB2_52:
0x3e2: {  	p1 =	sne.s32 s0, $0xFC0;
	v5 =	vld [tilespmem:s3+$0x3100];
	_ =	sdelay $0x4  }
0x3e3: {  	v5 =	vshrl.u32 v5, $0x8  }
0x3e4: {  	v5 =	vand.u32 $0xFF, v5  }
0x3e5: {  	(xrf1) =	vunique.msk.u32 $0xffff, v5;
	_ =	sdelay $0xd  }
0x3e6: {  	_, v6, vm6 =	vpop (xrf1);
	_ =	sdelay $0x1  }
.Ltmp33:
0x3e7: {  	(pc) =	sbr.rel @p1 .LBB2_52-.Ltmp33, $2  }
0x3e8: {  	_ =	sdelay $0x2  }
0x3e9: {  	s3 =	sshra.s32 s0, $0x2;
	s0 =	sadd.s32 $0x40, s0;
	[tilespmem:v5+s5+$0x0] =	vst.idx.add.s32.msk vm6, v6  }
0x3ea: {  	v5 =	vld [tilespmem:s3+$0x3100];
	_ =	sdelay $0x4  }
0x3eb: {  	v5 =	vshrl.u32 v5, $0x8  }
0x3ec: {  	v5 =	vand.u32 $0xFF, v5  }
0x3ed: {  	(xrf1) =	vunique.msk.u32 $0xffff, v5;
	_ =	sdelay $0xd  }
0x3ee: {  	_, v6, vm6 =	vpop (xrf1);
	_ =	sdelay $0x5  }
0x3ef: {  	[tilespmem:v5+s5+$0x0] =	vst.idx.add.s32.msk vm6, v6  }
0x3f0: {  	v5 =	vld [tilespmem:$0x1000];
	_ =	sdelay $0x4  }
0x3f1: {  	(xrf0) =	vadd.scan.msk.s32 $0xffff, v5;
	_ =	sdelay $0x5  }
0x3f2: {  	v6, _, _ =	vpop (xrf0)  }
0x3f3: {  	v7 =	vxor.u32 $0x80000000, v6  }
0x3f4: {  	(xrf0) =	vmax.scan.msk.u32 $0xffff, v7;
	_ =	sdelay $0x5  }
0x3f5: {  	v7, _, _ =	vpop (xrf0)  }
0x3f6: {  	(v2sf) =	vpush v7, $0xF;
	_ =	sdelay $0x4  }
0x3f7: {  	v7 =	vld [tilespmem:$0x1010];
	_ =	sdelay $0x4  }
0x3f8: {  	(xrf0) =	vadd.scan.msk.s32 $0xffff, v7;
	_ =	sdelay $0x4  }
0x3f9: {  	s0 =	spop (v2sf)  }
0x3fa: {  	v8, _, _ =	vpop (xrf0);
	s0 =	sxor.u32 $0x80000000, s0  }
0x3fb: {  	v8 =	vadd.s32 s0, v8  }
0x3fc: {  	v9 =	vxor.u32 $0x80000000, v8  }
0x3fd: {  	(xrf0) =	vmax.scan.msk.u32 $0xffff, v9;
	_ =	sdelay $0x5  }
0x3fe: {  	v9, _, _ =	vpop (xrf0)  }
0x3ff: {  	(v2sf) =	vpush v9, $0xF;
	_ =	sdelay $0x4  }
0x400: {  	v51 =	vld [tilespmem:$0x1020];
	_ =	sdelay $0x4  }
0x401: {  	(xrf0) =	vadd.scan.msk.s32 $0xffff, v51;
	_ =	sdelay $0x4  }
0x402: {  	s25 =	spop (v2sf)  }
0x403: {  	v10, _, _ =	vpop (xrf0);
	s0 =	sxor.u32 $0x80000000, s25  }
0x404: {  	v10 =	vadd.s32 s0, v10  }
0x405: {  	v11 =	vxor.u32 $0x80000000, v10  }
0x406: {  	(xrf0) =	vmax.scan.msk.u32 $0xffff, v11;
	_ =	sdelay $0x5  }
0x407: {  	v11, _, _ =	vpop (xrf0)  }
0x408: {  	(v2sf) =	vpush v11, $0xF;
	_ =	sdelay $0x4  }
0x409: {  	v52 =	vld [tilespmem:$0x1030];
	_ =	sdelay $0x4  }
0x40a: {  	(xrf0) =	vadd.scan.msk.s32 $0xffff, v52;
	_ =	sdelay $0x4  }
0x40b: {  	s26 =	spop (v2sf)  }
0x40c: {  	v12, _, _ =	vpop (xrf0);
	s0 =	sxor.u32 $0x80000000, s26  }
0x40d: {  	v12 =	vadd.s32 s0, v12  }
0x40e: {  	v13 =	vxor.u32 $0x80000000, v12  }
0x40f: {  	(xrf0) =	vmax.scan.msk.u32 $0xffff, v13;
	_ =	sdelay $0x5  }
0x410: {  	v13, _, _ =	vpop (xrf0)  }
0x411: {  	(v2sf) =	vpush v13, $0xF;
	_ =	sdelay $0x4  }
0x412: {  	v53 =	vld [tilespmem:$0x1040];
	_ =	sdelay $0x4  }
0x413: {  	(xrf0) =	vadd.scan.msk.s32 $0xffff, v53;
	_ =	sdelay $0x4  }
0x414: {  	s28 =	spop (v2sf)  }
0x415: {  	v14, _, _ =	vpop (xrf0);
	s0 =	sxor.u32 $0x80000000, s28  }
0x416: {  	v14 =	vadd.s32 s0, v14  }
0x417: {  	v15 =	vxor.u32 $0x80000000, v14  }
0x418: {  	(xrf0) =	vmax.scan.msk.u32 $0xffff, v15;
	_ =	sdelay $0x5  }
0x419: {  	v15, _, _ =	vpop (xrf0)  }
0x41a: {  	(v2sf) =	vpush v15, $0xF;
	_ =	sdelay $0x4  }
0x41b: {  	v54 =	vld [tilespmem:$0x1050];
	_ =	sdelay $0x4  }
0x41c: {  	(xrf0) =	vadd.scan.msk.s32 $0xffff, v54;
	_ =	sdelay $0x4  }
0x41d: {  	s30 =	spop (v2sf)  }
0x41e: {  	v16, _, _ =	vpop (xrf0);
	s0 =	sxor.u32 $0x80000000, s30  }
0x41f: {  	v16 =	vadd.s32 s0, v16  }
0x420: {  	v17 =	vxor.u32 $0x80000000, v16  }
0x421: {  	(xrf0) =	vmax.scan.msk.u32 $0xffff, v17;
	_ =	sdelay $0x5  }
0x422: {  	v17, _, _ =	vpop (xrf0)  }
0x423: {  	(v2sf) =	vpush v17, $0xF;
	_ =	sdelay $0x4  }
0x424: {  	v55 =	vld [tilespmem:$0x1060];
	_ =	sdelay $0x4  }
0x425: {  	(xrf0) =	vadd.scan.msk.s32 $0xffff, v55;
	_ =	sdelay $0x4  }
0x426: {  	s2 =	spop (v2sf)  }
0x427: {  	v18, _, _ =	vpop (xrf0);
	s0 =	sxor.u32 $0x80000000, s2  }
0x428: {  	v18 =	vadd.s32 s0, v18  }
0x429: {  	v19 =	vxor.u32 $0x80000000, v18  }
0x42a: {  	(xrf0) =	vmax.scan.msk.u32 $0xffff, v19;
	_ =	sdelay $0x5  }
0x42b: {  	v19, _, _ =	vpop (xrf0)  }
0x42c: {  	(v2sf) =	vpush v19, $0xF;
	_ =	sdelay $0x4  }
0x42d: {  	v56 =	vld [tilespmem:$0x1070];
	_ =	sdelay $0x4  }
0x42e: {  	(xrf0) =	vadd.scan.msk.s32 $0xffff, v56;
	_ =	sdelay $0x4  }
0x42f: {  	s3 =	spop (v2sf)  }
0x430: {  	v20, _, _ =	vpop (xrf0);
	s0 =	sxor.u32 $0x80000000, s3  }
0x431: {  	v20 =	vadd.s32 s0, v20  }
0x432: {  	v21 =	vxor.u32 $0x80000000, v20  }
0x433: {  	(xrf0) =	vmax.scan.msk.u32 $0xffff, v21;
	_ =	sdelay $0x5  }
0x434: {  	v21, _, _ =	vpop (xrf0)  }
0x435: {  	(v2sf) =	vpush v21, $0xF;
	_ =	sdelay $0x4  }
0x436: {  	v57 =	vld [tilespmem:$0x1080];
	_ =	sdelay $0x4  }
0x437: {  	(xrf0) =	vadd.scan.msk.s32 $0xffff, v57;
	_ =	sdelay $0x4  }
0x438: {  	s6 =	spop (v2sf)  }
0x439: {  	v22, _, _ =	vpop (xrf0);
	s0 =	sxor.u32 $0x80000000, s6  }
0x43a: {  	v22 =	vadd.s32 s0, v22  }
0x43b: {  	v23 =	vxor.u32 $0x80000000, v22  }
0x43c: {  	(xrf0) =	vmax.scan.msk.u32 $0xffff, v23;
	_ =	sdelay $0x5  }
0x43d: {  	v23, _, _ =	vpop (xrf0)  }
0x43e: {  	(v2sf) =	vpush v23, $0xF;
	_ =	sdelay $0x4  }
0x43f: {  	v58 =	vld [tilespmem:$0x1090];
	_ =	sdelay $0x4  }
0x440: {  	(xrf0) =	vadd.scan.msk.s32 $0xffff, v58;
	_ =	sdelay $0x4  }
0x441: {  	s7 =	spop (v2sf)  }
0x442: {  	v24, _, _ =	vpop (xrf0);
	s0 =	sxor.u32 $0x80000000, s7  }
0x443: {  	v24 =	vadd.s32 s0, v24  }
0x444: {  	v25 =	vxor.u32 $0x80000000, v24  }
0x445: {  	(xrf0) =	vmax.scan.msk.u32 $0xffff, v25;
	_ =	sdelay $0x5  }
0x446: {  	v25, _, _ =	vpop (xrf0)  }
0x447: {  	(v2sf) =	vpush v25, $0xF;
	_ =	sdelay $0x4  }
0x448: {  	v59 =	vld [tilespmem:$0x10A0];
	_ =	sdelay $0x4  }
0x449: {  	(xrf0) =	vadd.scan.msk.s32 $0xffff, v59;
	_ =	sdelay $0x4  }
0x44a: {  	s14 =	spop (v2sf)  }
0x44b: {  	v26, _, _ =	vpop (xrf0);
	s0 =	sxor.u32 $0x80000000, s14  }
0x44c: {  	v26 =	vadd.s32 s0, v26  }
0x44d: {  	v27 =	vxor.u32 $0x80000000, v26  }
0x44e: {  	(xrf0) =	vmax.scan.msk.u32 $0xffff, v27;
	_ =	sdelay $0x5  }
0x44f: {  	v27, _, _ =	vpop (xrf0)  }
0x450: {  	(v2sf) =	vpush v27, $0xF;
	_ =	sdelay $0x4  }
0x451: {  	v60 =	vld [tilespmem:$0x10B0];
	_ =	sdelay $0x4  }
0x452: {  	(xrf0) =	vadd.scan.msk.s32 $0xffff, v60;
	_ =	sdelay $0x4  }
0x453: {  	s20 =	spop (v2sf)  }
0x454: {  	v28, _, _ =	vpop (xrf0);
	s0 =	sxor.u32 $0x80000000, s20  }
0x455: {  	v28 =	vadd.s32 s0, v28  }
0x456: {  	v29 =	vxor.u32 $0x80000000, v28  }
0x457: {  	(xrf0) =	vmax.scan.msk.u32 $0xffff, v29;
	_ =	sdelay $0x5  }
0x458: {  	v29, _, _ =	vpop (xrf0)  }
0x459: {  	(v2sf) =	vpush v29, $0xF;
	_ =	sdelay $0x4  }
0x45a: {  	v61 =	vld [tilespmem:$0x10C0];
	_ =	sdelay $0x4  }
0x45b: {  	(xrf0) =	vadd.scan.msk.s32 $0xffff, v61;
	_ =	sdelay $0x4  }
0x45c: {  	s21 =	spop (v2sf)  }
0x45d: {  	v30, _, _ =	vpop (xrf0);
	s0 =	sxor.u32 $0x80000000, s21  }
0x45e: {  	v30 =	vadd.s32 s0, v30  }
0x45f: {  	v31 =	vxor.u32 $0x80000000, v30  }
0x460: {  	(xrf0) =	vmax.scan.msk.u32 $0xffff, v31;
	_ =	sdelay $0x5  }
0x461: {  	v31, _, _ =	vpop (xrf0)  }
0x462: {  	(v2sf) =	vpush v31, $0xF;
	_ =	sdelay $0x4  }
0x463: {  	v62 =	vld [tilespmem:$0x10D0];
	_ =	sdelay $0x4  }
0x464: {  	(xrf0) =	vadd.scan.msk.s32 $0xffff, v62;
	_ =	sdelay $0x4  }
0x465: {  	s25 =	spop (v2sf)  }
0x466: {  	v32, _, _ =	vpop (xrf0);
	s0 =	sxor.u32 $0x80000000, s25  }
0x467: {  	v32 =	vadd.s32 s0, v32  }
0x468: {  	v33 =	vxor.u32 $0x80000000, v32  }
0x469: {  	(xrf0) =	vmax.scan.msk.u32 $0xffff, v33;
	_ =	sdelay $0x5  }
0x46a: {  	v33, _, _ =	vpop (xrf0)  }
0x46b: {  	(v2sf) =	vpush v33, $0xF;
	_ =	sdelay $0x4  }
0x46c: {  	v63 =	vld [tilespmem:$0x10E0];
	_ =	sdelay $0x4  }
0x46d: {  	(xrf0) =	vadd.scan.msk.s32 $0xffff, v63;
	_ =	sdelay $0x4  }
0x46e: {  	s26 =	spop (v2sf)  }
0x46f: {  	v34, _, _ =	vpop (xrf0);
	s0 =	sxor.u32 $0x80000000, s26  }
0x470: {  	v34 =	vadd.s32 s0, v34  }
0x471: {  	v35 =	vxor.u32 $0x80000000, v34  }
0x472: {  	(xrf0) =	vmax.scan.msk.u32 $0xffff, v35;
	_ =	sdelay $0x5  }
0x473: {  	v35, _, _ =	vpop (xrf0)  }
0x474: {  	(v2sf) =	vpush v35, $0xF;
	_ =	sdelay $0x1  }
0x475: {  	v5 =	vsub.s32 v6, v5  }
0x476: {  	[tilespmem:$0x3000] =	vst v5;
	v5 =	vsub.s32 v8, v7  }
0x477: {  	v6 =	vld [tilespmem:$0x10F0];
	[tilespmem:$0x3010] =	vst v5;
	v5 =	vsub.s32 v10, v51  }
0x478: {  	[tilespmem:$0x3020] =	vst v5;
	v5 =	vsub.s32 v12, v52  }
0x479: {  	[tilespmem:$0x3030] =	vst v5;
	v5 =	vsub.s32 v14, v53  }
0x47a: {  	[tilespmem:$0x3040] =	vst v5;
	v5 =	vsub.s32 v16, v54  }
0x47b: {  	[tilespmem:$0x3050] =	vst v5;
	v5 =	vsub.s32 v18, v55  }
0x47c: {  	[tilespmem:$0x3060] =	vst v5;
	v5 =	vsub.s32 v20, v56;
	(xrf0) =	vadd.scan.msk.s32 $0xffff, v6  }
0x47d: {  	[tilespmem:$0x3070] =	vst v5;
	v5 =	vsub.s32 v22, v57  }
0x47e: {  	[tilespmem:$0x3080] =	vst v5;
	v5 =	vsub.s32 v24, v58  }
0x47f: {  	[tilespmem:$0x3090] =	vst v5;
	v5 =	vsub.s32 v26, v59  }
0x480: {  	[tilespmem:$0x30A0] =	vst v5;
	v5 =	vsub.s32 v28, v60  }
0x481: {  	[tilespmem:$0x30B0] =	vst v5;
	v5 =	vsub.s32 v30, v61  }
0x482: {  	[tilespmem:$0x30C0] =	vst v5;
	v5 =	vsub.s32 v32, v62;
	v7, _, _ =	vpop (xrf0);
	s28 =	spop (v2sf)  }
0x483: {  	[tilespmem:$0x30D0] =	vst v5;
	v5 =	vsub.s32 v34, v63;
	v6 =	vsub.s32 v7, v6;
	s0 =	sxor.u32 $0x80000000, s28  }
0x484: {  	[tilespmem:$0x30E0] =	vst v5;
	v5 =	vadd.s32 s0, v6  }
0x485: {  	s30 =	simm.s32 $0x0;
	[tilespmem:$0x30F0] =	vst v5  }
0x486: {  	v5 =	vld [tilespmem:s30+$0x3100]  }
0x487: {  	s0 =	simm.s32 $0x40;
	v6 =	vld [tilespmem:s30+$0x3500]  }
.LBB2_54:
0x488: {  	p1 =	sne.s32 s0, $0xFC0;
	_ =	sdelay $0x2  }
0x489: {  	v7 =	vshrl.u32 v5, $0x8  }
0x48a: {  	v7 =	vand.u32 $0xFF, v7  }
0x48b: {  	(xrf1) =	vunique.msk.u32 $0xffff, v7;
	_ =	sdelay $0x8  }
0x48c: {  	v8 =	vld.idx.msk [tilespmem:v7+s17+$0x0], $0xffff;
	_ =	sdelay $0x4  }
0x48d: {  	_, v9, vm6 =	vpop (xrf1)  }
0x48e: {  	v8 =	vadd.s32 v9, v8  }
0x48f: {  	v8 =	vadd.s32 $0xFFFFFFFF, v8;
	_ =	sdelay $0x4  }
.Ltmp34:
0x490: {  	[tilespmem:v8+s18+$0x0] =	vst.idx.msk $0xffff, v5;
	(pc) =	sbr.rel @p1 .LBB2_54-.Ltmp34, $4  }
0x491: {  	[tilespmem:v8+s19+$0x0] =	vst.idx.msk $0xffff, v6  }
0x492: {  	s3 =	sshra.s32 s0, $0x2;
	[tilespmem:v7+s17+$0x0] =	vst.idx.add.s32.msk vm6, v9  }
0x493: {  	v5 =	vld [tilespmem:s3+$0x3100]  }
0x494: {  	s0 =	sadd.s32 $0x40, s0;
	v6 =	vld [tilespmem:s3+$0x3500]  }
0x495: {  	_ =	sdelay $0x2  }
0x496: {  	v7 =	vshrl.u32 v5, $0x8  }
0x497: {  	v7 =	vand.u32 $0xFF, v7  }
0x498: {  	(xrf1) =	vunique.msk.u32 $0xffff, v7;
	_ =	sdelay $0x9  }
0x499: {  	v8 =	vld.idx.msk [tilespmem:v7+s17+$0x0], $0xffff;
	_ =	sdelay $0x3  }
0x49a: {  	_, v9, vm6 =	vpop (xrf1)  }
0x49b: {  	v8 =	vadd.s32 v9, v8  }
0x49c: {  	v8 =	vadd.s32 $0xFFFFFFFF, v8;
	_ =	sdelay $0x4  }
0x49d: {  	[tilespmem:v8+s18+$0x0] =	vst.idx.msk $0xffff, v5  }
0x49e: {  	[tilespmem:v8+s19+$0x0] =	vst.idx.msk $0xffff, v6  }
0x49f: {  	[tilespmem:v7+s17+$0x0] =	vst.idx.add.s32.msk vm6, v9  }
0x4a0: {  	[tilespmem:$0x1000] =	vst v2  }
0x4a1: {  	[tilespmem:$0x1010] =	vst v2  }
0x4a2: {  	[tilespmem:$0x1020] =	vst v2  }
0x4a3: {  	[tilespmem:$0x1030] =	vst v2  }
0x4a4: {  	[tilespmem:$0x1040] =	vst v2  }
0x4a5: {  	[tilespmem:$0x1050] =	vst v2  }
0x4a6: {  	[tilespmem:$0x1060] =	vst v2  }
0x4a7: {  	[tilespmem:$0x1070] =	vst v2  }
0x4a8: {  	[tilespmem:$0x1080] =	vst v2  }
0x4a9: {  	[tilespmem:$0x1090] =	vst v2  }
0x4aa: {  	[tilespmem:$0x10A0] =	vst v2  }
0x4ab: {  	[tilespmem:$0x10B0] =	vst v2  }
0x4ac: {  	[tilespmem:$0x10C0] =	vst v2  }
0x4ad: {  	[tilespmem:$0x10D0] =	vst v2  }
0x4ae: {  	[tilespmem:$0x10E0] =	vst v2  }
0x4af: {  	s3 =	simm.s32 $0x0;
	s0 =	simm.s32 $0x40;
	[tilespmem:$0x10F0] =	vst v2  }
.LBB2_56:
0x4b0: {  	p1 =	sne.s32 s0, $0xFC0;
	v5 =	vld [tilespmem:s3+$0x5900];
	_ =	sdelay $0x4  }
0x4b1: {  	v5 =	vshrl.u32 v5, $0x10  }
0x4b2: {  	v5 =	vand.u32 $0xFF, v5  }
0x4b3: {  	(xrf1) =	vunique.msk.u32 $0xffff, v5;
	_ =	sdelay $0xd  }
0x4b4: {  	_, v6, vm6 =	vpop (xrf1);
	_ =	sdelay $0x1  }
.Ltmp35:
0x4b5: {  	(pc) =	sbr.rel @p1 .LBB2_56-.Ltmp35, $2  }
0x4b6: {  	_ =	sdelay $0x2  }
0x4b7: {  	s3 =	sshra.s32 s0, $0x2;
	s0 =	sadd.s32 $0x40, s0;
	[tilespmem:v5+s5+$0x0] =	vst.idx.add.s32.msk vm6, v6  }
0x4b8: {  	v5 =	vld [tilespmem:s3+$0x5900];
	_ =	sdelay $0x4  }
0x4b9: {  	v5 =	vshrl.u32 v5, $0x10  }
0x4ba: {  	v5 =	vand.u32 $0xFF, v5  }
0x4bb: {  	(xrf1) =	vunique.msk.u32 $0xffff, v5;
	_ =	sdelay $0xd  }
0x4bc: {  	_, v6, vm6 =	vpop (xrf1);
	_ =	sdelay $0x5  }
0x4bd: {  	[tilespmem:v5+s5+$0x0] =	vst.idx.add.s32.msk vm6, v6  }
0x4be: {  	v5 =	vld [tilespmem:$0x1000];
	_ =	sdelay $0x4  }
0x4bf: {  	(xrf0) =	vadd.scan.msk.s32 $0xffff, v5;
	_ =	sdelay $0x5  }
0x4c0: {  	v6, _, _ =	vpop (xrf0)  }
0x4c1: {  	v7 =	vxor.u32 $0x80000000, v6  }
0x4c2: {  	(xrf0) =	vmax.scan.msk.u32 $0xffff, v7;
	_ =	sdelay $0x5  }
0x4c3: {  	v7, _, _ =	vpop (xrf0)  }
0x4c4: {  	(v2sf) =	vpush v7, $0xF;
	_ =	sdelay $0x4  }
0x4c5: {  	v7 =	vld [tilespmem:$0x1010];
	_ =	sdelay $0x4  }
0x4c6: {  	(xrf0) =	vadd.scan.msk.s32 $0xffff, v7;
	_ =	sdelay $0x4  }
0x4c7: {  	s0 =	spop (v2sf)  }
0x4c8: {  	v8, _, _ =	vpop (xrf0);
	s0 =	sxor.u32 $0x80000000, s0  }
0x4c9: {  	v8 =	vadd.s32 s0, v8  }
0x4ca: {  	v9 =	vxor.u32 $0x80000000, v8  }
0x4cb: {  	(xrf0) =	vmax.scan.msk.u32 $0xffff, v9;
	_ =	sdelay $0x5  }
0x4cc: {  	v9, _, _ =	vpop (xrf0)  }
0x4cd: {  	(v2sf) =	vpush v9, $0xF;
	_ =	sdelay $0x4  }
0x4ce: {  	v51 =	vld [tilespmem:$0x1020];
	_ =	sdelay $0x4  }
0x4cf: {  	(xrf0) =	vadd.scan.msk.s32 $0xffff, v51;
	_ =	sdelay $0x4  }
0x4d0: {  	s25 =	spop (v2sf)  }
0x4d1: {  	v10, _, _ =	vpop (xrf0);
	s0 =	sxor.u32 $0x80000000, s25  }
0x4d2: {  	v10 =	vadd.s32 s0, v10  }
0x4d3: {  	v11 =	vxor.u32 $0x80000000, v10  }
0x4d4: {  	(xrf0) =	vmax.scan.msk.u32 $0xffff, v11;
	_ =	sdelay $0x5  }
0x4d5: {  	v11, _, _ =	vpop (xrf0)  }
0x4d6: {  	(v2sf) =	vpush v11, $0xF;
	_ =	sdelay $0x4  }
0x4d7: {  	v52 =	vld [tilespmem:$0x1030];
	_ =	sdelay $0x4  }
0x4d8: {  	(xrf0) =	vadd.scan.msk.s32 $0xffff, v52;
	_ =	sdelay $0x4  }
0x4d9: {  	s26 =	spop (v2sf)  }
0x4da: {  	v12, _, _ =	vpop (xrf0);
	s0 =	sxor.u32 $0x80000000, s26  }
0x4db: {  	v12 =	vadd.s32 s0, v12  }
0x4dc: {  	v13 =	vxor.u32 $0x80000000, v12  }
0x4dd: {  	(xrf0) =	vmax.scan.msk.u32 $0xffff, v13;
	_ =	sdelay $0x5  }
0x4de: {  	v13, _, _ =	vpop (xrf0)  }
0x4df: {  	(v2sf) =	vpush v13, $0xF;
	_ =	sdelay $0x4  }
0x4e0: {  	v53 =	vld [tilespmem:$0x1040];
	_ =	sdelay $0x4  }
0x4e1: {  	(xrf0) =	vadd.scan.msk.s32 $0xffff, v53;
	_ =	sdelay $0x4  }
0x4e2: {  	s28 =	spop (v2sf)  }
0x4e3: {  	v14, _, _ =	vpop (xrf0);
	s0 =	sxor.u32 $0x80000000, s28  }
0x4e4: {  	v14 =	vadd.s32 s0, v14  }
0x4e5: {  	v15 =	vxor.u32 $0x80000000, v14  }
0x4e6: {  	(xrf0) =	vmax.scan.msk.u32 $0xffff, v15;
	_ =	sdelay $0x5  }
0x4e7: {  	v15, _, _ =	vpop (xrf0)  }
0x4e8: {  	(v2sf) =	vpush v15, $0xF;
	_ =	sdelay $0x4  }
0x4e9: {  	v54 =	vld [tilespmem:$0x1050];
	_ =	sdelay $0x4  }
0x4ea: {  	(xrf0) =	vadd.scan.msk.s32 $0xffff, v54;
	_ =	sdelay $0x4  }
0x4eb: {  	s30 =	spop (v2sf)  }
0x4ec: {  	v16, _, _ =	vpop (xrf0);
	s0 =	sxor.u32 $0x80000000, s30  }
0x4ed: {  	v16 =	vadd.s32 s0, v16  }
0x4ee: {  	v17 =	vxor.u32 $0x80000000, v16  }
0x4ef: {  	(xrf0) =	vmax.scan.msk.u32 $0xffff, v17;
	_ =	sdelay $0x5  }
0x4f0: {  	v17, _, _ =	vpop (xrf0)  }
0x4f1: {  	(v2sf) =	vpush v17, $0xF;
	_ =	sdelay $0x4  }
0x4f2: {  	v55 =	vld [tilespmem:$0x1060];
	_ =	sdelay $0x4  }
0x4f3: {  	(xrf0) =	vadd.scan.msk.s32 $0xffff, v55;
	_ =	sdelay $0x4  }
0x4f4: {  	s2 =	spop (v2sf)  }
0x4f5: {  	v18, _, _ =	vpop (xrf0);
	s0 =	sxor.u32 $0x80000000, s2  }
0x4f6: {  	v18 =	vadd.s32 s0, v18  }
0x4f7: {  	v19 =	vxor.u32 $0x80000000, v18  }
0x4f8: {  	(xrf0) =	vmax.scan.msk.u32 $0xffff, v19;
	_ =	sdelay $0x5  }
0x4f9: {  	v19, _, _ =	vpop (xrf0)  }
0x4fa: {  	(v2sf) =	vpush v19, $0xF;
	_ =	sdelay $0x4  }
0x4fb: {  	v56 =	vld [tilespmem:$0x1070];
	_ =	sdelay $0x4  }
0x4fc: {  	(xrf0) =	vadd.scan.msk.s32 $0xffff, v56;
	_ =	sdelay $0x4  }
0x4fd: {  	s3 =	spop (v2sf)  }
0x4fe: {  	v20, _, _ =	vpop (xrf0);
	s0 =	sxor.u32 $0x80000000, s3  }
0x4ff: {  	v20 =	vadd.s32 s0, v20  }
0x500: {  	v21 =	vxor.u32 $0x80000000, v20  }
0x501: {  	(xrf0) =	vmax.scan.msk.u32 $0xffff, v21;
	_ =	sdelay $0x5  }
0x502: {  	v21, _, _ =	vpop (xrf0)  }
0x503: {  	(v2sf) =	vpush v21, $0xF;
	_ =	sdelay $0x4  }
0x504: {  	v57 =	vld [tilespmem:$0x1080];
	_ =	sdelay $0x4  }
0x505: {  	(xrf0) =	vadd.scan.msk.s32 $0xffff, v57;
	_ =	sdelay $0x4  }
0x506: {  	s6 =	spop (v2sf)  }
0x507: {  	v22, _, _ =	vpop (xrf0);
	s0 =	sxor.u32 $0x80000000, s6  }
0x508: {  	v22 =	vadd.s32 s0, v22  }
0x509: {  	v23 =	vxor.u32 $0x80000000, v22  }
0x50a: {  	(xrf0) =	vmax.scan.msk.u32 $0xffff, v23;
	_ =	sdelay $0x5  }
0x50b: {  	v23, _, _ =	vpop (xrf0)  }
0x50c: {  	(v2sf) =	vpush v23, $0xF;
	_ =	sdelay $0x4  }
0x50d: {  	v58 =	vld [tilespmem:$0x1090];
	_ =	sdelay $0x4  }
0x50e: {  	(xrf0) =	vadd.scan.msk.s32 $0xffff, v58;
	_ =	sdelay $0x4  }
0x50f: {  	s7 =	spop (v2sf)  }
0x510: {  	v24, _, _ =	vpop (xrf0);
	s0 =	sxor.u32 $0x80000000, s7  }
0x511: {  	v24 =	vadd.s32 s0, v24  }
0x512: {  	v25 =	vxor.u32 $0x80000000, v24  }
0x513: {  	(xrf0) =	vmax.scan.msk.u32 $0xffff, v25;
	_ =	sdelay $0x5  }
0x514: {  	v25, _, _ =	vpop (xrf0)  }
0x515: {  	(v2sf) =	vpush v25, $0xF;
	_ =	sdelay $0x4  }
0x516: {  	v59 =	vld [tilespmem:$0x10A0];
	_ =	sdelay $0x4  }
0x517: {  	(xrf0) =	vadd.scan.msk.s32 $0xffff, v59;
	_ =	sdelay $0x4  }
0x518: {  	s14 =	spop (v2sf)  }
0x519: {  	v26, _, _ =	vpop (xrf0);
	s0 =	sxor.u32 $0x80000000, s14  }
0x51a: {  	v26 =	vadd.s32 s0, v26  }
0x51b: {  	v27 =	vxor.u32 $0x80000000, v26  }
0x51c: {  	(xrf0) =	vmax.scan.msk.u32 $0xffff, v27;
	_ =	sdelay $0x5  }
0x51d: {  	v27, _, _ =	vpop (xrf0)  }
0x51e: {  	(v2sf) =	vpush v27, $0xF;
	_ =	sdelay $0x4  }
0x51f: {  	v60 =	vld [tilespmem:$0x10B0];
	_ =	sdelay $0x4  }
0x520: {  	(xrf0) =	vadd.scan.msk.s32 $0xffff, v60;
	_ =	sdelay $0x4  }
0x521: {  	s20 =	spop (v2sf)  }
0x522: {  	v28, _, _ =	vpop (xrf0);
	s0 =	sxor.u32 $0x80000000, s20  }
0x523: {  	v28 =	vadd.s32 s0, v28  }
0x524: {  	v29 =	vxor.u32 $0x80000000, v28  }
0x525: {  	(xrf0) =	vmax.scan.msk.u32 $0xffff, v29;
	_ =	sdelay $0x5  }
0x526: {  	v29, _, _ =	vpop (xrf0)  }
0x527: {  	(v2sf) =	vpush v29, $0xF;
	_ =	sdelay $0x4  }
0x528: {  	v61 =	vld [tilespmem:$0x10C0];
	_ =	sdelay $0x4  }
0x529: {  	(xrf0) =	vadd.scan.msk.s32 $0xffff, v61;
	_ =	sdelay $0x4  }
0x52a: {  	s21 =	spop (v2sf)  }
0x52b: {  	v30, _, _ =	vpop (xrf0);
	s0 =	sxor.u32 $0x80000000, s21  }
0x52c: {  	v30 =	vadd.s32 s0, v30  }
0x52d: {  	v31 =	vxor.u32 $0x80000000, v30  }
0x52e: {  	(xrf0) =	vmax.scan.msk.u32 $0xffff, v31;
	_ =	sdelay $0x5  }
0x52f: {  	v31, _, _ =	vpop (xrf0)  }
0x530: {  	(v2sf) =	vpush v31, $0xF;
	_ =	sdelay $0x4  }
0x531: {  	v62 =	vld [tilespmem:$0x10D0];
	_ =	sdelay $0x4  }
0x532: {  	(xrf0) =	vadd.scan.msk.s32 $0xffff, v62;
	_ =	sdelay $0x4  }
0x533: {  	s25 =	spop (v2sf)  }
0x534: {  	v32, _, _ =	vpop (xrf0);
	s0 =	sxor.u32 $0x80000000, s25  }
0x535: {  	v32 =	vadd.s32 s0, v32  }
0x536: {  	v33 =	vxor.u32 $0x80000000, v32  }
0x537: {  	(xrf0) =	vmax.scan.msk.u32 $0xffff, v33;
	_ =	sdelay $0x5  }
0x538: {  	v33, _, _ =	vpop (xrf0)  }
0x539: {  	(v2sf) =	vpush v33, $0xF;
	_ =	sdelay $0x4  }
0x53a: {  	v63 =	vld [tilespmem:$0x10E0];
	_ =	sdelay $0x4  }
0x53b: {  	(xrf0) =	vadd.scan.msk.s32 $0xffff, v63;
	_ =	sdelay $0x4  }
0x53c: {  	s26 =	spop (v2sf)  }
0x53d: {  	v34, _, _ =	vpop (xrf0);
	s0 =	sxor.u32 $0x80000000, s26  }
0x53e: {  	v34 =	vadd.s32 s0, v34  }
0x53f: {  	v35 =	vxor.u32 $0x80000000, v34  }
0x540: {  	(xrf0) =	vmax.scan.msk.u32 $0xffff, v35;
	_ =	sdelay $0x5  }
0x541: {  	v35, _, _ =	vpop (xrf0)  }
0x542: {  	(v2sf) =	vpush v35, $0xF;
	_ =	sdelay $0x1  }
0x543: {  	v5 =	vsub.s32 v6, v5  }
0x544: {  	[tilespmem:$0x3000] =	vst v5;
	v5 =	vsub.s32 v8, v7  }
0x545: {  	v6 =	vld [tilespmem:$0x10F0];
	[tilespmem:$0x3010] =	vst v5;
	v5 =	vsub.s32 v10, v51  }
0x546: {  	[tilespmem:$0x3020] =	vst v5;
	v5 =	vsub.s32 v12, v52  }
0x547: {  	[tilespmem:$0x3030] =	vst v5;
	v5 =	vsub.s32 v14, v53  }
0x548: {  	[tilespmem:$0x3040] =	vst v5;
	v5 =	vsub.s32 v16, v54  }
0x549: {  	[tilespmem:$0x3050] =	vst v5;
	v5 =	vsub.s32 v18, v55  }
0x54a: {  	[tilespmem:$0x3060] =	vst v5;
	v5 =	vsub.s32 v20, v56;
	(xrf0) =	vadd.scan.msk.s32 $0xffff, v6  }
0x54b: {  	[tilespmem:$0x3070] =	vst v5;
	v5 =	vsub.s32 v22, v57  }
0x54c: {  	[tilespmem:$0x3080] =	vst v5;
	v5 =	vsub.s32 v24, v58  }
0x54d: {  	[tilespmem:$0x3090] =	vst v5;
	v5 =	vsub.s32 v26, v59  }
0x54e: {  	[tilespmem:$0x30A0] =	vst v5;
	v5 =	vsub.s32 v28, v60  }
0x54f: {  	[tilespmem:$0x30B0] =	vst v5;
	v5 =	vsub.s32 v30, v61  }
0x550: {  	[tilespmem:$0x30C0] =	vst v5;
	v5 =	vsub.s32 v32, v62;
	v7, _, _ =	vpop (xrf0);
	s28 =	spop (v2sf)  }
0x551: {  	[tilespmem:$0x30D0] =	vst v5;
	v5 =	vsub.s32 v34, v63;
	v6 =	vsub.s32 v7, v6;
	s0 =	sxor.u32 $0x80000000, s28  }
0x552: {  	[tilespmem:$0x30E0] =	vst v5;
	v5 =	vadd.s32 s0, v6  }
0x553: {  	s30 =	simm.s32 $0x0;
	[tilespmem:$0x30F0] =	vst v5  }
0x554: {  	v5 =	vld [tilespmem:s30+$0x5900]  }
0x555: {  	s0 =	simm.s32 $0x40;
	v6 =	vld [tilespmem:s30+$0x5D00]  }
.LBB2_58:
0x556: {  	p1 =	sne.s32 s0, $0xFC0;
	_ =	sdelay $0x2  }
0x557: {  	v7 =	vshrl.u32 v5, $0x10  }
0x558: {  	v7 =	vand.u32 $0xFF, v7  }
0x559: {  	(xrf1) =	vunique.msk.u32 $0xffff, v7;
	_ =	sdelay $0x8  }
0x55a: {  	v8 =	vld.idx.msk [tilespmem:v7+s17+$0x0], $0xffff;
	_ =	sdelay $0x4  }
0x55b: {  	_, v9, vm6 =	vpop (xrf1)  }
0x55c: {  	v8 =	vadd.s32 v9, v8  }
0x55d: {  	v8 =	vadd.s32 $0xFFFFFFFF, v8;
	_ =	sdelay $0x4  }
.Ltmp36:
0x55e: {  	[tilespmem:v8+s9+$0x0] =	vst.idx.msk $0xffff, v5;
	(pc) =	sbr.rel @p1 .LBB2_58-.Ltmp36, $4  }
0x55f: {  	[tilespmem:v8+s10+$0x0] =	vst.idx.msk $0xffff, v6  }
0x560: {  	s3 =	sshra.s32 s0, $0x2;
	[tilespmem:v7+s17+$0x0] =	vst.idx.add.s32.msk vm6, v9  }
0x561: {  	v5 =	vld [tilespmem:s3+$0x5900]  }
0x562: {  	s0 =	sadd.s32 $0x40, s0;
	v6 =	vld [tilespmem:s3+$0x5D00]  }
0x563: {  	_ =	sdelay $0x2  }
0x564: {  	v7 =	vshrl.u32 v5, $0x10  }
0x565: {  	v7 =	vand.u32 $0xFF, v7  }
0x566: {  	(xrf1) =	vunique.msk.u32 $0xffff, v7;
	_ =	sdelay $0x9  }
0x567: {  	v8 =	vld.idx.msk [tilespmem:v7+s17+$0x0], $0xffff;
	_ =	sdelay $0x3  }
0x568: {  	_, v9, vm6 =	vpop (xrf1)  }
0x569: {  	v8 =	vadd.s32 v9, v8  }
0x56a: {  	v8 =	vadd.s32 $0xFFFFFFFF, v8;
	_ =	sdelay $0x4  }
0x56b: {  	[tilespmem:v8+s9+$0x0] =	vst.idx.msk $0xffff, v5  }
0x56c: {  	[tilespmem:v8+s10+$0x0] =	vst.idx.msk $0xffff, v6  }
0x56d: {  	[tilespmem:v7+s17+$0x0] =	vst.idx.add.s32.msk vm6, v9  }
0x56e: {  	[tilespmem:$0x1000] =	vst v2  }
0x56f: {  	[tilespmem:$0x1010] =	vst v2  }
0x570: {  	[tilespmem:$0x1020] =	vst v2  }
0x571: {  	[tilespmem:$0x1030] =	vst v2  }
0x572: {  	[tilespmem:$0x1040] =	vst v2  }
0x573: {  	[tilespmem:$0x1050] =	vst v2  }
0x574: {  	[tilespmem:$0x1060] =	vst v2  }
0x575: {  	[tilespmem:$0x1070] =	vst v2  }
0x576: {  	[tilespmem:$0x1080] =	vst v2  }
0x577: {  	[tilespmem:$0x1090] =	vst v2  }
0x578: {  	[tilespmem:$0x10A0] =	vst v2  }
0x579: {  	[tilespmem:$0x10B0] =	vst v2  }
0x57a: {  	[tilespmem:$0x10C0] =	vst v2  }
0x57b: {  	[tilespmem:$0x10D0] =	vst v2  }
0x57c: {  	[tilespmem:$0x10E0] =	vst v2  }
0x57d: {  	s3 =	simm.s32 $0x0;
	s0 =	simm.s32 $0x40;
	[tilespmem:$0x10F0] =	vst v2  }
.LBB2_60:
0x57e: {  	p1 =	sne.s32 s0, $0xFC0;
	v5 =	vld [tilespmem:s3+$0x3100];
	_ =	sdelay $0x4  }
0x57f: {  	v5 =	vshrl.u32 v5, $0x18  }
0x580: {  	(xrf1) =	vunique.msk.u32 $0xffff, v5;
	_ =	sdelay $0xd  }
0x581: {  	_, v6, vm6 =	vpop (xrf1);
	_ =	sdelay $0x1  }
.Ltmp37:
0x582: {  	(pc) =	sbr.rel @p1 .LBB2_60-.Ltmp37, $2  }
0x583: {  	_ =	sdelay $0x2  }
0x584: {  	s3 =	sshra.s32 s0, $0x2;
	s0 =	sadd.s32 $0x40, s0;
	[tilespmem:v5+s5+$0x0] =	vst.idx.add.s32.msk vm6, v6  }
0x585: {  	v5 =	vld [tilespmem:s3+$0x3100];
	_ =	sdelay $0x4  }
0x586: {  	v5 =	vshrl.u32 v5, $0x18  }
0x587: {  	(xrf1) =	vunique.msk.u32 $0xffff, v5;
	_ =	sdelay $0xd  }
0x588: {  	_, v6, vm6 =	vpop (xrf1);
	_ =	sdelay $0x5  }
0x589: {  	[tilespmem:v5+s5+$0x0] =	vst.idx.add.s32.msk vm6, v6  }
0x58a: {  	v5 =	vld [tilespmem:$0x1000];
	_ =	sdelay $0x4  }
0x58b: {  	(xrf0) =	vadd.scan.msk.s32 $0xffff, v5;
	_ =	sdelay $0x5  }
0x58c: {  	v6, _, _ =	vpop (xrf0)  }
0x58d: {  	v7 =	vxor.u32 $0x80000000, v6  }
0x58e: {  	(xrf0) =	vmax.scan.msk.u32 $0xffff, v7;
	_ =	sdelay $0x5  }
0x58f: {  	v7, _, _ =	vpop (xrf0)  }
0x590: {  	(v2sf) =	vpush v7, $0xF;
	_ =	sdelay $0x4  }
0x591: {  	v7 =	vld [tilespmem:$0x1010];
	_ =	sdelay $0x4  }
0x592: {  	(xrf0) =	vadd.scan.msk.s32 $0xffff, v7;
	_ =	sdelay $0x4  }
0x593: {  	s0 =	spop (v2sf)  }
0x594: {  	v8, _, _ =	vpop (xrf0);
	s0 =	sxor.u32 $0x80000000, s0  }
0x595: {  	v8 =	vadd.s32 s0, v8  }
0x596: {  	v9 =	vxor.u32 $0x80000000, v8  }
0x597: {  	(xrf0) =	vmax.scan.msk.u32 $0xffff, v9;
	_ =	sdelay $0x5  }
0x598: {  	v9, _, _ =	vpop (xrf0)  }
0x599: {  	(v2sf) =	vpush v9, $0xF;
	_ =	sdelay $0x4  }
0x59a: {  	v51 =	vld [tilespmem:$0x1020];
	_ =	sdelay $0x4  }
0x59b: {  	(xrf0) =	vadd.scan.msk.s32 $0xffff, v51;
	_ =	sdelay $0x4  }
0x59c: {  	s26 =	spop (v2sf)  }
0x59d: {  	v10, _, _ =	vpop (xrf0);
	s0 =	sxor.u32 $0x80000000, s26  }
0x59e: {  	v10 =	vadd.s32 s0, v10  }
0x59f: {  	v11 =	vxor.u32 $0x80000000, v10  }
0x5a0: {  	(xrf0) =	vmax.scan.msk.u32 $0xffff, v11;
	_ =	sdelay $0x5  }
0x5a1: {  	v11, _, _ =	vpop (xrf0)  }
0x5a2: {  	(v2sf) =	vpush v11, $0xF;
	_ =	sdelay $0x4  }
0x5a3: {  	v52 =	vld [tilespmem:$0x1030];
	_ =	sdelay $0x4  }
0x5a4: {  	(xrf0) =	vadd.scan.msk.s32 $0xffff, v52;
	_ =	sdelay $0x4  }
0x5a5: {  	s28 =	spop (v2sf)  }
0x5a6: {  	v12, _, _ =	vpop (xrf0);
	s0 =	sxor.u32 $0x80000000, s28  }
0x5a7: {  	v12 =	vadd.s32 s0, v12  }
0x5a8: {  	v13 =	vxor.u32 $0x80000000, v12  }
0x5a9: {  	(xrf0) =	vmax.scan.msk.u32 $0xffff, v13;
	_ =	sdelay $0x5  }
0x5aa: {  	v13, _, _ =	vpop (xrf0)  }
0x5ab: {  	(v2sf) =	vpush v13, $0xF;
	_ =	sdelay $0x4  }
0x5ac: {  	v53 =	vld [tilespmem:$0x1040];
	_ =	sdelay $0x4  }
0x5ad: {  	(xrf0) =	vadd.scan.msk.s32 $0xffff, v53;
	_ =	sdelay $0x4  }
0x5ae: {  	s30 =	spop (v2sf)  }
0x5af: {  	v14, _, _ =	vpop (xrf0);
	s0 =	sxor.u32 $0x80000000, s30  }
0x5b0: {  	v14 =	vadd.s32 s0, v14  }
0x5b1: {  	v15 =	vxor.u32 $0x80000000, v14  }
0x5b2: {  	(xrf0) =	vmax.scan.msk.u32 $0xffff, v15;
	_ =	sdelay $0x5  }
0x5b3: {  	v15, _, _ =	vpop (xrf0)  }
0x5b4: {  	(v2sf) =	vpush v15, $0xF;
	_ =	sdelay $0x4  }
0x5b5: {  	v54 =	vld [tilespmem:$0x1050];
	_ =	sdelay $0x4  }
0x5b6: {  	(xrf0) =	vadd.scan.msk.s32 $0xffff, v54;
	_ =	sdelay $0x4  }
0x5b7: {  	s2 =	spop (v2sf)  }
0x5b8: {  	v16, _, _ =	vpop (xrf0);
	s0 =	sxor.u32 $0x80000000, s2  }
0x5b9: {  	v16 =	vadd.s32 s0, v16  }
0x5ba: {  	v17 =	vxor.u32 $0x80000000, v16  }
0x5bb: {  	(xrf0) =	vmax.scan.msk.u32 $0xffff, v17;
	_ =	sdelay $0x5  }
0x5bc: {  	v17, _, _ =	vpop (xrf0)  }
0x5bd: {  	(v2sf) =	vpush v17, $0xF;
	_ =	sdelay $0x4  }
0x5be: {  	v55 =	vld [tilespmem:$0x1060];
	_ =	sdelay $0x4  }
0x5bf: {  	(xrf0) =	vadd.scan.msk.s32 $0xffff, v55;
	_ =	sdelay $0x4  }
0x5c0: {  	s3 =	spop (v2sf)  }
0x5c1: {  	v18, _, _ =	vpop (xrf0);
	s0 =	sxor.u32 $0x80000000, s3  }
0x5c2: {  	v18 =	vadd.s32 s0, v18  }
0x5c3: {  	v19 =	vxor.u32 $0x80000000, v18  }
0x5c4: {  	(xrf0) =	vmax.scan.msk.u32 $0xffff, v19;
	_ =	sdelay $0x5  }
0x5c5: {  	v19, _, _ =	vpop (xrf0)  }
0x5c6: {  	(v2sf) =	vpush v19, $0xF;
	_ =	sdelay $0x4  }
0x5c7: {  	v56 =	vld [tilespmem:$0x1070];
	_ =	sdelay $0x4  }
0x5c8: {  	(xrf0) =	vadd.scan.msk.s32 $0xffff, v56;
	_ =	sdelay $0x4  }
0x5c9: {  	s6 =	spop (v2sf)  }
0x5ca: {  	v20, _, _ =	vpop (xrf0);
	s0 =	sxor.u32 $0x80000000, s6  }
0x5cb: {  	v20 =	vadd.s32 s0, v20  }
0x5cc: {  	v21 =	vxor.u32 $0x80000000, v20  }
0x5cd: {  	(xrf0) =	vmax.scan.msk.u32 $0xffff, v21;
	_ =	sdelay $0x5  }
0x5ce: {  	v21, _, _ =	vpop (xrf0)  }
0x5cf: {  	(v2sf) =	vpush v21, $0xF;
	_ =	sdelay $0x4  }
0x5d0: {  	v57 =	vld [tilespmem:$0x1080];
	_ =	sdelay $0x4  }
0x5d1: {  	(xrf0) =	vadd.scan.msk.s32 $0xffff, v57;
	_ =	sdelay $0x4  }
0x5d2: {  	s7 =	spop (v2sf)  }
0x5d3: {  	v22, _, _ =	vpop (xrf0);
	s0 =	sxor.u32 $0x80000000, s7  }
0x5d4: {  	v22 =	vadd.s32 s0, v22  }
0x5d5: {  	v23 =	vxor.u32 $0x80000000, v22  }
0x5d6: {  	(xrf0) =	vmax.scan.msk.u32 $0xffff, v23;
	_ =	sdelay $0x5  }
0x5d7: {  	v23, _, _ =	vpop (xrf0)  }
0x5d8: {  	(v2sf) =	vpush v23, $0xF;
	_ =	sdelay $0x4  }
0x5d9: {  	v58 =	vld [tilespmem:$0x1090];
	_ =	sdelay $0x4  }
0x5da: {  	(xrf0) =	vadd.scan.msk.s32 $0xffff, v58;
	_ =	sdelay $0x4  }
0x5db: {  	s14 =	spop (v2sf)  }
0x5dc: {  	v24, _, _ =	vpop (xrf0);
	s0 =	sxor.u32 $0x80000000, s14  }
0x5dd: {  	v24 =	vadd.s32 s0, v24  }
0x5de: {  	v25 =	vxor.u32 $0x80000000, v24  }
0x5df: {  	(xrf0) =	vmax.scan.msk.u32 $0xffff, v25;
	_ =	sdelay $0x5  }
0x5e0: {  	v25, _, _ =	vpop (xrf0)  }
0x5e1: {  	(v2sf) =	vpush v25, $0xF;
	_ =	sdelay $0x4  }
0x5e2: {  	v59 =	vld [tilespmem:$0x10A0];
	_ =	sdelay $0x4  }
0x5e3: {  	(xrf0) =	vadd.scan.msk.s32 $0xffff, v59;
	_ =	sdelay $0x4  }
0x5e4: {  	s20 =	spop (v2sf)  }
0x5e5: {  	v26, _, _ =	vpop (xrf0);
	s0 =	sxor.u32 $0x80000000, s20  }
0x5e6: {  	v26 =	vadd.s32 s0, v26  }
0x5e7: {  	v27 =	vxor.u32 $0x80000000, v26  }
0x5e8: {  	(xrf0) =	vmax.scan.msk.u32 $0xffff, v27;
	_ =	sdelay $0x5  }
0x5e9: {  	v27, _, _ =	vpop (xrf0)  }
0x5ea: {  	(v2sf) =	vpush v27, $0xF;
	_ =	sdelay $0x4  }
0x5eb: {  	v60 =	vld [tilespmem:$0x10B0];
	_ =	sdelay $0x4  }
0x5ec: {  	(xrf0) =	vadd.scan.msk.s32 $0xffff, v60;
	_ =	sdelay $0x4  }
0x5ed: {  	s21 =	spop (v2sf)  }
0x5ee: {  	v28, _, _ =	vpop (xrf0);
	s0 =	sxor.u32 $0x80000000, s21  }
0x5ef: {  	v28 =	vadd.s32 s0, v28  }
0x5f0: {  	v29 =	vxor.u32 $0x80000000, v28  }
0x5f1: {  	(xrf0) =	vmax.scan.msk.u32 $0xffff, v29;
	_ =	sdelay $0x5  }
0x5f2: {  	v29, _, _ =	vpop (xrf0)  }
0x5f3: {  	(v2sf) =	vpush v29, $0xF;
	_ =	sdelay $0x4  }
0x5f4: {  	v61 =	vld [tilespmem:$0x10C0];
	_ =	sdelay $0x4  }
0x5f5: {  	(xrf0) =	vadd.scan.msk.s32 $0xffff, v61;
	_ =	sdelay $0x4  }
0x5f6: {  	s25 =	spop (v2sf)  }
0x5f7: {  	v30, _, _ =	vpop (xrf0);
	s0 =	sxor.u32 $0x80000000, s25  }
0x5f8: {  	v30 =	vadd.s32 s0, v30  }
0x5f9: {  	v31 =	vxor.u32 $0x80000000, v30  }
0x5fa: {  	(xrf0) =	vmax.scan.msk.u32 $0xffff, v31;
	_ =	sdelay $0x5  }
0x5fb: {  	v31, _, _ =	vpop (xrf0)  }
0x5fc: {  	(v2sf) =	vpush v31, $0xF;
	_ =	sdelay $0x4  }
0x5fd: {  	v62 =	vld [tilespmem:$0x10D0];
	_ =	sdelay $0x4  }
0x5fe: {  	(xrf0) =	vadd.scan.msk.s32 $0xffff, v62;
	_ =	sdelay $0x4  }
0x5ff: {  	s26 =	spop (v2sf)  }
0x600: {  	v32, _, _ =	vpop (xrf0);
	s0 =	sxor.u32 $0x80000000, s26  }
0x601: {  	v32 =	vadd.s32 s0, v32  }
0x602: {  	v33 =	vxor.u32 $0x80000000, v32  }
0x603: {  	(xrf0) =	vmax.scan.msk.u32 $0xffff, v33;
	_ =	sdelay $0x5  }
0x604: {  	v33, _, _ =	vpop (xrf0)  }
0x605: {  	(v2sf) =	vpush v33, $0xF;
	_ =	sdelay $0x4  }
0x606: {  	v63 =	vld [tilespmem:$0x10E0];
	_ =	sdelay $0x4  }
0x607: {  	(xrf0) =	vadd.scan.msk.s32 $0xffff, v63;
	_ =	sdelay $0x4  }
0x608: {  	s28 =	spop (v2sf)  }
0x609: {  	v34, _, _ =	vpop (xrf0);
	s0 =	sxor.u32 $0x80000000, s28  }
0x60a: {  	v34 =	vadd.s32 s0, v34  }
0x60b: {  	v35 =	vxor.u32 $0x80000000, v34  }
0x60c: {  	(xrf0) =	vmax.scan.msk.u32 $0xffff, v35;
	_ =	sdelay $0x5  }
0x60d: {  	v35, _, _ =	vpop (xrf0)  }
0x60e: {  	(v2sf) =	vpush v35, $0xF;
	_ =	sdelay $0x1  }
0x60f: {  	v5 =	vsub.s32 v6, v5  }
0x610: {  	[tilespmem:$0x3000] =	vst v5;
	v5 =	vsub.s32 v8, v7  }
0x611: {  	v6 =	vld [tilespmem:$0x10F0];
	[tilespmem:$0x3010] =	vst v5;
	v5 =	vsub.s32 v10, v51  }
0x612: {  	[tilespmem:$0x3020] =	vst v5;
	v5 =	vsub.s32 v12, v52  }
0x613: {  	[tilespmem:$0x3030] =	vst v5;
	v5 =	vsub.s32 v14, v53  }
0x614: {  	[tilespmem:$0x3040] =	vst v5;
	v5 =	vsub.s32 v16, v54  }
0x615: {  	[tilespmem:$0x3050] =	vst v5;
	v5 =	vsub.s32 v18, v55  }
0x616: {  	[tilespmem:$0x3060] =	vst v5;
	v5 =	vsub.s32 v20, v56;
	(xrf0) =	vadd.scan.msk.s32 $0xffff, v6  }
0x617: {  	[tilespmem:$0x3070] =	vst v5;
	v5 =	vsub.s32 v22, v57  }
0x618: {  	[tilespmem:$0x3080] =	vst v5;
	v5 =	vsub.s32 v24, v58  }
0x619: {  	[tilespmem:$0x3090] =	vst v5;
	v5 =	vsub.s32 v26, v59  }
0x61a: {  	[tilespmem:$0x30A0] =	vst v5;
	v5 =	vsub.s32 v28, v60  }
0x61b: {  	[tilespmem:$0x30B0] =	vst v5;
	v5 =	vsub.s32 v30, v61  }
0x61c: {  	[tilespmem:$0x30C0] =	vst v5;
	v5 =	vsub.s32 v32, v62;
	v7, _, _ =	vpop (xrf0);
	s30 =	spop (v2sf)  }
0x61d: {  	[tilespmem:$0x30D0] =	vst v5;
	v5 =	vsub.s32 v34, v63;
	v6 =	vsub.s32 v7, v6;
	s0 =	sxor.u32 $0x80000000, s30  }
0x61e: {  	[tilespmem:$0x30E0] =	vst v5;
	v5 =	vadd.s32 s0, v6  }
0x61f: {  	s3 =	simm.s32 $0x0;
	[tilespmem:$0x30F0] =	vst v5  }
0x620: {  	s0 =	simm.s32 $0x40;
	v5 =	vld [tilespmem:s3+$0x3100]  }
.LBB2_62:
0x621: {  	p1 =	sne.s32 s0, $0xFC0;
	_ =	sdelay $0x3  }
0x622: {  	v5 =	vshrl.u32 v5, $0x18  }
0x623: {  	(xrf1) =	vunique.msk.u32 $0xffff, v5;
	_ =	sdelay $0x8  }
0x624: {  	v6 =	vld.idx.msk [tilespmem:v5+s17+$0x0], $0xffff;
	_ =	sdelay $0x4  }
0x625: {  	_, v7, vm6 =	vpop (xrf1)  }
0x626: {  	v6 =	vadd.s32 v7, v6  }
0x627: {  	v8 =	vld [tilespmem:s3+$0x3500];
	v6 =	vadd.s32 $0xFFFFFFFF, v6;
	_ =	sdelay $0x2  }
.Ltmp38:
0x628: {  	(pc) =	sbr.rel @p1 .LBB2_62-.Ltmp38, $4  }
0x629: {  	_ = 	snop  }
0x62a: {  	[tilespmem:v6+s19+$0x0] =	vst.idx.msk $0xffff, v8  }
0x62b: {  	s3 =	sshra.s32 s0, $0x2;
	[tilespmem:v5+s17+$0x0] =	vst.idx.add.s32.msk vm6, v7  }
0x62c: {  	s0 =	sadd.s32 $0x40, s0;
	v5 =	vld [tilespmem:s3+$0x3100]  }
0x62d: {  	_ =	sdelay $0x3  }
0x62e: {  	v5 =	vshrl.u32 v5, $0x18  }
0x62f: {  	(xrf1) =	vunique.msk.u32 $0xffff, v5;
	_ =	sdelay $0x9  }
0x630: {  	v6 =	vld.idx.msk [tilespmem:v5+s17+$0x0], $0xffff;
	_ =	sdelay $0x3  }
0x631: {  	_, v7, vm6 =	vpop (xrf1)  }
0x632: {  	v6 =	vadd.s32 v7, v6  }
0x633: {  	v8 =	vld [tilespmem:s3+$0x3500];
	v6 =	vadd.s32 $0xFFFFFFFF, v6;
	_ =	sdelay $0x3  }
0x634: {  	s0 =	sld [smem:$0x7F7]  }
0x635: {  	[tilespmem:v6+s19+$0x0] =	vst.idx.msk $0xffff, v8  }
0x636: {  	[tilespmem:v5+s17+$0x0] =	vst.idx.add.s32.msk vm6, v7  }
0x637: {  	[spmem:s0] =	stream.linear.scatter [tilespmem:s19], [sflag:$0x3], $0x400, $0x38;
	[tilespmem:$0x1E890] =	vst v63  }
0x638: {  	_ =	swait.ge [sflag:s8], $0x400  }
0x639: {  	[sflag:s8] =	ssyncset.done $0x0  }
0x63a: {  	[sflag:s8] =	ssyncadd.s32 $0xFFFFFC00  }
.LBB2_64:
0x63b: {  	[bflag:$0x0] =	sbarrier.arrive $0xFFFF  }
0x63c: {  	s0 =	sld [smem:$0x7F8];
	_ =	sdelay $0x1  }
0x63d: {  	s3 =	simm.s32 $0x14E80  }
0x63e: {  	v5 =	vld [tilespmem:$0x8200];
	[tilespmem:s3], [sflag:$0x3] =	stream.linear.gather [spmem:s0], $0x100, $0x38  }
0x63f: {  	_ =	swait.ge [sflag:s8], $0x100  }
0x640: {  	[sflag:s8] =	ssyncset.done $0x0  }
0x641: {  	[sflag:s8] =	ssyncadd.s32 $0xFFFFFF00  }
0x642: {  	v6 =	vld [tilespmem:$0x14E80]  }
0x643: {  	v7 =	vld [tilespmem:$0x14E90]  }
0x644: {  	v8 =	vld [tilespmem:$0x14EA0]  }
0x645: {  	v9 =	vld [tilespmem:$0x14EB0]  }
0x646: {  	v10 =	vld [tilespmem:$0x14EC0]  }
0x647: {  	v11 =	vadd.s32 v0, v5;
	v5 =	vld [tilespmem:$0x14ED0]  }
0x648: {  	v12 =	vld [tilespmem:$0x14EE0];
	v6 =	vadd.s32 v6, v11  }
0x649: {  	v13 =	vld [tilespmem:$0x14EF0];
	v7 =	vadd.s32 v7, v11;
	[tilespmem:$0x14E80] =	vst v6  }
0x64a: {  	v37 =	vld [tilespmem:$0x14F40];
	[tilespmem:$0x14E90] =	vst v7;
	v7 =	vadd.s32 v8, v11  }
0x64b: {  	v14 =	vld [tilespmem:$0x14F50];
	[tilespmem:$0x14EA0] =	vst v7;
	v7 =	vadd.s32 v9, v11  }
0x64c: {  	[tilespmem:$0x14EB0] =	vst v7;
	v7 =	vadd.s32 v10, v11  }
0x64d: {  	v5 =	vadd.s32 v5, v11;
	[tilespmem:$0x14EC0] =	vst v7;
	v7 =	vld [tilespmem:$0x14F20]  }
0x64e: {  	v40 =	vld [tilespmem:$0x14F70];
	[tilespmem:$0x14ED0] =	vst v5;
	v5 =	vadd.s32 v12, v11  }
0x64f: {  	v34 =	vld [tilespmem:$0x14F00];
	v41 =	vadd.s32 v37, v11;
	v38 =	vshll.u32 v6, $0x1;
	[tilespmem:$0x14EE0] =	vst v5;
	v5 =	vadd.s32 v13, v11  }
0x650: {  	v35 =	vld [tilespmem:$0x14F10];
	v43 =	vadd.s32 v14, v11;
	[tilespmem:$0x14EF0] =	vst v5;
	v5 =	vand.u32 $0x7, v6;
	v6 =	vand.u32 $0xFFFFFFF0, v38  }
0x651: {  	v39 =	vld [tilespmem:$0x14F60];
	[tilespmem:$0x14F40] =	vst v41;
	v13 =	vor.u32 v5, v6;
	v5 =	vand.u32 $0x7, v1;
	v6 =	vshrl.u32 v1, $0x3  }
0x652: {  	v36 =	vld [tilespmem:$0x14F30];
	[tilespmem:$0x14F50] =	vst v43;
	v15 =	vperm.xlane v13, v5;
	v6 =	vmul.u32 $0x8, v6;
	v7 =	vadd.s32 v7, v11  }
0x653: {  	v45 =	vadd.s32 v40, v11;
	[tilespmem:$0x14F20] =	vst v7;
	v7 =	vor.u32 $0x8, v1  }
0x654: {  	v8 =	vadd.s32 v34, v11;
	[tilespmem:$0x14F70] =	vst v45;
	v42 =	vadd.s32 v6, v15;
	v13 =	vperm.xlane v13, v7  }
0x655: {  	v9 =	vadd.s32 v35, v11;
	[tilespmem:$0x14F00] =	vst v8  }
0x656: {  	v8 =	vadd.s32 v39, v11;
	[tilespmem:$0x14F10] =	vst v9;
	v44 =	vadd.s32 v6, v13  }
0x657: {  	v10 =	vadd.s32 v36, v11;
	[tilespmem:$0x14F60] =	vst v8  }
0x658: {  	vm6 =	vmmov $0xffff;
	s3 =	simm.s32 $0x14F80;
	s6 =	rddreg [dreg:$0x1];
	[tilespmem:$0x14F30] =	vst v10  }
0x659: {  	[tilespmem:s3], [sflag:$0x1] =	stream.indirect_vreg.gather [hbm4b:s6+s1], $0x80, v42, vm6, $0xb8;
	[tilespmem:$0x1E890] =	vst v63  }
0x65a: {  	s14 =	simm.s32 $0x15780  }
0x65b: {  	[tilespmem:s14], [sflag:$0x1] =	stream.indirect_vreg.gather [hbm4b:s6+s1], $0x80, v44, vm6, $0xb8;
	[tilespmem:$0x1E890] =	vst v63  }
0x65c: {  	v46 =	vld [tilespmem:$0x14E90];
	_ =	sdelay $0x4  }
0x65d: {  	v47 =	vshll.u32 v46, $0x1  }
0x65e: {  	v8 =	vand.u32 $0x7, v46;
	v9 =	vand.u32 $0xFFFFFFF0, v47  }
0x65f: {  	v8 =	vor.u32 v8, v9  }
0x660: {  	v9 =	vperm.xlane v8, v5;
	_ =	sdelay $0x1  }
0x661: {  	v8 =	vperm.xlane v8, v7;
	v9 =	vadd.s32 v6, v9;
	_ =	sdelay $0x1  }
0x662: {  	v8 =	vadd.s32 v6, v8;
	_ =	sdelay $0x1  }
0x663: {  	s20 =	simm.s32 $0x15F80  }
0x664: {  	[tilespmem:s20], [sflag:$0x1] =	stream.indirect_vreg.gather [hbm4b:s6+s1], $0x80, v9, vm6, $0xb8;
	[tilespmem:$0x1E890] =	vst v63  }
0x665: {  	s21 =	simm.s32 $0x16780  }
0x666: {  	[tilespmem:s21], [sflag:$0x1] =	stream.indirect_vreg.gather [hbm4b:s6+s1], $0x80, v8, vm6, $0xb8;
	[tilespmem:$0x1E890] =	vst v63  }
0x667: {  	v8 =	vld [tilespmem:$0x14EA0];
	_ =	sdelay $0x4  }
0x668: {  	v48 =	vshll.u32 v8, $0x1  }
0x669: {  	v8 =	vand.u32 $0x7, v8;
	v9 =	vand.u32 $0xFFFFFFF0, v48  }
0x66a: {  	v8 =	vor.u32 v8, v9  }
0x66b: {  	v9 =	vperm.xlane v8, v5;
	_ =	sdelay $0x1  }
0x66c: {  	v8 =	vperm.xlane v8, v7;
	v9 =	vadd.s32 v6, v9;
	_ =	sdelay $0x1  }
0x66d: {  	v8 =	vadd.s32 v6, v8;
	_ =	sdelay $0x1  }
0x66e: {  	s25 =	simm.s32 $0x16F80  }
0x66f: {  	[tilespmem:s25], [sflag:$0x1] =	stream.indirect_vreg.gather [hbm4b:s6+s1], $0x80, v9, vm6, $0xb8;
	[tilespmem:$0x1E890] =	vst v63  }
0x670: {  	s26 =	simm.s32 $0x17780  }
0x671: {  	[tilespmem:s26], [sflag:$0x1] =	stream.indirect_vreg.gather [hbm4b:s6+s1], $0x80, v8, vm6, $0xb8;
	[tilespmem:$0x1E890] =	vst v63  }
0x672: {  	v8 =	vld [tilespmem:$0x14EB0];
	_ =	sdelay $0x4  }
0x673: {  	v49 =	vshll.u32 v8, $0x1  }
0x674: {  	v8 =	vand.u32 $0x7, v8;
	v9 =	vand.u32 $0xFFFFFFF0, v49  }
0x675: {  	v8 =	vor.u32 v8, v9  }
0x676: {  	v9 =	vperm.xlane v8, v5;
	_ =	sdelay $0x1  }
0x677: {  	v8 =	vperm.xlane v8, v7;
	v9 =	vadd.s32 v6, v9;
	_ =	sdelay $0x1  }
0x678: {  	v8 =	vadd.s32 v6, v8;
	_ =	sdelay $0x1  }
0x679: {  	s28 =	simm.s32 $0x17F80  }
0x67a: {  	[tilespmem:s28], [sflag:$0x1] =	stream.indirect_vreg.gather [hbm4b:s6+s1], $0x80, v9, vm6, $0xb8;
	[tilespmem:$0x1E890] =	vst v63  }
0x67b: {  	s30 =	simm.s32 $0x18780  }
0x67c: {  	[tilespmem:s30], [sflag:$0x1] =	stream.indirect_vreg.gather [hbm4b:s6+s1], $0x80, v8, vm6, $0xb8;
	[tilespmem:$0x1E890] =	vst v63  }
0x67d: {  	v8 =	vld [tilespmem:$0x14EC0];
	_ =	sdelay $0x4  }
0x67e: {  	v50 =	vshll.u32 v8, $0x1  }
0x67f: {  	v8 =	vand.u32 $0x7, v8;
	v9 =	vand.u32 $0xFFFFFFF0, v50  }
0x680: {  	v8 =	vor.u32 v8, v9  }
0x681: {  	v9 =	vperm.xlane v8, v5;
	_ =	sdelay $0x1  }
0x682: {  	v8 =	vperm.xlane v8, v7;
	v9 =	vadd.s32 v6, v9;
	_ =	sdelay $0x1  }
0x683: {  	v8 =	vadd.s32 v6, v8;
	_ =	sdelay $0x1  }
0x684: {  	s2 =	simm.s32 $0x18F80  }
0x685: {  	[tilespmem:s2], [sflag:$0x1] =	stream.indirect_vreg.gather [hbm4b:s6+s1], $0x80, v9, vm6, $0xb8;
	[tilespmem:$0x1E890] =	vst v63  }
0x686: {  	_ = 	snop  }
0x687: {  	[tilespmem:s23], [sflag:$0x1] =	stream.indirect_vreg.gather [hbm4b:s6+s1], $0x80, v8, vm6, $0xb8;
	[tilespmem:$0x1E890] =	vst v63  }
0x688: {  	v8 =	vld [tilespmem:$0x14ED0];
	_ =	sdelay $0x4  }
0x689: {  	v51 =	vshll.u32 v8, $0x1  }
0x68a: {  	v8 =	vand.u32 $0x7, v8;
	v9 =	vand.u32 $0xFFFFFFF0, v51  }
0x68b: {  	v8 =	vor.u32 v8, v9  }
0x68c: {  	v9 =	vperm.xlane v8, v5;
	_ =	sdelay $0x1  }
0x68d: {  	v8 =	vperm.xlane v8, v7;
	v9 =	vadd.s32 v6, v9;
	_ =	sdelay $0x1  }
0x68e: {  	v8 =	vadd.s32 v6, v8;
	_ =	sdelay $0x1  }
0x68f: {  	s7 =	simm.s32 $0x19F80  }
0x690: {  	[tilespmem:s7], [sflag:$0x1] =	stream.indirect_vreg.gather [hbm4b:s6+s1], $0x80, v9, vm6, $0xb8;
	[tilespmem:$0x1E890] =	vst v63  }
0x691: {  	s0 =	simm.s32 $0x1A780  }
0x692: {  	[tilespmem:s0], [sflag:$0x1] =	stream.indirect_vreg.gather [hbm4b:s6+s1], $0x80, v8, vm6, $0xb8;
	[tilespmem:$0x1E890] =	vst v63  }
0x693: {  	v8 =	vld [tilespmem:$0x14EE0];
	_ =	sdelay $0x4  }
0x694: {  	v52 =	vshll.u32 v8, $0x1  }
0x695: {  	v8 =	vand.u32 $0x7, v8;
	v9 =	vand.u32 $0xFFFFFFF0, v52  }
0x696: {  	v8 =	vor.u32 v8, v9  }
0x697: {  	v9 =	vperm.xlane v8, v5;
	_ =	sdelay $0x1  }
0x698: {  	v8 =	vperm.xlane v8, v7;
	v9 =	vadd.s32 v6, v9;
	_ =	sdelay $0x1  }
0x699: {  	v8 =	vadd.s32 v6, v8;
	_ =	sdelay $0x1  }
0x69a: {  	s1 =	simm.s32 $0x0;
	s0 =	simm.s32 $0x1AF80  }
0x69b: {  	[tilespmem:s0], [sflag:$0x1] =	stream.indirect_vreg.gather [hbm4b:s6+s1], $0x80, v9, vm6, $0xb8;
	[tilespmem:$0x1E890] =	vst v63  }
0x69c: {  	s0 =	simm.s32 $0x1B780  }
0x69d: {  	[tilespmem:s0], [sflag:$0x1] =	stream.indirect_vreg.gather [hbm4b:s6+s1], $0x80, v8, vm6, $0xb8;
	[tilespmem:$0x1E890] =	vst v63  }
0x69e: {  	v8 =	vld [tilespmem:$0x14EF0];
	_ =	sdelay $0x4  }
0x69f: {  	v53 =	vshll.u32 v8, $0x1  }
0x6a0: {  	v8 =	vand.u32 $0x7, v8;
	v9 =	vand.u32 $0xFFFFFFF0, v53  }
0x6a1: {  	v8 =	vor.u32 v8, v9  }
0x6a2: {  	v9 =	vperm.xlane v8, v5;
	_ =	sdelay $0x1  }
0x6a3: {  	v8 =	vperm.xlane v8, v7;
	v9 =	vadd.s32 v6, v9;
	_ =	sdelay $0x1  }
0x6a4: {  	v8 =	vadd.s32 v6, v8;
	_ =	sdelay $0x1  }
0x6a5: {  	s0 =	simm.s32 $0x1BF80  }
0x6a6: {  	[tilespmem:s0], [sflag:$0x1] =	stream.indirect_vreg.gather [hbm4b:s6+s1], $0x80, v9, vm6, $0xb8;
	[tilespmem:$0x1E890] =	vst v63  }
0x6a7: {  	s0 =	simm.s32 $0x1C780  }
0x6a8: {  	[tilespmem:s0], [sflag:$0x1] =	stream.indirect_vreg.gather [hbm4b:s6+s1], $0x80, v8, vm6, $0xb8;
	[tilespmem:$0x1E890] =	vst v63  }
0x6a9: {  	_ =	swait.ge [sflag:s4], $0x4000  }
0x6aa: {  	s0 =	sld [smem:$0x7FC]  }
0x6ab: {  	[sflag:s4] =	ssyncset.done $0x0  }
0x6ac: {  	[sflag:s4] =	ssyncadd.s32 $0xFFFFC000  }
0x6ad: {  	[hbm4b:s0+s1] =	stream.linear.scatter [tilespmem:s3], [sflag:$0x3], $0x4000, $0x38;
	[tilespmem:$0x1E890] =	vst v63  }
0x6ae: {  	_ =	swait.ge [sflag:s8], $0x4000  }
0x6af: {  	[sflag:s8] =	ssyncset.done $0x0  }
0x6b0: {  	[sflag:s8] =	ssyncadd.s32 $0xFFFFC000  }
0x6b1: {  	v54 =	vld [tilespmem:$0x14F00];
	_ =	sdelay $0x4  }
0x6b2: {  	v55 =	vshll.u32 v54, $0x1  }
0x6b3: {  	v8 =	vand.u32 $0x7, v54;
	v9 =	vand.u32 $0xFFFFFFF0, v55  }
0x6b4: {  	v8 =	vor.u32 v8, v9  }
0x6b5: {  	v9 =	vperm.xlane v8, v5;
	_ =	sdelay $0x1  }
0x6b6: {  	v8 =	vperm.xlane v8, v7;
	v9 =	vadd.s32 v6, v9;
	_ =	sdelay $0x1  }
0x6b7: {  	v8 =	vadd.s32 v6, v8;
	_ =	sdelay $0x2  }
0x6b8: {  	[tilespmem:s3], [sflag:$0x1] =	stream.indirect_vreg.gather [hbm4b:s6+s1], $0x80, v9, vm6, $0xb8;
	[tilespmem:$0x1E890] =	vst v63  }
0x6b9: {  	_ = 	snop  }
0x6ba: {  	[tilespmem:s14], [sflag:$0x1] =	stream.indirect_vreg.gather [hbm4b:s6+s1], $0x80, v8, vm6, $0xb8;
	[tilespmem:$0x1E890] =	vst v63  }
0x6bb: {  	v8 =	vld [tilespmem:$0x14F10];
	_ =	sdelay $0x4  }
0x6bc: {  	v56 =	vshll.u32 v8, $0x1  }
0x6bd: {  	v8 =	vand.u32 $0x7, v8;
	v9 =	vand.u32 $0xFFFFFFF0, v56  }
0x6be: {  	v8 =	vor.u32 v8, v9  }
0x6bf: {  	v9 =	vperm.xlane v8, v5;
	_ =	sdelay $0x1  }
0x6c0: {  	v8 =	vperm.xlane v8, v7;
	v9 =	vadd.s32 v6, v9;
	_ =	sdelay $0x1  }
0x6c1: {  	v8 =	vadd.s32 v6, v8;
	_ =	sdelay $0x2  }
0x6c2: {  	[tilespmem:s20], [sflag:$0x1] =	stream.indirect_vreg.gather [hbm4b:s6+s1], $0x80, v9, vm6, $0xb8;
	[tilespmem:$0x1E890] =	vst v63  }
0x6c3: {  	_ = 	snop  }
0x6c4: {  	[tilespmem:s21], [sflag:$0x1] =	stream.indirect_vreg.gather [hbm4b:s6+s1], $0x80, v8, vm6, $0xb8;
	[tilespmem:$0x1E890] =	vst v63  }
0x6c5: {  	v8 =	vld [tilespmem:$0x14F20];
	_ =	sdelay $0x4  }
0x6c6: {  	v57 =	vshll.u32 v8, $0x1  }
0x6c7: {  	v8 =	vand.u32 $0x7, v8;
	v9 =	vand.u32 $0xFFFFFFF0, v57  }
0x6c8: {  	v8 =	vor.u32 v8, v9  }
0x6c9: {  	v9 =	vperm.xlane v8, v5;
	_ =	sdelay $0x1  }
0x6ca: {  	v8 =	vperm.xlane v8, v7;
	v9 =	vadd.s32 v6, v9;
	_ =	sdelay $0x1  }
0x6cb: {  	v8 =	vadd.s32 v6, v8;
	_ =	sdelay $0x2  }
0x6cc: {  	[tilespmem:s25], [sflag:$0x1] =	stream.indirect_vreg.gather [hbm4b:s6+s1], $0x80, v9, vm6, $0xb8;
	[tilespmem:$0x1E890] =	vst v63  }
0x6cd: {  	_ = 	snop  }
0x6ce: {  	[tilespmem:s26], [sflag:$0x1] =	stream.indirect_vreg.gather [hbm4b:s6+s1], $0x80, v8, vm6, $0xb8;
	[tilespmem:$0x1E890] =	vst v63  }
0x6cf: {  	v8 =	vld [tilespmem:$0x14F30];
	_ =	sdelay $0x4  }
0x6d0: {  	v58 =	vshll.u32 v8, $0x1  }
0x6d1: {  	v8 =	vand.u32 $0x7, v8;
	v9 =	vand.u32 $0xFFFFFFF0, v58  }
0x6d2: {  	v8 =	vor.u32 v8, v9  }
0x6d3: {  	v9 =	vperm.xlane v8, v5;
	_ =	sdelay $0x1  }
0x6d4: {  	v8 =	vperm.xlane v8, v7;
	v9 =	vadd.s32 v6, v9;
	_ =	sdelay $0x1  }
0x6d5: {  	v8 =	vadd.s32 v6, v8;
	_ =	sdelay $0x2  }
0x6d6: {  	[tilespmem:s28], [sflag:$0x1] =	stream.indirect_vreg.gather [hbm4b:s6+s1], $0x80, v9, vm6, $0xb8;
	[tilespmem:$0x1E890] =	vst v63  }
0x6d7: {  	_ = 	snop  }
0x6d8: {  	[tilespmem:s30], [sflag:$0x1] =	stream.indirect_vreg.gather [hbm4b:s6+s1], $0x80, v8, vm6, $0xb8;
	[tilespmem:$0x1E890] =	vst v63  }
0x6d9: {  	_ =	swait.ge [sflag:s4], $0x4000  }
0x6da: {  	s30 =	sld [smem:$0x7FA]  }
0x6db: {  	[sflag:s4] =	ssyncset.done $0x0  }
0x6dc: {  	[sflag:s4] =	ssyncadd.s32 $0xFFFFC000  }
0x6dd: {  	[hbm4b:s30+s1] =	stream.linear.scatter [tilespmem:s2], [sflag:$0x3], $0x4000, $0x38;
	[tilespmem:$0x1E890] =	vst v63  }
0x6de: {  	_ =	swait.ge [sflag:s8], $0x4000  }
0x6df: {  	[sflag:s8] =	ssyncset.done $0x0  }
0x6e0: {  	[sflag:s8] =	ssyncadd.s32 $0xFFFFC000  }
0x6e1: {  	v59 =	vld [tilespmem:$0x14F40];
	_ =	sdelay $0x4  }
0x6e2: {  	v60 =	vshll.u32 v59, $0x1  }
0x6e3: {  	v8 =	vand.u32 $0x7, v59;
	v9 =	vand.u32 $0xFFFFFFF0, v60  }
0x6e4: {  	v8 =	vor.u32 v8, v9  }
0x6e5: {  	v9 =	vperm.xlane v8, v5;
	_ =	sdelay $0x1  }
0x6e6: {  	v8 =	vperm.xlane v8, v7;
	v9 =	vadd.s32 v6, v9;
	_ =	sdelay $0x1  }
0x6e7: {  	v8 =	vadd.s32 v6, v8;
	_ =	sdelay $0x2  }
0x6e8: {  	[tilespmem:s2], [sflag:$0x1] =	stream.indirect_vreg.gather [hbm4b:s6+s1], $0x80, v9, vm6, $0xb8;
	[tilespmem:$0x1E890] =	vst v63  }
0x6e9: {  	_ = 	snop  }
0x6ea: {  	[tilespmem:s23], [sflag:$0x1] =	stream.indirect_vreg.gather [hbm4b:s6+s1], $0x80, v8, vm6, $0xb8;
	[tilespmem:$0x1E890] =	vst v63  }
0x6eb: {  	v8 =	vld [tilespmem:$0x14F50];
	_ =	sdelay $0x4  }
0x6ec: {  	v61 =	vshll.u32 v8, $0x1  }
0x6ed: {  	v8 =	vand.u32 $0x7, v8;
	v9 =	vand.u32 $0xFFFFFFF0, v61  }
0x6ee: {  	v8 =	vor.u32 v8, v9  }
0x6ef: {  	v9 =	vperm.xlane v8, v5;
	_ =	sdelay $0x1  }
0x6f0: {  	v8 =	vperm.xlane v8, v7;
	v9 =	vadd.s32 v6, v9;
	_ =	sdelay $0x1  }
0x6f1: {  	v8 =	vadd.s32 v6, v8;
	_ =	sdelay $0x2  }
0x6f2: {  	[tilespmem:s7], [sflag:$0x1] =	stream.indirect_vreg.gather [hbm4b:s6+s1], $0x80, v9, vm6, $0xb8;
	[tilespmem:$0x1E890] =	vst v63  }
0x6f3: {  	s14 =	simm.s32 $0x1A780  }
0x6f4: {  	[tilespmem:s14], [sflag:$0x1] =	stream.indirect_vreg.gather [hbm4b:s6+s1], $0x80, v8, vm6, $0xb8;
	[tilespmem:$0x1E890] =	vst v63  }
0x6f5: {  	v8 =	vld [tilespmem:$0x14F60];
	_ =	sdelay $0x4  }
0x6f6: {  	v62 =	vshll.u32 v8, $0x1  }
0x6f7: {  	v8 =	vand.u32 $0x7, v8;
	v9 =	vand.u32 $0xFFFFFFF0, v62  }
0x6f8: {  	v8 =	vor.u32 v8, v9  }
0x6f9: {  	v9 =	vperm.xlane v8, v5;
	_ =	sdelay $0x1  }
0x6fa: {  	v8 =	vperm.xlane v8, v7;
	v9 =	vadd.s32 v6, v9;
	_ =	sdelay $0x1  }
0x6fb: {  	v8 =	vadd.s32 v6, v8;
	_ =	sdelay $0x1  }
0x6fc: {  	s20 =	simm.s32 $0x1AF80  }
0x6fd: {  	[tilespmem:s20], [sflag:$0x1] =	stream.indirect_vreg.gather [hbm4b:s6+s1], $0x80, v9, vm6, $0xb8;
	[tilespmem:$0x1E890] =	vst v63  }
0x6fe: {  	s21 =	simm.s32 $0x1B780;
	s1 =	simm.s32 $0x0  }
0x6ff: {  	[tilespmem:s21], [sflag:$0x1] =	stream.indirect_vreg.gather [hbm4b:s6+s1], $0x80, v8, vm6, $0xb8;
	[tilespmem:$0x1E890] =	vst v63  }
0x700: {  	v8 =	vld [tilespmem:$0x14F70];
	_ =	sdelay $0x4  }
0x701: {  	v63 =	vshll.u32 v8, $0x1  }
0x702: {  	v8 =	vand.u32 $0x7, v8;
	v9 =	vand.u32 $0xFFFFFFF0, v63  }
0x703: {  	v8 =	vor.u32 v8, v9  }
0x704: {  	v5 =	vperm.xlane v8, v5;
	_ =	sdelay $0x1  }
0x705: {  	v7 =	vperm.xlane v8, v7;
	v5 =	vadd.s32 v6, v5;
	_ =	sdelay $0x1  }
0x706: {  	v6 =	vadd.s32 v6, v7;
	_ =	sdelay $0x1  }
0x707: {  	s25 =	simm.s32 $0x1BF80  }
0x708: {  	[tilespmem:s25], [sflag:$0x1] =	stream.indirect_vreg.gather [hbm4b:s6+s1], $0x80, v5, vm6, $0xb8;
	[tilespmem:$0x1E890] =	vst v63  }
0x709: {  	s26 =	simm.s32 $0x1C780  }
0x70a: {  	[tilespmem:s26], [sflag:$0x1] =	stream.indirect_vreg.gather [hbm4b:s6+s1], $0x80, v6, vm6, $0xb8;
	[tilespmem:$0x1E890] =	vst v63  }
0x70b: {  	_ =	swait.ge [sflag:s4], $0x4000  }
0x70c: {  	s28 =	sld [smem:$0x7FB]  }
0x70d: {  	[sflag:s4] =	ssyncset.done $0x0  }
0x70e: {  	[sflag:s4] =	ssyncadd.s32 $0xFFFFC000  }
0x70f: {  	[hbm4b:s28+s1] =	stream.linear.scatter [tilespmem:s3], [sflag:$0x3], $0x4000, $0x38;
	[tilespmem:$0x1E890] =	vst v63  }
0x710: {  	_ =	swait.ge [sflag:s8], $0x4000  }
0x711: {  	[sflag:s8] =	ssyncset.done $0x0  }
0x712: {  	[sflag:s8] =	ssyncadd.s32 $0xFFFFC000  }
0x713: {  	_ =	swait.ge [sflag:s4], $0x4000  }
0x714: {  	s30 =	sld [smem:$0x7FD]  }
0x715: {  	[sflag:s4] =	ssyncset.done $0x0  }
.Ltmp39:
0x716: {  	[sflag:s4] =	ssyncadd.s32 $0xFFFFC000;
	(pc) =	sbr.rel @p0 .LBB2_68-.Ltmp39, $4  }
0x717: {  	[hbm4b:s30+s1] =	stream.linear.scatter [tilespmem:s2], [sflag:$0x3], $0x4000, $0x38;
	[tilespmem:$0x1E890] =	vst v63  }
0x718: {  	_ =	swait.ge [sflag:s8], $0x4000  }
0x719: {  	s7 =	simm.s32 $0x2800;
	s6 =	simm.s32 $0x2000;
	[sflag:s8] =	ssyncset.done $0x0  }
0x71a: {  	s2 =	simm.s32 $0x1800;
	s3 =	sld [smem:$0x7EE];
	[sflag:s8] =	ssyncadd.s32 $0xFFFFC000  }
0x71b: {  	s0 =	simm.s32 $0x2  }
0x71c: {  	_ =	swait.ge [sflag:s0], $0x4000  }
0x71d: {  	[sflag:s0] =	ssyncset.done $0x0  }
0x71e: {  	[sflag:s0] =	ssyncadd.s32 $0xFFFFC000  }
0x71f: {  	_ =	swait.ge [sflag:s0], $0x4000  }
0x720: {  	[sflag:s0] =	ssyncset.done $0x0  }
0x721: {  	[sflag:s0] =	ssyncadd.s32 $0xFFFFC000  }
0x722: {  	_ =	swait.ge [sflag:s0], $0x4000  }
0x723: {  	[sflag:s0] =	ssyncset.done $0x0  }
0x724: {  	[sflag:s0] =	ssyncadd.s32 $0xFFFFC000;
	s0 =	simm.s32 $0x5D00  }
0x725: {  	v9 =	vld [tilespmem:s0+$0x0];
	_ =	sdelay $0x1  }
0x726: {  	s3 =	simm.s32 $0x0  }
0x727: {  	v5 =	vmov s3  }
0x728: {  	v5 =	vmul.u32 $0x3, v5;
	_ =	sdelay $0x1  }
0x729: {  	v8 =	vbroadcast v5, $0x0;
	v5 =	vmul.u32 $0x3, v1;
	_ =	sdelay $0x1  }
0x72a: {  	v7 =	vadd.s32 v5, v8;
	v6 =	vld.idx.msk [tilespmem:v9+s22+$0x0], $0xffff;
	_ =	sdelay $0x4  }
0x72b: {  	[tilespmem:v7+s29+$0x0] =	vst.idx.msk $0xffff, v6;
	v6 =	vadd.s32 $0x1, v5  }
0x72c: {  	v10 =	vld.idx.msk [tilespmem:v9+s24+$0x0], $0xffff;
	v11 =	vadd.s32 v6, v8;
	_ =	sdelay $0x4  }
0x72d: {  	v7 =	vadd.s32 $0x2, v5;
	[tilespmem:v11+s29+$0x0] =	vst.idx.msk $0xffff, v10  }
0x72e: {  	v8 =	vadd.s32 v7, v8;
	v9 =	vld.idx.msk [tilespmem:v9+s31+$0x0], $0xffff;
	_ =	sdelay $0x2  }
0x72f: {  	s3 =	simm.s32 $0x10  }
.LBB2_66:
0x730: {  	p1 =	sne.s32 s3, $0x3F0  }
0x731: {  	[tilespmem:v8+s29+$0x0] =	vst.idx.msk $0xffff, v9;
	s0 =	sadd.s32 $0x10, s0;
	s14 =	smov.u32 s3;
	s3 =	sadd.s32 $0x10, s3  }
0x732: {  	v9 =	vld [tilespmem:s0+$0x0];
	_ =	sdelay $0x3  }
0x733: {  	v8 =	vmov s14  }
0x734: {  	v8 =	vmul.u32 $0x3, v8;
	_ =	sdelay $0x1  }
0x735: {  	v10 =	vbroadcast v8, $0x0  }
0x736: {  	v11 =	vld.idx.msk [tilespmem:v9+s22+$0x0], $0xffff  }
0x737: {  	v12 =	vadd.s32 v5, v10  }
0x738: {  	v8 =	vadd.s32 v7, v10;
	_ =	sdelay $0x3  }
0x739: {  	[tilespmem:v12+s29+$0x0] =	vst.idx.msk $0xffff, v11  }
0x73a: {  	v11 =	vld.idx.msk [tilespmem:v9+s24+$0x0], $0xffff  }
0x73b: {  	v10 =	vadd.s32 v6, v10;
	_ =	sdelay $0x1  }
.Ltmp40:
0x73c: {  	(pc) =	sbr.rel @p1 .LBB2_66-.Ltmp40, $3  }
0x73d: {  	_ =	sdelay $0x1  }
0x73e: {  	[tilespmem:v10+s29+$0x0] =	vst.idx.msk $0xffff, v11  }
0x73f: {  	v9 =	vld.idx.msk [tilespmem:v9+s31+$0x0], $0xffff  }
.Ltmp41:
0x740: {  	_ = 	snop;
	(pc) =	sbr.rel .LBB2_67-.Ltmp41, $1  }
0x741: {  	_ =	sdelay $0x3  }
.LBB2_39:
.Ltmp42:
0x742: {  	(pc) =	sbr.rel .LBB2_43-.Ltmp42, $2  }
0x743: {  	_ =	sdelay $0x2  }
0x744: {  	s20 =	simm.s32 $0x3900;
	s14 =	simm.s32 $0x4900  }
.LBB2_41:
.Ltmp43:
0x745: {  	(pc) =	sbr.rel .LBB2_43-.Ltmp43, $2  }
0x746: {  	_ =	sdelay $0x2  }
0x747: {  	s20 =	simm.s32 $0x3900;
	s14 =	simm.s32 $0x4900  }
.LBB2_69:
0x748: {  	_ =	sfence.sel $0x180000  }
0x749: {  	[bflag:$0x0] =	sbarrier.arrive $0xFFFF  }
0x74a: {  	_ =	strace $0x90000047  }
0x74b: {  	s0 =	stileid.u32;
	[bflag:$0x2] =	sbarrier.arrive $0xFFFF  }
0x74c: {  	p0 =	sne.s32 s0, $0x0;
	s0 =	rddreg [dreg:$0xb]  }
0x74d: {  	s0 =	sadd.s32 @!p0 $0x100000, s0  }
0x74e: {  	[sflag:s0] =	ssyncadd.tile.s32 @!p0 $0x1;
	_ =	shalt  }
.Lfunc_end2:
_tile_overlayer_lowered:
.L_overlay_start_2:
0x74f: {  	(tag) =	ssettag $0x2  }
0x750: {  	s0 =	rddreg [dreg:$0x0];
	s2 =	stileid.u32  }
0x751: {  	s1 =	rddreg [dreg:$0x1];
	p0 =	sne.s32 s2, $0x0  }
0x752: {  	s3 =	rddreg [dreg:$0x2];
	[bflag:$0x3] =	sbarrier.arrive $0xFFFF;
	s2 =	simm.s32 @!p0 $0x1C03  }
0x753: {  	[timem:s3], [sflag:s2] =	dma.local @!p0 [hbm:s0], s1  }
0x754: {  	s0 =	simm.s32 @!p0 $0x3  }
0x755: {  	_ =	swait.ge @!p0 [sflag:s0], s1  }
0x756: {  	s1 =	ssub.s32 @!p0 $0x0, s1;
	[sflag:s0] =	ssyncset.done @!p0 $0x0  }
0x757: {  	[sflag:s0] =	ssyncadd.s32 @!p0 s1  }
0x758: {  	[bflag:$0x3] =	sbarrier.arrive $0xFFFF  }
0x759: {  	_ =	shalt  }

</sc_bundles>
